<compile_context>
chip_gen: v7x
topology: tpu7x:2x2x1
jax: 0.10.2.dev20260603
libtpu: 0.0.44.dev20260713+nightly
codegen_flags: <defaults>
</compile_context>

<pallas_src>
import functools

import jax
import jax.numpy as jnp
from jax import lax
from jax.experimental import pallas as pl
from jax.experimental.pallas import tpu as pltpu
from jax.experimental.pallas import tpu_sc as plsc

G = 64
BLK = 128
NBUF = 4
NPADROWS = 64
CW = 64


def _mesh():
    return plsc.VectorSubcoreMesh(core_axis_name="c", subcore_axis_name="s",
                                  num_cores=2, num_subcores=16)


def _deg_sc(dst2d, ones2d, zeros2d, np_nodes, nblk):
    npw = np_nodes // 16

    @functools.partial(
        pl.kernel,
        out_type=(jax.ShapeDtypeStruct((np_nodes, 16), jnp.float32),
                  jax.ShapeDtypeStruct((np_nodes, 16), jnp.float32)),
        mesh=_mesh(),
        scratch_types=(
            [pltpu.VMEM((nblk, BLK), jnp.int32)]
            + [pltpu.VMEM((BLK, 16), jnp.float32)] * NBUF
            + [pltpu.VMEM_SHARED((np_nodes, 16), jnp.float32)]
            + [pltpu.SemaphoreType.DMA] * NBUF
        ),
        compiler_params=pltpu.CompilerParams(use_tc_tiling_on_sc=False),
    )
    def k(dst_hbm, ones_hbm, zeros_hbm, out0, out1, didx, *bufs):
        c = lax.axis_index("c")
        s = lax.axis_index("s")
        w = s * 2 + c
        rows = bufs[:NBUF]
        acc = bufs[NBUF]
        gsem = bufs[NBUF + 1:]

        pltpu.sync_copy(dst_hbm.at[pl.ds(w * nblk, nblk)], didx)
        pltpu.sync_copy(zeros_hbm, acc.at[pl.ds(s * npw, npw)])
        plsc.subcore_barrier()

        for b in range(NBUF):
            pltpu.async_copy(ones_hbm.at[didx.at[b]], rows[b], gsem[b])

        @pl.loop(0, nblk, step=NBUF)
        def _(i):
            for b in range(NBUF):
                j = i + b
                pltpu.make_async_copy(ones_hbm.at[didx.at[j]],
                                      rows[b], gsem[b]).wait()
                pltpu.sync_copy(rows[b], acc.at[didx.at[j]], add=True)

                @pl.when(j + NBUF < nblk)
                def _():
                    pltpu.async_copy(ones_hbm.at[didx.at[j + NBUF]],
                                     rows[b], gsem[b])

        plsc.subcore_barrier()

        @pl.when(c == 0)
        def _():
            pltpu.sync_copy(acc.at[pl.ds(s * npw, npw)],
                            out0.at[pl.ds(s * npw, npw)])

        @pl.when(c == 1)
        def _():
            pltpu.sync_copy(acc.at[pl.ds(s * npw, npw)],
                            out1.at[pl.ds(s * npw, npw)])

    return k(dst2d, ones2d, zeros2d)


@functools.lru_cache(maxsize=None)
def _agg_sc_prog(np_nodes, nblk):
    npw = np_nodes // 16

    @functools.partial(
        pl.kernel,
        out_type=tuple(jax.ShapeDtypeStruct((np_nodes, CW), jnp.float32)
                       for _ in range(4)),
        mesh=_mesh(),
        scratch_types=(
            [pltpu.VMEM((nblk, BLK), jnp.int32)] * 2
            + [pltpu.VMEM((BLK, CW), jnp.float32)] * NBUF
            + [pltpu.VMEM_SHARED((np_nodes, CW), jnp.float32)]
            + [pltpu.SemaphoreType.DMA] * (2 * NBUF)
        ),
        compiler_params=pltpu.CompilerParams(use_tc_tiling_on_sc=False),
    )
    def k(g0, g1, g2, g3, src_hbm, dst_hbm, o0, o1, o2, o3,
          sidx, didx, *bufs):
        c = lax.axis_index("c")
        s = lax.axis_index("s")
        rows = bufs[:NBUF]
        acc = bufs[NBUF]
        gsem = bufs[NBUF + 1:2 * NBUF + 1]
        ssem = bufs[2 * NBUF + 1:]

        pltpu.sync_copy(src_hbm.at[pl.ds(s * nblk, nblk)], sidx)
        pltpu.sync_copy(dst_hbm.at[pl.ds(s * nblk, nblk)], didx)

        def run(g_hbm, out_hbm):
            pltpu.sync_copy(g_hbm.at[pl.ds(s * npw, npw)],
                            acc.at[pl.ds(s * npw, npw)])
            plsc.subcore_barrier()

            for b in range(NBUF):
                pltpu.async_copy(g_hbm.at[sidx.at[b]], rows[b], gsem[b])

            @pl.loop(0, nblk, step=NBUF)
            def _(i):
                for b in range(NBUF):
                    j = i + b
                    pltpu.make_async_copy(g_hbm.at[sidx.at[j]],
                                          rows[b], gsem[b]).wait()
                    pltpu.sync_copy(rows[b], acc.at[didx.at[j]], add=True)

                    @pl.when(j + NBUF < nblk)
                    def _():
                        pltpu.async_copy(g_hbm.at[sidx.at[j + NBUF]],
                                         rows[b], gsem[b])

            plsc.subcore_barrier()
            pltpu.sync_copy(acc.at[pl.ds(s * npw, npw)],
                            out_hbm.at[pl.ds(s * npw, npw)])

        @pl.when(c == 0)
        def _():
            run(g0, o0)
            run(g1, o1)

        @pl.when(c == 1)
        def _():
            run(g2, o2)
            run(g3, o3)

    return k


def _agg_sc(gs, src2d, dst2d, np_nodes, nblk):
    return _agg_sc_prog(np_nodes, nblk)(*gs, src2d, dst2d)


def _mm1_body(x_ref, w_ref, da_ref, db_ref, g0, g1, g2, g3, dis_ref):
    deg = da_ref[:, 0:1] + db_ref[:, 0:1] + 1.0
    dis = lax.rsqrt(deg)
    h = jnp.dot(x_ref[...], w_ref[...], preferred_element_type=jnp.float32)
    g = h * dis
    for t, ref in enumerate((g0, g1, g2, g3)):
        ref[...] = g[:, t * CW:(t + 1) * CW]
    dis_ref[...] = dis


def _mm1(x, w1, dega, degb, nb, nsteps):
    n, f_in = x.shape
    h = w1.shape[1]
    return pl.pallas_call(
        _mm1_body,
        grid=(nsteps,),
        in_specs=[
            pl.BlockSpec((nb, f_in), lambda i: (i, 0)),
            pl.BlockSpec((f_in, h), lambda i: (0, 0)),
            pl.BlockSpec((nb, 16), lambda i: (i, 0)),
            pl.BlockSpec((nb, 16), lambda i: (i, 0)),
        ],
        out_specs=[pl.BlockSpec((nb, CW), lambda i: (i, 0))] * 4
        + [pl.BlockSpec((nb, 1), lambda i: (i, 0))],
        out_shape=[jax.ShapeDtypeStruct((n, CW), jnp.float32)] * 4
        + [jax.ShapeDtypeStruct((n, 1), jnp.float32)],
    )(x, w1, dega, degb)


def _mm2_body(s0, s1, s2, s3, dis_ref, b1_ref, w2_ref, g0, g1, g2, g3):
    dis = dis_ref[...]
    nodes = jnp.concatenate([s0[...], s1[...], s2[...], s3[...]],
                            axis=1) * dis + b1_ref[...]
    hrelu = jnp.maximum(nodes, 0.0)
    h2 = jnp.dot(hrelu, w2_ref[...], preferred_element_type=jnp.float32)
    g2o = h2 * dis
    for t, ref in enumerate((g0, g1, g2, g3)):
        ref[...] = g2o[:, t * CW:(t + 1) * CW]


def _mm2(ss, dis, b1, w2, nb, nsteps):
    n = ss[0].shape[0]
    h = w2.shape[0]
    return pl.pallas_call(
        _mm2_body,
        grid=(nsteps,),
        in_specs=[pl.BlockSpec((nb, CW), lambda i: (i, 0))] * 4
        + [
            pl.BlockSpec((nb, 1), lambda i: (i, 0)),
            pl.BlockSpec((1, h), lambda i: (0, 0)),
            pl.BlockSpec((h, h), lambda i: (0, 0)),
        ],
        out_specs=[pl.BlockSpec((nb, CW), lambda i: (i, 0))] * 4,
        out_shape=[jax.ShapeDtypeStruct((n, CW), jnp.float32)] * 4,
    )(*ss, dis, b1, w2)


def _fin_body(s0, s1, s2, s3, dis_ref, b2_ref, batch_ref, wl_ref, bl_ref,
              out_ref):
    n = s0.shape[0]
    nodes = (jnp.concatenate([s0[...], s1[...], s2[...], s3[...]], axis=1)
             * dis_ref[...] + b2_ref[...])
    gid = lax.broadcasted_iota(jnp.int32, (G, n), 0)
    oh = (gid == batch_ref[...]).astype(jnp.float32)
    sums = jnp.dot(oh, nodes, preferred_element_type=jnp.float32)
    counts = jnp.sum(oh, axis=1, keepdims=True)
    pooled = sums / jnp.maximum(counts, 1.0)
    out_ref[...] = (jnp.dot(pooled, wl_ref[...],
                            preferred_element_type=jnp.float32) + bl_ref[...])


def _fin(ss, dis, b2, batch2d, wl, bl):
    c = wl.shape[1]
    return pl.pallas_call(
        _fin_body,
        out_shape=jax.ShapeDtypeStruct((G, c), jnp.float32),
    )(*ss, dis, b2, batch2d, wl, bl)


def kernel(x, edge_index, batch, W1, b1, W2, b2, Wl, bl):
    n, _ = x.shape
    e = edge_index.shape[1]
    src = edge_index[0]
    dst = edge_index[1]

    npn = ((n + 16 * BLK - 1) // (16 * BLK)) * (16 * BLK)
    xp = jnp.pad(x, ((0, npn - n), (0, 0)))
    batchp = jnp.pad(batch, (0, npn - n), constant_values=G)

    nblk1 = ((e + 32 * BLK - 1) // (32 * BLK) + 7) // 8 * 8
    e1 = 32 * nblk1 * BLK
    padd = n + (jnp.arange(e1 - e, dtype=jnp.int32) % NPADROWS)
    dst1 = jnp.concatenate([dst, padd]).reshape(32 * nblk1, BLK)

    nblk2 = ((e + 16 * BLK - 1) // (16 * BLK) + 7) // 8 * 8
    e2 = 16 * nblk2 * BLK
    pads = jnp.arange(e2 - e, dtype=jnp.int32) % NPADROWS
    src2 = jnp.concatenate([src, pads]).reshape(16 * nblk2, BLK)
    dst2 = jnp.concatenate([dst, n + pads]).reshape(16 * nblk2, BLK)

    ones2d = jnp.ones((npn, 16), jnp.float32)
    zeros2d = jnp.zeros((npn // 16, 16), jnp.float32)
    dega, degb = _deg_sc(dst1, ones2d, zeros2d, npn, nblk1)

    nsteps = 5
    nb = npn // nsteps
    *g1s, dis = _mm1(xp, W1, dega, degb, nb, nsteps)
    s1s = _agg_sc(g1s, src2, dst2, npn, nblk2)
    g2s = _mm2(s1s, dis, b1.reshape(1, -1), W2, nb, nsteps)
    s2s = _agg_sc(g2s, src2, dst2, npn, nblk2)
    return _fin(s2s, dis, b2.reshape(1, -1), batchp.reshape(1, npn),
                Wl, bl.reshape(1, -1))

# --- scband reference (transcript-rebuilt; emitter-appended) ---
"""Pipeline reference for scband-gcn-29901562315328 (READ-ONLY COPY).

The authoritative reference and input builder live on the scoring server;
editing this copy changes nothing except your own understanding.
"""

import jax, jax.numpy as jnp
import numpy as np

N = 10000
E = 320000
F_IN = 128
H = 256
C = 128
G = 64  # number of graphs in the batch


def setup_inputs(seed: int = 0) -> dict:
    key = jax.random.key(seed)
    ks = jax.random.split(key, 10)
    x = jax.random.normal(ks[0], (N, F_IN), dtype=jnp.float32)
    edge_index = jax.random.randint(ks[1], (2, E), 0, N, dtype=jnp.int32)
    batch = jnp.sort(jax.random.randint(ks[2], (N,), 0, G, dtype=jnp.int32))
    # GCNConv1 params: weight [F_IN, H], bias [H]
    W1 = jax.random.normal(ks[3], (F_IN, H), dtype=jnp.float32) * (1.0 / np.sqrt(F_IN))
    b1 = jnp.zeros((H,), dtype=jnp.float32)
    # GCNConv2 params: weight [H, H], bias [H]
    W2 = jax.random.normal(ks[4], (H, H), dtype=jnp.float32) * (1.0 / np.sqrt(H))
    b2 = jnp.zeros((H,), dtype=jnp.float32)
    # Final linear: weight [H, C], bias [C]
    Wl = jax.random.normal(ks[5], (H, C), dtype=jnp.float32) * (1.0 / np.sqrt(H))
    bl = jnp.zeros((C,), dtype=jnp.float32)
    return {"x": x, "edge_index": edge_index, "batch": batch,
            "W1": W1, "b1": b1, "W2": W2, "b2": b2, "Wl": Wl, "bl": bl}


def _gcn_conv(x, src, dst, deg_inv_sqrt, W, b):
    # x' = D^{-1/2} (A + I) D^{-1/2} X W + b  (self-loops already in src/dst)
    h = x @ W
    norm = deg_inv_sqrt[src] * deg_inv_sqrt[dst]
    msgs = h[src] * norm[:, None]
    out = jax.ops.segment_sum(msgs, dst, num_segments=N)
    return out + b


def reference(x, edge_index, batch, W1, b1, W2, b2, Wl, bl):
    # add self-loops (PyG GCNConv default add_self_loops=True)
    loop = jnp.arange(N, dtype=edge_index.dtype)
    src = jnp.concatenate([edge_index[0], loop])
    dst = jnp.concatenate([edge_index[1], loop])
    deg = jax.ops.segment_sum(jnp.ones_like(src, dtype=jnp.float32), dst, num_segments=N)
    deg_inv_sqrt = jnp.where(deg > 0, jax.lax.rsqrt(jnp.maximum(deg, 1e-12)), 0.0)

    h = _gcn_conv(x, src, dst, deg_inv_sqrt, W1, b1)
    h = jax.nn.relu(h)
    h = _gcn_conv(h, src, dst, deg_inv_sqrt, W2, b2)

    # global_mean_pool over graph ids
    sums = jax.ops.segment_sum(h, batch, num_segments=G)
    counts = jax.ops.segment_sum(jnp.ones((N,), dtype=jnp.float32), batch, num_segments=G)
    pooled = sums / jnp.maximum(counts, 1.0)[:, None]

    # dropout p=0.5 is identity in eval mode
    out = pooled @ Wl + bl
    return out

if __name__ == "__main__":
    import jax
    _d = setup_inputs()
    print(jax.jit(kernel)(*tuple(_d.values())))

</pallas_src>

<mosaic_0001>
#map = affine_map<(d0, d1) -> (0, 0)>
module attributes {stable_mosaic.version = 14 : i64} {
  func.func @k(%arg0: i32, %arg1: i32, %arg2: memref<2560x128xi32, #tpu.memory_space<hbm>>, %arg3: memref<10240x16xf32, #tpu.memory_space<hbm>>, %arg4: memref<640x16xf32, #tpu.memory_space<hbm>>, %arg5: memref<10240x16xf32, #tpu.memory_space<hbm>>, %arg6: memref<10240x16xf32, #tpu.memory_space<hbm>>, %arg7: memref<80x128xi32, #tpu.memory_space<vmem>>, %arg8: memref<128x16xf32, #tpu.memory_space<vmem>>, %arg9: memref<128x16xf32, #tpu.memory_space<vmem>>, %arg10: memref<128x16xf32, #tpu.memory_space<vmem>>, %arg11: memref<128x16xf32, #tpu.memory_space<vmem>>, %arg12: memref<10240x16xf32, #tpu.memory_space<vmem_shared>>, %arg13: memref<!tpu.dma_semaphore, #tpu.memory_space<semaphore_mem>>, %arg14: memref<!tpu.dma_semaphore, #tpu.memory_space<semaphore_mem>>, %arg15: memref<!tpu.dma_semaphore, #tpu.memory_space<semaphore_mem>>, %arg16: memref<!tpu.dma_semaphore, #tpu.memory_space<semaphore_mem>>) attributes {dimension_semantics = [#tpu.dimension_semantics<core_parallel>, #tpu.dimension_semantics<subcore_parallel>], iteration_bounds = array<i64: 2, 16>, scalar_prefetch = 0 : i64, scratch_operands = 10 : i64, tpu.core_type = #tpu.core_type<sc_vector_subcore>, window_params = [{transform_indices = #map}, {transform_indices = #map}, {transform_indices = #map}, {transform_indices = #map}, {transform_indices = #map}]} {
    %mul3A = arith.constant 2 : i32
    %mul3A_0 = arith.muli %arg1, %mul3A : i32
    %add3A = arith.addi %mul3A_0, %arg0 : i32
    %mul3A_1 = arith.constant 80 : i32
    %mul3A_2 = arith.muli %add3A, %mul3A_1 : i32
    "tpu.region"() ({
      %run_scoped3A = tpu.sem_alloc : memref<!tpu.dma_semaphore, #tpu.memory_space<semaphore_mem>>
      %dma_start3A_44 = arith.constant 0 : i32
      %dma_start3A_45 = tpu.memref_slice %arg2[%mul3A_2, %dma_start3A_44] : memref<2560x128xi32, #tpu.memory_space<hbm>> -> memref<80x128xi32, #tpu.memory_space<hbm>>
      %dma_start3A_46 = arith.constant 0 : i32
      %dma_start3A_47 = tpu.memref_slice %arg2[%mul3A_2, %dma_start3A_46] : memref<2560x128xi32, #tpu.memory_space<hbm>> -> memref<80x128xi32, #tpu.memory_space<hbm>>
      tpu.enqueue_dma source(%dma_start3A_47 : memref<80x128xi32, #tpu.memory_space<hbm>>) target(%arg7 : memref<80x128xi32, #tpu.memory_space<vmem>>) target_semaphore(%run_scoped3A : memref<!tpu.dma_semaphore, #tpu.memory_space<semaphore_mem>>)
      %dma_wait3A = arith.constant 0 : i32
      %dma_wait3A_48 = tpu.memref_slice %arg2[%mul3A_2, %dma_wait3A] : memref<2560x128xi32, #tpu.memory_space<hbm>> -> memref<80x128xi32, #tpu.memory_space<hbm>>
      %dma_wait3A_49 = arith.constant 0 : i32
      %dma_wait3A_50 = tpu.memref_slice %arg2[%mul3A_2, %dma_wait3A_49] : memref<2560x128xi32, #tpu.memory_space<hbm>> -> memref<80x128xi32, #tpu.memory_space<hbm>>
      tpu.wait_dma2 semaphore(%run_scoped3A : memref<!tpu.dma_semaphore, #tpu.memory_space<semaphore_mem>>) src(%dma_wait3A_50 : memref<80x128xi32, #tpu.memory_space<hbm>>) dst(%arg7 : memref<80x128xi32, #tpu.memory_space<vmem>>)
      tpu.yield
    }) : () -> ()
    %mul3A_3 = arith.constant 640 : i32
    %mul3A_4 = arith.muli %arg1, %mul3A_3 : i32
    "tpu.region"() ({
      %run_scoped3A = tpu.sem_alloc : memref<!tpu.dma_semaphore, #tpu.memory_space<semaphore_mem>>
      %dma_start3A_44 = arith.constant 0 : i32
      %dma_start3A_45 = tpu.memref_slice %arg12[%mul3A_4, %dma_start3A_44] : memref<10240x16xf32, #tpu.memory_space<vmem_shared>> -> memref<640x16xf32, #tpu.memory_space<vmem_shared>>
      tpu.enqueue_dma source(%arg4 : memref<640x16xf32, #tpu.memory_space<hbm>>) target(%dma_start3A_45 : memref<640x16xf32, #tpu.memory_space<vmem_shared>>) target_semaphore(%run_scoped3A : memref<!tpu.dma_semaphore, #tpu.memory_space<semaphore_mem>>)
      %dma_wait3A = arith.constant 0 : i32
      %dma_wait3A_46 = tpu.memref_slice %arg12[%mul3A_4, %dma_wait3A] : memref<10240x16xf32, #tpu.memory_space<vmem_shared>> -> memref<640x16xf32, #tpu.memory_space<vmem_shared>>
      tpu.wait_dma2 semaphore(%run_scoped3A : memref<!tpu.dma_semaphore, #tpu.memory_space<semaphore_mem>>) src(%arg4 : memref<640x16xf32, #tpu.memory_space<hbm>>) dst(%dma_wait3A_46 : memref<640x16xf32, #tpu.memory_space<vmem_shared>>)
      tpu.yield
    }) : () -> ()
    %barrier3A = arith.constant 0 : index
    tpu.barrier barrier_id(%barrier3A)
    %dma_start3A = arith.constant 0 : i32
    %dma_start3A_5 = arith.constant 0 : i32
    %dma_start3A_6 = tpu.memref_slice %arg7[%dma_start3A, %dma_start3A_5] : memref<80x128xi32, #tpu.memory_space<vmem>> -> memref<1x128xi32, #tpu.memory_space<vmem>>
    %dma_start3A_7 = tpu.memref_squeeze %dma_start3A_6 : memref<1x128xi32, #tpu.memory_space<vmem>> -> memref<128xi32, #tpu.memory_space<vmem>>
    %dma_start3A_8 = arith.constant 0 : i32
    %dma_start3A_9 = arith.constant 0 : i32
    %dma_start3A_10 = tpu.memref_slice %arg3[%dma_start3A_8, %dma_start3A_9] : memref<10240x16xf32, #tpu.memory_space<hbm>> -> memref<10240x16xf32, #tpu.memory_space<hbm>>
    tpu.enqueue_indirect_dma source(%dma_start3A_10 : memref<10240x16xf32, #tpu.memory_space<hbm>>) target(%arg8 : memref<128x16xf32, #tpu.memory_space<vmem>>) offsets(%dma_start3A_7 : memref<128xi32, #tpu.memory_space<vmem>>) semaphore(%arg13 : memref<!tpu.dma_semaphore, #tpu.memory_space<semaphore_mem>>)
    %dma_start3A_11 = arith.constant 1 : i32
    %dma_start3A_12 = arith.constant 0 : i32
    %dma_start3A_13 = tpu.memref_slice %arg7[%dma_start3A_11, %dma_start3A_12] : memref<80x128xi32, #tpu.memory_space<vmem>> -> memref<1x128xi32, #tpu.memory_space<vmem>>
    %dma_start3A_14 = tpu.memref_squeeze %dma_start3A_13 : memref<1x128xi32, #tpu.memory_space<vmem>> -> memref<128xi32, #tpu.memory_space<vmem>>
    %dma_start3A_15 = arith.constant 0 : i32
    %dma_start3A_16 = arith.constant 0 : i32
    %dma_start3A_17 = tpu.memref_slice %arg3[%dma_start3A_15, %dma_start3A_16] : memref<10240x16xf32, #tpu.memory_space<hbm>> -> memref<10240x16xf32, #tpu.memory_space<hbm>>
    tpu.enqueue_indirect_dma source(%dma_start3A_17 : memref<10240x16xf32, #tpu.memory_space<hbm>>) target(%arg9 : memref<128x16xf32, #tpu.memory_space<vmem>>) offsets(%dma_start3A_14 : memref<128xi32, #tpu.memory_space<vmem>>) semaphore(%arg14 : memref<!tpu.dma_semaphore, #tpu.memory_space<semaphore_mem>>)
    %dma_start3A_18 = arith.constant 2 : i32
    %dma_start3A_19 = arith.constant 0 : i32
    %dma_start3A_20 = tpu.memref_slice %arg7[%dma_start3A_18, %dma_start3A_19] : memref<80x128xi32, #tpu.memory_space<vmem>> -> memref<1x128xi32, #tpu.memory_space<vmem>>
    %dma_start3A_21 = tpu.memref_squeeze %dma_start3A_20 : memref<1x128xi32, #tpu.memory_space<vmem>> -> memref<128xi32, #tpu.memory_space<vmem>>
    %dma_start3A_22 = arith.constant 0 : i32
    %dma_start3A_23 = arith.constant 0 : i32
    %dma_start3A_24 = tpu.memref_slice %arg3[%dma_start3A_22, %dma_start3A_23] : memref<10240x16xf32, #tpu.memory_space<hbm>> -> memref<10240x16xf32, #tpu.memory_space<hbm>>
    tpu.enqueue_indirect_dma source(%dma_start3A_24 : memref<10240x16xf32, #tpu.memory_space<hbm>>) target(%arg10 : memref<128x16xf32, #tpu.memory_space<vmem>>) offsets(%dma_start3A_21 : memref<128xi32, #tpu.memory_space<vmem>>) semaphore(%arg15 : memref<!tpu.dma_semaphore, #tpu.memory_space<semaphore_mem>>)
    %dma_start3A_25 = arith.constant 3 : i32
    %dma_start3A_26 = arith.constant 0 : i32
    %dma_start3A_27 = tpu.memref_slice %arg7[%dma_start3A_25, %dma_start3A_26] : memref<80x128xi32, #tpu.memory_space<vmem>> -> memref<1x128xi32, #tpu.memory_space<vmem>>
    %dma_start3A_28 = tpu.memref_squeeze %dma_start3A_27 : memref<1x128xi32, #tpu.memory_space<vmem>> -> memref<128xi32, #tpu.memory_space<vmem>>
    %dma_start3A_29 = arith.constant 0 : i32
    %dma_start3A_30 = arith.constant 0 : i32
    %dma_start3A_31 = tpu.memref_slice %arg3[%dma_start3A_29, %dma_start3A_30] : memref<10240x16xf32, #tpu.memory_space<hbm>> -> memref<10240x16xf32, #tpu.memory_space<hbm>>
    tpu.enqueue_indirect_dma source(%dma_start3A_31 : memref<10240x16xf32, #tpu.memory_space<hbm>>) target(%arg11 : memref<128x16xf32, #tpu.memory_space<vmem>>) offsets(%dma_start3A_28 : memref<128xi32, #tpu.memory_space<vmem>>) semaphore(%arg16 : memref<!tpu.dma_semaphore, #tpu.memory_space<semaphore_mem>>)
    %scan3A = arith.constant 0 : i32
    %scan3A_32 = arith.constant 20 : i32
    %scan3A_33 = arith.addi %scan3A, %scan3A_32 : i32
    %scan3A_34 = arith.constant 1 : i32
    scf.for %scan3A_44 = %scan3A to %scan3A_33 step %scan3A_34  : i32 {
      %mul3A_45 = arith.constant 4 : i32
      %mul3A_46 = arith.muli %scan3A_44, %mul3A_45 : i32
      %add3A_47 = arith.constant 0 : i32
      %add3A_48 = arith.addi %add3A_47, %mul3A_46 : i32
      %add3A_49 = arith.constant 0 : i32
      %add3A_50 = arith.addi %add3A_48, %add3A_49 : i32
      %dma_wait3A = arith.constant 0 : i32
      %dma_wait3A_51 = tpu.memref_slice %arg7[%add3A_50, %dma_wait3A] : memref<80x128xi32, #tpu.memory_space<vmem>> -> memref<1x128xi32, #tpu.memory_space<vmem>>
      %dma_wait3A_52 = tpu.memref_squeeze %dma_wait3A_51 : memref<1x128xi32, #tpu.memory_space<vmem>> -> memref<128xi32, #tpu.memory_space<vmem>>
      %dma_wait3A_53 = arith.constant 0 : i32
      %dma_wait3A_54 = arith.constant 0 : i32
      %dma_wait3A_55 = tpu.memref_slice %arg3[%dma_wait3A_53, %dma_wait3A_54] : memref<10240x16xf32, #tpu.memory_space<hbm>> -> memref<10240x16xf32, #tpu.memory_space<hbm>>
      tpu.wait_indirect_dma semaphore(%arg13 : memref<!tpu.dma_semaphore, #tpu.memory_space<semaphore_mem>>) src(%dma_wait3A_55 : memref<10240x16xf32, #tpu.memory_space<hbm>>) dst(%arg8 : memref<128x16xf32, #tpu.memory_space<vmem>>)
      "tpu.region"() ({
        %run_scoped3A = tpu.sem_alloc : memref<!tpu.dma_semaphore, #tpu.memory_space<semaphore_mem>>
        %dma_start3A_107 = arith.constant 0 : i32
        %dma_start3A_108 = tpu.memref_slice %arg7[%add3A_50, %dma_start3A_107] : memref<80x128xi32, #tpu.memory_space<vmem>> -> memref<1x128xi32, #tpu.memory_space<vmem>>
        %dma_start3A_109 = tpu.memref_squeeze %dma_start3A_108 : memref<1x128xi32, #tpu.memory_space<vmem>> -> memref<128xi32, #tpu.memory_space<vmem>>
        %dma_start3A_110 = arith.constant 0 : i32
        %dma_start3A_111 = arith.constant 0 : i32
        %dma_start3A_112 = tpu.memref_slice %arg12[%dma_start3A_110, %dma_start3A_111] : memref<10240x16xf32, #tpu.memory_space<vmem_shared>> -> memref<10240x16xf32, #tpu.memory_space<vmem_shared>>
        tpu.enqueue_indirect_dma source(%arg8 : memref<128x16xf32, #tpu.memory_space<vmem>>) target(%dma_start3A_112 : memref<10240x16xf32, #tpu.memory_space<vmem_shared>>) offsets(%dma_start3A_109 : memref<128xi32, #tpu.memory_space<vmem>>) semaphore(%run_scoped3A : memref<!tpu.dma_semaphore, #tpu.memory_space<semaphore_mem>>) {add = true}
        %dma_wait3A_113 = arith.constant 0 : i32
        %dma_wait3A_114 = tpu.memref_slice %arg7[%add3A_50, %dma_wait3A_113] : memref<80x128xi32, #tpu.memory_space<vmem>> -> memref<1x128xi32, #tpu.memory_space<vmem>>
        %dma_wait3A_115 = tpu.memref_squeeze %dma_wait3A_114 : memref<1x128xi32, #tpu.memory_space<vmem>> -> memref<128xi32, #tpu.memory_space<vmem>>
        %dma_wait3A_116 = arith.constant 0 : i32
        %dma_wait3A_117 = arith.constant 0 : i32
        %dma_wait3A_118 = tpu.memref_slice %arg12[%dma_wait3A_116, %dma_wait3A_117] : memref<10240x16xf32, #tpu.memory_space<vmem_shared>> -> memref<10240x16xf32, #tpu.memory_space<vmem_shared>>
        tpu.wait_indirect_dma semaphore(%run_scoped3A : memref<!tpu.dma_semaphore, #tpu.memory_space<semaphore_mem>>) src(%arg8 : memref<128x16xf32, #tpu.memory_space<vmem>>) dst(%dma_wait3A_118 : memref<10240x16xf32, #tpu.memory_space<vmem_shared>>)
        tpu.yield
      }) : () -> ()
      %add3A_56 = arith.constant 4 : i32
      %add3A_57 = arith.addi %add3A_50, %add3A_56 : i32
      %lt3A = arith.constant 80 : i32
      %lt3A_58 = arith.cmpi slt, %add3A_57, %lt3A : i32
      %convert_element_type3A_59 = arith.extui %lt3A_58 : i1 to i32
      %cond3A_60 = arith.constant 0 : i32
      %cond3A_61 = arith.cmpi ne, %convert_element_type3A_59, %cond3A_60 : i32
      scf.if %cond3A_61 {
        %add3A_107 = arith.constant 4 : i32
        %add3A_108 = arith.addi %add3A_50, %add3A_107 : i32
        %dma_start3A_109 = arith.constant 0 : i32
        %dma_start3A_110 = tpu.memref_slice %arg7[%add3A_108, %dma_start3A_109] : memref<80x128xi32, #tpu.memory_space<vmem>> -> memref<1x128xi32, #tpu.memory_space<vmem>>
        %dma_start3A_111 = tpu.memref_squeeze %dma_start3A_110 : memref<1x128xi32, #tpu.memory_space<vmem>> -> memref<128xi32, #tpu.memory_space<vmem>>
        %dma_start3A_112 = arith.constant 0 : i32
        %dma_start3A_113 = arith.constant 0 : i32
        %dma_start3A_114 = tpu.memref_slice %arg3[%dma_start3A_112, %dma_start3A_113] : memref<10240x16xf32, #tpu.memory_space<hbm>> -> memref<10240x16xf32, #tpu.memory_space<hbm>>
        tpu.enqueue_indirect_dma source(%dma_start3A_114 : memref<10240x16xf32, #tpu.memory_space<hbm>>) target(%arg8 : memref<128x16xf32, #tpu.memory_space<vmem>>) offsets(%dma_start3A_111 : memref<128xi32, #tpu.memory_space<vmem>>) semaphore(%arg13 : memref<!tpu.dma_semaphore, #tpu.memory_space<semaphore_mem>>)
      } else {
      }
      %add3A_62 = arith.constant 1 : i32
      %add3A_63 = arith.addi %add3A_48, %add3A_62 : i32
      %dma_wait3A_64 = arith.constant 0 : i32
      %dma_wait3A_65 = tpu.memref_slice %arg7[%add3A_63, %dma_wait3A_64] : memref<80x128xi32, #tpu.memory_space<vmem>> -> memref<1x128xi32, #tpu.memory_space<vmem>>
      %dma_wait3A_66 = tpu.memref_squeeze %dma_wait3A_65 : memref<1x128xi32, #tpu.memory_space<vmem>> -> memref<128xi32, #tpu.memory_space<vmem>>
      %dma_wait3A_67 = arith.constant 0 : i32
      %dma_wait3A_68 = arith.constant 0 : i32
      %dma_wait3A_69 = tpu.memref_slice %arg3[%dma_wait3A_67, %dma_wait3A_68] : memref<10240x16xf32, #tpu.memory_space<hbm>> -> memref<10240x16xf32, #tpu.memory_space<hbm>>
      tpu.wait_indirect_dma semaphore(%arg14 : memref<!tpu.dma_semaphore, #tpu.memory_space<semaphore_mem>>) src(%dma_wait3A_69 : memref<10240x16xf32, #tpu.memory_space<hbm>>) dst(%arg9 : memref<128x16xf32, #tpu.memory_space<vmem>>)
      "tpu.region"() ({
        %run_scoped3A = tpu.sem_alloc : memref<!tpu.dma_semaphore, #tpu.memory_space<semaphore_mem>>
        %dma_start3A_107 = arith.constant 0 : i32
        %dma_start3A_108 = tpu.memref_slice %arg7[%add3A_63, %dma_start3A_107] : memref<80x128xi32, #tpu.memory_space<vmem>> -> memref<1x128xi32, #tpu.memory_space<vmem>>
        %dma_start3A_109 = tpu.memref_squeeze %dma_start3A_108 : memref<1x128xi32, #tpu.memory_space<vmem>> -> memref<128xi32, #tpu.memory_space<vmem>>
        %dma_start3A_110 = arith.constant 0 : i32
        %dma_start3A_111 = arith.constant 0 : i32
        %dma_start3A_112 = tpu.memref_slice %arg12[%dma_start3A_110, %dma_start3A_111] : memref<10240x16xf32, #tpu.memory_space<vmem_shared>> -> memref<10240x16xf32, #tpu.memory_space<vmem_shared>>
        tpu.enqueue_indirect_dma source(%arg9 : memref<128x16xf32, #tpu.memory_space<vmem>>) target(%dma_start3A_112 : memref<10240x16xf32, #tpu.memory_space<vmem_shared>>) offsets(%dma_start3A_109 : memref<128xi32, #tpu.memory_space<vmem>>) semaphore(%run_scoped3A : memref<!tpu.dma_semaphore, #tpu.memory_space<semaphore_mem>>) {add = true}
        %dma_wait3A_113 = arith.constant 0 : i32
        %dma_wait3A_114 = tpu.memref_slice %arg7[%add3A_63, %dma_wait3A_113] : memref<80x128xi32, #tpu.memory_space<vmem>> -> memref<1x128xi32, #tpu.memory_space<vmem>>
        %dma_wait3A_115 = tpu.memref_squeeze %dma_wait3A_114 : memref<1x128xi32, #tpu.memory_space<vmem>> -> memref<128xi32, #tpu.memory_space<vmem>>
        %dma_wait3A_116 = arith.constant 0 : i32
        %dma_wait3A_117 = arith.constant 0 : i32
        %dma_wait3A_118 = tpu.memref_slice %arg12[%dma_wait3A_116, %dma_wait3A_117] : memref<10240x16xf32, #tpu.memory_space<vmem_shared>> -> memref<10240x16xf32, #tpu.memory_space<vmem_shared>>
        tpu.wait_indirect_dma semaphore(%run_scoped3A : memref<!tpu.dma_semaphore, #tpu.memory_space<semaphore_mem>>) src(%arg9 : memref<128x16xf32, #tpu.memory_space<vmem>>) dst(%dma_wait3A_118 : memref<10240x16xf32, #tpu.memory_space<vmem_shared>>)
        tpu.yield
      }) : () -> ()
      %add3A_70 = arith.constant 4 : i32
      %add3A_71 = arith.addi %add3A_63, %add3A_70 : i32
      %lt3A_72 = arith.constant 80 : i32
      %lt3A_73 = arith.cmpi slt, %add3A_71, %lt3A_72 : i32
      %convert_element_type3A_74 = arith.extui %lt3A_73 : i1 to i32
      %cond3A_75 = arith.constant 0 : i32
      %cond3A_76 = arith.cmpi ne, %convert_element_type3A_74, %cond3A_75 : i32
      scf.if %cond3A_76 {
        %add3A_107 = arith.constant 4 : i32
        %add3A_108 = arith.addi %add3A_63, %add3A_107 : i32
        %dma_start3A_109 = arith.constant 0 : i32
        %dma_start3A_110 = tpu.memref_slice %arg7[%add3A_108, %dma_start3A_109] : memref<80x128xi32, #tpu.memory_space<vmem>> -> memref<1x128xi32, #tpu.memory_space<vmem>>
        %dma_start3A_111 = tpu.memref_squeeze %dma_start3A_110 : memref<1x128xi32, #tpu.memory_space<vmem>> -> memref<128xi32, #tpu.memory_space<vmem>>
        %dma_start3A_112 = arith.constant 0 : i32
        %dma_start3A_113 = arith.constant 0 : i32
        %dma_start3A_114 = tpu.memref_slice %arg3[%dma_start3A_112, %dma_start3A_113] : memref<10240x16xf32, #tpu.memory_space<hbm>> -> memref<10240x16xf32, #tpu.memory_space<hbm>>
        tpu.enqueue_indirect_dma source(%dma_start3A_114 : memref<10240x16xf32, #tpu.memory_space<hbm>>) target(%arg9 : memref<128x16xf32, #tpu.memory_space<vmem>>) offsets(%dma_start3A_111 : memref<128xi32, #tpu.memory_space<vmem>>) semaphore(%arg14 : memref<!tpu.dma_semaphore, #tpu.memory_space<semaphore_mem>>)
      } else {
      }
      %add3A_77 = arith.constant 2 : i32
      %add3A_78 = arith.addi %add3A_48, %add3A_77 : i32
      %dma_wait3A_79 = arith.constant 0 : i32
      %dma_wait3A_80 = tpu.memref_slice %arg7[%add3A_78, %dma_wait3A_79] : memref<80x128xi32, #tpu.memory_space<vmem>> -> memref<1x128xi32, #tpu.memory_space<vmem>>
      %dma_wait3A_81 = tpu.memref_squeeze %dma_wait3A_80 : memref<1x128xi32, #tpu.memory_space<vmem>> -> memref<128xi32, #tpu.memory_space<vmem>>
      %dma_wait3A_82 = arith.constant 0 : i32
      %dma_wait3A_83 = arith.constant 0 : i32
      %dma_wait3A_84 = tpu.memref_slice %arg3[%dma_wait3A_82, %dma_wait3A_83] : memref<10240x16xf32, #tpu.memory_space<hbm>> -> memref<10240x16xf32, #tpu.memory_space<hbm>>
      tpu.wait_indirect_dma semaphore(%arg15 : memref<!tpu.dma_semaphore, #tpu.memory_space<semaphore_mem>>) src(%dma_wait3A_84 : memref<10240x16xf32, #tpu.memory_space<hbm>>) dst(%arg10 : memref<128x16xf32, #tpu.memory_space<vmem>>)
      "tpu.region"() ({
        %run_scoped3A = tpu.sem_alloc : memref<!tpu.dma_semaphore, #tpu.memory_space<semaphore_mem>>
        %dma_start3A_107 = arith.constant 0 : i32
        %dma_start3A_108 = tpu.memref_slice %arg7[%add3A_78, %dma_start3A_107] : memref<80x128xi32, #tpu.memory_space<vmem>> -> memref<1x128xi32, #tpu.memory_space<vmem>>
        %dma_start3A_109 = tpu.memref_squeeze %dma_start3A_108 : memref<1x128xi32, #tpu.memory_space<vmem>> -> memref<128xi32, #tpu.memory_space<vmem>>
        %dma_start3A_110 = arith.constant 0 : i32
        %dma_start3A_111 = arith.constant 0 : i32
        %dma_start3A_112 = tpu.memref_slice %arg12[%dma_start3A_110, %dma_start3A_111] : memref<10240x16xf32, #tpu.memory_space<vmem_shared>> -> memref<10240x16xf32, #tpu.memory_space<vmem_shared>>
        tpu.enqueue_indirect_dma source(%arg10 : memref<128x16xf32, #tpu.memory_space<vmem>>) target(%dma_start3A_112 : memref<10240x16xf32, #tpu.memory_space<vmem_shared>>) offsets(%dma_start3A_109 : memref<128xi32, #tpu.memory_space<vmem>>) semaphore(%run_scoped3A : memref<!tpu.dma_semaphore, #tpu.memory_space<semaphore_mem>>) {add = true}
        %dma_wait3A_113 = arith.constant 0 : i32
        %dma_wait3A_114 = tpu.memref_slice %arg7[%add3A_78, %dma_wait3A_113] : memref<80x128xi32, #tpu.memory_space<vmem>> -> memref<1x128xi32, #tpu.memory_space<vmem>>
        %dma_wait3A_115 = tpu.memref_squeeze %dma_wait3A_114 : memref<1x128xi32, #tpu.memory_space<vmem>> -> memref<128xi32, #tpu.memory_space<vmem>>
        %dma_wait3A_116 = arith.constant 0 : i32
        %dma_wait3A_117 = arith.constant 0 : i32
        %dma_wait3A_118 = tpu.memref_slice %arg12[%dma_wait3A_116, %dma_wait3A_117] : memref<10240x16xf32, #tpu.memory_space<vmem_shared>> -> memref<10240x16xf32, #tpu.memory_space<vmem_shared>>
        tpu.wait_indirect_dma semaphore(%run_scoped3A : memref<!tpu.dma_semaphore, #tpu.memory_space<semaphore_mem>>) src(%arg10 : memref<128x16xf32, #tpu.memory_space<vmem>>) dst(%dma_wait3A_118 : memref<10240x16xf32, #tpu.memory_space<vmem_shared>>)
        tpu.yield
      }) : () -> ()
      %add3A_85 = arith.constant 4 : i32
      %add3A_86 = arith.addi %add3A_78, %add3A_85 : i32
      %lt3A_87 = arith.constant 80 : i32
      %lt3A_88 = arith.cmpi slt, %add3A_86, %lt3A_87 : i32
      %convert_element_type3A_89 = arith.extui %lt3A_88 : i1 to i32
      %cond3A_90 = arith.constant 0 : i32
      %cond3A_91 = arith.cmpi ne, %convert_element_type3A_89, %cond3A_90 : i32
      scf.if %cond3A_91 {
        %add3A_107 = arith.constant 4 : i32
        %add3A_108 = arith.addi %add3A_78, %add3A_107 : i32
        %dma_start3A_109 = arith.constant 0 : i32
        %dma_start3A_110 = tpu.memref_slice %arg7[%add3A_108, %dma_start3A_109] : memref<80x128xi32, #tpu.memory_space<vmem>> -> memref<1x128xi32, #tpu.memory_space<vmem>>
        %dma_start3A_111 = tpu.memref_squeeze %dma_start3A_110 : memref<1x128xi32, #tpu.memory_space<vmem>> -> memref<128xi32, #tpu.memory_space<vmem>>
        %dma_start3A_112 = arith.constant 0 : i32
        %dma_start3A_113 = arith.constant 0 : i32
        %dma_start3A_114 = tpu.memref_slice %arg3[%dma_start3A_112, %dma_start3A_113] : memref<10240x16xf32, #tpu.memory_space<hbm>> -> memref<10240x16xf32, #tpu.memory_space<hbm>>
        tpu.enqueue_indirect_dma source(%dma_start3A_114 : memref<10240x16xf32, #tpu.memory_space<hbm>>) target(%arg10 : memref<128x16xf32, #tpu.memory_space<vmem>>) offsets(%dma_start3A_111 : memref<128xi32, #tpu.memory_space<vmem>>) semaphore(%arg15 : memref<!tpu.dma_semaphore, #tpu.memory_space<semaphore_mem>>)
      } else {
      }
      %add3A_92 = arith.constant 3 : i32
      %add3A_93 = arith.addi %add3A_48, %add3A_92 : i32
      %dma_wait3A_94 = arith.constant 0 : i32
      %dma_wait3A_95 = tpu.memref_slice %arg7[%add3A_93, %dma_wait3A_94] : memref<80x128xi32, #tpu.memory_space<vmem>> -> memref<1x128xi32, #tpu.memory_space<vmem>>
      %dma_wait3A_96 = tpu.memref_squeeze %dma_wait3A_95 : memref<1x128xi32, #tpu.memory_space<vmem>> -> memref<128xi32, #tpu.memory_space<vmem>>
      %dma_wait3A_97 = arith.constant 0 : i32
      %dma_wait3A_98 = arith.constant 0 : i32
      %dma_wait3A_99 = tpu.memref_slice %arg3[%dma_wait3A_97, %dma_wait3A_98] : memref<10240x16xf32, #tpu.memory_space<hbm>> -> memref<10240x16xf32, #tpu.memory_space<hbm>>
      tpu.wait_indirect_dma semaphore(%arg16 : memref<!tpu.dma_semaphore, #tpu.memory_space<semaphore_mem>>) src(%dma_wait3A_99 : memref<10240x16xf32, #tpu.memory_space<hbm>>) dst(%arg11 : memref<128x16xf32, #tpu.memory_space<vmem>>)
      "tpu.region"() ({
        %run_scoped3A = tpu.sem_alloc : memref<!tpu.dma_semaphore, #tpu.memory_space<semaphore_mem>>
        %dma_start3A_107 = arith.constant 0 : i32
        %dma_start3A_108 = tpu.memref_slice %arg7[%add3A_93, %dma_start3A_107] : memref<80x128xi32, #tpu.memory_space<vmem>> -> memref<1x128xi32, #tpu.memory_space<vmem>>
        %dma_start3A_109 = tpu.memref_squeeze %dma_start3A_108 : memref<1x128xi32, #tpu.memory_space<vmem>> -> memref<128xi32, #tpu.memory_space<vmem>>
        %dma_start3A_110 = arith.constant 0 : i32
        %dma_start3A_111 = arith.constant 0 : i32
        %dma_start3A_112 = tpu.memref_slice %arg12[%dma_start3A_110, %dma_start3A_111] : memref<10240x16xf32, #tpu.memory_space<vmem_shared>> -> memref<10240x16xf32, #tpu.memory_space<vmem_shared>>
        tpu.enqueue_indirect_dma source(%arg11 : memref<128x16xf32, #tpu.memory_space<vmem>>) target(%dma_start3A_112 : memref<10240x16xf32, #tpu.memory_space<vmem_shared>>) offsets(%dma_start3A_109 : memref<128xi32, #tpu.memory_space<vmem>>) semaphore(%run_scoped3A : memref<!tpu.dma_semaphore, #tpu.memory_space<semaphore_mem>>) {add = true}
        %dma_wait3A_113 = arith.constant 0 : i32
        %dma_wait3A_114 = tpu.memref_slice %arg7[%add3A_93, %dma_wait3A_113] : memref<80x128xi32, #tpu.memory_space<vmem>> -> memref<1x128xi32, #tpu.memory_space<vmem>>
        %dma_wait3A_115 = tpu.memref_squeeze %dma_wait3A_114 : memref<1x128xi32, #tpu.memory_space<vmem>> -> memref<128xi32, #tpu.memory_space<vmem>>
        %dma_wait3A_116 = arith.constant 0 : i32
        %dma_wait3A_117 = arith.constant 0 : i32
        %dma_wait3A_118 = tpu.memref_slice %arg12[%dma_wait3A_116, %dma_wait3A_117] : memref<10240x16xf32, #tpu.memory_space<vmem_shared>> -> memref<10240x16xf32, #tpu.memory_space<vmem_shared>>
        tpu.wait_indirect_dma semaphore(%run_scoped3A : memref<!tpu.dma_semaphore, #tpu.memory_space<semaphore_mem>>) src(%arg11 : memref<128x16xf32, #tpu.memory_space<vmem>>) dst(%dma_wait3A_118 : memref<10240x16xf32, #tpu.memory_space<vmem_shared>>)
        tpu.yield
      }) : () -> ()
      %add3A_100 = arith.constant 4 : i32
      %add3A_101 = arith.addi %add3A_93, %add3A_100 : i32
      %lt3A_102 = arith.constant 80 : i32
      %lt3A_103 = arith.cmpi slt, %add3A_101, %lt3A_102 : i32
      %convert_element_type3A_104 = arith.extui %lt3A_103 : i1 to i32
      %cond3A_105 = arith.constant 0 : i32
      %cond3A_106 = arith.cmpi ne, %convert_element_type3A_104, %cond3A_105 : i32
      scf.if %cond3A_106 {
        %add3A_107 = arith.constant 4 : i32
        %add3A_108 = arith.addi %add3A_93, %add3A_107 : i32
        %dma_start3A_109 = arith.constant 0 : i32
        %dma_start3A_110 = tpu.memref_slice %arg7[%add3A_108, %dma_start3A_109] : memref<80x128xi32, #tpu.memory_space<vmem>> -> memref<1x128xi32, #tpu.memory_space<vmem>>
        %dma_start3A_111 = tpu.memref_squeeze %dma_start3A_110 : memref<1x128xi32, #tpu.memory_space<vmem>> -> memref<128xi32, #tpu.memory_space<vmem>>
        %dma_start3A_112 = arith.constant 0 : i32
        %dma_start3A_113 = arith.constant 0 : i32
        %dma_start3A_114 = tpu.memref_slice %arg3[%dma_start3A_112, %dma_start3A_113] : memref<10240x16xf32, #tpu.memory_space<hbm>> -> memref<10240x16xf32, #tpu.memory_space<hbm>>
        tpu.enqueue_indirect_dma source(%dma_start3A_114 : memref<10240x16xf32, #tpu.memory_space<hbm>>) target(%arg11 : memref<128x16xf32, #tpu.memory_space<vmem>>) offsets(%dma_start3A_111 : memref<128xi32, #tpu.memory_space<vmem>>) semaphore(%arg16 : memref<!tpu.dma_semaphore, #tpu.memory_space<semaphore_mem>>)
      } else {
      }
    }
    %scan3A_35 = arith.constant 20 : i32
    %barrier3A_36 = arith.constant 0 : index
    tpu.barrier barrier_id(%barrier3A_36)
    %eq3A = arith.constant 0 : i32
    %eq3A_37 = arith.cmpi eq, %arg0, %eq3A : i32
    %convert_element_type3A = arith.extui %eq3A_37 : i1 to i32
    %cond3A = arith.constant 0 : i32
    %cond3A_38 = arith.cmpi ne, %convert_element_type3A, %cond3A : i32
    scf.if %cond3A_38 {
      %mul3A_44 = arith.constant 640 : i32
      %mul3A_45 = arith.muli %arg1, %mul3A_44 : i32
      %mul3A_46 = arith.constant 640 : i32
      %mul3A_47 = arith.muli %arg1, %mul3A_46 : i32
      "tpu.region"() ({
        %run_scoped3A = tpu.sem_alloc : memref<!tpu.dma_semaphore, #tpu.memory_space<semaphore_mem>>
        %dma_start3A_48 = arith.constant 0 : i32
        %dma_start3A_49 = tpu.memref_slice %arg5[%mul3A_47, %dma_start3A_48] : memref<10240x16xf32, #tpu.memory_space<hbm>> -> memref<640x16xf32, #tpu.memory_space<hbm>>
        %dma_start3A_50 = arith.constant 0 : i32
        %dma_start3A_51 = tpu.memref_slice %arg12[%mul3A_45, %dma_start3A_50] : memref<10240x16xf32, #tpu.memory_space<vmem_shared>> -> memref<640x16xf32, #tpu.memory_space<vmem_shared>>
        tpu.enqueue_dma source(%dma_start3A_51 : memref<640x16xf32, #tpu.memory_space<vmem_shared>>) target(%dma_start3A_49 : memref<640x16xf32, #tpu.memory_space<hbm>>) target_semaphore(%run_scoped3A : memref<!tpu.dma_semaphore, #tpu.memory_space<semaphore_mem>>)
        %dma_wait3A = arith.constant 0 : i32
        %dma_wait3A_52 = tpu.memref_slice %arg5[%mul3A_47, %dma_wait3A] : memref<10240x16xf32, #tpu.memory_space<hbm>> -> memref<640x16xf32, #tpu.memory_space<hbm>>
        %dma_wait3A_53 = arith.constant 0 : i32
        %dma_wait3A_54 = tpu.memref_slice %arg12[%mul3A_45, %dma_wait3A_53] : memref<10240x16xf32, #tpu.memory_space<vmem_shared>> -> memref<640x16xf32, #tpu.memory_space<vmem_shared>>
        tpu.wait_dma2 semaphore(%run_scoped3A : memref<!tpu.dma_semaphore, #tpu.memory_space<semaphore_mem>>) src(%dma_wait3A_54 : memref<640x16xf32, #tpu.memory_space<vmem_shared>>) dst(%dma_wait3A_52 : memref<640x16xf32, #tpu.memory_space<hbm>>)
        tpu.yield
      }) : () -> ()
    } else {
    }
    %eq3A_39 = arith.constant 1 : i32
    %eq3A_40 = arith.cmpi eq, %arg0, %eq3A_39 : i32
    %convert_element_type3A_41 = arith.extui %eq3A_40 : i1 to i32
    %cond3A_42 = arith.constant 0 : i32
    %cond3A_43 = arith.cmpi ne, %convert_element_type3A_41, %cond3A_42 : i32
    scf.if %cond3A_43 {
      %mul3A_44 = arith.constant 640 : i32
      %mul3A_45 = arith.muli %arg1, %mul3A_44 : i32
      %mul3A_46 = arith.constant 640 : i32
      %mul3A_47 = arith.muli %arg1, %mul3A_46 : i32
      "tpu.region"() ({
        %run_scoped3A = tpu.sem_alloc : memref<!tpu.dma_semaphore, #tpu.memory_space<semaphore_mem>>
        %dma_start3A_48 = arith.constant 0 : i32
        %dma_start3A_49 = tpu.memref_slice %arg6[%mul3A_47, %dma_start3A_48] : memref<10240x16xf32, #tpu.memory_space<hbm>> -> memref<640x16xf32, #tpu.memory_space<hbm>>
        %dma_start3A_50 = arith.constant 0 : i32
        %dma_start3A_51 = tpu.memref_slice %arg12[%mul3A_45, %dma_start3A_50] : memref<10240x16xf32, #tpu.memory_space<vmem_shared>> -> memref<640x16xf32, #tpu.memory_space<vmem_shared>>
        tpu.enqueue_dma source(%dma_start3A_51 : memref<640x16xf32, #tpu.memory_space<vmem_shared>>) target(%dma_start3A_49 : memref<640x16xf32, #tpu.memory_space<hbm>>) target_semaphore(%run_scoped3A : memref<!tpu.dma_semaphore, #tpu.memory_space<semaphore_mem>>)
        %dma_wait3A = arith.constant 0 : i32
        %dma_wait3A_52 = tpu.memref_slice %arg6[%mul3A_47, %dma_wait3A] : memref<10240x16xf32, #tpu.memory_space<hbm>> -> memref<640x16xf32, #tpu.memory_space<hbm>>
        %dma_wait3A_53 = arith.constant 0 : i32
        %dma_wait3A_54 = tpu.memref_slice %arg12[%mul3A_45, %dma_wait3A_53] : memref<10240x16xf32, #tpu.memory_space<vmem_shared>> -> memref<640x16xf32, #tpu.memory_space<vmem_shared>>
        tpu.wait_dma2 semaphore(%run_scoped3A : memref<!tpu.dma_semaphore, #tpu.memory_space<semaphore_mem>>) src(%dma_wait3A_54 : memref<640x16xf32, #tpu.memory_space<vmem_shared>>) dst(%dma_wait3A_52 : memref<640x16xf32, #tpu.memory_space<hbm>>)
        tpu.yield
      }) : () -> ()
    } else {
    }
    return
  }
}

#map = affine_map<(d0, d1) -> (0, 0)>
module attributes {stable_mosaic.version = 14 : i64} {
  func.func @k(%arg0: i32, %arg1: i32, %arg2: memref<10240x64xf32, #tpu.memory_space<hbm>>, %arg3: memref<10240x64xf32, #tpu.memory_space<hbm>>, %arg4: memref<10240x64xf32, #tpu.memory_space<hbm>>, %arg5: memref<10240x64xf32, #tpu.memory_space<hbm>>, %arg6: memref<2560x128xi32, #tpu.memory_space<hbm>>, %arg7: memref<2560x128xi32, #tpu.memory_space<hbm>>, %arg8: memref<10240x64xf32, #tpu.memory_space<hbm>>, %arg9: memref<10240x64xf32, #tpu.memory_space<hbm>>, %arg10: memref<10240x64xf32, #tpu.memory_space<hbm>>, %arg11: memref<10240x64xf32, #tpu.memory_space<hbm>>, %arg12: memref<160x128xi32, #tpu.memory_space<vmem>>, %arg13: memref<160x128xi32, #tpu.memory_space<vmem>>, %arg14: memref<128x64xf32, #tpu.memory_space<vmem>>, %arg15: memref<128x64xf32, #tpu.memory_space<vmem>>, %arg16: memref<128x64xf32, #tpu.memory_space<vmem>>, %arg17: memref<128x64xf32, #tpu.memory_space<vmem>>, %arg18: memref<10240x64xf32, #tpu.memory_space<vmem_shared>>, %arg19: memref<!tpu.dma_semaphore, #tpu.memory_space<semaphore_mem>>, %arg20: memref<!tpu.dma_semaphore, #tpu.memory_space<semaphore_mem>>, %arg21: memref<!tpu.dma_semaphore, #tpu.memory_space<semaphore_mem>>, %arg22: memref<!tpu.dma_semaphore, #tpu.memory_space<semaphore_mem>>, %arg23: memref<!tpu.dma_semaphore, #tpu.memory_space<semaphore_mem>>, %arg24: memref<!tpu.dma_semaphore, #tpu.memory_space<semaphore_mem>>, %arg25: memref<!tpu.dma_semaphore, #tpu.memory_space<semaphore_mem>>, %arg26: memref<!tpu.dma_semaphore, #tpu.memory_space<semaphore_mem>>) attributes {dimension_semantics = [#tpu.dimension_semantics<core_parallel>, #tpu.dimension_semantics<subcore_parallel>], iteration_bounds = array<i64: 2, 16>, scalar_prefetch = 0 : i64, scratch_operands = 15 : i64, tpu.core_type = #tpu.core_type<sc_vector_subcore>, window_params = [{transform_indices = #map}, {transform_indices = #map}, {transform_indices = #map}, {transform_indices = #map}, {transform_indices = #map}, {transform_indices = #map}, {transform_indices = #map}, {transform_indices = #map}, {transform_indices = #map}, {transform_indices = #map}]} {
    %mul3A = arith.constant 160 : i32
    %mul3A_0 = arith.muli %arg1, %mul3A : i32
    "tpu.region"() ({
      %run_scoped3A = tpu.sem_alloc : memref<!tpu.dma_semaphore, #tpu.memory_space<semaphore_mem>>
      %dma_start3A = arith.constant 0 : i32
      %dma_start3A_10 = tpu.memref_slice %arg6[%mul3A_0, %dma_start3A] : memref<2560x128xi32, #tpu.memory_space<hbm>> -> memref<160x128xi32, #tpu.memory_space<hbm>>
      %dma_start3A_11 = arith.constant 0 : i32
      %dma_start3A_12 = tpu.memref_slice %arg6[%mul3A_0, %dma_start3A_11] : memref<2560x128xi32, #tpu.memory_space<hbm>> -> memref<160x128xi32, #tpu.memory_space<hbm>>
      tpu.enqueue_dma source(%dma_start3A_12 : memref<160x128xi32, #tpu.memory_space<hbm>>) target(%arg12 : memref<160x128xi32, #tpu.memory_space<vmem>>) target_semaphore(%run_scoped3A : memref<!tpu.dma_semaphore, #tpu.memory_space<semaphore_mem>>)
      %dma_wait3A = arith.constant 0 : i32
      %dma_wait3A_13 = tpu.memref_slice %arg6[%mul3A_0, %dma_wait3A] : memref<2560x128xi32, #tpu.memory_space<hbm>> -> memref<160x128xi32, #tpu.memory_space<hbm>>
      %dma_wait3A_14 = arith.constant 0 : i32
      %dma_wait3A_15 = tpu.memref_slice %arg6[%mul3A_0, %dma_wait3A_14] : memref<2560x128xi32, #tpu.memory_space<hbm>> -> memref<160x128xi32, #tpu.memory_space<hbm>>
      tpu.wait_dma2 semaphore(%run_scoped3A : memref<!tpu.dma_semaphore, #tpu.memory_space<semaphore_mem>>) src(%dma_wait3A_15 : memref<160x128xi32, #tpu.memory_space<hbm>>) dst(%arg12 : memref<160x128xi32, #tpu.memory_space<vmem>>)
      tpu.yield
    }) : () -> ()
    %mul3A_1 = arith.constant 160 : i32
    %mul3A_2 = arith.muli %arg1, %mul3A_1 : i32
    "tpu.region"() ({
      %run_scoped3A = tpu.sem_alloc : memref<!tpu.dma_semaphore, #tpu.memory_space<semaphore_mem>>
      %dma_start3A = arith.constant 0 : i32
      %dma_start3A_10 = tpu.memref_slice %arg7[%mul3A_2, %dma_start3A] : memref<2560x128xi32, #tpu.memory_space<hbm>> -> memref<160x128xi32, #tpu.memory_space<hbm>>
      %dma_start3A_11 = arith.constant 0 : i32
      %dma_start3A_12 = tpu.memref_slice %arg7[%mul3A_2, %dma_start3A_11] : memref<2560x128xi32, #tpu.memory_space<hbm>> -> memref<160x128xi32, #tpu.memory_space<hbm>>
      tpu.enqueue_dma source(%dma_start3A_12 : memref<160x128xi32, #tpu.memory_space<hbm>>) target(%arg13 : memref<160x128xi32, #tpu.memory_space<vmem>>) target_semaphore(%run_scoped3A : memref<!tpu.dma_semaphore, #tpu.memory_space<semaphore_mem>>)
      %dma_wait3A = arith.constant 0 : i32
      %dma_wait3A_13 = tpu.memref_slice %arg7[%mul3A_2, %dma_wait3A] : memref<2560x128xi32, #tpu.memory_space<hbm>> -> memref<160x128xi32, #tpu.memory_space<hbm>>
      %dma_wait3A_14 = arith.constant 0 : i32
      %dma_wait3A_15 = tpu.memref_slice %arg7[%mul3A_2, %dma_wait3A_14] : memref<2560x128xi32, #tpu.memory_space<hbm>> -> memref<160x128xi32, #tpu.memory_space<hbm>>
      tpu.wait_dma2 semaphore(%run_scoped3A : memref<!tpu.dma_semaphore, #tpu.memory_space<semaphore_mem>>) src(%dma_wait3A_15 : memref<160x128xi32, #tpu.memory_space<hbm>>) dst(%arg13 : memref<160x128xi32, #tpu.memory_space<vmem>>)
      tpu.yield
    }) : () -> ()
    %eq3A = arith.constant 0 : i32
    %eq3A_3 = arith.cmpi eq, %arg0, %eq3A : i32
    %convert_element_type3A = arith.extui %eq3A_3 : i1 to i32
    %cond3A = arith.constant 0 : i32
    %cond3A_4 = arith.cmpi ne, %convert_element_type3A, %cond3A : i32
    scf.if %cond3A_4 {
      %mul3A_10 = arith.constant 640 : i32
      %mul3A_11 = arith.muli %arg1, %mul3A_10 : i32
      %mul3A_12 = arith.constant 640 : i32
      %mul3A_13 = arith.muli %arg1, %mul3A_12 : i32
      "tpu.region"() ({
        %run_scoped3A = tpu.sem_alloc : memref<!tpu.dma_semaphore, #tpu.memory_space<semaphore_mem>>
        %dma_start3A_93 = arith.constant 0 : i32
        %dma_start3A_94 = tpu.memref_slice %arg18[%mul3A_13, %dma_start3A_93] : memref<10240x64xf32, #tpu.memory_space<vmem_shared>> -> memref<640x64xf32, #tpu.memory_space<vmem_shared>>
        %dma_start3A_95 = arith.constant 0 : i32
        %dma_start3A_96 = tpu.memref_slice %arg2[%mul3A_11, %dma_start3A_95] : memref<10240x64xf32, #tpu.memory_space<hbm>> -> memref<640x64xf32, #tpu.memory_space<hbm>>
        tpu.enqueue_dma source(%dma_start3A_96 : memref<640x64xf32, #tpu.memory_space<hbm>>) target(%dma_start3A_94 : memref<640x64xf32, #tpu.memory_space<vmem_shared>>) target_semaphore(%run_scoped3A : memref<!tpu.dma_semaphore, #tpu.memory_space<semaphore_mem>>)
        %dma_wait3A = arith.constant 0 : i32
        %dma_wait3A_97 = tpu.memref_slice %arg18[%mul3A_13, %dma_wait3A] : memref<10240x64xf32, #tpu.memory_space<vmem_shared>> -> memref<640x64xf32, #tpu.memory_space<vmem_shared>>
        %dma_wait3A_98 = arith.constant 0 : i32
        %dma_wait3A_99 = tpu.memref_slice %arg2[%mul3A_11, %dma_wait3A_98] : memref<10240x64xf32, #tpu.memory_space<hbm>> -> memref<640x64xf32, #tpu.memory_space<hbm>>
        tpu.wait_dma2 semaphore(%run_scoped3A : memref<!tpu.dma_semaphore, #tpu.memory_space<semaphore_mem>>) src(%dma_wait3A_99 : memref<640x64xf32, #tpu.memory_space<hbm>>) dst(%dma_wait3A_97 : memref<640x64xf32, #tpu.memory_space<vmem_shared>>)
        tpu.yield
      }) : () -> ()
      %barrier3A = arith.constant 0 : index
      tpu.barrier barrier_id(%barrier3A)
      %dma_start3A = arith.constant 0 : i32
      %dma_start3A_14 = arith.constant 0 : i32
      %dma_start3A_15 = tpu.memref_slice %arg12[%dma_start3A, %dma_start3A_14] : memref<160x128xi32, #tpu.memory_space<vmem>> -> memref<1x128xi32, #tpu.memory_space<vmem>>
      %dma_start3A_16 = tpu.memref_squeeze %dma_start3A_15 : memref<1x128xi32, #tpu.memory_space<vmem>> -> memref<128xi32, #tpu.memory_space<vmem>>
      %dma_start3A_17 = arith.constant 0 : i32
      %dma_start3A_18 = arith.constant 0 : i32
      %dma_start3A_19 = tpu.memref_slice %arg2[%dma_start3A_17, %dma_start3A_18] : memref<10240x64xf32, #tpu.memory_space<hbm>> -> memref<10240x64xf32, #tpu.memory_space<hbm>>
      tpu.enqueue_indirect_dma source(%dma_start3A_19 : memref<10240x64xf32, #tpu.memory_space<hbm>>) target(%arg14 : memref<128x64xf32, #tpu.memory_space<vmem>>) offsets(%dma_start3A_16 : memref<128xi32, #tpu.memory_space<vmem>>) semaphore(%arg19 : memref<!tpu.dma_semaphore, #tpu.memory_space<semaphore_mem>>)
      %dma_start3A_20 = arith.constant 1 : i32
      %dma_start3A_21 = arith.constant 0 : i32
      %dma_start3A_22 = tpu.memref_slice %arg12[%dma_start3A_20, %dma_start3A_21] : memref<160x128xi32, #tpu.memory_space<vmem>> -> memref<1x128xi32, #tpu.memory_space<vmem>>
      %dma_start3A_23 = tpu.memref_squeeze %dma_start3A_22 : memref<1x128xi32, #tpu.memory_space<vmem>> -> memref<128xi32, #tpu.memory_space<vmem>>
      %dma_start3A_24 = arith.constant 0 : i32
      %dma_start3A_25 = arith.constant 0 : i32
      %dma_start3A_26 = tpu.memref_slice %arg2[%dma_start3A_24, %dma_start3A_25] : memref<10240x64xf32, #tpu.memory_space<hbm>> -> memref<10240x64xf32, #tpu.memory_space<hbm>>
      tpu.enqueue_indirect_dma source(%dma_start3A_26 : memref<10240x64xf32, #tpu.memory_space<hbm>>) target(%arg15 : memref<128x64xf32, #tpu.memory_space<vmem>>) offsets(%dma_start3A_23 : memref<128xi32, #tpu.memory_space<vmem>>) semaphore(%arg20 : memref<!tpu.dma_semaphore, #tpu.memory_space<semaphore_mem>>)
      %dma_start3A_27 = arith.constant 2 : i32
      %dma_start3A_28 = arith.constant 0 : i32
      %dma_start3A_29 = tpu.memref_slice %arg12[%dma_start3A_27, %dma_start3A_28] : memref<160x128xi32, #tpu.memory_space<vmem>> -> memref<1x128xi32, #tpu.memory_space<vmem>>
      %dma_start3A_30 = tpu.memref_squeeze %dma_start3A_29 : memref<1x128xi32, #tpu.memory_space<vmem>> -> memref<128xi32, #tpu.memory_space<vmem>>
      %dma_start3A_31 = arith.constant 0 : i32
      %dma_start3A_32 = arith.constant 0 : i32
      %dma_start3A_33 = tpu.memref_slice %arg2[%dma_start3A_31, %dma_start3A_32] : memref<10240x64xf32, #tpu.memory_space<hbm>> -> memref<10240x64xf32, #tpu.memory_space<hbm>>
      tpu.enqueue_indirect_dma source(%dma_start3A_33 : memref<10240x64xf32, #tpu.memory_space<hbm>>) target(%arg16 : memref<128x64xf32, #tpu.memory_space<vmem>>) offsets(%dma_start3A_30 : memref<128xi32, #tpu.memory_space<vmem>>) semaphore(%arg21 : memref<!tpu.dma_semaphore, #tpu.memory_space<semaphore_mem>>)
      %dma_start3A_34 = arith.constant 3 : i32
      %dma_start3A_35 = arith.constant 0 : i32
      %dma_start3A_36 = tpu.memref_slice %arg12[%dma_start3A_34, %dma_start3A_35] : memref<160x128xi32, #tpu.memory_space<vmem>> -> memref<1x128xi32, #tpu.memory_space<vmem>>
      %dma_start3A_37 = tpu.memref_squeeze %dma_start3A_36 : memref<1x128xi32, #tpu.memory_space<vmem>> -> memref<128xi32, #tpu.memory_space<vmem>>
      %dma_start3A_38 = arith.constant 0 : i32
      %dma_start3A_39 = arith.constant 0 : i32
      %dma_start3A_40 = tpu.memref_slice %arg2[%dma_start3A_38, %dma_start3A_39] : memref<10240x64xf32, #tpu.memory_space<hbm>> -> memref<10240x64xf32, #tpu.memory_space<hbm>>
      tpu.enqueue_indirect_dma source(%dma_start3A_40 : memref<10240x64xf32, #tpu.memory_space<hbm>>) target(%arg17 : memref<128x64xf32, #tpu.memory_space<vmem>>) offsets(%dma_start3A_37 : memref<128xi32, #tpu.memory_space<vmem>>) semaphore(%arg22 : memref<!tpu.dma_semaphore, #tpu.memory_space<semaphore_mem>>)
      %scan3A = arith.constant 0 : i32
      %scan3A_41 = arith.constant 40 : i32
      %scan3A_42 = arith.addi %scan3A, %scan3A_41 : i32
      %scan3A_43 = arith.constant 1 : i32
      scf.for %scan3A_93 = %scan3A to %scan3A_42 step %scan3A_43  : i32 {
        %mul3A_94 = arith.constant 4 : i32
        %mul3A_95 = arith.muli %scan3A_93, %mul3A_94 : i32
        %add3A = arith.constant 0 : i32
        %add3A_96 = arith.addi %add3A, %mul3A_95 : i32
        %add3A_97 = arith.constant 0 : i32
        %add3A_98 = arith.addi %add3A_96, %add3A_97 : i32
        %dma_wait3A = arith.constant 0 : i32
        %dma_wait3A_99 = tpu.memref_slice %arg12[%add3A_98, %dma_wait3A] : memref<160x128xi32, #tpu.memory_space<vmem>> -> memref<1x128xi32, #tpu.memory_space<vmem>>
        %dma_wait3A_100 = tpu.memref_squeeze %dma_wait3A_99 : memref<1x128xi32, #tpu.memory_space<vmem>> -> memref<128xi32, #tpu.memory_space<vmem>>
        %dma_wait3A_101 = arith.constant 0 : i32
        %dma_wait3A_102 = arith.constant 0 : i32
        %dma_wait3A_103 = tpu.memref_slice %arg2[%dma_wait3A_101, %dma_wait3A_102] : memref<10240x64xf32, #tpu.memory_space<hbm>> -> memref<10240x64xf32, #tpu.memory_space<hbm>>
        tpu.wait_indirect_dma semaphore(%arg19 : memref<!tpu.dma_semaphore, #tpu.memory_space<semaphore_mem>>) src(%dma_wait3A_103 : memref<10240x64xf32, #tpu.memory_space<hbm>>) dst(%arg14 : memref<128x64xf32, #tpu.memory_space<vmem>>)
        "tpu.region"() ({
          %run_scoped3A = tpu.sem_alloc : memref<!tpu.dma_semaphore, #tpu.memory_space<semaphore_mem>>
          %dma_start3A_155 = arith.constant 0 : i32
          %dma_start3A_156 = tpu.memref_slice %arg13[%add3A_98, %dma_start3A_155] : memref<160x128xi32, #tpu.memory_space<vmem>> -> memref<1x128xi32, #tpu.memory_space<vmem>>
          %dma_start3A_157 = tpu.memref_squeeze %dma_start3A_156 : memref<1x128xi32, #tpu.memory_space<vmem>> -> memref<128xi32, #tpu.memory_space<vmem>>
          %dma_start3A_158 = arith.constant 0 : i32
          %dma_start3A_159 = arith.constant 0 : i32
          %dma_start3A_160 = tpu.memref_slice %arg18[%dma_start3A_158, %dma_start3A_159] : memref<10240x64xf32, #tpu.memory_space<vmem_shared>> -> memref<10240x64xf32, #tpu.memory_space<vmem_shared>>
          tpu.enqueue_indirect_dma source(%arg14 : memref<128x64xf32, #tpu.memory_space<vmem>>) target(%dma_start3A_160 : memref<10240x64xf32, #tpu.memory_space<vmem_shared>>) offsets(%dma_start3A_157 : memref<128xi32, #tpu.memory_space<vmem>>) semaphore(%run_scoped3A : memref<!tpu.dma_semaphore, #tpu.memory_space<semaphore_mem>>) {add = true}
          %dma_wait3A_161 = arith.constant 0 : i32
          %dma_wait3A_162 = tpu.memref_slice %arg13[%add3A_98, %dma_wait3A_161] : memref<160x128xi32, #tpu.memory_space<vmem>> -> memref<1x128xi32, #tpu.memory_space<vmem>>
          %dma_wait3A_163 = tpu.memref_squeeze %dma_wait3A_162 : memref<1x128xi32, #tpu.memory_space<vmem>> -> memref<128xi32, #tpu.memory_space<vmem>>
          %dma_wait3A_164 = arith.constant 0 : i32
          %dma_wait3A_165 = arith.constant 0 : i32
          %dma_wait3A_166 = tpu.memref_slice %arg18[%dma_wait3A_164, %dma_wait3A_165] : memref<10240x64xf32, #tpu.memory_space<vmem_shared>> -> memref<10240x64xf32, #tpu.memory_space<vmem_shared>>
          tpu.wait_indirect_dma semaphore(%run_scoped3A : memref<!tpu.dma_semaphore, #tpu.memory_space<semaphore_mem>>) src(%arg14 : memref<128x64xf32, #tpu.memory_space<vmem>>) dst(%dma_wait3A_166 : memref<10240x64xf32, #tpu.memory_space<vmem_shared>>)
          tpu.yield
        }) : () -> ()
        %add3A_104 = arith.constant 4 : i32
        %add3A_105 = arith.addi %add3A_98, %add3A_104 : i32
        %lt3A = arith.constant 160 : i32
        %lt3A_106 = arith.cmpi slt, %add3A_105, %lt3A : i32
        %convert_element_type3A_107 = arith.extui %lt3A_106 : i1 to i32
        %cond3A_108 = arith.constant 0 : i32
        %cond3A_109 = arith.cmpi ne, %convert_element_type3A_107, %cond3A_108 : i32
        scf.if %cond3A_109 {
          %add3A_155 = arith.constant 4 : i32
          %add3A_156 = arith.addi %add3A_98, %add3A_155 : i32
          %dma_start3A_157 = arith.constant 0 : i32
          %dma_start3A_158 = tpu.memref_slice %arg12[%add3A_156, %dma_start3A_157] : memref<160x128xi32, #tpu.memory_space<vmem>> -> memref<1x128xi32, #tpu.memory_space<vmem>>
          %dma_start3A_159 = tpu.memref_squeeze %dma_start3A_158 : memref<1x128xi32, #tpu.memory_space<vmem>> -> memref<128xi32, #tpu.memory_space<vmem>>
          %dma_start3A_160 = arith.constant 0 : i32
          %dma_start3A_161 = arith.constant 0 : i32
          %dma_start3A_162 = tpu.memref_slice %arg2[%dma_start3A_160, %dma_start3A_161] : memref<10240x64xf32, #tpu.memory_space<hbm>> -> memref<10240x64xf32, #tpu.memory_space<hbm>>
          tpu.enqueue_indirect_dma source(%dma_start3A_162 : memref<10240x64xf32, #tpu.memory_space<hbm>>) target(%arg14 : memref<128x64xf32, #tpu.memory_space<vmem>>) offsets(%dma_start3A_159 : memref<128xi32, #tpu.memory_space<vmem>>) semaphore(%arg19 : memref<!tpu.dma_semaphore, #tpu.memory_space<semaphore_mem>>)
        } else {
        }
        %add3A_110 = arith.constant 1 : i32
        %add3A_111 = arith.addi %add3A_96, %add3A_110 : i32
        %dma_wait3A_112 = arith.constant 0 : i32
        %dma_wait3A_113 = tpu.memref_slice %arg12[%add3A_111, %dma_wait3A_112] : memref<160x128xi32, #tpu.memory_space<vmem>> -> memref<1x128xi32, #tpu.memory_space<vmem>>
        %dma_wait3A_114 = tpu.memref_squeeze %dma_wait3A_113 : memref<1x128xi32, #tpu.memory_space<vmem>> -> memref<128xi32, #tpu.memory_space<vmem>>
        %dma_wait3A_115 = arith.constant 0 : i32
        %dma_wait3A_116 = arith.constant 0 : i32
        %dma_wait3A_117 = tpu.memref_slice %arg2[%dma_wait3A_115, %dma_wait3A_116] : memref<10240x64xf32, #tpu.memory_space<hbm>> -> memref<10240x64xf32, #tpu.memory_space<hbm>>
        tpu.wait_indirect_dma semaphore(%arg20 : memref<!tpu.dma_semaphore, #tpu.memory_space<semaphore_mem>>) src(%dma_wait3A_117 : memref<10240x64xf32, #tpu.memory_space<hbm>>) dst(%arg15 : memref<128x64xf32, #tpu.memory_space<vmem>>)
        "tpu.region"() ({
          %run_scoped3A = tpu.sem_alloc : memref<!tpu.dma_semaphore, #tpu.memory_space<semaphore_mem>>
          %dma_start3A_155 = arith.constant 0 : i32
          %dma_start3A_156 = tpu.memref_slice %arg13[%add3A_111, %dma_start3A_155] : memref<160x128xi32, #tpu.memory_space<vmem>> -> memref<1x128xi32, #tpu.memory_space<vmem>>
          %dma_start3A_157 = tpu.memref_squeeze %dma_start3A_156 : memref<1x128xi32, #tpu.memory_space<vmem>> -> memref<128xi32, #tpu.memory_space<vmem>>
          %dma_start3A_158 = arith.constant 0 : i32
          %dma_start3A_159 = arith.constant 0 : i32
          %dma_start3A_160 = tpu.memref_slice %arg18[%dma_start3A_158, %dma_start3A_159] : memref<10240x64xf32, #tpu.memory_space<vmem_shared>> -> memref<10240x64xf32, #tpu.memory_space<vmem_shared>>
          tpu.enqueue_indirect_dma source(%arg15 : memref<128x64xf32, #tpu.memory_space<vmem>>) target(%dma_start3A_160 : memref<10240x64xf32, #tpu.memory_space<vmem_shared>>) offsets(%dma_start3A_157 : memref<128xi32, #tpu.memory_space<vmem>>) semaphore(%run_scoped3A : memref<!tpu.dma_semaphore, #tpu.memory_space<semaphore_mem>>) {add = true}
          %dma_wait3A_161 = arith.constant 0 : i32
          %dma_wait3A_162 = tpu.memref_slice %arg13[%add3A_111, %dma_wait3A_161] : memref<160x128xi32, #tpu.memory_space<vmem>> -> memref<1x128xi32, #tpu.memory_space<vmem>>
          %dma_wait3A_163 = tpu.memref_squeeze %dma_wait3A_162 : memref<1x128xi32, #tpu.memory_space<vmem>> -> memref<128xi32, #tpu.memory_space<vmem>>
          %dma_wait3A_164 = arith.constant 0 : i32
          %dma_wait3A_165 = arith.constant 0 : i32
          %dma_wait3A_166 = tpu.memref_slice %arg18[%dma_wait3A_164, %dma_wait3A_165] : memref<10240x64xf32, #tpu.memory_space<vmem_shared>> -> memref<10240x64xf32, #tpu.memory_space<vmem_shared>>
          tpu.wait_indirect_dma semaphore(%run_scoped3A : memref<!tpu.dma_semaphore, #tpu.memory_space<semaphore_mem>>) src(%arg15 : memref<128x64xf32, #tpu.memory_space<vmem>>) dst(%dma_wait3A_166 : memref<10240x64xf32, #tpu.memory_space<vmem_shared>>)
          tpu.yield
        }) : () -> ()
        %add3A_118 = arith.constant 4 : i32
        %add3A_119 = arith.addi %add3A_111, %add3A_118 : i32
        %lt3A_120 = arith.constant 160 : i32
        %lt3A_121 = arith.cmpi slt, %add3A_119, %lt3A_120 : i32
        %convert_element_type3A_122 = arith.extui %lt3A_121 : i1 to i32
        %cond3A_123 = arith.constant 0 : i32
        %cond3A_124 = arith.cmpi ne, %convert_element_type3A_122, %cond3A_123 : i32
        scf.if %cond3A_124 {
          %add3A_155 = arith.constant 4 : i32
          %add3A_156 = arith.addi %add3A_111, %add3A_155 : i32
          %dma_start3A_157 = arith.constant 0 : i32
          %dma_start3A_158 = tpu.memref_slice %arg12[%add3A_156, %dma_start3A_157] : memref<160x128xi32, #tpu.memory_space<vmem>> -> memref<1x128xi32, #tpu.memory_space<vmem>>
          %dma_start3A_159 = tpu.memref_squeeze %dma_start3A_158 : memref<1x128xi32, #tpu.memory_space<vmem>> -> memref<128xi32, #tpu.memory_space<vmem>>
          %dma_start3A_160 = arith.constant 0 : i32
          %dma_start3A_161 = arith.constant 0 : i32
          %dma_start3A_162 = tpu.memref_slice %arg2[%dma_start3A_160, %dma_start3A_161] : memref<10240x64xf32, #tpu.memory_space<hbm>> -> memref<10240x64xf32, #tpu.memory_space<hbm>>
          tpu.enqueue_indirect_dma source(%dma_start3A_162 : memref<10240x64xf32, #tpu.memory_space<hbm>>) target(%arg15 : memref<128x64xf32, #tpu.memory_space<vmem>>) offsets(%dma_start3A_159 : memref<128xi32, #tpu.memory_space<vmem>>) semaphore(%arg20 : memref<!tpu.dma_semaphore, #tpu.memory_space<semaphore_mem>>)
        } else {
        }
        %add3A_125 = arith.constant 2 : i32
        %add3A_126 = arith.addi %add3A_96, %add3A_125 : i32
        %dma_wait3A_127 = arith.constant 0 : i32
        %dma_wait3A_128 = tpu.memref_slice %arg12[%add3A_126, %dma_wait3A_127] : memref<160x128xi32, #tpu.memory_space<vmem>> -> memref<1x128xi32, #tpu.memory_space<vmem>>
        %dma_wait3A_129 = tpu.memref_squeeze %dma_wait3A_128 : memref<1x128xi32, #tpu.memory_space<vmem>> -> memref<128xi32, #tpu.memory_space<vmem>>
        %dma_wait3A_130 = arith.constant 0 : i32
        %dma_wait3A_131 = arith.constant 0 : i32
        %dma_wait3A_132 = tpu.memref_slice %arg2[%dma_wait3A_130, %dma_wait3A_131] : memref<10240x64xf32, #tpu.memory_space<hbm>> -> memref<10240x64xf32, #tpu.memory_space<hbm>>
        tpu.wait_indirect_dma semaphore(%arg21 : memref<!tpu.dma_semaphore, #tpu.memory_space<semaphore_mem>>) src(%dma_wait3A_132 : memref<10240x64xf32, #tpu.memory_space<hbm>>) dst(%arg16 : memref<128x64xf32, #tpu.memory_space<vmem>>)
        "tpu.region"() ({
          %run_scoped3A = tpu.sem_alloc : memref<!tpu.dma_semaphore, #tpu.memory_space<semaphore_mem>>
          %dma_start3A_155 = arith.constant 0 : i32
          %dma_start3A_156 = tpu.memref_slice %arg13[%add3A_126, %dma_start3A_155] : memref<160x128xi32, #tpu.memory_space<vmem>> -> memref<1x128xi32, #tpu.memory_space<vmem>>
          %dma_start3A_157 = tpu.memref_squeeze %dma_start3A_156 : memref<1x128xi32, #tpu.memory_space<vmem>> -> memref<128xi32, #tpu.memory_space<vmem>>
          %dma_start3A_158 = arith.constant 0 : i32
          %dma_start3A_159 = arith.constant 0 : i32
          %dma_start3A_160 = tpu.memref_slice %arg18[%dma_start3A_158, %dma_start3A_159] : memref<10240x64xf32, #tpu.memory_space<vmem_shared>> -> memref<10240x64xf32, #tpu.memory_space<vmem_shared>>
          tpu.enqueue_indirect_dma source(%arg16 : memref<128x64xf32, #tpu.memory_space<vmem>>) target(%dma_start3A_160 : memref<10240x64xf32, #tpu.memory_space<vmem_shared>>) offsets(%dma_start3A_157 : memref<128xi32, #tpu.memory_space<vmem>>) semaphore(%run_scoped3A : memref<!tpu.dma_semaphore, #tpu.memory_space<semaphore_mem>>) {add = true}
          %dma_wait3A_161 = arith.constant 0 : i32
          %dma_wait3A_162 = tpu.memref_slice %arg13[%add3A_126, %dma_wait3A_161] : memref<160x128xi32, #tpu.memory_space<vmem>> -> memref<1x128xi32, #tpu.memory_space<vmem>>
          %dma_wait3A_163 = tpu.memref_squeeze %dma_wait3A_162 : memref<1x128xi32, #tpu.memory_space<vmem>> -> memref<128xi32, #tpu.memory_space<vmem>>
          %dma_wait3A_164 = arith.constant 0 : i32
          %dma_wait3A_165 = arith.constant 0 : i32
          %dma_wait3A_166 = tpu.memref_slice %arg18[%dma_wait3A_164, %dma_wait3A_165] : memref<10240x64xf32, #tpu.memory_space<vmem_shared>> -> memref<10240x64xf32, #tpu.memory_space<vmem_shared>>
          tpu.wait_indirect_dma semaphore(%run_scoped3A : memref<!tpu.dma_semaphore, #tpu.memory_space<semaphore_mem>>) src(%arg16 : memref<128x64xf32, #tpu.memory_space<vmem>>) dst(%dma_wait3A_166 : memref<10240x64xf32, #tpu.memory_space<vmem_shared>>)
          tpu.yield
        }) : () -> ()
        %add3A_133 = arith.constant 4 : i32
        %add3A_134 = arith.addi %add3A_126, %add3A_133 : i32
        %lt3A_135 = arith.constant 160 : i32
        %lt3A_136 = arith.cmpi slt, %add3A_134, %lt3A_135 : i32
        %convert_element_type3A_137 = arith.extui %lt3A_136 : i1 to i32
        %cond3A_138 = arith.constant 0 : i32
        %cond3A_139 = arith.cmpi ne, %convert_element_type3A_137, %cond3A_138 : i32
        scf.if %cond3A_139 {
          %add3A_155 = arith.constant 4 : i32
          %add3A_156 = arith.addi %add3A_126, %add3A_155 : i32
          %dma_start3A_157 = arith.constant 0 : i32
          %dma_start3A_158 = tpu.memref_slice %arg12[%add3A_156, %dma_start3A_157] : memref<160x128xi32, #tpu.memory_space<vmem>> -> memref<1x128xi32, #tpu.memory_space<vmem>>
          %dma_start3A_159 = tpu.memref_squeeze %dma_start3A_158 : memref<1x128xi32, #tpu.memory_space<vmem>> -> memref<128xi32, #tpu.memory_space<vmem>>
          %dma_start3A_160 = arith.constant 0 : i32
          %dma_start3A_161 = arith.constant 0 : i32
          %dma_start3A_162 = tpu.memref_slice %arg2[%dma_start3A_160, %dma_start3A_161] : memref<10240x64xf32, #tpu.memory_space<hbm>> -> memref<10240x64xf32, #tpu.memory_space<hbm>>
          tpu.enqueue_indirect_dma source(%dma_start3A_162 : memref<10240x64xf32, #tpu.memory_space<hbm>>) target(%arg16 : memref<128x64xf32, #tpu.memory_space<vmem>>) offsets(%dma_start3A_159 : memref<128xi32, #tpu.memory_space<vmem>>) semaphore(%arg21 : memref<!tpu.dma_semaphore, #tpu.memory_space<semaphore_mem>>)
        } else {
        }
        %add3A_140 = arith.constant 3 : i32
        %add3A_141 = arith.addi %add3A_96, %add3A_140 : i32
        %dma_wait3A_142 = arith.constant 0 : i32
        %dma_wait3A_143 = tpu.memref_slice %arg12[%add3A_141, %dma_wait3A_142] : memref<160x128xi32, #tpu.memory_space<vmem>> -> memref<1x128xi32, #tpu.memory_space<vmem>>
        %dma_wait3A_144 = tpu.memref_squeeze %dma_wait3A_143 : memref<1x128xi32, #tpu.memory_space<vmem>> -> memref<128xi32, #tpu.memory_space<vmem>>
        %dma_wait3A_145 = arith.constant 0 : i32
        %dma_wait3A_146 = arith.constant 0 : i32
        %dma_wait3A_147 = tpu.memref_slice %arg2[%dma_wait3A_145, %dma_wait3A_146] : memref<10240x64xf32, #tpu.memory_space<hbm>> -> memref<10240x64xf32, #tpu.memory_space<hbm>>
        tpu.wait_indirect_dma semaphore(%arg22 : memref<!tpu.dma_semaphore, #tpu.memory_space<semaphore_mem>>) src(%dma_wait3A_147 : memref<10240x64xf32, #tpu.memory_space<hbm>>) dst(%arg17 : memref<128x64xf32, #tpu.memory_space<vmem>>)
        "tpu.region"() ({
          %run_scoped3A = tpu.sem_alloc : memref<!tpu.dma_semaphore, #tpu.memory_space<semaphore_mem>>
          %dma_start3A_155 = arith.constant 0 : i32
          %dma_start3A_156 = tpu.memref_slice %arg13[%add3A_141, %dma_start3A_155] : memref<160x128xi32, #tpu.memory_space<vmem>> -> memref<1x128xi32, #tpu.memory_space<vmem>>
          %dma_start3A_157 = tpu.memref_squeeze %dma_start3A_156 : memref<1x128xi32, #tpu.memory_space<vmem>> -> memref<128xi32, #tpu.memory_space<vmem>>
          %dma_start3A_158 = arith.constant 0 : i32
          %dma_start3A_159 = arith.constant 0 : i32
          %dma_start3A_160 = tpu.memref_slice %arg18[%dma_start3A_158, %dma_start3A_159] : memref<10240x64xf32, #tpu.memory_space<vmem_shared>> -> memref<10240x64xf32, #tpu.memory_space<vmem_shared>>
          tpu.enqueue_indirect_dma source(%arg17 : memref<128x64xf32, #tpu.memory_space<vmem>>) target(%dma_start3A_160 : memref<10240x64xf32, #tpu.memory_space<vmem_shared>>) offsets(%dma_start3A_157 : memref<128xi32, #tpu.memory_space<vmem>>) semaphore(%run_scoped3A : memref<!tpu.dma_semaphore, #tpu.memory_space<semaphore_mem>>) {add = true}
          %dma_wait3A_161 = arith.constant 0 : i32
          %dma_wait3A_162 = tpu.memref_slice %arg13[%add3A_141, %dma_wait3A_161] : memref<160x128xi32, #tpu.memory_space<vmem>> -> memref<1x128xi32, #tpu.memory_space<vmem>>
          %dma_wait3A_163 = tpu.memref_squeeze %dma_wait3A_162 : memref<1x128xi32, #tpu.memory_space<vmem>> -> memref<128xi32, #tpu.memory_space<vmem>>
          %dma_wait3A_164 = arith.constant 0 : i32
          %dma_wait3A_165 = arith.constant 0 : i32
          %dma_wait3A_166 = tpu.memref_slice %arg18[%dma_wait3A_164, %dma_wait3A_165] : memref<10240x64xf32, #tpu.memory_space<vmem_shared>> -> memref<10240x64xf32, #tpu.memory_space<vmem_shared>>
          tpu.wait_indirect_dma semaphore(%run_scoped3A : memref<!tpu.dma_semaphore, #tpu.memory_space<semaphore_mem>>) src(%arg17 : memref<128x64xf32, #tpu.memory_space<vmem>>) dst(%dma_wait3A_166 : memref<10240x64xf32, #tpu.memory_space<vmem_shared>>)
          tpu.yield
        }) : () -> ()
        %add3A_148 = arith.constant 4 : i32
        %add3A_149 = arith.addi %add3A_141, %add3A_148 : i32
        %lt3A_150 = arith.constant 160 : i32
        %lt3A_151 = arith.cmpi slt, %add3A_149, %lt3A_150 : i32
        %convert_element_type3A_152 = arith.extui %lt3A_151 : i1 to i32
        %cond3A_153 = arith.constant 0 : i32
        %cond3A_154 = arith.cmpi ne, %convert_element_type3A_152, %cond3A_153 : i32
        scf.if %cond3A_154 {
          %add3A_155 = arith.constant 4 : i32
          %add3A_156 = arith.addi %add3A_141, %add3A_155 : i32
          %dma_start3A_157 = arith.constant 0 : i32
          %dma_start3A_158 = tpu.memref_slice %arg12[%add3A_156, %dma_start3A_157] : memref<160x128xi32, #tpu.memory_space<vmem>> -> memref<1x128xi32, #tpu.memory_space<vmem>>
          %dma_start3A_159 = tpu.memref_squeeze %dma_start3A_158 : memref<1x128xi32, #tpu.memory_space<vmem>> -> memref<128xi32, #tpu.memory_space<vmem>>
          %dma_start3A_160 = arith.constant 0 : i32
          %dma_start3A_161 = arith.constant 0 : i32
          %dma_start3A_162 = tpu.memref_slice %arg2[%dma_start3A_160, %dma_start3A_161] : memref<10240x64xf32, #tpu.memory_space<hbm>> -> memref<10240x64xf32, #tpu.memory_space<hbm>>
          tpu.enqueue_indirect_dma source(%dma_start3A_162 : memref<10240x64xf32, #tpu.memory_space<hbm>>) target(%arg17 : memref<128x64xf32, #tpu.memory_space<vmem>>) offsets(%dma_start3A_159 : memref<128xi32, #tpu.memory_space<vmem>>) semaphore(%arg22 : memref<!tpu.dma_semaphore, #tpu.memory_space<semaphore_mem>>)
        } else {
        }
      }
      %scan3A_44 = arith.constant 40 : i32
      %barrier3A_45 = arith.constant 0 : index
      tpu.barrier barrier_id(%barrier3A_45)
      %mul3A_46 = arith.constant 640 : i32
      %mul3A_47 = arith.muli %arg1, %mul3A_46 : i32
      %mul3A_48 = arith.constant 640 : i32
      %mul3A_49 = arith.muli %arg1, %mul3A_48 : i32
      "tpu.region"() ({
        %run_scoped3A = tpu.sem_alloc : memref<!tpu.dma_semaphore, #tpu.memory_space<semaphore_mem>>
        %dma_start3A_93 = arith.constant 0 : i32
        %dma_start3A_94 = tpu.memref_slice %arg8[%mul3A_49, %dma_start3A_93] : memref<10240x64xf32, #tpu.memory_space<hbm>> -> memref<640x64xf32, #tpu.memory_space<hbm>>
        %dma_start3A_95 = arith.constant 0 : i32
        %dma_start3A_96 = tpu.memref_slice %arg18[%mul3A_47, %dma_start3A_95] : memref<10240x64xf32, #tpu.memory_space<vmem_shared>> -> memref<640x64xf32, #tpu.memory_space<vmem_shared>>
        tpu.enqueue_dma source(%dma_start3A_96 : memref<640x64xf32, #tpu.memory_space<vmem_shared>>) target(%dma_start3A_94 : memref<640x64xf32, #tpu.memory_space<hbm>>) target_semaphore(%run_scoped3A : memref<!tpu.dma_semaphore, #tpu.memory_space<semaphore_mem>>)
        %dma_wait3A = arith.constant 0 : i32
        %dma_wait3A_97 = tpu.memref_slice %arg8[%mul3A_49, %dma_wait3A] : memref<10240x64xf32, #tpu.memory_space<hbm>> -> memref<640x64xf32, #tpu.memory_space<hbm>>
        %dma_wait3A_98 = arith.constant 0 : i32
        %dma_wait3A_99 = tpu.memref_slice %arg18[%mul3A_47, %dma_wait3A_98] : memref<10240x64xf32, #tpu.memory_space<vmem_shared>> -> memref<640x64xf32, #tpu.memory_space<vmem_shared>>
        tpu.wait_dma2 semaphore(%run_scoped3A : memref<!tpu.dma_semaphore, #tpu.memory_space<semaphore_mem>>) src(%dma_wait3A_99 : memref<640x64xf32, #tpu.memory_space<vmem_shared>>) dst(%dma_wait3A_97 : memref<640x64xf32, #tpu.memory_space<hbm>>)
        tpu.yield
      }) : () -> ()
      %mul3A_50 = arith.constant 640 : i32
      %mul3A_51 = arith.muli %arg1, %mul3A_50 : i32
      %mul3A_52 = arith.constant 640 : i32
      %mul3A_53 = arith.muli %arg1, %mul3A_52 : i32
      "tpu.region"() ({
        %run_scoped3A = tpu.sem_alloc : memref<!tpu.dma_semaphore, #tpu.memory_space<semaphore_mem>>
        %dma_start3A_93 = arith.constant 0 : i32
        %dma_start3A_94 = tpu.memref_slice %arg18[%mul3A_53, %dma_start3A_93] : memref<10240x64xf32, #tpu.memory_space<vmem_shared>> -> memref<640x64xf32, #tpu.memory_space<vmem_shared>>
        %dma_start3A_95 = arith.constant 0 : i32
        %dma_start3A_96 = tpu.memref_slice %arg3[%mul3A_51, %dma_start3A_95] : memref<10240x64xf32, #tpu.memory_space<hbm>> -> memref<640x64xf32, #tpu.memory_space<hbm>>
        tpu.enqueue_dma source(%dma_start3A_96 : memref<640x64xf32, #tpu.memory_space<hbm>>) target(%dma_start3A_94 : memref<640x64xf32, #tpu.memory_space<vmem_shared>>) target_semaphore(%run_scoped3A : memref<!tpu.dma_semaphore, #tpu.memory_space<semaphore_mem>>)
        %dma_wait3A = arith.constant 0 : i32
        %dma_wait3A_97 = tpu.memref_slice %arg18[%mul3A_53, %dma_wait3A] : memref<10240x64xf32, #tpu.memory_space<vmem_shared>> -> memref<640x64xf32, #tpu.memory_space<vmem_shared>>
        %dma_wait3A_98 = arith.constant 0 : i32
        %dma_wait3A_99 = tpu.memref_slice %arg3[%mul3A_51, %dma_wait3A_98] : memref<10240x64xf32, #tpu.memory_space<hbm>> -> memref<640x64xf32, #tpu.memory_space<hbm>>
        tpu.wait_dma2 semaphore(%run_scoped3A : memref<!tpu.dma_semaphore, #tpu.memory_space<semaphore_mem>>) src(%dma_wait3A_99 : memref<640x64xf32, #tpu.memory_space<hbm>>) dst(%dma_wait3A_97 : memref<640x64xf32, #tpu.memory_space<vmem_shared>>)
        tpu.yield
      }) : () -> ()
      %barrier3A_54 = arith.constant 0 : index
      tpu.barrier barrier_id(%barrier3A_54)
      %dma_start3A_55 = arith.constant 0 : i32
      %dma_start3A_56 = arith.constant 0 : i32
      %dma_start3A_57 = tpu.memref_slice %arg12[%dma_start3A_55, %dma_start3A_56] : memref<160x128xi32, #tpu.memory_space<vmem>> -> memref<1x128xi32, #tpu.memory_space<vmem>>
      %dma_start3A_58 = tpu.memref_squeeze %dma_start3A_57 : memref<1x128xi32, #tpu.memory_space<vmem>> -> memref<128xi32, #tpu.memory_space<vmem>>
      %dma_start3A_59 = arith.constant 0 : i32
      %dma_start3A_60 = arith.constant 0 : i32
      %dma_start3A_61 = tpu.memref_slice %arg3[%dma_start3A_59, %dma_start3A_60] : memref<10240x64xf32, #tpu.memory_space<hbm>> -> memref<10240x64xf32, #tpu.memory_space<hbm>>
      tpu.enqueue_indirect_dma source(%dma_start3A_61 : memref<10240x64xf32, #tpu.memory_space<hbm>>) target(%arg14 : memref<128x64xf32, #tpu.memory_space<vmem>>) offsets(%dma_start3A_58 : memref<128xi32, #tpu.memory_space<vmem>>) semaphore(%arg19 : memref<!tpu.dma_semaphore, #tpu.memory_space<semaphore_mem>>)
      %dma_start3A_62 = arith.constant 1 : i32
      %dma_start3A_63 = arith.constant 0 : i32
      %dma_start3A_64 = tpu.memref_slice %arg12[%dma_start3A_62, %dma_start3A_63] : memref<160x128xi32, #tpu.memory_space<vmem>> -> memref<1x128xi32, #tpu.memory_space<vmem>>
      %dma_start3A_65 = tpu.memref_squeeze %dma_start3A_64 : memref<1x128xi32, #tpu.memory_space<vmem>> -> memref<128xi32, #tpu.memory_space<vmem>>
      %dma_start3A_66 = arith.constant 0 : i32
      %dma_start3A_67 = arith.constant 0 : i32
      %dma_start3A_68 = tpu.memref_slice %arg3[%dma_start3A_66, %dma_start3A_67] : memref<10240x64xf32, #tpu.memory_space<hbm>> -> memref<10240x64xf32, #tpu.memory_space<hbm>>
      tpu.enqueue_indirect_dma source(%dma_start3A_68 : memref<10240x64xf32, #tpu.memory_space<hbm>>) target(%arg15 : memref<128x64xf32, #tpu.memory_space<vmem>>) offsets(%dma_start3A_65 : memref<128xi32, #tpu.memory_space<vmem>>) semaphore(%arg20 : memref<!tpu.dma_semaphore, #tpu.memory_space<semaphore_mem>>)
      %dma_start3A_69 = arith.constant 2 : i32
      %dma_start3A_70 = arith.constant 0 : i32
      %dma_start3A_71 = tpu.memref_slice %arg12[%dma_start3A_69, %dma_start3A_70] : memref<160x128xi32, #tpu.memory_space<vmem>> -> memref<1x128xi32, #tpu.memory_space<vmem>>
      %dma_start3A_72 = tpu.memref_squeeze %dma_start3A_71 : memref<1x128xi32, #tpu.memory_space<vmem>> -> memref<128xi32, #tpu.memory_space<vmem>>
      %dma_start3A_73 = arith.constant 0 : i32
      %dma_start3A_74 = arith.constant 0 : i32
      %dma_start3A_75 = tpu.memref_slice %arg3[%dma_start3A_73, %dma_start3A_74] : memref<10240x64xf32, #tpu.memory_space<hbm>> -> memref<10240x64xf32, #tpu.memory_space<hbm>>
      tpu.enqueue_indirect_dma source(%dma_start3A_75 : memref<10240x64xf32, #tpu.memory_space<hbm>>) target(%arg16 : memref<128x64xf32, #tpu.memory_space<vmem>>) offsets(%dma_start3A_72 : memref<128xi32, #tpu.memory_space<vmem>>) semaphore(%arg21 : memref<!tpu.dma_semaphore, #tpu.memory_space<semaphore_mem>>)
      %dma_start3A_76 = arith.constant 3 : i32
      %dma_start3A_77 = arith.constant 0 : i32
      %dma_start3A_78 = tpu.memref_slice %arg12[%dma_start3A_76, %dma_start3A_77] : memref<160x128xi32, #tpu.memory_space<vmem>> -> memref<1x128xi32, #tpu.memory_space<vmem>>
      %dma_start3A_79 = tpu.memref_squeeze %dma_start3A_78 : memref<1x128xi32, #tpu.memory_space<vmem>> -> memref<128xi32, #tpu.memory_space<vmem>>
      %dma_start3A_80 = arith.constant 0 : i32
      %dma_start3A_81 = arith.constant 0 : i32
      %dma_start3A_82 = tpu.memref_slice %arg3[%dma_start3A_80, %dma_start3A_81] : memref<10240x64xf32, #tpu.memory_space<hbm>> -> memref<10240x64xf32, #tpu.memory_space<hbm>>
      tpu.enqueue_indirect_dma source(%dma_start3A_82 : memref<10240x64xf32, #tpu.memory_space<hbm>>) target(%arg17 : memref<128x64xf32, #tpu.memory_space<vmem>>) offsets(%dma_start3A_79 : memref<128xi32, #tpu.memory_space<vmem>>) semaphore(%arg22 : memref<!tpu.dma_semaphore, #tpu.memory_space<semaphore_mem>>)
      %scan3A_83 = arith.constant 0 : i32
      %scan3A_84 = arith.constant 40 : i32
      %scan3A_85 = arith.addi %scan3A_83, %scan3A_84 : i32
      %scan3A_86 = arith.constant 1 : i32
      scf.for %scan3A_93 = %scan3A_83 to %scan3A_85 step %scan3A_86  : i32 {
        %mul3A_94 = arith.constant 4 : i32
        %mul3A_95 = arith.muli %scan3A_93, %mul3A_94 : i32
        %add3A = arith.constant 0 : i32
        %add3A_96 = arith.addi %add3A, %mul3A_95 : i32
        %add3A_97 = arith.constant 0 : i32
        %add3A_98 = arith.addi %add3A_96, %add3A_97 : i32
        %dma_wait3A = arith.constant 0 : i32
        %dma_wait3A_99 = tpu.memref_slice %arg12[%add3A_98, %dma_wait3A] : memref<160x128xi32, #tpu.memory_space<vmem>> -> memref<1x128xi32, #tpu.memory_space<vmem>>
        %dma_wait3A_100 = tpu.memref_squeeze %dma_wait3A_99 : memref<1x128xi32, #tpu.memory_space<vmem>> -> memref<128xi32, #tpu.memory_space<vmem>>
        %dma_wait3A_101 = arith.constant 0 : i32
        %dma_wait3A_102 = arith.constant 0 : i32
        %dma_wait3A_103 = tpu.memref_slice %arg3[%dma_wait3A_101, %dma_wait3A_102] : memref<10240x64xf32, #tpu.memory_space<hbm>> -> memref<10240x64xf32, #tpu.memory_space<hbm>>
        tpu.wait_indirect_dma semaphore(%arg19 : memref<!tpu.dma_semaphore, #tpu.memory_space<semaphore_mem>>) src(%dma_wait3A_103 : memref<10240x64xf32, #tpu.memory_space<hbm>>) dst(%arg14 : memref<128x64xf32, #tpu.memory_space<vmem>>)
        "tpu.region"() ({
          %run_scoped3A = tpu.sem_alloc : memref<!tpu.dma_semaphore, #tpu.memory_space<semaphore_mem>>
          %dma_start3A_155 = arith.constant 0 : i32
          %dma_start3A_156 = tpu.memref_slice %arg13[%add3A_98, %dma_start3A_155] : memref<160x128xi32, #tpu.memory_space<vmem>> -> memref<1x128xi32, #tpu.memory_space<vmem>>
          %dma_start3A_157 = tpu.memref_squeeze %dma_start3A_156 : memref<1x128xi32, #tpu.memory_space<vmem>> -> memref<128xi32, #tpu.memory_space<vmem>>
          %dma_start3A_158 = arith.constant 0 : i32
          %dma_start3A_159 = arith.constant 0 : i32
          %dma_start3A_160 = tpu.memref_slice %arg18[%dma_start3A_158, %dma_start3A_159] : memref<10240x64xf32, #tpu.memory_space<vmem_shared>> -> memref<10240x64xf32, #tpu.memory_space<vmem_shared>>
          tpu.enqueue_indirect_dma source(%arg14 : memref<128x64xf32, #tpu.memory_space<vmem>>) target(%dma_start3A_160 : memref<10240x64xf32, #tpu.memory_space<vmem_shared>>) offsets(%dma_start3A_157 : memref<128xi32, #tpu.memory_space<vmem>>) semaphore(%run_scoped3A : memref<!tpu.dma_semaphore, #tpu.memory_space<semaphore_mem>>) {add = true}
          %dma_wait3A_161 = arith.constant 0 : i32
          %dma_wait3A_162 = tpu.memref_slice %arg13[%add3A_98, %dma_wait3A_161] : memref<160x128xi32, #tpu.memory_space<vmem>> -> memref<1x128xi32, #tpu.memory_space<vmem>>
          %dma_wait3A_163 = tpu.memref_squeeze %dma_wait3A_162 : memref<1x128xi32, #tpu.memory_space<vmem>> -> memref<128xi32, #tpu.memory_space<vmem>>
          %dma_wait3A_164 = arith.constant 0 : i32
          %dma_wait3A_165 = arith.constant 0 : i32
          %dma_wait3A_166 = tpu.memref_slice %arg18[%dma_wait3A_164, %dma_wait3A_165] : memref<10240x64xf32, #tpu.memory_space<vmem_shared>> -> memref<10240x64xf32, #tpu.memory_space<vmem_shared>>
          tpu.wait_indirect_dma semaphore(%run_scoped3A : memref<!tpu.dma_semaphore, #tpu.memory_space<semaphore_mem>>) src(%arg14 : memref<128x64xf32, #tpu.memory_space<vmem>>) dst(%dma_wait3A_166 : memref<10240x64xf32, #tpu.memory_space<vmem_shared>>)
          tpu.yield
        }) : () -> ()
        %add3A_104 = arith.constant 4 : i32
        %add3A_105 = arith.addi %add3A_98, %add3A_104 : i32
        %lt3A = arith.constant 160 : i32
        %lt3A_106 = arith.cmpi slt, %add3A_105, %lt3A : i32
        %convert_element_type3A_107 = arith.extui %lt3A_106 : i1 to i32
        %cond3A_108 = arith.constant 0 : i32
        %cond3A_109 = arith.cmpi ne, %convert_element_type3A_107, %cond3A_108 : i32
        scf.if %cond3A_109 {
          %add3A_155 = arith.constant 4 : i32
          %add3A_156 = arith.addi %add3A_98, %add3A_155 : i32
          %dma_start3A_157 = arith.constant 0 : i32
          %dma_start3A_158 = tpu.memref_slice %arg12[%add3A_156, %dma_start3A_157] : memref<160x128xi32, #tpu.memory_space<vmem>> -> memref<1x128xi32, #tpu.memory_space<vmem>>
          %dma_start3A_159 = tpu.memref_squeeze %dma_start3A_158 : memref<1x128xi32, #tpu.memory_space<vmem>> -> memref<128xi32, #tpu.memory_space<vmem>>
          %dma_start3A_160 = arith.constant 0 : i32
          %dma_start3A_161 = arith.constant 0 : i32
          %dma_start3A_162 = tpu.memref_slice %arg3[%dma_start3A_160, %dma_start3A_161] : memref<10240x64xf32, #tpu.memory_space<hbm>> -> memref<10240x64xf32, #tpu.memory_space<hbm>>
          tpu.enqueue_indirect_dma source(%dma_start3A_162 : memref<10240x64xf32, #tpu.memory_space<hbm>>) target(%arg14 : memref<128x64xf32, #tpu.memory_space<vmem>>) offsets(%dma_start3A_159 : memref<128xi32, #tpu.memory_space<vmem>>) semaphore(%arg19 : memref<!tpu.dma_semaphore, #tpu.memory_space<semaphore_mem>>)
        } else {
        }
        %add3A_110 = arith.constant 1 : i32
        %add3A_111 = arith.addi %add3A_96, %add3A_110 : i32
        %dma_wait3A_112 = arith.constant 0 : i32
        %dma_wait3A_113 = tpu.memref_slice %arg12[%add3A_111, %dma_wait3A_112] : memref<160x128xi32, #tpu.memory_space<vmem>> -> memref<1x128xi32, #tpu.memory_space<vmem>>
        %dma_wait3A_114 = tpu.memref_squeeze %dma_wait3A_113 : memref<1x128xi32, #tpu.memory_space<vmem>> -> memref<128xi32, #tpu.memory_space<vmem>>
        %dma_wait3A_115 = arith.constant 0 : i32
        %dma_wait3A_116 = arith.constant 0 : i32
        %dma_wait3A_117 = tpu.memref_slice %arg3[%dma_wait3A_115, %dma_wait3A_116] : memref<10240x64xf32, #tpu.memory_space<hbm>> -> memref<10240x64xf32, #tpu.memory_space<hbm>>
        tpu.wait_indirect_dma semaphore(%arg20 : memref<!tpu.dma_semaphore, #tpu.memory_space<semaphore_mem>>) src(%dma_wait3A_117 : memref<10240x64xf32, #tpu.memory_space<hbm>>) dst(%arg15 : memref<128x64xf32, #tpu.memory_space<vmem>>)
        "tpu.region"() ({
          %run_scoped3A = tpu.sem_alloc : memref<!tpu.dma_semaphore, #tpu.memory_space<semaphore_mem>>
          %dma_start3A_155 = arith.constant 0 : i32
          %dma_start3A_156 = tpu.memref_slice %arg13[%add3A_111, %dma_start3A_155] : memref<160x128xi32, #tpu.memory_space<vmem>> -> memref<1x128xi32, #tpu.memory_space<vmem>>
          %dma_start3A_157 = tpu.memref_squeeze %dma_start3A_156 : memref<1x128xi32, #tpu.memory_space<vmem>> -> memref<128xi32, #tpu.memory_space<vmem>>
          %dma_start3A_158 = arith.constant 0 : i32
          %dma_start3A_159 = arith.constant 0 : i32
          %dma_start3A_160 = tpu.memref_slice %arg18[%dma_start3A_158, %dma_start3A_159] : memref<10240x64xf32, #tpu.memory_space<vmem_shared>> -> memref<10240x64xf32, #tpu.memory_space<vmem_shared>>
          tpu.enqueue_indirect_dma source(%arg15 : memref<128x64xf32, #tpu.memory_space<vmem>>) target(%dma_start3A_160 : memref<10240x64xf32, #tpu.memory_space<vmem_shared>>) offsets(%dma_start3A_157 : memref<128xi32, #tpu.memory_space<vmem>>) semaphore(%run_scoped3A : memref<!tpu.dma_semaphore, #tpu.memory_space<semaphore_mem>>) {add = true}
          %dma_wait3A_161 = arith.constant 0 : i32
          %dma_wait3A_162 = tpu.memref_slice %arg13[%add3A_111, %dma_wait3A_161] : memref<160x128xi32, #tpu.memory_space<vmem>> -> memref<1x128xi32, #tpu.memory_space<vmem>>
          %dma_wait3A_163 = tpu.memref_squeeze %dma_wait3A_162 : memref<1x128xi32, #tpu.memory_space<vmem>> -> memref<128xi32, #tpu.memory_space<vmem>>
          %dma_wait3A_164 = arith.constant 0 : i32
          %dma_wait3A_165 = arith.constant 0 : i32
          %dma_wait3A_166 = tpu.memref_slice %arg18[%dma_wait3A_164, %dma_wait3A_165] : memref<10240x64xf32, #tpu.memory_space<vmem_shared>> -> memref<10240x64xf32, #tpu.memory_space<vmem_shared>>
          tpu.wait_indirect_dma semaphore(%run_scoped3A : memref<!tpu.dma_semaphore, #tpu.memory_space<semaphore_mem>>) src(%arg15 : memref<128x64xf32, #tpu.memory_space<vmem>>) dst(%dma_wait3A_166 : memref<10240x64xf32, #tpu.memory_space<vmem_shared>>)
          tpu.yield
        }) : () -> ()
        %add3A_118 = arith.constant 4 : i32
        %add3A_119 = arith.addi %add3A_111, %add3A_118 : i32
        %lt3A_120 = arith.constant 160 : i32
        %lt3A_121 = arith.cmpi slt, %add3A_119, %lt3A_120 : i32
        %convert_element_type3A_122 = arith.extui %lt3A_121 : i1 to i32
        %cond3A_123 = arith.constant 0 : i32
        %cond3A_124 = arith.cmpi ne, %convert_element_type3A_122, %cond3A_123 : i32
        scf.if %cond3A_124 {
          %add3A_155 = arith.constant 4 : i32
          %add3A_156 = arith.addi %add3A_111, %add3A_155 : i32
          %dma_start3A_157 = arith.constant 0 : i32
          %dma_start3A_158 = tpu.memref_slice %arg12[%add3A_156, %dma_start3A_157] : memref<160x128xi32, #tpu.memory_space<vmem>> -> memref<1x128xi32, #tpu.memory_space<vmem>>
          %dma_start3A_159 = tpu.memref_squeeze %dma_start3A_158 : memref<1x128xi32, #tpu.memory_space<vmem>> -> memref<128xi32, #tpu.memory_space<vmem>>
          %dma_start3A_160 = arith.constant 0 : i32
          %dma_start3A_161 = arith.constant 0 : i32
          %dma_start3A_162 = tpu.memref_slice %arg3[%dma_start3A_160, %dma_start3A_161] : memref<10240x64xf32, #tpu.memory_space<hbm>> -> memref<10240x64xf32, #tpu.memory_space<hbm>>
          tpu.enqueue_indirect_dma source(%dma_start3A_162 : memref<10240x64xf32, #tpu.memory_space<hbm>>) target(%arg15 : memref<128x64xf32, #tpu.memory_space<vmem>>) offsets(%dma_start3A_159 : memref<128xi32, #tpu.memory_space<vmem>>) semaphore(%arg20 : memref<!tpu.dma_semaphore, #tpu.memory_space<semaphore_mem>>)
        } else {
        }
        %add3A_125 = arith.constant 2 : i32
        %add3A_126 = arith.addi %add3A_96, %add3A_125 : i32
        %dma_wait3A_127 = arith.constant 0 : i32
        %dma_wait3A_128 = tpu.memref_slice %arg12[%add3A_126, %dma_wait3A_127] : memref<160x128xi32, #tpu.memory_space<vmem>> -> memref<1x128xi32, #tpu.memory_space<vmem>>
        %dma_wait3A_129 = tpu.memref_squeeze %dma_wait3A_128 : memref<1x128xi32, #tpu.memory_space<vmem>> -> memref<128xi32, #tpu.memory_space<vmem>>
        %dma_wait3A_130 = arith.constant 0 : i32
        %dma_wait3A_131 = arith.constant 0 : i32
        %dma_wait3A_132 = tpu.memref_slice %arg3[%dma_wait3A_130, %dma_wait3A_131] : memref<10240x64xf32, #tpu.memory_space<hbm>> -> memref<10240x64xf32, #tpu.memory_space<hbm>>
        tpu.wait_indirect_dma semaphore(%arg21 : memref<!tpu.dma_semaphore, #tpu.memory_space<semaphore_mem>>) src(%dma_wait3A_132 : memref<10240x64xf32, #tpu.memory_space<hbm>>) dst(%arg16 : memref<128x64xf32, #tpu.memory_space<vmem>>)
        "tpu.region"() ({
          %run_scoped3A = tpu.sem_alloc : memref<!tpu.dma_semaphore, #tpu.memory_space<semaphore_mem>>
          %dma_start3A_155 = arith.constant 0 : i32
          %dma_start3A_156 = tpu.memref_slice %arg13[%add3A_126, %dma_start3A_155] : memref<160x128xi32, #tpu.memory_space<vmem>> -> memref<1x128xi32, #tpu.memory_space<vmem>>
          %dma_start3A_157 = tpu.memref_squeeze %dma_start3A_156 : memref<1x128xi32, #tpu.memory_space<vmem>> -> memref<128xi32, #tpu.memory_space<vmem>>
          %dma_start3A_158 = arith.constant 0 : i32
          %dma_start3A_159 = arith.constant 0 : i32
          %dma_start3A_160 = tpu.memref_slice %arg18[%dma_start3A_158, %dma_start3A_159] : memref<10240x64xf32, #tpu.memory_space<vmem_shared>> -> memref<10240x64xf32, #tpu.memory_space<vmem_shared>>
          tpu.enqueue_indirect_dma source(%arg16 : memref<128x64xf32, #tpu.memory_space<vmem>>) target(%dma_start3A_160 : memref<10240x64xf32, #tpu.memory_space<vmem_shared>>) offsets(%dma_start3A_157 : memref<128xi32, #tpu.memory_space<vmem>>) semaphore(%run_scoped3A : memref<!tpu.dma_semaphore, #tpu.memory_space<semaphore_mem>>) {add = true}
          %dma_wait3A_161 = arith.constant 0 : i32
          %dma_wait3A_162 = tpu.memref_slice %arg13[%add3A_126, %dma_wait3A_161] : memref<160x128xi32, #tpu.memory_space<vmem>> -> memref<1x128xi32, #tpu.memory_space<vmem>>
          %dma_wait3A_163 = tpu.memref_squeeze %dma_wait3A_162 : memref<1x128xi32, #tpu.memory_space<vmem>> -> memref<128xi32, #tpu.memory_space<vmem>>
          %dma_wait3A_164 = arith.constant 0 : i32
          %dma_wait3A_165 = arith.constant 0 : i32
          %dma_wait3A_166 = tpu.memref_slice %arg18[%dma_wait3A_164, %dma_wait3A_165] : memref<10240x64xf32, #tpu.memory_space<vmem_shared>> -> memref<10240x64xf32, #tpu.memory_space<vmem_shared>>
          tpu.wait_indirect_dma semaphore(%run_scoped3A : memref<!tpu.dma_semaphore, #tpu.memory_space<semaphore_mem>>) src(%arg16 : memref<128x64xf32, #tpu.memory_space<vmem>>) dst(%dma_wait3A_166 : memref<10240x64xf32, #tpu.memory_space<vmem_shared>>)
          tpu.yield
        }) : () -> ()
        %add3A_133 = arith.constant 4 : i32
        %add3A_134 = arith.addi %add3A_126, %add3A_133 : i32
        %lt3A_135 = arith.constant 160 : i32
        %lt3A_136 = arith.cmpi slt, %add3A_134, %lt3A_135 : i32
        %convert_element_type3A_137 = arith.extui %lt3A_136 : i1 to i32
        %cond3A_138 = arith.constant 0 : i32
        %cond3A_139 = arith.cmpi ne, %convert_element_type3A_137, %cond3A_138 : i32
        scf.if %cond3A_139 {
          %add3A_155 = arith.constant 4 : i32
          %add3A_156 = arith.addi %add3A_126, %add3A_155 : i32
          %dma_start3A_157 = arith.constant 0 : i32
          %dma_start3A_158 = tpu.memref_slice %arg12[%add3A_156, %dma_start3A_157] : memref<160x128xi32, #tpu.memory_space<vmem>> -> memref<1x128xi32, #tpu.memory_space<vmem>>
          %dma_start3A_159 = tpu.memref_squeeze %dma_start3A_158 : memref<1x128xi32, #tpu.memory_space<vmem>> -> memref<128xi32, #tpu.memory_space<vmem>>
          %dma_start3A_160 = arith.constant 0 : i32
          %dma_start3A_161 = arith.constant 0 : i32
          %dma_start3A_162 = tpu.memref_slice %arg3[%dma_start3A_160, %dma_start3A_161] : memref<10240x64xf32, #tpu.memory_space<hbm>> -> memref<10240x64xf32, #tpu.memory_space<hbm>>
          tpu.enqueue_indirect_dma source(%dma_start3A_162 : memref<10240x64xf32, #tpu.memory_space<hbm>>) target(%arg16 : memref<128x64xf32, #tpu.memory_space<vmem>>) offsets(%dma_start3A_159 : memref<128xi32, #tpu.memory_space<vmem>>) semaphore(%arg21 : memref<!tpu.dma_semaphore, #tpu.memory_space<semaphore_mem>>)
        } else {
        }
        %add3A_140 = arith.constant 3 : i32
        %add3A_141 = arith.addi %add3A_96, %add3A_140 : i32
        %dma_wait3A_142 = arith.constant 0 : i32
        %dma_wait3A_143 = tpu.memref_slice %arg12[%add3A_141, %dma_wait3A_142] : memref<160x128xi32, #tpu.memory_space<vmem>> -> memref<1x128xi32, #tpu.memory_space<vmem>>
        %dma_wait3A_144 = tpu.memref_squeeze %dma_wait3A_143 : memref<1x128xi32, #tpu.memory_space<vmem>> -> memref<128xi32, #tpu.memory_space<vmem>>
        %dma_wait3A_145 = arith.constant 0 : i32
        %dma_wait3A_146 = arith.constant 0 : i32
        %dma_wait3A_147 = tpu.memref_slice %arg3[%dma_wait3A_145, %dma_wait3A_146] : memref<10240x64xf32, #tpu.memory_space<hbm>> -> memref<10240x64xf32, #tpu.memory_space<hbm>>
        tpu.wait_indirect_dma semaphore(%arg22 : memref<!tpu.dma_semaphore, #tpu.memory_space<semaphore_mem>>) src(%dma_wait3A_147 : memref<10240x64xf32, #tpu.memory_space<hbm>>) dst(%arg17 : memref<128x64xf32, #tpu.memory_space<vmem>>)
        "tpu.region"() ({
          %run_scoped3A = tpu.sem_alloc : memref<!tpu.dma_semaphore, #tpu.memory_space<semaphore_mem>>
          %dma_start3A_155 = arith.constant 0 : i32
          %dma_start3A_156 = tpu.memref_slice %arg13[%add3A_141, %dma_start3A_155] : memref<160x128xi32, #tpu.memory_space<vmem>> -> memref<1x128xi32, #tpu.memory_space<vmem>>
          %dma_start3A_157 = tpu.memref_squeeze %dma_start3A_156 : memref<1x128xi32, #tpu.memory_space<vmem>> -> memref<128xi32, #tpu.memory_space<vmem>>
          %dma_start3A_158 = arith.constant 0 : i32
          %dma_start3A_159 = arith.constant 0 : i32
          %dma_start3A_160 = tpu.memref_slice %arg18[%dma_start3A_158, %dma_start3A_159] : memref<10240x64xf32, #tpu.memory_space<vmem_shared>> -> memref<10240x64xf32, #tpu.memory_space<vmem_shared>>
          tpu.enqueue_indirect_dma source(%arg17 : memref<128x64xf32, #tpu.memory_space<vmem>>) target(%dma_start3A_160 : memref<10240x64xf32, #tpu.memory_space<vmem_shared>>) offsets(%dma_start3A_157 : memref<128xi32, #tpu.memory_space<vmem>>) semaphore(%run_scoped3A : memref<!tpu.dma_semaphore, #tpu.memory_space<semaphore_mem>>) {add = true}
          %dma_wait3A_161 = arith.constant 0 : i32
          %dma_wait3A_162 = tpu.memref_slice %arg13[%add3A_141, %dma_wait3A_161] : memref<160x128xi32, #tpu.memory_space<vmem>> -> memref<1x128xi32, #tpu.memory_space<vmem>>
          %dma_wait3A_163 = tpu.memref_squeeze %dma_wait3A_162 : memref<1x128xi32, #tpu.memory_space<vmem>> -> memref<128xi32, #tpu.memory_space<vmem>>
          %dma_wait3A_164 = arith.constant 0 : i32
          %dma_wait3A_165 = arith.constant 0 : i32
          %dma_wait3A_166 = tpu.memref_slice %arg18[%dma_wait3A_164, %dma_wait3A_165] : memref<10240x64xf32, #tpu.memory_space<vmem_shared>> -> memref<10240x64xf32, #tpu.memory_space<vmem_shared>>
          tpu.wait_indirect_dma semaphore(%run_scoped3A : memref<!tpu.dma_semaphore, #tpu.memory_space<semaphore_mem>>) src(%arg17 : memref<128x64xf32, #tpu.memory_space<vmem>>) dst(%dma_wait3A_166 : memref<10240x64xf32, #tpu.memory_space<vmem_shared>>)
          tpu.yield
        }) : () -> ()
        %add3A_148 = arith.constant 4 : i32
        %add3A_149 = arith.addi %add3A_141, %add3A_148 : i32
        %lt3A_150 = arith.constant 160 : i32
        %lt3A_151 = arith.cmpi slt, %add3A_149, %lt3A_150 : i32
        %convert_element_type3A_152 = arith.extui %lt3A_151 : i1 to i32
        %cond3A_153 = arith.constant 0 : i32
        %cond3A_154 = arith.cmpi ne, %convert_element_type3A_152, %cond3A_153 : i32
        scf.if %cond3A_154 {
          %add3A_155 = arith.constant 4 : i32
          %add3A_156 = arith.addi %add3A_141, %add3A_155 : i32
          %dma_start3A_157 = arith.constant 0 : i32
          %dma_start3A_158 = tpu.memref_slice %arg12[%add3A_156, %dma_start3A_157] : memref<160x128xi32, #tpu.memory_space<vmem>> -> memref<1x128xi32, #tpu.memory_space<vmem>>
          %dma_start3A_159 = tpu.memref_squeeze %dma_start3A_158 : memref<1x128xi32, #tpu.memory_space<vmem>> -> memref<128xi32, #tpu.memory_space<vmem>>
          %dma_start3A_160 = arith.constant 0 : i32
          %dma_start3A_161 = arith.constant 0 : i32
          %dma_start3A_162 = tpu.memref_slice %arg3[%dma_start3A_160, %dma_start3A_161] : memref<10240x64xf32, #tpu.memory_space<hbm>> -> memref<10240x64xf32, #tpu.memory_space<hbm>>
          tpu.enqueue_indirect_dma source(%dma_start3A_162 : memref<10240x64xf32, #tpu.memory_space<hbm>>) target(%arg17 : memref<128x64xf32, #tpu.memory_space<vmem>>) offsets(%dma_start3A_159 : memref<128xi32, #tpu.memory_space<vmem>>) semaphore(%arg22 : memref<!tpu.dma_semaphore, #tpu.memory_space<semaphore_mem>>)
        } else {
        }
      }
      %scan3A_87 = arith.constant 40 : i32
      %barrier3A_88 = arith.constant 0 : index
      tpu.barrier barrier_id(%barrier3A_88)
      %mul3A_89 = arith.constant 640 : i32
      %mul3A_90 = arith.muli %arg1, %mul3A_89 : i32
      %mul3A_91 = arith.constant 640 : i32
      %mul3A_92 = arith.muli %arg1, %mul3A_91 : i32
      "tpu.region"() ({
        %run_scoped3A = tpu.sem_alloc : memref<!tpu.dma_semaphore, #tpu.memory_space<semaphore_mem>>
        %dma_start3A_93 = arith.constant 0 : i32
        %dma_start3A_94 = tpu.memref_slice %arg9[%mul3A_92, %dma_start3A_93] : memref<10240x64xf32, #tpu.memory_space<hbm>> -> memref<640x64xf32, #tpu.memory_space<hbm>>
        %dma_start3A_95 = arith.constant 0 : i32
        %dma_start3A_96 = tpu.memref_slice %arg18[%mul3A_90, %dma_start3A_95] : memref<10240x64xf32, #tpu.memory_space<vmem_shared>> -> memref<640x64xf32, #tpu.memory_space<vmem_shared>>
        tpu.enqueue_dma source(%dma_start3A_96 : memref<640x64xf32, #tpu.memory_space<vmem_shared>>) target(%dma_start3A_94 : memref<640x64xf32, #tpu.memory_space<hbm>>) target_semaphore(%run_scoped3A : memref<!tpu.dma_semaphore, #tpu.memory_space<semaphore_mem>>)
        %dma_wait3A = arith.constant 0 : i32
        %dma_wait3A_97 = tpu.memref_slice %arg9[%mul3A_92, %dma_wait3A] : memref<10240x64xf32, #tpu.memory_space<hbm>> -> memref<640x64xf32, #tpu.memory_space<hbm>>
        %dma_wait3A_98 = arith.constant 0 : i32
        %dma_wait3A_99 = tpu.memref_slice %arg18[%mul3A_90, %dma_wait3A_98] : memref<10240x64xf32, #tpu.memory_space<vmem_shared>> -> memref<640x64xf32, #tpu.memory_space<vmem_shared>>
        tpu.wait_dma2 semaphore(%run_scoped3A : memref<!tpu.dma_semaphore, #tpu.memory_space<semaphore_mem>>) src(%dma_wait3A_99 : memref<640x64xf32, #tpu.memory_space<vmem_shared>>) dst(%dma_wait3A_97 : memref<640x64xf32, #tpu.memory_space<hbm>>)
        tpu.yield
      }) : () -> ()
    } else {
    }
    %eq3A_5 = arith.constant 1 : i32
    %eq3A_6 = arith.cmpi eq, %arg0, %eq3A_5 : i32
    %convert_element_type3A_7 = arith.extui %eq3A_6 : i1 to i32
    %cond3A_8 = arith.constant 0 : i32
    %cond3A_9 = arith.cmpi ne, %convert_element_type3A_7, %cond3A_8 : i32
    scf.if %cond3A_9 {
      %mul3A_10 = arith.constant 640 : i32
      %mul3A_11 = arith.muli %arg1, %mul3A_10 : i32
      %mul3A_12 = arith.constant 640 : i32
      %mul3A_13 = arith.muli %arg1, %mul3A_12 : i32
      "tpu.region"() ({
        %run_scoped3A = tpu.sem_alloc : memref<!tpu.dma_semaphore, #tpu.memory_space<semaphore_mem>>
        %dma_start3A_93 = arith.constant 0 : i32
        %dma_start3A_94 = tpu.memref_slice %arg18[%mul3A_13, %dma_start3A_93] : memref<10240x64xf32, #tpu.memory_space<vmem_shared>> -> memref<640x64xf32, #tpu.memory_space<vmem_shared>>
        %dma_start3A_95 = arith.constant 0 : i32
        %dma_start3A_96 = tpu.memref_slice %arg4[%mul3A_11, %dma_start3A_95] : memref<10240x64xf32, #tpu.memory_space<hbm>> -> memref<640x64xf32, #tpu.memory_space<hbm>>
        tpu.enqueue_dma source(%dma_start3A_96 : memref<640x64xf32, #tpu.memory_space<hbm>>) target(%dma_start3A_94 : memref<640x64xf32, #tpu.memory_space<vmem_shared>>) target_semaphore(%run_scoped3A : memref<!tpu.dma_semaphore, #tpu.memory_space<semaphore_mem>>)
        %dma_wait3A = arith.constant 0 : i32
        %dma_wait3A_97 = tpu.memref_slice %arg18[%mul3A_13, %dma_wait3A] : memref<10240x64xf32, #tpu.memory_space<vmem_shared>> -> memref<640x64xf32, #tpu.memory_space<vmem_shared>>
        %dma_wait3A_98 = arith.constant 0 : i32
        %dma_wait3A_99 = tpu.memref_slice %arg4[%mul3A_11, %dma_wait3A_98] : memref<10240x64xf32, #tpu.memory_space<hbm>> -> memref<640x64xf32, #tpu.memory_space<hbm>>
        tpu.wait_dma2 semaphore(%run_scoped3A : memref<!tpu.dma_semaphore, #tpu.memory_space<semaphore_mem>>) src(%dma_wait3A_99 : memref<640x64xf32, #tpu.memory_space<hbm>>) dst(%dma_wait3A_97 : memref<640x64xf32, #tpu.memory_space<vmem_shared>>)
        tpu.yield
      }) : () -> ()
      %barrier3A = arith.constant 0 : index
      tpu.barrier barrier_id(%barrier3A)
      %dma_start3A = arith.constant 0 : i32
      %dma_start3A_14 = arith.constant 0 : i32
      %dma_start3A_15 = tpu.memref_slice %arg12[%dma_start3A, %dma_start3A_14] : memref<160x128xi32, #tpu.memory_space<vmem>> -> memref<1x128xi32, #tpu.memory_space<vmem>>
      %dma_start3A_16 = tpu.memref_squeeze %dma_start3A_15 : memref<1x128xi32, #tpu.memory_space<vmem>> -> memref<128xi32, #tpu.memory_space<vmem>>
      %dma_start3A_17 = arith.constant 0 : i32
      %dma_start3A_18 = arith.constant 0 : i32
      %dma_start3A_19 = tpu.memref_slice %arg4[%dma_start3A_17, %dma_start3A_18] : memref<10240x64xf32, #tpu.memory_space<hbm>> -> memref<10240x64xf32, #tpu.memory_space<hbm>>
      tpu.enqueue_indirect_dma source(%dma_start3A_19 : memref<10240x64xf32, #tpu.memory_space<hbm>>) target(%arg14 : memref<128x64xf32, #tpu.memory_space<vmem>>) offsets(%dma_start3A_16 : memref<128xi32, #tpu.memory_space<vmem>>) semaphore(%arg19 : memref<!tpu.dma_semaphore, #tpu.memory_space<semaphore_mem>>)
      %dma_start3A_20 = arith.constant 1 : i32
      %dma_start3A_21 = arith.constant 0 : i32
      %dma_start3A_22 = tpu.memref_slice %arg12[%dma_start3A_20, %dma_start3A_21] : memref<160x128xi32, #tpu.memory_space<vmem>> -> memref<1x128xi32, #tpu.memory_space<vmem>>
      %dma_start3A_23 = tpu.memref_squeeze %dma_start3A_22 : memref<1x128xi32, #tpu.memory_space<vmem>> -> memref<128xi32, #tpu.memory_space<vmem>>
      %dma_start3A_24 = arith.constant 0 : i32
      %dma_start3A_25 = arith.constant 0 : i32
      %dma_start3A_26 = tpu.memref_slice %arg4[%dma_start3A_24, %dma_start3A_25] : memref<10240x64xf32, #tpu.memory_space<hbm>> -> memref<10240x64xf32, #tpu.memory_space<hbm>>
      tpu.enqueue_indirect_dma source(%dma_start3A_26 : memref<10240x64xf32, #tpu.memory_space<hbm>>) target(%arg15 : memref<128x64xf32, #tpu.memory_space<vmem>>) offsets(%dma_start3A_23 : memref<128xi32, #tpu.memory_space<vmem>>) semaphore(%arg20 : memref<!tpu.dma_semaphore, #tpu.memory_space<semaphore_mem>>)
      %dma_start3A_27 = arith.constant 2 : i32
      %dma_start3A_28 = arith.constant 0 : i32
      %dma_start3A_29 = tpu.memref_slice %arg12[%dma_start3A_27, %dma_start3A_28] : memref<160x128xi32, #tpu.memory_space<vmem>> -> memref<1x128xi32, #tpu.memory_space<vmem>>
      %dma_start3A_30 = tpu.memref_squeeze %dma_start3A_29 : memref<1x128xi32, #tpu.memory_space<vmem>> -> memref<128xi32, #tpu.memory_space<vmem>>
      %dma_start3A_31 = arith.constant 0 : i32
      %dma_start3A_32 = arith.constant 0 : i32
      %dma_start3A_33 = tpu.memref_slice %arg4[%dma_start3A_31, %dma_start3A_32] : memref<10240x64xf32, #tpu.memory_space<hbm>> -> memref<10240x64xf32, #tpu.memory_space<hbm>>
      tpu.enqueue_indirect_dma source(%dma_start3A_33 : memref<10240x64xf32, #tpu.memory_space<hbm>>) target(%arg16 : memref<128x64xf32, #tpu.memory_space<vmem>>) offsets(%dma_start3A_30 : memref<128xi32, #tpu.memory_space<vmem>>) semaphore(%arg21 : memref<!tpu.dma_semaphore, #tpu.memory_space<semaphore_mem>>)
      %dma_start3A_34 = arith.constant 3 : i32
      %dma_start3A_35 = arith.constant 0 : i32
      %dma_start3A_36 = tpu.memref_slice %arg12[%dma_start3A_34, %dma_start3A_35] : memref<160x128xi32, #tpu.memory_space<vmem>> -> memref<1x128xi32, #tpu.memory_space<vmem>>
      %dma_start3A_37 = tpu.memref_squeeze %dma_start3A_36 : memref<1x128xi32, #tpu.memory_space<vmem>> -> memref<128xi32, #tpu.memory_space<vmem>>
      %dma_start3A_38 = arith.constant 0 : i32
      %dma_start3A_39 = arith.constant 0 : i32
      %dma_start3A_40 = tpu.memref_slice %arg4[%dma_start3A_38, %dma_start3A_39] : memref<10240x64xf32, #tpu.memory_space<hbm>> -> memref<10240x64xf32, #tpu.memory_space<hbm>>
      tpu.enqueue_indirect_dma source(%dma_start3A_40 : memref<10240x64xf32, #tpu.memory_space<hbm>>) target(%arg17 : memref<128x64xf32, #tpu.memory_space<vmem>>) offsets(%dma_start3A_37 : memref<128xi32, #tpu.memory_space<vmem>>) semaphore(%arg22 : memref<!tpu.dma_semaphore, #tpu.memory_space<semaphore_mem>>)
      %scan3A = arith.constant 0 : i32
      %scan3A_41 = arith.constant 40 : i32
      %scan3A_42 = arith.addi %scan3A, %scan3A_41 : i32
      %scan3A_43 = arith.constant 1 : i32
      scf.for %scan3A_93 = %scan3A to %scan3A_42 step %scan3A_43  : i32 {
        %mul3A_94 = arith.constant 4 : i32
        %mul3A_95 = arith.muli %scan3A_93, %mul3A_94 : i32
        %add3A = arith.constant 0 : i32
        %add3A_96 = arith.addi %add3A, %mul3A_95 : i32
        %add3A_97 = arith.constant 0 : i32
        %add3A_98 = arith.addi %add3A_96, %add3A_97 : i32
        %dma_wait3A = arith.constant 0 : i32
        %dma_wait3A_99 = tpu.memref_slice %arg12[%add3A_98, %dma_wait3A] : memref<160x128xi32, #tpu.memory_space<vmem>> -> memref<1x128xi32, #tpu.memory_space<vmem>>
        %dma_wait3A_100 = tpu.memref_squeeze %dma_wait3A_99 : memref<1x128xi32, #tpu.memory_space<vmem>> -> memref<128xi32, #tpu.memory_space<vmem>>
        %dma_wait3A_101 = arith.constant 0 : i32
        %dma_wait3A_102 = arith.constant 0 : i32
        %dma_wait3A_103 = tpu.memref_slice %arg4[%dma_wait3A_101, %dma_wait3A_102] : memref<10240x64xf32, #tpu.memory_space<hbm>> -> memref<10240x64xf32, #tpu.memory_space<hbm>>
        tpu.wait_indirect_dma semaphore(%arg19 : memref<!tpu.dma_semaphore, #tpu.memory_space<semaphore_mem>>) src(%dma_wait3A_103 : memref<10240x64xf32, #tpu.memory_space<hbm>>) dst(%arg14 : memref<128x64xf32, #tpu.memory_space<vmem>>)
        "tpu.region"() ({
          %run_scoped3A = tpu.sem_alloc : memref<!tpu.dma_semaphore, #tpu.memory_space<semaphore_mem>>
          %dma_start3A_155 = arith.constant 0 : i32
          %dma_start3A_156 = tpu.memref_slice %arg13[%add3A_98, %dma_start3A_155] : memref<160x128xi32, #tpu.memory_space<vmem>> -> memref<1x128xi32, #tpu.memory_space<vmem>>
          %dma_start3A_157 = tpu.memref_squeeze %dma_start3A_156 : memref<1x128xi32, #tpu.memory_space<vmem>> -> memref<128xi32, #tpu.memory_space<vmem>>
          %dma_start3A_158 = arith.constant 0 : i32
          %dma_start3A_159 = arith.constant 0 : i32
          %dma_start3A_160 = tpu.memref_slice %arg18[%dma_start3A_158, %dma_start3A_159] : memref<10240x64xf32, #tpu.memory_space<vmem_shared>> -> memref<10240x64xf32, #tpu.memory_space<vmem_shared>>
          tpu.enqueue_indirect_dma source(%arg14 : memref<128x64xf32, #tpu.memory_space<vmem>>) target(%dma_start3A_160 : memref<10240x64xf32, #tpu.memory_space<vmem_shared>>) offsets(%dma_start3A_157 : memref<128xi32, #tpu.memory_space<vmem>>) semaphore(%run_scoped3A : memref<!tpu.dma_semaphore, #tpu.memory_space<semaphore_mem>>) {add = true}
          %dma_wait3A_161 = arith.constant 0 : i32
          %dma_wait3A_162 = tpu.memref_slice %arg13[%add3A_98, %dma_wait3A_161] : memref<160x128xi32, #tpu.memory_space<vmem>> -> memref<1x128xi32, #tpu.memory_space<vmem>>
          %dma_wait3A_163 = tpu.memref_squeeze %dma_wait3A_162 : memref<1x128xi32, #tpu.memory_space<vmem>> -> memref<128xi32, #tpu.memory_space<vmem>>
          %dma_wait3A_164 = arith.constant 0 : i32
          %dma_wait3A_165 = arith.constant 0 : i32
          %dma_wait3A_166 = tpu.memref_slice %arg18[%dma_wait3A_164, %dma_wait3A_165] : memref<10240x64xf32, #tpu.memory_space<vmem_shared>> -> memref<10240x64xf32, #tpu.memory_space<vmem_shared>>
          tpu.wait_indirect_dma semaphore(%run_scoped3A : memref<!tpu.dma_semaphore, #tpu.memory_space<semaphore_mem>>) src(%arg14 : memref<128x64xf32, #tpu.memory_space<vmem>>) dst(%dma_wait3A_166 : memref<10240x64xf32, #tpu.memory_space<vmem_shared>>)
          tpu.yield
        }) : () -> ()
        %add3A_104 = arith.constant 4 : i32
        %add3A_105 = arith.addi %add3A_98, %add3A_104 : i32
        %lt3A = arith.constant 160 : i32
        %lt3A_106 = arith.cmpi slt, %add3A_105, %lt3A : i32
        %convert_element_type3A_107 = arith.extui %lt3A_106 : i1 to i32
        %cond3A_108 = arith.constant 0 : i32
        %cond3A_109 = arith.cmpi ne, %convert_element_type3A_107, %cond3A_108 : i32
        scf.if %cond3A_109 {
          %add3A_155 = arith.constant 4 : i32
          %add3A_156 = arith.addi %add3A_98, %add3A_155 : i32
          %dma_start3A_157 = arith.constant 0 : i32
          %dma_start3A_158 = tpu.memref_slice %arg12[%add3A_156, %dma_start3A_157] : memref<160x128xi32, #tpu.memory_space<vmem>> -> memref<1x128xi32, #tpu.memory_space<vmem>>
          %dma_start3A_159 = tpu.memref_squeeze %dma_start3A_158 : memref<1x128xi32, #tpu.memory_space<vmem>> -> memref<128xi32, #tpu.memory_space<vmem>>
          %dma_start3A_160 = arith.constant 0 : i32
          %dma_start3A_161 = arith.constant 0 : i32
          %dma_start3A_162 = tpu.memref_slice %arg4[%dma_start3A_160, %dma_start3A_161] : memref<10240x64xf32, #tpu.memory_space<hbm>> -> memref<10240x64xf32, #tpu.memory_space<hbm>>
          tpu.enqueue_indirect_dma source(%dma_start3A_162 : memref<10240x64xf32, #tpu.memory_space<hbm>>) target(%arg14 : memref<128x64xf32, #tpu.memory_space<vmem>>) offsets(%dma_start3A_159 : memref<128xi32, #tpu.memory_space<vmem>>) semaphore(%arg19 : memref<!tpu.dma_semaphore, #tpu.memory_space<semaphore_mem>>)
        } else {
        }
        %add3A_110 = arith.constant 1 : i32
        %add3A_111 = arith.addi %add3A_96, %add3A_110 : i32
        %dma_wait3A_112 = arith.constant 0 : i32
        %dma_wait3A_113 = tpu.memref_slice %arg12[%add3A_111, %dma_wait3A_112] : memref<160x128xi32, #tpu.memory_space<vmem>> -> memref<1x128xi32, #tpu.memory_space<vmem>>
        %dma_wait3A_114 = tpu.memref_squeeze %dma_wait3A_113 : memref<1x128xi32, #tpu.memory_space<vmem>> -> memref<128xi32, #tpu.memory_space<vmem>>
        %dma_wait3A_115 = arith.constant 0 : i32
        %dma_wait3A_116 = arith.constant 0 : i32
        %dma_wait3A_117 = tpu.memref_slice %arg4[%dma_wait3A_115, %dma_wait3A_116] : memref<10240x64xf32, #tpu.memory_space<hbm>> -> memref<10240x64xf32, #tpu.memory_space<hbm>>
        tpu.wait_indirect_dma semaphore(%arg20 : memref<!tpu.dma_semaphore, #tpu.memory_space<semaphore_mem>>) src(%dma_wait3A_117 : memref<10240x64xf32, #tpu.memory_space<hbm>>) dst(%arg15 : memref<128x64xf32, #tpu.memory_space<vmem>>)
        "tpu.region"() ({
          %run_scoped3A = tpu.sem_alloc : memref<!tpu.dma_semaphore, #tpu.memory_space<semaphore_mem>>
          %dma_start3A_155 = arith.constant 0 : i32
          %dma_start3A_156 = tpu.memref_slice %arg13[%add3A_111, %dma_start3A_155] : memref<160x128xi32, #tpu.memory_space<vmem>> -> memref<1x128xi32, #tpu.memory_space<vmem>>
          %dma_start3A_157 = tpu.memref_squeeze %dma_start3A_156 : memref<1x128xi32, #tpu.memory_space<vmem>> -> memref<128xi32, #tpu.memory_space<vmem>>
          %dma_start3A_158 = arith.constant 0 : i32
          %dma_start3A_159 = arith.constant 0 : i32
          %dma_start3A_160 = tpu.memref_slice %arg18[%dma_start3A_158, %dma_start3A_159] : memref<10240x64xf32, #tpu.memory_space<vmem_shared>> -> memref<10240x64xf32, #tpu.memory_space<vmem_shared>>
          tpu.enqueue_indirect_dma source(%arg15 : memref<128x64xf32, #tpu.memory_space<vmem>>) target(%dma_start3A_160 : memref<10240x64xf32, #tpu.memory_space<vmem_shared>>) offsets(%dma_start3A_157 : memref<128xi32, #tpu.memory_space<vmem>>) semaphore(%run_scoped3A : memref<!tpu.dma_semaphore, #tpu.memory_space<semaphore_mem>>) {add = true}
          %dma_wait3A_161 = arith.constant 0 : i32
          %dma_wait3A_162 = tpu.memref_slice %arg13[%add3A_111, %dma_wait3A_161] : memref<160x128xi32, #tpu.memory_space<vmem>> -> memref<1x128xi32, #tpu.memory_space<vmem>>
          %dma_wait3A_163 = tpu.memref_squeeze %dma_wait3A_162 : memref<1x128xi32, #tpu.memory_space<vmem>> -> memref<128xi32, #tpu.memory_space<vmem>>
          %dma_wait3A_164 = arith.constant 0 : i32
          %dma_wait3A_165 = arith.constant 0 : i32
          %dma_wait3A_166 = tpu.memref_slice %arg18[%dma_wait3A_164, %dma_wait3A_165] : memref<10240x64xf32, #tpu.memory_space<vmem_shared>> -> memref<10240x64xf32, #tpu.memory_space<vmem_shared>>
          tpu.wait_indirect_dma semaphore(%run_scoped3A : memref<!tpu.dma_semaphore, #tpu.memory_space<semaphore_mem>>) src(%arg15 : memref<128x64xf32, #tpu.memory_space<vmem>>) dst(%dma_wait3A_166 : memref<10240x64xf32, #tpu.memory_space<vmem_shared>>)
          tpu.yield
        }) : () -> ()
        %add3A_118 = arith.constant 4 : i32
        %add3A_119 = arith.addi %add3A_111, %add3A_118 : i32
        %lt3A_120 = arith.constant 160 : i32
        %lt3A_121 = arith.cmpi slt, %add3A_119, %lt3A_120 : i32
        %convert_element_type3A_122 = arith.extui %lt3A_121 : i1 to i32
        %cond3A_123 = arith.constant 0 : i32
        %cond3A_124 = arith.cmpi ne, %convert_element_type3A_122, %cond3A_123 : i32
        scf.if %cond3A_124 {
          %add3A_155 = arith.constant 4 : i32
          %add3A_156 = arith.addi %add3A_111, %add3A_155 : i32
          %dma_start3A_157 = arith.constant 0 : i32
          %dma_start3A_158 = tpu.memref_slice %arg12[%add3A_156, %dma_start3A_157] : memref<160x128xi32, #tpu.memory_space<vmem>> -> memref<1x128xi32, #tpu.memory_space<vmem>>
          %dma_start3A_159 = tpu.memref_squeeze %dma_start3A_158 : memref<1x128xi32, #tpu.memory_space<vmem>> -> memref<128xi32, #tpu.memory_space<vmem>>
          %dma_start3A_160 = arith.constant 0 : i32
          %dma_start3A_161 = arith.constant 0 : i32
          %dma_start3A_162 = tpu.memref_slice %arg4[%dma_start3A_160, %dma_start3A_161] : memref<10240x64xf32, #tpu.memory_space<hbm>> -> memref<10240x64xf32, #tpu.memory_space<hbm>>
          tpu.enqueue_indirect_dma source(%dma_start3A_162 : memref<10240x64xf32, #tpu.memory_space<hbm>>) target(%arg15 : memref<128x64xf32, #tpu.memory_space<vmem>>) offsets(%dma_start3A_159 : memref<128xi32, #tpu.memory_space<vmem>>) semaphore(%arg20 : memref<!tpu.dma_semaphore, #tpu.memory_space<semaphore_mem>>)
        } else {
        }
        %add3A_125 = arith.constant 2 : i32
        %add3A_126 = arith.addi %add3A_96, %add3A_125 : i32
        %dma_wait3A_127 = arith.constant 0 : i32
        %dma_wait3A_128 = tpu.memref_slice %arg12[%add3A_126, %dma_wait3A_127] : memref<160x128xi32, #tpu.memory_space<vmem>> -> memref<1x128xi32, #tpu.memory_space<vmem>>
        %dma_wait3A_129 = tpu.memref_squeeze %dma_wait3A_128 : memref<1x128xi32, #tpu.memory_space<vmem>> -> memref<128xi32, #tpu.memory_space<vmem>>
        %dma_wait3A_130 = arith.constant 0 : i32
        %dma_wait3A_131 = arith.constant 0 : i32
        %dma_wait3A_132 = tpu.memref_slice %arg4[%dma_wait3A_130, %dma_wait3A_131] : memref<10240x64xf32, #tpu.memory_space<hbm>> -> memref<10240x64xf32, #tpu.memory_space<hbm>>
        tpu.wait_indirect_dma semaphore(%arg21 : memref<!tpu.dma_semaphore, #tpu.memory_space<semaphore_mem>>) src(%dma_wait3A_132 : memref<10240x64xf32, #tpu.memory_space<hbm>>) dst(%arg16 : memref<128x64xf32, #tpu.memory_space<vmem>>)
        "tpu.region"() ({
          %run_scoped3A = tpu.sem_alloc : memref<!tpu.dma_semaphore, #tpu.memory_space<semaphore_mem>>
          %dma_start3A_155 = arith.constant 0 : i32
          %dma_start3A_156 = tpu.memref_slice %arg13[%add3A_126, %dma_start3A_155] : memref<160x128xi32, #tpu.memory_space<vmem>> -> memref<1x128xi32, #tpu.memory_space<vmem>>
          %dma_start3A_157 = tpu.memref_squeeze %dma_start3A_156 : memref<1x128xi32, #tpu.memory_space<vmem>> -> memref<128xi32, #tpu.memory_space<vmem>>
          %dma_start3A_158 = arith.constant 0 : i32
          %dma_start3A_159 = arith.constant 0 : i32
          %dma_start3A_160 = tpu.memref_slice %arg18[%dma_start3A_158, %dma_start3A_159] : memref<10240x64xf32, #tpu.memory_space<vmem_shared>> -> memref<10240x64xf32, #tpu.memory_space<vmem_shared>>
          tpu.enqueue_indirect_dma source(%arg16 : memref<128x64xf32, #tpu.memory_space<vmem>>) target(%dma_start3A_160 : memref<10240x64xf32, #tpu.memory_space<vmem_shared>>) offsets(%dma_start3A_157 : memref<128xi32, #tpu.memory_space<vmem>>) semaphore(%run_scoped3A : memref<!tpu.dma_semaphore, #tpu.memory_space<semaphore_mem>>) {add = true}
          %dma_wait3A_161 = arith.constant 0 : i32
          %dma_wait3A_162 = tpu.memref_slice %arg13[%add3A_126, %dma_wait3A_161] : memref<160x128xi32, #tpu.memory_space<vmem>> -> memref<1x128xi32, #tpu.memory_space<vmem>>
          %dma_wait3A_163 = tpu.memref_squeeze %dma_wait3A_162 : memref<1x128xi32, #tpu.memory_space<vmem>> -> memref<128xi32, #tpu.memory_space<vmem>>
          %dma_wait3A_164 = arith.constant 0 : i32
          %dma_wait3A_165 = arith.constant 0 : i32
          %dma_wait3A_166 = tpu.memref_slice %arg18[%dma_wait3A_164, %dma_wait3A_165] : memref<10240x64xf32, #tpu.memory_space<vmem_shared>> -> memref<10240x64xf32, #tpu.memory_space<vmem_shared>>
          tpu.wait_indirect_dma semaphore(%run_scoped3A : memref<!tpu.dma_semaphore, #tpu.memory_space<semaphore_mem>>) src(%arg16 : memref<128x64xf32, #tpu.memory_space<vmem>>) dst(%dma_wait3A_166 : memref<10240x64xf32, #tpu.memory_space<vmem_shared>>)
          tpu.yield
        }) : () -> ()
        %add3A_133 = arith.constant 4 : i32
        %add3A_134 = arith.addi %add3A_126, %add3A_133 : i32
        %lt3A_135 = arith.constant 160 : i32
        %lt3A_136 = arith.cmpi slt, %add3A_134, %lt3A_135 : i32
        %convert_element_type3A_137 = arith.extui %lt3A_136 : i1 to i32
        %cond3A_138 = arith.constant 0 : i32
        %cond3A_139 = arith.cmpi ne, %convert_element_type3A_137, %cond3A_138 : i32
        scf.if %cond3A_139 {
          %add3A_155 = arith.constant 4 : i32
          %add3A_156 = arith.addi %add3A_126, %add3A_155 : i32
          %dma_start3A_157 = arith.constant 0 : i32
          %dma_start3A_158 = tpu.memref_slice %arg12[%add3A_156, %dma_start3A_157] : memref<160x128xi32, #tpu.memory_space<vmem>> -> memref<1x128xi32, #tpu.memory_space<vmem>>
          %dma_start3A_159 = tpu.memref_squeeze %dma_start3A_158 : memref<1x128xi32, #tpu.memory_space<vmem>> -> memref<128xi32, #tpu.memory_space<vmem>>
          %dma_start3A_160 = arith.constant 0 : i32
          %dma_start3A_161 = arith.constant 0 : i32
          %dma_start3A_162 = tpu.memref_slice %arg4[%dma_start3A_160, %dma_start3A_161] : memref<10240x64xf32, #tpu.memory_space<hbm>> -> memref<10240x64xf32, #tpu.memory_space<hbm>>
          tpu.enqueue_indirect_dma source(%dma_start3A_162 : memref<10240x64xf32, #tpu.memory_space<hbm>>) target(%arg16 : memref<128x64xf32, #tpu.memory_space<vmem>>) offsets(%dma_start3A_159 : memref<128xi32, #tpu.memory_space<vmem>>) semaphore(%arg21 : memref<!tpu.dma_semaphore, #tpu.memory_space<semaphore_mem>>)
        } else {
        }
        %add3A_140 = arith.constant 3 : i32
        %add3A_141 = arith.addi %add3A_96, %add3A_140 : i32
        %dma_wait3A_142 = arith.constant 0 : i32
        %dma_wait3A_143 = tpu.memref_slice %arg12[%add3A_141, %dma_wait3A_142] : memref<160x128xi32, #tpu.memory_space<vmem>> -> memref<1x128xi32, #tpu.memory_space<vmem>>
        %dma_wait3A_144 = tpu.memref_squeeze %dma_wait3A_143 : memref<1x128xi32, #tpu.memory_space<vmem>> -> memref<128xi32, #tpu.memory_space<vmem>>
        %dma_wait3A_145 = arith.constant 0 : i32
        %dma_wait3A_146 = arith.constant 0 : i32
        %dma_wait3A_147 = tpu.memref_slice %arg4[%dma_wait3A_145, %dma_wait3A_146] : memref<10240x64xf32, #tpu.memory_space<hbm>> -> memref<10240x64xf32, #tpu.memory_space<hbm>>
        tpu.wait_indirect_dma semaphore(%arg22 : memref<!tpu.dma_semaphore, #tpu.memory_space<semaphore_mem>>) src(%dma_wait3A_147 : memref<10240x64xf32, #tpu.memory_space<hbm>>) dst(%arg17 : memref<128x64xf32, #tpu.memory_space<vmem>>)
        "tpu.region"() ({
          %run_scoped3A = tpu.sem_alloc : memref<!tpu.dma_semaphore, #tpu.memory_space<semaphore_mem>>
          %dma_start3A_155 = arith.constant 0 : i32
          %dma_start3A_156 = tpu.memref_slice %arg13[%add3A_141, %dma_start3A_155] : memref<160x128xi32, #tpu.memory_space<vmem>> -> memref<1x128xi32, #tpu.memory_space<vmem>>
          %dma_start3A_157 = tpu.memref_squeeze %dma_start3A_156 : memref<1x128xi32, #tpu.memory_space<vmem>> -> memref<128xi32, #tpu.memory_space<vmem>>
          %dma_start3A_158 = arith.constant 0 : i32
          %dma_start3A_159 = arith.constant 0 : i32
          %dma_start3A_160 = tpu.memref_slice %arg18[%dma_start3A_158, %dma_start3A_159] : memref<10240x64xf32, #tpu.memory_space<vmem_shared>> -> memref<10240x64xf32, #tpu.memory_space<vmem_shared>>
          tpu.enqueue_indirect_dma source(%arg17 : memref<128x64xf32, #tpu.memory_space<vmem>>) target(%dma_start3A_160 : memref<10240x64xf32, #tpu.memory_space<vmem_shared>>) offsets(%dma_start3A_157 : memref<128xi32, #tpu.memory_space<vmem>>) semaphore(%run_scoped3A : memref<!tpu.dma_semaphore, #tpu.memory_space<semaphore_mem>>) {add = true}
          %dma_wait3A_161 = arith.constant 0 : i32
          %dma_wait3A_162 = tpu.memref_slice %arg13[%add3A_141, %dma_wait3A_161] : memref<160x128xi32, #tpu.memory_space<vmem>> -> memref<1x128xi32, #tpu.memory_space<vmem>>
          %dma_wait3A_163 = tpu.memref_squeeze %dma_wait3A_162 : memref<1x128xi32, #tpu.memory_space<vmem>> -> memref<128xi32, #tpu.memory_space<vmem>>
          %dma_wait3A_164 = arith.constant 0 : i32
          %dma_wait3A_165 = arith.constant 0 : i32
          %dma_wait3A_166 = tpu.memref_slice %arg18[%dma_wait3A_164, %dma_wait3A_165] : memref<10240x64xf32, #tpu.memory_space<vmem_shared>> -> memref<10240x64xf32, #tpu.memory_space<vmem_shared>>
          tpu.wait_indirect_dma semaphore(%run_scoped3A : memref<!tpu.dma_semaphore, #tpu.memory_space<semaphore_mem>>) src(%arg17 : memref<128x64xf32, #tpu.memory_space<vmem>>) dst(%dma_wait3A_166 : memref<10240x64xf32, #tpu.memory_space<vmem_shared>>)
          tpu.yield
        }) : () -> ()
        %add3A_148 = arith.constant 4 : i32
        %add3A_149 = arith.addi %add3A_141, %add3A_148 : i32
        %lt3A_150 = arith.constant 160 : i32
        %lt3A_151 = arith.cmpi slt, %add3A_149, %lt3A_150 : i32
        %convert_element_type3A_152 = arith.extui %lt3A_151 : i1 to i32
        %cond3A_153 = arith.constant 0 : i32
        %cond3A_154 = arith.cmpi ne, %convert_element_type3A_152, %cond3A_153 : i32
        scf.if %cond3A_154 {
          %add3A_155 = arith.constant 4 : i32
          %add3A_156 = arith.addi %add3A_141, %add3A_155 : i32
          %dma_start3A_157 = arith.constant 0 : i32
          %dma_start3A_158 = tpu.memref_slice %arg12[%add3A_156, %dma_start3A_157] : memref<160x128xi32, #tpu.memory_space<vmem>> -> memref<1x128xi32, #tpu.memory_space<vmem>>
          %dma_start3A_159 = tpu.memref_squeeze %dma_start3A_158 : memref<1x128xi32, #tpu.memory_space<vmem>> -> memref<128xi32, #tpu.memory_space<vmem>>
          %dma_start3A_160 = arith.constant 0 : i32
          %dma_start3A_161 = arith.constant 0 : i32
          %dma_start3A_162 = tpu.memref_slice %arg4[%dma_start3A_160, %dma_start3A_161] : memref<10240x64xf32, #tpu.memory_space<hbm>> -> memref<10240x64xf32, #tpu.memory_space<hbm>>
          tpu.enqueue_indirect_dma source(%dma_start3A_162 : memref<10240x64xf32, #tpu.memory_space<hbm>>) target(%arg17 : memref<128x64xf32, #tpu.memory_space<vmem>>) offsets(%dma_start3A_159 : memref<128xi32, #tpu.memory_space<vmem>>) semaphore(%arg22 : memref<!tpu.dma_semaphore, #tpu.memory_space<semaphore_mem>>)
        } else {
        }
      }
      %scan3A_44 = arith.constant 40 : i32
      %barrier3A_45 = arith.constant 0 : index
      tpu.barrier barrier_id(%barrier3A_45)
      %mul3A_46 = arith.constant 640 : i32
      %mul3A_47 = arith.muli %arg1, %mul3A_46 : i32
      %mul3A_48 = arith.constant 640 : i32
      %mul3A_49 = arith.muli %arg1, %mul3A_48 : i32
      "tpu.region"() ({
        %run_scoped3A = tpu.sem_alloc : memref<!tpu.dma_semaphore, #tpu.memory_space<semaphore_mem>>
        %dma_start3A_93 = arith.constant 0 : i32
        %dma_start3A_94 = tpu.memref_slice %arg10[%mul3A_49, %dma_start3A_93] : memref<10240x64xf32, #tpu.memory_space<hbm>> -> memref<640x64xf32, #tpu.memory_space<hbm>>
        %dma_start3A_95 = arith.constant 0 : i32
        %dma_start3A_96 = tpu.memref_slice %arg18[%mul3A_47, %dma_start3A_95] : memref<10240x64xf32, #tpu.memory_space<vmem_shared>> -> memref<640x64xf32, #tpu.memory_space<vmem_shared>>
        tpu.enqueue_dma source(%dma_start3A_96 : memref<640x64xf32, #tpu.memory_space<vmem_shared>>) target(%dma_start3A_94 : memref<640x64xf32, #tpu.memory_space<hbm>>) target_semaphore(%run_scoped3A : memref<!tpu.dma_semaphore, #tpu.memory_space<semaphore_mem>>)
        %dma_wait3A = arith.constant 0 : i32
        %dma_wait3A_97 = tpu.memref_slice %arg10[%mul3A_49, %dma_wait3A] : memref<10240x64xf32, #tpu.memory_space<hbm>> -> memref<640x64xf32, #tpu.memory_space<hbm>>
        %dma_wait3A_98 = arith.constant 0 : i32
        %dma_wait3A_99 = tpu.memref_slice %arg18[%mul3A_47, %dma_wait3A_98] : memref<10240x64xf32, #tpu.memory_space<vmem_shared>> -> memref<640x64xf32, #tpu.memory_space<vmem_shared>>
        tpu.wait_dma2 semaphore(%run_scoped3A : memref<!tpu.dma_semaphore, #tpu.memory_space<semaphore_mem>>) src(%dma_wait3A_99 : memref<640x64xf32, #tpu.memory_space<vmem_shared>>) dst(%dma_wait3A_97 : memref<640x64xf32, #tpu.memory_space<hbm>>)
        tpu.yield
      }) : () -> ()
      %mul3A_50 = arith.constant 640 : i32
      %mul3A_51 = arith.muli %arg1, %mul3A_50 : i32
      %mul3A_52 = arith.constant 640 : i32
      %mul3A_53 = arith.muli %arg1, %mul3A_52 : i32
      "tpu.region"() ({
        %run_scoped3A = tpu.sem_alloc : memref<!tpu.dma_semaphore, #tpu.memory_space<semaphore_mem>>
        %dma_start3A_93 = arith.constant 0 : i32
        %dma_start3A_94 = tpu.memref_slice %arg18[%mul3A_53, %dma_start3A_93] : memref<10240x64xf32, #tpu.memory_space<vmem_shared>> -> memref<640x64xf32, #tpu.memory_space<vmem_shared>>
        %dma_start3A_95 = arith.constant 0 : i32
        %dma_start3A_96 = tpu.memref_slice %arg5[%mul3A_51, %dma_start3A_95] : memref<10240x64xf32, #tpu.memory_space<hbm>> -> memref<640x64xf32, #tpu.memory_space<hbm>>
        tpu.enqueue_dma source(%dma_start3A_96 : memref<640x64xf32, #tpu.memory_space<hbm>>) target(%dma_start3A_94 : memref<640x64xf32, #tpu.memory_space<vmem_shared>>) target_semaphore(%run_scoped3A : memref<!tpu.dma_semaphore, #tpu.memory_space<semaphore_mem>>)
        %dma_wait3A = arith.constant 0 : i32
        %dma_wait3A_97 = tpu.memref_slice %arg18[%mul3A_53, %dma_wait3A] : memref<10240x64xf32, #tpu.memory_space<vmem_shared>> -> memref<640x64xf32, #tpu.memory_space<vmem_shared>>
        %dma_wait3A_98 = arith.constant 0 : i32
        %dma_wait3A_99 = tpu.memref_slice %arg5[%mul3A_51, %dma_wait3A_98] : memref<10240x64xf32, #tpu.memory_space<hbm>> -> memref<640x64xf32, #tpu.memory_space<hbm>>
        tpu.wait_dma2 semaphore(%run_scoped3A : memref<!tpu.dma_semaphore, #tpu.memory_space<semaphore_mem>>) src(%dma_wait3A_99 : memref<640x64xf32, #tpu.memory_space<hbm>>) dst(%dma_wait3A_97 : memref<640x64xf32, #tpu.memory_space<vmem_shared>>)
        tpu.yield
      }) : () -> ()
      %barrier3A_54 = arith.constant 0 : index
      tpu.barrier barrier_id(%barrier3A_54)
      %dma_start3A_55 = arith.constant 0 : i32
      %dma_start3A_56 = arith.constant 0 : i32
      %dma_start3A_57 = tpu.memref_slice %arg12[%dma_start3A_55, %dma_start3A_56] : memref<160x128xi32, #tpu.memory_space<vmem>> -> memref<1x128xi32, #tpu.memory_space<vmem>>
      %dma_start3A_58 = tpu.memref_squeeze %dma_start3A_57 : memref<1x128xi32, #tpu.memory_space<vmem>> -> memref<128xi32, #tpu.memory_space<vmem>>
      %dma_start3A_59 = arith.constant 0 : i32
      %dma_start3A_60 = arith.constant 0 : i32
      %dma_start3A_61 = tpu.memref_slice %arg5[%dma_start3A_59, %dma_start3A_60] : memref<10240x64xf32, #tpu.memory_space<hbm>> -> memref<10240x64xf32, #tpu.memory_space<hbm>>
      tpu.enqueue_indirect_dma source(%dma_start3A_61 : memref<10240x64xf32, #tpu.memory_space<hbm>>) target(%arg14 : memref<128x64xf32, #tpu.memory_space<vmem>>) offsets(%dma_start3A_58 : memref<128xi32, #tpu.memory_space<vmem>>) semaphore(%arg19 : memref<!tpu.dma_semaphore, #tpu.memory_space<semaphore_mem>>)
      %dma_start3A_62 = arith.constant 1 : i32
      %dma_start3A_63 = arith.constant 0 : i32
      %dma_start3A_64 = tpu.memref_slice %arg12[%dma_start3A_62, %dma_start3A_63] : memref<160x128xi32, #tpu.memory_space<vmem>> -> memref<1x128xi32, #tpu.memory_space<vmem>>
      %dma_start3A_65 = tpu.memref_squeeze %dma_start3A_64 : memref<1x128xi32, #tpu.memory_space<vmem>> -> memref<128xi32, #tpu.memory_space<vmem>>
      %dma_start3A_66 = arith.constant 0 : i32
      %dma_start3A_67 = arith.constant 0 : i32
      %dma_start3A_68 = tpu.memref_slice %arg5[%dma_start3A_66, %dma_start3A_67] : memref<10240x64xf32, #tpu.memory_space<hbm>> -> memref<10240x64xf32, #tpu.memory_space<hbm>>
      tpu.enqueue_indirect_dma source(%dma_start3A_68 : memref<10240x64xf32, #tpu.memory_space<hbm>>) target(%arg15 : memref<128x64xf32, #tpu.memory_space<vmem>>) offsets(%dma_start3A_65 : memref<128xi32, #tpu.memory_space<vmem>>) semaphore(%arg20 : memref<!tpu.dma_semaphore, #tpu.memory_space<semaphore_mem>>)
      %dma_start3A_69 = arith.constant 2 : i32
      %dma_start3A_70 = arith.constant 0 : i32
      %dma_start3A_71 = tpu.memref_slice %arg12[%dma_start3A_69, %dma_start3A_70] : memref<160x128xi32, #tpu.memory_space<vmem>> -> memref<1x128xi32, #tpu.memory_space<vmem>>
      %dma_start3A_72 = tpu.memref_squeeze %dma_start3A_71 : memref<1x128xi32, #tpu.memory_space<vmem>> -> memref<128xi32, #tpu.memory_space<vmem>>
      %dma_start3A_73 = arith.constant 0 : i32
      %dma_start3A_74 = arith.constant 0 : i32
      %dma_start3A_75 = tpu.memref_slice %arg5[%dma_start3A_73, %dma_start3A_74] : memref<10240x64xf32, #tpu.memory_space<hbm>> -> memref<10240x64xf32, #tpu.memory_space<hbm>>
      tpu.enqueue_indirect_dma source(%dma_start3A_75 : memref<10240x64xf32, #tpu.memory_space<hbm>>) target(%arg16 : memref<128x64xf32, #tpu.memory_space<vmem>>) offsets(%dma_start3A_72 : memref<128xi32, #tpu.memory_space<vmem>>) semaphore(%arg21 : memref<!tpu.dma_semaphore, #tpu.memory_space<semaphore_mem>>)
      %dma_start3A_76 = arith.constant 3 : i32
      %dma_start3A_77 = arith.constant 0 : i32
      %dma_start3A_78 = tpu.memref_slice %arg12[%dma_start3A_76, %dma_start3A_77] : memref<160x128xi32, #tpu.memory_space<vmem>> -> memref<1x128xi32, #tpu.memory_space<vmem>>
      %dma_start3A_79 = tpu.memref_squeeze %dma_start3A_78 : memref<1x128xi32, #tpu.memory_space<vmem>> -> memref<128xi32, #tpu.memory_space<vmem>>
      %dma_start3A_80 = arith.constant 0 : i32
      %dma_start3A_81 = arith.constant 0 : i32
      %dma_start3A_82 = tpu.memref_slice %arg5[%dma_start3A_80, %dma_start3A_81] : memref<10240x64xf32, #tpu.memory_space<hbm>> -> memref<10240x64xf32, #tpu.memory_space<hbm>>
      tpu.enqueue_indirect_dma source(%dma_start3A_82 : memref<10240x64xf32, #tpu.memory_space<hbm>>) target(%arg17 : memref<128x64xf32, #tpu.memory_space<vmem>>) offsets(%dma_start3A_79 : memref<128xi32, #tpu.memory_space<vmem>>) semaphore(%arg22 : memref<!tpu.dma_semaphore, #tpu.memory_space<semaphore_mem>>)
      %scan3A_83 = arith.constant 0 : i32
      %scan3A_84 = arith.constant 40 : i32
      %scan3A_85 = arith.addi %scan3A_83, %scan3A_84 : i32
      %scan3A_86 = arith.constant 1 : i32
      scf.for %scan3A_93 = %scan3A_83 to %scan3A_85 step %scan3A_86  : i32 {
        %mul3A_94 = arith.constant 4 : i32
        %mul3A_95 = arith.muli %scan3A_93, %mul3A_94 : i32
        %add3A = arith.constant 0 : i32
        %add3A_96 = arith.addi %add3A, %mul3A_95 : i32
        %add3A_97 = arith.constant 0 : i32
        %add3A_98 = arith.addi %add3A_96, %add3A_97 : i32
        %dma_wait3A = arith.constant 0 : i32
        %dma_wait3A_99 = tpu.memref_slice %arg12[%add3A_98, %dma_wait3A] : memref<160x128xi32, #tpu.memory_space<vmem>> -> memref<1x128xi32, #tpu.memory_space<vmem>>
        %dma_wait3A_100 = tpu.memref_squeeze %dma_wait3A_99 : memref<1x128xi32, #tpu.memory_space<vmem>> -> memref<128xi32, #tpu.memory_space<vmem>>
        %dma_wait3A_101 = arith.constant 0 : i32
        %dma_wait3A_102 = arith.constant 0 : i32
        %dma_wait3A_103 = tpu.memref_slice %arg5[%dma_wait3A_101, %dma_wait3A_102] : memref<10240x64xf32, #tpu.memory_space<hbm>> -> memref<10240x64xf32, #tpu.memory_space<hbm>>
        tpu.wait_indirect_dma semaphore(%arg19 : memref<!tpu.dma_semaphore, #tpu.memory_space<semaphore_mem>>) src(%dma_wait3A_103 : memref<10240x64xf32, #tpu.memory_space<hbm>>) dst(%arg14 : memref<128x64xf32, #tpu.memory_space<vmem>>)
        "tpu.region"() ({
          %run_scoped3A = tpu.sem_alloc : memref<!tpu.dma_semaphore, #tpu.memory_space<semaphore_mem>>
          %dma_start3A_155 = arith.constant 0 : i32
          %dma_start3A_156 = tpu.memref_slice %arg13[%add3A_98, %dma_start3A_155] : memref<160x128xi32, #tpu.memory_space<vmem>> -> memref<1x128xi32, #tpu.memory_space<vmem>>
          %dma_start3A_157 = tpu.memref_squeeze %dma_start3A_156 : memref<1x128xi32, #tpu.memory_space<vmem>> -> memref<128xi32, #tpu.memory_space<vmem>>
          %dma_start3A_158 = arith.constant 0 : i32
          %dma_start3A_159 = arith.constant 0 : i32
          %dma_start3A_160 = tpu.memref_slice %arg18[%dma_start3A_158, %dma_start3A_159] : memref<10240x64xf32, #tpu.memory_space<vmem_shared>> -> memref<10240x64xf32, #tpu.memory_space<vmem_shared>>
          tpu.enqueue_indirect_dma source(%arg14 : memref<128x64xf32, #tpu.memory_space<vmem>>) target(%dma_start3A_160 : memref<10240x64xf32, #tpu.memory_space<vmem_shared>>) offsets(%dma_start3A_157 : memref<128xi32, #tpu.memory_space<vmem>>) semaphore(%run_scoped3A : memref<!tpu.dma_semaphore, #tpu.memory_space<semaphore_mem>>) {add = true}
          %dma_wait3A_161 = arith.constant 0 : i32
          %dma_wait3A_162 = tpu.memref_slice %arg13[%add3A_98, %dma_wait3A_161] : memref<160x128xi32, #tpu.memory_space<vmem>> -> memref<1x128xi32, #tpu.memory_space<vmem>>
          %dma_wait3A_163 = tpu.memref_squeeze %dma_wait3A_162 : memref<1x128xi32, #tpu.memory_space<vmem>> -> memref<128xi32, #tpu.memory_space<vmem>>
          %dma_wait3A_164 = arith.constant 0 : i32
          %dma_wait3A_165 = arith.constant 0 : i32
          %dma_wait3A_166 = tpu.memref_slice %arg18[%dma_wait3A_164, %dma_wait3A_165] : memref<10240x64xf32, #tpu.memory_space<vmem_shared>> -> memref<10240x64xf32, #tpu.memory_space<vmem_shared>>
          tpu.wait_indirect_dma semaphore(%run_scoped3A : memref<!tpu.dma_semaphore, #tpu.memory_space<semaphore_mem>>) src(%arg14 : memref<128x64xf32, #tpu.memory_space<vmem>>) dst(%dma_wait3A_166 : memref<10240x64xf32, #tpu.memory_space<vmem_shared>>)
          tpu.yield
        }) : () -> ()
        %add3A_104 = arith.constant 4 : i32
        %add3A_105 = arith.addi %add3A_98, %add3A_104 : i32
        %lt3A = arith.constant 160 : i32
        %lt3A_106 = arith.cmpi slt, %add3A_105, %lt3A : i32
        %convert_element_type3A_107 = arith.extui %lt3A_106 : i1 to i32
        %cond3A_108 = arith.constant 0 : i32
        %cond3A_109 = arith.cmpi ne, %convert_element_type3A_107, %cond3A_108 : i32
        scf.if %cond3A_109 {
          %add3A_155 = arith.constant 4 : i32
          %add3A_156 = arith.addi %add3A_98, %add3A_155 : i32
          %dma_start3A_157 = arith.constant 0 : i32
          %dma_start3A_158 = tpu.memref_slice %arg12[%add3A_156, %dma_start3A_157] : memref<160x128xi32, #tpu.memory_space<vmem>> -> memref<1x128xi32, #tpu.memory_space<vmem>>
          %dma_start3A_159 = tpu.memref_squeeze %dma_start3A_158 : memref<1x128xi32, #tpu.memory_space<vmem>> -> memref<128xi32, #tpu.memory_space<vmem>>
          %dma_start3A_160 = arith.constant 0 : i32
          %dma_start3A_161 = arith.constant 0 : i32
          %dma_start3A_162 = tpu.memref_slice %arg5[%dma_start3A_160, %dma_start3A_161] : memref<10240x64xf32, #tpu.memory_space<hbm>> -> memref<10240x64xf32, #tpu.memory_space<hbm>>
          tpu.enqueue_indirect_dma source(%dma_start3A_162 : memref<10240x64xf32, #tpu.memory_space<hbm>>) target(%arg14 : memref<128x64xf32, #tpu.memory_space<vmem>>) offsets(%dma_start3A_159 : memref<128xi32, #tpu.memory_space<vmem>>) semaphore(%arg19 : memref<!tpu.dma_semaphore, #tpu.memory_space<semaphore_mem>>)
        } else {
        }
        %add3A_110 = arith.constant 1 : i32
        %add3A_111 = arith.addi %add3A_96, %add3A_110 : i32
        %dma_wait3A_112 = arith.constant 0 : i32
        %dma_wait3A_113 = tpu.memref_slice %arg12[%add3A_111, %dma_wait3A_112] : memref<160x128xi32, #tpu.memory_space<vmem>> -> memref<1x128xi32, #tpu.memory_space<vmem>>
        %dma_wait3A_114 = tpu.memref_squeeze %dma_wait3A_113 : memref<1x128xi32, #tpu.memory_space<vmem>> -> memref<128xi32, #tpu.memory_space<vmem>>
        %dma_wait3A_115 = arith.constant 0 : i32
        %dma_wait3A_116 = arith.constant 0 : i32
        %dma_wait3A_117 = tpu.memref_slice %arg5[%dma_wait3A_115, %dma_wait3A_116] : memref<10240x64xf32, #tpu.memory_space<hbm>> -> memref<10240x64xf32, #tpu.memory_space<hbm>>
        tpu.wait_indirect_dma semaphore(%arg20 : memref<!tpu.dma_semaphore, #tpu.memory_space<semaphore_mem>>) src(%dma_wait3A_117 : memref<10240x64xf32, #tpu.memory_space<hbm>>) dst(%arg15 : memref<128x64xf32, #tpu.memory_space<vmem>>)
        "tpu.region"() ({
          %run_scoped3A = tpu.sem_alloc : memref<!tpu.dma_semaphore, #tpu.memory_space<semaphore_mem>>
          %dma_start3A_155 = arith.constant 0 : i32
          %dma_start3A_156 = tpu.memref_slice %arg13[%add3A_111, %dma_start3A_155] : memref<160x128xi32, #tpu.memory_space<vmem>> -> memref<1x128xi32, #tpu.memory_space<vmem>>
          %dma_start3A_157 = tpu.memref_squeeze %dma_start3A_156 : memref<1x128xi32, #tpu.memory_space<vmem>> -> memref<128xi32, #tpu.memory_space<vmem>>
          %dma_start3A_158 = arith.constant 0 : i32
          %dma_start3A_159 = arith.constant 0 : i32
          %dma_start3A_160 = tpu.memref_slice %arg18[%dma_start3A_158, %dma_start3A_159] : memref<10240x64xf32, #tpu.memory_space<vmem_shared>> -> memref<10240x64xf32, #tpu.memory_space<vmem_shared>>
          tpu.enqueue_indirect_dma source(%arg15 : memref<128x64xf32, #tpu.memory_space<vmem>>) target(%dma_start3A_160 : memref<10240x64xf32, #tpu.memory_space<vmem_shared>>) offsets(%dma_start3A_157 : memref<128xi32, #tpu.memory_space<vmem>>) semaphore(%run_scoped3A : memref<!tpu.dma_semaphore, #tpu.memory_space<semaphore_mem>>) {add = true}
          %dma_wait3A_161 = arith.constant 0 : i32
          %dma_wait3A_162 = tpu.memref_slice %arg13[%add3A_111, %dma_wait3A_161] : memref<160x128xi32, #tpu.memory_space<vmem>> -> memref<1x128xi32, #tpu.memory_space<vmem>>
          %dma_wait3A_163 = tpu.memref_squeeze %dma_wait3A_162 : memref<1x128xi32, #tpu.memory_space<vmem>> -> memref<128xi32, #tpu.memory_space<vmem>>
          %dma_wait3A_164 = arith.constant 0 : i32
          %dma_wait3A_165 = arith.constant 0 : i32
          %dma_wait3A_166 = tpu.memref_slice %arg18[%dma_wait3A_164, %dma_wait3A_165] : memref<10240x64xf32, #tpu.memory_space<vmem_shared>> -> memref<10240x64xf32, #tpu.memory_space<vmem_shared>>
          tpu.wait_indirect_dma semaphore(%run_scoped3A : memref<!tpu.dma_semaphore, #tpu.memory_space<semaphore_mem>>) src(%arg15 : memref<128x64xf32, #tpu.memory_space<vmem>>) dst(%dma_wait3A_166 : memref<10240x64xf32, #tpu.memory_space<vmem_shared>>)
          tpu.yield
        }) : () -> ()
        %add3A_118 = arith.constant 4 : i32
        %add3A_119 = arith.addi %add3A_111, %add3A_118 : i32
        %lt3A_120 = arith.constant 160 : i32
        %lt3A_121 = arith.cmpi slt, %add3A_119, %lt3A_120 : i32
        %convert_element_type3A_122 = arith.extui %lt3A_121 : i1 to i32
        %cond3A_123 = arith.constant 0 : i32
        %cond3A_124 = arith.cmpi ne, %convert_element_type3A_122, %cond3A_123 : i32
        scf.if %cond3A_124 {
          %add3A_155 = arith.constant 4 : i32
          %add3A_156 = arith.addi %add3A_111, %add3A_155 : i32
          %dma_start3A_157 = arith.constant 0 : i32
          %dma_start3A_158 = tpu.memref_slice %arg12[%add3A_156, %dma_start3A_157] : memref<160x128xi32, #tpu.memory_space<vmem>> -> memref<1x128xi32, #tpu.memory_space<vmem>>
          %dma_start3A_159 = tpu.memref_squeeze %dma_start3A_158 : memref<1x128xi32, #tpu.memory_space<vmem>> -> memref<128xi32, #tpu.memory_space<vmem>>
          %dma_start3A_160 = arith.constant 0 : i32
          %dma_start3A_161 = arith.constant 0 : i32
          %dma_start3A_162 = tpu.memref_slice %arg5[%dma_start3A_160, %dma_start3A_161] : memref<10240x64xf32, #tpu.memory_space<hbm>> -> memref<10240x64xf32, #tpu.memory_space<hbm>>
          tpu.enqueue_indirect_dma source(%dma_start3A_162 : memref<10240x64xf32, #tpu.memory_space<hbm>>) target(%arg15 : memref<128x64xf32, #tpu.memory_space<vmem>>) offsets(%dma_start3A_159 : memref<128xi32, #tpu.memory_space<vmem>>) semaphore(%arg20 : memref<!tpu.dma_semaphore, #tpu.memory_space<semaphore_mem>>)
        } else {
        }
        %add3A_125 = arith.constant 2 : i32
        %add3A_126 = arith.addi %add3A_96, %add3A_125 : i32
        %dma_wait3A_127 = arith.constant 0 : i32
        %dma_wait3A_128 = tpu.memref_slice %arg12[%add3A_126, %dma_wait3A_127] : memref<160x128xi32, #tpu.memory_space<vmem>> -> memref<1x128xi32, #tpu.memory_space<vmem>>
        %dma_wait3A_129 = tpu.memref_squeeze %dma_wait3A_128 : memref<1x128xi32, #tpu.memory_space<vmem>> -> memref<128xi32, #tpu.memory_space<vmem>>
        %dma_wait3A_130 = arith.constant 0 : i32
        %dma_wait3A_131 = arith.constant 0 : i32
        %dma_wait3A_132 = tpu.memref_slice %arg5[%dma_wait3A_130, %dma_wait3A_131] : memref<10240x64xf32, #tpu.memory_space<hbm>> -> memref<10240x64xf32, #tpu.memory_space<hbm>>
        tpu.wait_indirect_dma semaphore(%arg21 : memref<!tpu.dma_semaphore, #tpu.memory_space<semaphore_mem>>) src(%dma_wait3A_132 : memref<10240x64xf32, #tpu.memory_space<hbm>>) dst(%arg16 : memref<128x64xf32, #tpu.memory_space<vmem>>)
        "tpu.region"() ({
          %run_scoped3A = tpu.sem_alloc : memref<!tpu.dma_semaphore, #tpu.memory_space<semaphore_mem>>
          %dma_start3A_155 = arith.constant 0 : i32
          %dma_start3A_156 = tpu.memref_slice %arg13[%add3A_126, %dma_start3A_155] : memref<160x128xi32, #tpu.memory_space<vmem>> -> memref<1x128xi32, #tpu.memory_space<vmem>>
          %dma_start3A_157 = tpu.memref_squeeze %dma_start3A_156 : memref<1x128xi32, #tpu.memory_space<vmem>> -> memref<128xi32, #tpu.memory_space<vmem>>
          %dma_start3A_158 = arith.constant 0 : i32
          %dma_start3A_159 = arith.constant 0 : i32
          %dma_start3A_160 = tpu.memref_slice %arg18[%dma_start3A_158, %dma_start3A_159] : memref<10240x64xf32, #tpu.memory_space<vmem_shared>> -> memref<10240x64xf32, #tpu.memory_space<vmem_shared>>
          tpu.enqueue_indirect_dma source(%arg16 : memref<128x64xf32, #tpu.memory_space<vmem>>) target(%dma_start3A_160 : memref<10240x64xf32, #tpu.memory_space<vmem_shared>>) offsets(%dma_start3A_157 : memref<128xi32, #tpu.memory_space<vmem>>) semaphore(%run_scoped3A : memref<!tpu.dma_semaphore, #tpu.memory_space<semaphore_mem>>) {add = true}
          %dma_wait3A_161 = arith.constant 0 : i32
          %dma_wait3A_162 = tpu.memref_slice %arg13[%add3A_126, %dma_wait3A_161] : memref<160x128xi32, #tpu.memory_space<vmem>> -> memref<1x128xi32, #tpu.memory_space<vmem>>
          %dma_wait3A_163 = tpu.memref_squeeze %dma_wait3A_162 : memref<1x128xi32, #tpu.memory_space<vmem>> -> memref<128xi32, #tpu.memory_space<vmem>>
          %dma_wait3A_164 = arith.constant 0 : i32
          %dma_wait3A_165 = arith.constant 0 : i32
          %dma_wait3A_166 = tpu.memref_slice %arg18[%dma_wait3A_164, %dma_wait3A_165] : memref<10240x64xf32, #tpu.memory_space<vmem_shared>> -> memref<10240x64xf32, #tpu.memory_space<vmem_shared>>
          tpu.wait_indirect_dma semaphore(%run_scoped3A : memref<!tpu.dma_semaphore, #tpu.memory_space<semaphore_mem>>) src(%arg16 : memref<128x64xf32, #tpu.memory_space<vmem>>) dst(%dma_wait3A_166 : memref<10240x64xf32, #tpu.memory_space<vmem_shared>>)
          tpu.yield
        }) : () -> ()
        %add3A_133 = arith.constant 4 : i32
        %add3A_134 = arith.addi %add3A_126, %add3A_133 : i32
        %lt3A_135 = arith.constant 160 : i32
        %lt3A_136 = arith.cmpi slt, %add3A_134, %lt3A_135 : i32
        %convert_element_type3A_137 = arith.extui %lt3A_136 : i1 to i32
        %cond3A_138 = arith.constant 0 : i32
        %cond3A_139 = arith.cmpi ne, %convert_element_type3A_137, %cond3A_138 : i32
        scf.if %cond3A_139 {
          %add3A_155 = arith.constant 4 : i32
          %add3A_156 = arith.addi %add3A_126, %add3A_155 : i32
          %dma_start3A_157 = arith.constant 0 : i32
          %dma_start3A_158 = tpu.memref_slice %arg12[%add3A_156, %dma_start3A_157] : memref<160x128xi32, #tpu.memory_space<vmem>> -> memref<1x128xi32, #tpu.memory_space<vmem>>
          %dma_start3A_159 = tpu.memref_squeeze %dma_start3A_158 : memref<1x128xi32, #tpu.memory_space<vmem>> -> memref<128xi32, #tpu.memory_space<vmem>>
          %dma_start3A_160 = arith.constant 0 : i32
          %dma_start3A_161 = arith.constant 0 : i32
          %dma_start3A_162 = tpu.memref_slice %arg5[%dma_start3A_160, %dma_start3A_161] : memref<10240x64xf32, #tpu.memory_space<hbm>> -> memref<10240x64xf32, #tpu.memory_space<hbm>>
          tpu.enqueue_indirect_dma source(%dma_start3A_162 : memref<10240x64xf32, #tpu.memory_space<hbm>>) target(%arg16 : memref<128x64xf32, #tpu.memory_space<vmem>>) offsets(%dma_start3A_159 : memref<128xi32, #tpu.memory_space<vmem>>) semaphore(%arg21 : memref<!tpu.dma_semaphore, #tpu.memory_space<semaphore_mem>>)
        } else {
        }
        %add3A_140 = arith.constant 3 : i32
        %add3A_141 = arith.addi %add3A_96, %add3A_140 : i32
        %dma_wait3A_142 = arith.constant 0 : i32
        %dma_wait3A_143 = tpu.memref_slice %arg12[%add3A_141, %dma_wait3A_142] : memref<160x128xi32, #tpu.memory_space<vmem>> -> memref<1x128xi32, #tpu.memory_space<vmem>>
        %dma_wait3A_144 = tpu.memref_squeeze %dma_wait3A_143 : memref<1x128xi32, #tpu.memory_space<vmem>> -> memref<128xi32, #tpu.memory_space<vmem>>
        %dma_wait3A_145 = arith.constant 0 : i32
        %dma_wait3A_146 = arith.constant 0 : i32
        %dma_wait3A_147 = tpu.memref_slice %arg5[%dma_wait3A_145, %dma_wait3A_146] : memref<10240x64xf32, #tpu.memory_space<hbm>> -> memref<10240x64xf32, #tpu.memory_space<hbm>>
        tpu.wait_indirect_dma semaphore(%arg22 : memref<!tpu.dma_semaphore, #tpu.memory_space<semaphore_mem>>) src(%dma_wait3A_147 : memref<10240x64xf32, #tpu.memory_space<hbm>>) dst(%arg17 : memref<128x64xf32, #tpu.memory_space<vmem>>)
        "tpu.region"() ({
          %run_scoped3A = tpu.sem_alloc : memref<!tpu.dma_semaphore, #tpu.memory_space<semaphore_mem>>
          %dma_start3A_155 = arith.constant 0 : i32
          %dma_start3A_156 = tpu.memref_slice %arg13[%add3A_141, %dma_start3A_155] : memref<160x128xi32, #tpu.memory_space<vmem>> -> memref<1x128xi32, #tpu.memory_space<vmem>>
          %dma_start3A_157 = tpu.memref_squeeze %dma_start3A_156 : memref<1x128xi32, #tpu.memory_space<vmem>> -> memref<128xi32, #tpu.memory_space<vmem>>
          %dma_start3A_158 = arith.constant 0 : i32
          %dma_start3A_159 = arith.constant 0 : i32
          %dma_start3A_160 = tpu.memref_slice %arg18[%dma_start3A_158, %dma_start3A_159] : memref<10240x64xf32, #tpu.memory_space<vmem_shared>> -> memref<10240x64xf32, #tpu.memory_space<vmem_shared>>
          tpu.enqueue_indirect_dma source(%arg17 : memref<128x64xf32, #tpu.memory_space<vmem>>) target(%dma_start3A_160 : memref<10240x64xf32, #tpu.memory_space<vmem_shared>>) offsets(%dma_start3A_157 : memref<128xi32, #tpu.memory_space<vmem>>) semaphore(%run_scoped3A : memref<!tpu.dma_semaphore, #tpu.memory_space<semaphore_mem>>) {add = true}
          %dma_wait3A_161 = arith.constant 0 : i32
          %dma_wait3A_162 = tpu.memref_slice %arg13[%add3A_141, %dma_wait3A_161] : memref<160x128xi32, #tpu.memory_space<vmem>> -> memref<1x128xi32, #tpu.memory_space<vmem>>
          %dma_wait3A_163 = tpu.memref_squeeze %dma_wait3A_162 : memref<1x128xi32, #tpu.memory_space<vmem>> -> memref<128xi32, #tpu.memory_space<vmem>>
          %dma_wait3A_164 = arith.constant 0 : i32
          %dma_wait3A_165 = arith.constant 0 : i32
          %dma_wait3A_166 = tpu.memref_slice %arg18[%dma_wait3A_164, %dma_wait3A_165] : memref<10240x64xf32, #tpu.memory_space<vmem_shared>> -> memref<10240x64xf32, #tpu.memory_space<vmem_shared>>
          tpu.wait_indirect_dma semaphore(%run_scoped3A : memref<!tpu.dma_semaphore, #tpu.memory_space<semaphore_mem>>) src(%arg17 : memref<128x64xf32, #tpu.memory_space<vmem>>) dst(%dma_wait3A_166 : memref<10240x64xf32, #tpu.memory_space<vmem_shared>>)
          tpu.yield
        }) : () -> ()
        %add3A_148 = arith.constant 4 : i32
        %add3A_149 = arith.addi %add3A_141, %add3A_148 : i32
        %lt3A_150 = arith.constant 160 : i32
        %lt3A_151 = arith.cmpi slt, %add3A_149, %lt3A_150 : i32
        %convert_element_type3A_152 = arith.extui %lt3A_151 : i1 to i32
        %cond3A_153 = arith.constant 0 : i32
        %cond3A_154 = arith.cmpi ne, %convert_element_type3A_152, %cond3A_153 : i32
        scf.if %cond3A_154 {
          %add3A_155 = arith.constant 4 : i32
          %add3A_156 = arith.addi %add3A_141, %add3A_155 : i32
          %dma_start3A_157 = arith.constant 0 : i32
          %dma_start3A_158 = tpu.memref_slice %arg12[%add3A_156, %dma_start3A_157] : memref<160x128xi32, #tpu.memory_space<vmem>> -> memref<1x128xi32, #tpu.memory_space<vmem>>
          %dma_start3A_159 = tpu.memref_squeeze %dma_start3A_158 : memref<1x128xi32, #tpu.memory_space<vmem>> -> memref<128xi32, #tpu.memory_space<vmem>>
          %dma_start3A_160 = arith.constant 0 : i32
          %dma_start3A_161 = arith.constant 0 : i32
          %dma_start3A_162 = tpu.memref_slice %arg5[%dma_start3A_160, %dma_start3A_161] : memref<10240x64xf32, #tpu.memory_space<hbm>> -> memref<10240x64xf32, #tpu.memory_space<hbm>>
          tpu.enqueue_indirect_dma source(%dma_start3A_162 : memref<10240x64xf32, #tpu.memory_space<hbm>>) target(%arg17 : memref<128x64xf32, #tpu.memory_space<vmem>>) offsets(%dma_start3A_159 : memref<128xi32, #tpu.memory_space<vmem>>) semaphore(%arg22 : memref<!tpu.dma_semaphore, #tpu.memory_space<semaphore_mem>>)
        } else {
        }
      }
      %scan3A_87 = arith.constant 40 : i32
      %barrier3A_88 = arith.constant 0 : index
      tpu.barrier barrier_id(%barrier3A_88)
      %mul3A_89 = arith.constant 640 : i32
      %mul3A_90 = arith.muli %arg1, %mul3A_89 : i32
      %mul3A_91 = arith.constant 640 : i32
      %mul3A_92 = arith.muli %arg1, %mul3A_91 : i32
      "tpu.region"() ({
        %run_scoped3A = tpu.sem_alloc : memref<!tpu.dma_semaphore, #tpu.memory_space<semaphore_mem>>
        %dma_start3A_93 = arith.constant 0 : i32
        %dma_start3A_94 = tpu.memref_slice %arg11[%mul3A_92, %dma_start3A_93] : memref<10240x64xf32, #tpu.memory_space<hbm>> -> memref<640x64xf32, #tpu.memory_space<hbm>>
        %dma_start3A_95 = arith.constant 0 : i32
        %dma_start3A_96 = tpu.memref_slice %arg18[%mul3A_90, %dma_start3A_95] : memref<10240x64xf32, #tpu.memory_space<vmem_shared>> -> memref<640x64xf32, #tpu.memory_space<vmem_shared>>
        tpu.enqueue_dma source(%dma_start3A_96 : memref<640x64xf32, #tpu.memory_space<vmem_shared>>) target(%dma_start3A_94 : memref<640x64xf32, #tpu.memory_space<hbm>>) target_semaphore(%run_scoped3A : memref<!tpu.dma_semaphore, #tpu.memory_space<semaphore_mem>>)
        %dma_wait3A = arith.constant 0 : i32
        %dma_wait3A_97 = tpu.memref_slice %arg11[%mul3A_92, %dma_wait3A] : memref<10240x64xf32, #tpu.memory_space<hbm>> -> memref<640x64xf32, #tpu.memory_space<hbm>>
        %dma_wait3A_98 = arith.constant 0 : i32
        %dma_wait3A_99 = tpu.memref_slice %arg18[%mul3A_90, %dma_wait3A_98] : memref<10240x64xf32, #tpu.memory_space<vmem_shared>> -> memref<640x64xf32, #tpu.memory_space<vmem_shared>>
        tpu.wait_dma2 semaphore(%run_scoped3A : memref<!tpu.dma_semaphore, #tpu.memory_space<semaphore_mem>>) src(%dma_wait3A_99 : memref<640x64xf32, #tpu.memory_space<vmem_shared>>) dst(%dma_wait3A_97 : memref<640x64xf32, #tpu.memory_space<hbm>>)
        tpu.yield
      }) : () -> ()
    } else {
    }
    return
  }
}

#map = affine_map<(d0, d1) -> (0, 0)>
module attributes {stable_mosaic.version = 14 : i64} {
  func.func @k(%arg0: i32, %arg1: i32, %arg2: memref<10240x64xf32, #tpu.memory_space<hbm>>, %arg3: memref<10240x64xf32, #tpu.memory_space<hbm>>, %arg4: memref<10240x64xf32, #tpu.memory_space<hbm>>, %arg5: memref<10240x64xf32, #tpu.memory_space<hbm>>, %arg6: memref<2560x128xi32, #tpu.memory_space<hbm>>, %arg7: memref<2560x128xi32, #tpu.memory_space<hbm>>, %arg8: memref<10240x64xf32, #tpu.memory_space<hbm>>, %arg9: memref<10240x64xf32, #tpu.memory_space<hbm>>, %arg10: memref<10240x64xf32, #tpu.memory_space<hbm>>, %arg11: memref<10240x64xf32, #tpu.memory_space<hbm>>, %arg12: memref<160x128xi32, #tpu.memory_space<vmem>>, %arg13: memref<160x128xi32, #tpu.memory_space<vmem>>, %arg14: memref<128x64xf32, #tpu.memory_space<vmem>>, %arg15: memref<128x64xf32, #tpu.memory_space<vmem>>, %arg16: memref<128x64xf32, #tpu.memory_space<vmem>>, %arg17: memref<128x64xf32, #tpu.memory_space<vmem>>, %arg18: memref<10240x64xf32, #tpu.memory_space<vmem_shared>>, %arg19: memref<!tpu.dma_semaphore, #tpu.memory_space<semaphore_mem>>, %arg20: memref<!tpu.dma_semaphore, #tpu.memory_space<semaphore_mem>>, %arg21: memref<!tpu.dma_semaphore, #tpu.memory_space<semaphore_mem>>, %arg22: memref<!tpu.dma_semaphore, #tpu.memory_space<semaphore_mem>>, %arg23: memref<!tpu.dma_semaphore, #tpu.memory_space<semaphore_mem>>, %arg24: memref<!tpu.dma_semaphore, #tpu.memory_space<semaphore_mem>>, %arg25: memref<!tpu.dma_semaphore, #tpu.memory_space<semaphore_mem>>, %arg26: memref<!tpu.dma_semaphore, #tpu.memory_space<semaphore_mem>>) attributes {dimension_semantics = [#tpu.dimension_semantics<core_parallel>, #tpu.dimension_semantics<subcore_parallel>], iteration_bounds = array<i64: 2, 16>, scalar_prefetch = 0 : i64, scratch_operands = 15 : i64, tpu.core_type = #tpu.core_type<sc_vector_subcore>, window_params = [{transform_indices = #map}, {transform_indices = #map}, {transform_indices = #map}, {transform_indices = #map}, {transform_indices = #map}, {transform_indices = #map}, {transform_indices = #map}, {transform_indices = #map}, {transform_indices = #map}, {transform_indices = #map}]} {
    %mul3A = arith.constant 160 : i32
    %mul3A_0 = arith.muli %arg1, %mul3A : i32
    "tpu.region"() ({
      %run_scoped3A = tpu.sem_alloc : memref<!tpu.dma_semaphore, #tpu.memory_space<semaphore_mem>>
      %dma_start3A = arith.constant 0 : i32
      %dma_start3A_10 = tpu.memref_slice %arg6[%mul3A_0, %dma_start3A] : memref<2560x128xi32, #tpu.memory_space<hbm>> -> memref<160x128xi32, #tpu.memory_space<hbm>>
      %dma_start3A_11 = arith.constant 0 : i32
      %dma_start3A_12 = tpu.memref_slice %arg6[%mul3A_0, %dma_start3A_11] : memref<2560x128xi32, #tpu.memory_space<hbm>> -> memref<160x128xi32, #tpu.memory_space<hbm>>
      tpu.enqueue_dma source(%dma_start3A_12 : memref<160x128xi32, #tpu.memory_space<hbm>>) target(%arg12 : memref<160x128xi32, #tpu.memory_space<vmem>>) target_semaphore(%run_scoped3A : memref<!tpu.dma_semaphore, #tpu.memory_space<semaphore_mem>>)
      %dma_wait3A = arith.constant 0 : i32
      %dma_wait3A_13 = tpu.memref_slice %arg6[%mul3A_0, %dma_wait3A] : memref<2560x128xi32, #tpu.memory_space<hbm>> -> memref<160x128xi32, #tpu.memory_space<hbm>>
      %dma_wait3A_14 = arith.constant 0 : i32
      %dma_wait3A_15 = tpu.memref_slice %arg6[%mul3A_0, %dma_wait3A_14] : memref<2560x128xi32, #tpu.memory_space<hbm>> -> memref<160x128xi32, #tpu.memory_space<hbm>>
      tpu.wait_dma2 semaphore(%run_scoped3A : memref<!tpu.dma_semaphore, #tpu.memory_space<semaphore_mem>>) src(%dma_wait3A_15 : memref<160x128xi32, #tpu.memory_space<hbm>>) dst(%arg12 : memref<160x128xi32, #tpu.memory_space<vmem>>)
      tpu.yield
    }) : () -> ()
    %mul3A_1 = arith.constant 160 : i32
    %mul3A_2 = arith.muli %arg1, %mul3A_1 : i32
    "tpu.region"() ({
      %run_scoped3A = tpu.sem_alloc : memref<!tpu.dma_semaphore, #tpu.memory_space<semaphore_mem>>
      %dma_start3A = arith.constant 0 : i32
      %dma_start3A_10 = tpu.memref_slice %arg7[%mul3A_2, %dma_start3A] : memref<2560x128xi32, #tpu.memory_space<hbm>> -> memref<160x128xi32, #tpu.memory_space<hbm>>
      %dma_start3A_11 = arith.constant 0 : i32
      %dma_start3A_12 = tpu.memref_slice %arg7[%mul3A_2, %dma_start3A_11] : memref<2560x128xi32, #tpu.memory_space<hbm>> -> memref<160x128xi32, #tpu.memory_space<hbm>>
      tpu.enqueue_dma source(%dma_start3A_12 : memref<160x128xi32, #tpu.memory_space<hbm>>) target(%arg13 : memref<160x128xi32, #tpu.memory_space<vmem>>) target_semaphore(%run_scoped3A : memref<!tpu.dma_semaphore, #tpu.memory_space<semaphore_mem>>)
      %dma_wait3A = arith.constant 0 : i32
      %dma_wait3A_13 = tpu.memref_slice %arg7[%mul3A_2, %dma_wait3A] : memref<2560x128xi32, #tpu.memory_space<hbm>> -> memref<160x128xi32, #tpu.memory_space<hbm>>
      %dma_wait3A_14 = arith.constant 0 : i32
      %dma_wait3A_15 = tpu.memref_slice %arg7[%mul3A_2, %dma_wait3A_14] : memref<2560x128xi32, #tpu.memory_space<hbm>> -> memref<160x128xi32, #tpu.memory_space<hbm>>
      tpu.wait_dma2 semaphore(%run_scoped3A : memref<!tpu.dma_semaphore, #tpu.memory_space<semaphore_mem>>) src(%dma_wait3A_15 : memref<160x128xi32, #tpu.memory_space<hbm>>) dst(%arg13 : memref<160x128xi32, #tpu.memory_space<vmem>>)
      tpu.yield
    }) : () -> ()
    %eq3A = arith.constant 0 : i32
    %eq3A_3 = arith.cmpi eq, %arg0, %eq3A : i32
    %convert_element_type3A = arith.extui %eq3A_3 : i1 to i32
    %cond3A = arith.constant 0 : i32
    %cond3A_4 = arith.cmpi ne, %convert_element_type3A, %cond3A : i32
    scf.if %cond3A_4 {
      %mul3A_10 = arith.constant 640 : i32
      %mul3A_11 = arith.muli %arg1, %mul3A_10 : i32
      %mul3A_12 = arith.constant 640 : i32
      %mul3A_13 = arith.muli %arg1, %mul3A_12 : i32
      "tpu.region"() ({
        %run_scoped3A = tpu.sem_alloc : memref<!tpu.dma_semaphore, #tpu.memory_space<semaphore_mem>>
        %dma_start3A_93 = arith.constant 0 : i32
        %dma_start3A_94 = tpu.memref_slice %arg18[%mul3A_13, %dma_start3A_93] : memref<10240x64xf32, #tpu.memory_space<vmem_shared>> -> memref<640x64xf32, #tpu.memory_space<vmem_shared>>
        %dma_start3A_95 = arith.constant 0 : i32
        %dma_start3A_96 = tpu.memref_slice %arg2[%mul3A_11, %dma_start3A_95] : memref<10240x64xf32, #tpu.memory_space<hbm>> -> memref<640x64xf32, #tpu.memory_space<hbm>>
        tpu.enqueue_dma source(%dma_start3A_96 : memref<640x64xf32, #tpu.memory_space<hbm>>) target(%dma_start3A_94 : memref<640x64xf32, #tpu.memory_space<vmem_shared>>) target_semaphore(%run_scoped3A : memref<!tpu.dma_semaphore, #tpu.memory_space<semaphore_mem>>)
        %dma_wait3A = arith.constant 0 : i32
        %dma_wait3A_97 = tpu.memref_slice %arg18[%mul3A_13, %dma_wait3A] : memref<10240x64xf32, #tpu.memory_space<vmem_shared>> -> memref<640x64xf32, #tpu.memory_space<vmem_shared>>
        %dma_wait3A_98 = arith.constant 0 : i32
        %dma_wait3A_99 = tpu.memref_slice %arg2[%mul3A_11, %dma_wait3A_98] : memref<10240x64xf32, #tpu.memory_space<hbm>> -> memref<640x64xf32, #tpu.memory_space<hbm>>
        tpu.wait_dma2 semaphore(%run_scoped3A : memref<!tpu.dma_semaphore, #tpu.memory_space<semaphore_mem>>) src(%dma_wait3A_99 : memref<640x64xf32, #tpu.memory_space<hbm>>) dst(%dma_wait3A_97 : memref<640x64xf32, #tpu.memory_space<vmem_shared>>)
        tpu.yield
      }) : () -> ()
      %barrier3A = arith.constant 0 : index
      tpu.barrier barrier_id(%barrier3A)
      %dma_start3A = arith.constant 0 : i32
      %dma_start3A_14 = arith.constant 0 : i32
      %dma_start3A_15 = tpu.memref_slice %arg12[%dma_start3A, %dma_start3A_14] : memref<160x128xi32, #tpu.memory_space<vmem>> -> memref<1x128xi32, #tpu.memory_space<vmem>>
      %dma_start3A_16 = tpu.memref_squeeze %dma_start3A_15 : memref<1x128xi32, #tpu.memory_space<vmem>> -> memref<128xi32, #tpu.memory_space<vmem>>
      %dma_start3A_17 = arith.constant 0 : i32
      %dma_start3A_18 = arith.constant 0 : i32
      %dma_start3A_19 = tpu.memref_slice %arg2[%dma_start3A_17, %dma_start3A_18] : memref<10240x64xf32, #tpu.memory_space<hbm>> -> memref<10240x64xf32, #tpu.memory_space<hbm>>
      tpu.enqueue_indirect_dma source(%dma_start3A_19 : memref<10240x64xf32, #tpu.memory_space<hbm>>) target(%arg14 : memref<128x64xf32, #tpu.memory_space<vmem>>) offsets(%dma_start3A_16 : memref<128xi32, #tpu.memory_space<vmem>>) semaphore(%arg19 : memref<!tpu.dma_semaphore, #tpu.memory_space<semaphore_mem>>)
      %dma_start3A_20 = arith.constant 1 : i32
      %dma_start3A_21 = arith.constant 0 : i32
      %dma_start3A_22 = tpu.memref_slice %arg12[%dma_start3A_20, %dma_start3A_21] : memref<160x128xi32, #tpu.memory_space<vmem>> -> memref<1x128xi32, #tpu.memory_space<vmem>>
      %dma_start3A_23 = tpu.memref_squeeze %dma_start3A_22 : memref<1x128xi32, #tpu.memory_space<vmem>> -> memref<128xi32, #tpu.memory_space<vmem>>
      %dma_start3A_24 = arith.constant 0 : i32
      %dma_start3A_25 = arith.constant 0 : i32
      %dma_start3A_26 = tpu.memref_slice %arg2[%dma_start3A_24, %dma_start3A_25] : memref<10240x64xf32, #tpu.memory_space<hbm>> -> memref<10240x64xf32, #tpu.memory_space<hbm>>
      tpu.enqueue_indirect_dma source(%dma_start3A_26 : memref<10240x64xf32, #tpu.memory_space<hbm>>) target(%arg15 : memref<128x64xf32, #tpu.memory_space<vmem>>) offsets(%dma_start3A_23 : memref<128xi32, #tpu.memory_space<vmem>>) semaphore(%arg20 : memref<!tpu.dma_semaphore, #tpu.memory_space<semaphore_mem>>)
      %dma_start3A_27 = arith.constant 2 : i32
      %dma_start3A_28 = arith.constant 0 : i32
      %dma_start3A_29 = tpu.memref_slice %arg12[%dma_start3A_27, %dma_start3A_28] : memref<160x128xi32, #tpu.memory_space<vmem>> -> memref<1x128xi32, #tpu.memory_space<vmem>>
      %dma_start3A_30 = tpu.memref_squeeze %dma_start3A_29 : memref<1x128xi32, #tpu.memory_space<vmem>> -> memref<128xi32, #tpu.memory_space<vmem>>
      %dma_start3A_31 = arith.constant 0 : i32
      %dma_start3A_32 = arith.constant 0 : i32
      %dma_start3A_33 = tpu.memref_slice %arg2[%dma_start3A_31, %dma_start3A_32] : memref<10240x64xf32, #tpu.memory_space<hbm>> -> memref<10240x64xf32, #tpu.memory_space<hbm>>
      tpu.enqueue_indirect_dma source(%dma_start3A_33 : memref<10240x64xf32, #tpu.memory_space<hbm>>) target(%arg16 : memref<128x64xf32, #tpu.memory_space<vmem>>) offsets(%dma_start3A_30 : memref<128xi32, #tpu.memory_space<vmem>>) semaphore(%arg21 : memref<!tpu.dma_semaphore, #tpu.memory_space<semaphore_mem>>)
      %dma_start3A_34 = arith.constant 3 : i32
      %dma_start3A_35 = arith.constant 0 : i32
      %dma_start3A_36 = tpu.memref_slice %arg12[%dma_start3A_34, %dma_start3A_35] : memref<160x128xi32, #tpu.memory_space<vmem>> -> memref<1x128xi32, #tpu.memory_space<vmem>>
      %dma_start3A_37 = tpu.memref_squeeze %dma_start3A_36 : memref<1x128xi32, #tpu.memory_space<vmem>> -> memref<128xi32, #tpu.memory_space<vmem>>
      %dma_start3A_38 = arith.constant 0 : i32
      %dma_start3A_39 = arith.constant 0 : i32
      %dma_start3A_40 = tpu.memref_slice %arg2[%dma_start3A_38, %dma_start3A_39] : memref<10240x64xf32, #tpu.memory_space<hbm>> -> memref<10240x64xf32, #tpu.memory_space<hbm>>
      tpu.enqueue_indirect_dma source(%dma_start3A_40 : memref<10240x64xf32, #tpu.memory_space<hbm>>) target(%arg17 : memref<128x64xf32, #tpu.memory_space<vmem>>) offsets(%dma_start3A_37 : memref<128xi32, #tpu.memory_space<vmem>>) semaphore(%arg22 : memref<!tpu.dma_semaphore, #tpu.memory_space<semaphore_mem>>)
      %scan3A = arith.constant 0 : i32
      %scan3A_41 = arith.constant 40 : i32
      %scan3A_42 = arith.addi %scan3A, %scan3A_41 : i32
      %scan3A_43 = arith.constant 1 : i32
      scf.for %scan3A_93 = %scan3A to %scan3A_42 step %scan3A_43  : i32 {
        %mul3A_94 = arith.constant 4 : i32
        %mul3A_95 = arith.muli %scan3A_93, %mul3A_94 : i32
        %add3A = arith.constant 0 : i32
        %add3A_96 = arith.addi %add3A, %mul3A_95 : i32
        %add3A_97 = arith.constant 0 : i32
        %add3A_98 = arith.addi %add3A_96, %add3A_97 : i32
        %dma_wait3A = arith.constant 0 : i32
        %dma_wait3A_99 = tpu.memref_slice %arg12[%add3A_98, %dma_wait3A] : memref<160x128xi32, #tpu.memory_space<vmem>> -> memref<1x128xi32, #tpu.memory_space<vmem>>
        %dma_wait3A_100 = tpu.memref_squeeze %dma_wait3A_99 : memref<1x128xi32, #tpu.memory_space<vmem>> -> memref<128xi32, #tpu.memory_space<vmem>>
        %dma_wait3A_101 = arith.constant 0 : i32
        %dma_wait3A_102 = arith.constant 0 : i32
        %dma_wait3A_103 = tpu.memref_slice %arg2[%dma_wait3A_101, %dma_wait3A_102] : memref<10240x64xf32, #tpu.memory_space<hbm>> -> memref<10240x64xf32, #tpu.memory_space<hbm>>
        tpu.wait_indirect_dma semaphore(%arg19 : memref<!tpu.dma_semaphore, #tpu.memory_space<semaphore_mem>>) src(%dma_wait3A_103 : memref<10240x64xf32, #tpu.memory_space<hbm>>) dst(%arg14 : memref<128x64xf32, #tpu.memory_space<vmem>>)
        "tpu.region"() ({
          %run_scoped3A = tpu.sem_alloc : memref<!tpu.dma_semaphore, #tpu.memory_space<semaphore_mem>>
          %dma_start3A_155 = arith.constant 0 : i32
          %dma_start3A_156 = tpu.memref_slice %arg13[%add3A_98, %dma_start3A_155] : memref<160x128xi32, #tpu.memory_space<vmem>> -> memref<1x128xi32, #tpu.memory_space<vmem>>
          %dma_start3A_157 = tpu.memref_squeeze %dma_start3A_156 : memref<1x128xi32, #tpu.memory_space<vmem>> -> memref<128xi32, #tpu.memory_space<vmem>>
          %dma_start3A_158 = arith.constant 0 : i32
          %dma_start3A_159 = arith.constant 0 : i32
          %dma_start3A_160 = tpu.memref_slice %arg18[%dma_start3A_158, %dma_start3A_159] : memref<10240x64xf32, #tpu.memory_space<vmem_shared>> -> memref<10240x64xf32, #tpu.memory_space<vmem_shared>>
          tpu.enqueue_indirect_dma source(%arg14 : memref<128x64xf32, #tpu.memory_space<vmem>>) target(%dma_start3A_160 : memref<10240x64xf32, #tpu.memory_space<vmem_shared>>) offsets(%dma_start3A_157 : memref<128xi32, #tpu.memory_space<vmem>>) semaphore(%run_scoped3A : memref<!tpu.dma_semaphore, #tpu.memory_space<semaphore_mem>>) {add = true}
          %dma_wait3A_161 = arith.constant 0 : i32
          %dma_wait3A_162 = tpu.memref_slice %arg13[%add3A_98, %dma_wait3A_161] : memref<160x128xi32, #tpu.memory_space<vmem>> -> memref<1x128xi32, #tpu.memory_space<vmem>>
          %dma_wait3A_163 = tpu.memref_squeeze %dma_wait3A_162 : memref<1x128xi32, #tpu.memory_space<vmem>> -> memref<128xi32, #tpu.memory_space<vmem>>
          %dma_wait3A_164 = arith.constant 0 : i32
          %dma_wait3A_165 = arith.constant 0 : i32
          %dma_wait3A_166 = tpu.memref_slice %arg18[%dma_wait3A_164, %dma_wait3A_165] : memref<10240x64xf32, #tpu.memory_space<vmem_shared>> -> memref<10240x64xf32, #tpu.memory_space<vmem_shared>>
          tpu.wait_indirect_dma semaphore(%run_scoped3A : memref<!tpu.dma_semaphore, #tpu.memory_space<semaphore_mem>>) src(%arg14 : memref<128x64xf32, #tpu.memory_space<vmem>>) dst(%dma_wait3A_166 : memref<10240x64xf32, #tpu.memory_space<vmem_shared>>)
          tpu.yield
        }) : () -> ()
        %add3A_104 = arith.constant 4 : i32
        %add3A_105 = arith.addi %add3A_98, %add3A_104 : i32
        %lt3A = arith.constant 160 : i32
        %lt3A_106 = arith.cmpi slt, %add3A_105, %lt3A : i32
        %convert_element_type3A_107 = arith.extui %lt3A_106 : i1 to i32
        %cond3A_108 = arith.constant 0 : i32
        %cond3A_109 = arith.cmpi ne, %convert_element_type3A_107, %cond3A_108 : i32
        scf.if %cond3A_109 {
          %add3A_155 = arith.constant 4 : i32
          %add3A_156 = arith.addi %add3A_98, %add3A_155 : i32
          %dma_start3A_157 = arith.constant 0 : i32
          %dma_start3A_158 = tpu.memref_slice %arg12[%add3A_156, %dma_start3A_157] : memref<160x128xi32, #tpu.memory_space<vmem>> -> memref<1x128xi32, #tpu.memory_space<vmem>>
          %dma_start3A_159 = tpu.memref_squeeze %dma_start3A_158 : memref<1x128xi32, #tpu.memory_space<vmem>> -> memref<128xi32, #tpu.memory_space<vmem>>
          %dma_start3A_160 = arith.constant 0 : i32
          %dma_start3A_161 = arith.constant 0 : i32
          %dma_start3A_162 = tpu.memref_slice %arg2[%dma_start3A_160, %dma_start3A_161] : memref<10240x64xf32, #tpu.memory_space<hbm>> -> memref<10240x64xf32, #tpu.memory_space<hbm>>
          tpu.enqueue_indirect_dma source(%dma_start3A_162 : memref<10240x64xf32, #tpu.memory_space<hbm>>) target(%arg14 : memref<128x64xf32, #tpu.memory_space<vmem>>) offsets(%dma_start3A_159 : memref<128xi32, #tpu.memory_space<vmem>>) semaphore(%arg19 : memref<!tpu.dma_semaphore, #tpu.memory_space<semaphore_mem>>)
        } else {
        }
        %add3A_110 = arith.constant 1 : i32
        %add3A_111 = arith.addi %add3A_96, %add3A_110 : i32
        %dma_wait3A_112 = arith.constant 0 : i32
        %dma_wait3A_113 = tpu.memref_slice %arg12[%add3A_111, %dma_wait3A_112] : memref<160x128xi32, #tpu.memory_space<vmem>> -> memref<1x128xi32, #tpu.memory_space<vmem>>
        %dma_wait3A_114 = tpu.memref_squeeze %dma_wait3A_113 : memref<1x128xi32, #tpu.memory_space<vmem>> -> memref<128xi32, #tpu.memory_space<vmem>>
        %dma_wait3A_115 = arith.constant 0 : i32
        %dma_wait3A_116 = arith.constant 0 : i32
        %dma_wait3A_117 = tpu.memref_slice %arg2[%dma_wait3A_115, %dma_wait3A_116] : memref<10240x64xf32, #tpu.memory_space<hbm>> -> memref<10240x64xf32, #tpu.memory_space<hbm>>
        tpu.wait_indirect_dma semaphore(%arg20 : memref<!tpu.dma_semaphore, #tpu.memory_space<semaphore_mem>>) src(%dma_wait3A_117 : memref<10240x64xf32, #tpu.memory_space<hbm>>) dst(%arg15 : memref<128x64xf32, #tpu.memory_space<vmem>>)
        "tpu.region"() ({
          %run_scoped3A = tpu.sem_alloc : memref<!tpu.dma_semaphore, #tpu.memory_space<semaphore_mem>>
          %dma_start3A_155 = arith.constant 0 : i32
          %dma_start3A_156 = tpu.memref_slice %arg13[%add3A_111, %dma_start3A_155] : memref<160x128xi32, #tpu.memory_space<vmem>> -> memref<1x128xi32, #tpu.memory_space<vmem>>
          %dma_start3A_157 = tpu.memref_squeeze %dma_start3A_156 : memref<1x128xi32, #tpu.memory_space<vmem>> -> memref<128xi32, #tpu.memory_space<vmem>>
          %dma_start3A_158 = arith.constant 0 : i32
          %dma_start3A_159 = arith.constant 0 : i32
          %dma_start3A_160 = tpu.memref_slice %arg18[%dma_start3A_158, %dma_start3A_159] : memref<10240x64xf32, #tpu.memory_space<vmem_shared>> -> memref<10240x64xf32, #tpu.memory_space<vmem_shared>>
          tpu.enqueue_indirect_dma source(%arg15 : memref<128x64xf32, #tpu.memory_space<vmem>>) target(%dma_start3A_160 : memref<10240x64xf32, #tpu.memory_space<vmem_shared>>) offsets(%dma_start3A_157 : memref<128xi32, #tpu.memory_space<vmem>>) semaphore(%run_scoped3A : memref<!tpu.dma_semaphore, #tpu.memory_space<semaphore_mem>>) {add = true}
          %dma_wait3A_161 = arith.constant 0 : i32
          %dma_wait3A_162 = tpu.memref_slice %arg13[%add3A_111, %dma_wait3A_161] : memref<160x128xi32, #tpu.memory_space<vmem>> -> memref<1x128xi32, #tpu.memory_space<vmem>>
          %dma_wait3A_163 = tpu.memref_squeeze %dma_wait3A_162 : memref<1x128xi32, #tpu.memory_space<vmem>> -> memref<128xi32, #tpu.memory_space<vmem>>
          %dma_wait3A_164 = arith.constant 0 : i32
          %dma_wait3A_165 = arith.constant 0 : i32
          %dma_wait3A_166 = tpu.memref_slice %arg18[%dma_wait3A_164, %dma_wait3A_165] : memref<10240x64xf32, #tpu.memory_space<vmem_shared>> -> memref<10240x64xf32, #tpu.memory_space<vmem_shared>>
          tpu.wait_indirect_dma semaphore(%run_scoped3A : memref<!tpu.dma_semaphore, #tpu.memory_space<semaphore_mem>>) src(%arg15 : memref<128x64xf32, #tpu.memory_space<vmem>>) dst(%dma_wait3A_166 : memref<10240x64xf32, #tpu.memory_space<vmem_shared>>)
          tpu.yield
        }) : () -> ()
        %add3A_118 = arith.constant 4 : i32
        %add3A_119 = arith.addi %add3A_111, %add3A_118 : i32
        %lt3A_120 = arith.constant 160 : i32
        %lt3A_121 = arith.cmpi slt, %add3A_119, %lt3A_120 : i32
        %convert_element_type3A_122 = arith.extui %lt3A_121 : i1 to i32
        %cond3A_123 = arith.constant 0 : i32
        %cond3A_124 = arith.cmpi ne, %convert_element_type3A_122, %cond3A_123 : i32
        scf.if %cond3A_124 {
          %add3A_155 = arith.constant 4 : i32
          %add3A_156 = arith.addi %add3A_111, %add3A_155 : i32
          %dma_start3A_157 = arith.constant 0 : i32
          %dma_start3A_158 = tpu.memref_slice %arg12[%add3A_156, %dma_start3A_157] : memref<160x128xi32, #tpu.memory_space<vmem>> -> memref<1x128xi32, #tpu.memory_space<vmem>>
          %dma_start3A_159 = tpu.memref_squeeze %dma_start3A_158 : memref<1x128xi32, #tpu.memory_space<vmem>> -> memref<128xi32, #tpu.memory_space<vmem>>
          %dma_start3A_160 = arith.constant 0 : i32
          %dma_start3A_161 = arith.constant 0 : i32
          %dma_start3A_162 = tpu.memref_slice %arg2[%dma_start3A_160, %dma_start3A_161] : memref<10240x64xf32, #tpu.memory_space<hbm>> -> memref<10240x64xf32, #tpu.memory_space<hbm>>
          tpu.enqueue_indirect_dma source(%dma_start3A_162 : memref<10240x64xf32, #tpu.memory_space<hbm>>) target(%arg15 : memref<128x64xf32, #tpu.memory_space<vmem>>) offsets(%dma_start3A_159 : memref<128xi32, #tpu.memory_space<vmem>>) semaphore(%arg20 : memref<!tpu.dma_semaphore, #tpu.memory_space<semaphore_mem>>)
        } else {
        }
        %add3A_125 = arith.constant 2 : i32
        %add3A_126 = arith.addi %add3A_96, %add3A_125 : i32
        %dma_wait3A_127 = arith.constant 0 : i32
        %dma_wait3A_128 = tpu.memref_slice %arg12[%add3A_126, %dma_wait3A_127] : memref<160x128xi32, #tpu.memory_space<vmem>> -> memref<1x128xi32, #tpu.memory_space<vmem>>
        %dma_wait3A_129 = tpu.memref_squeeze %dma_wait3A_128 : memref<1x128xi32, #tpu.memory_space<vmem>> -> memref<128xi32, #tpu.memory_space<vmem>>
        %dma_wait3A_130 = arith.constant 0 : i32
        %dma_wait3A_131 = arith.constant 0 : i32
        %dma_wait3A_132 = tpu.memref_slice %arg2[%dma_wait3A_130, %dma_wait3A_131] : memref<10240x64xf32, #tpu.memory_space<hbm>> -> memref<10240x64xf32, #tpu.memory_space<hbm>>
        tpu.wait_indirect_dma semaphore(%arg21 : memref<!tpu.dma_semaphore, #tpu.memory_space<semaphore_mem>>) src(%dma_wait3A_132 : memref<10240x64xf32, #tpu.memory_space<hbm>>) dst(%arg16 : memref<128x64xf32, #tpu.memory_space<vmem>>)
        "tpu.region"() ({
          %run_scoped3A = tpu.sem_alloc : memref<!tpu.dma_semaphore, #tpu.memory_space<semaphore_mem>>
          %dma_start3A_155 = arith.constant 0 : i32
          %dma_start3A_156 = tpu.memref_slice %arg13[%add3A_126, %dma_start3A_155] : memref<160x128xi32, #tpu.memory_space<vmem>> -> memref<1x128xi32, #tpu.memory_space<vmem>>
          %dma_start3A_157 = tpu.memref_squeeze %dma_start3A_156 : memref<1x128xi32, #tpu.memory_space<vmem>> -> memref<128xi32, #tpu.memory_space<vmem>>
          %dma_start3A_158 = arith.constant 0 : i32
          %dma_start3A_159 = arith.constant 0 : i32
          %dma_start3A_160 = tpu.memref_slice %arg18[%dma_start3A_158, %dma_start3A_159] : memref<10240x64xf32, #tpu.memory_space<vmem_shared>> -> memref<10240x64xf32, #tpu.memory_space<vmem_shared>>
          tpu.enqueue_indirect_dma source(%arg16 : memref<128x64xf32, #tpu.memory_space<vmem>>) target(%dma_start3A_160 : memref<10240x64xf32, #tpu.memory_space<vmem_shared>>) offsets(%dma_start3A_157 : memref<128xi32, #tpu.memory_space<vmem>>) semaphore(%run_scoped3A : memref<!tpu.dma_semaphore, #tpu.memory_space<semaphore_mem>>) {add = true}
          %dma_wait3A_161 = arith.constant 0 : i32
          %dma_wait3A_162 = tpu.memref_slice %arg13[%add3A_126, %dma_wait3A_161] : memref<160x128xi32, #tpu.memory_space<vmem>> -> memref<1x128xi32, #tpu.memory_space<vmem>>
          %dma_wait3A_163 = tpu.memref_squeeze %dma_wait3A_162 : memref<1x128xi32, #tpu.memory_space<vmem>> -> memref<128xi32, #tpu.memory_space<vmem>>
          %dma_wait3A_164 = arith.constant 0 : i32
          %dma_wait3A_165 = arith.constant 0 : i32
          %dma_wait3A_166 = tpu.memref_slice %arg18[%dma_wait3A_164, %dma_wait3A_165] : memref<10240x64xf32, #tpu.memory_space<vmem_shared>> -> memref<10240x64xf32, #tpu.memory_space<vmem_shared>>
          tpu.wait_indirect_dma semaphore(%run_scoped3A : memref<!tpu.dma_semaphore, #tpu.memory_space<semaphore_mem>>) src(%arg16 : memref<128x64xf32, #tpu.memory_space<vmem>>) dst(%dma_wait3A_166 : memref<10240x64xf32, #tpu.memory_space<vmem_shared>>)
          tpu.yield
        }) : () -> ()
        %add3A_133 = arith.constant 4 : i32
        %add3A_134 = arith.addi %add3A_126, %add3A_133 : i32
        %lt3A_135 = arith.constant 160 : i32
        %lt3A_136 = arith.cmpi slt, %add3A_134, %lt3A_135 : i32
        %convert_element_type3A_137 = arith.extui %lt3A_136 : i1 to i32
        %cond3A_138 = arith.constant 0 : i32
        %cond3A_139 = arith.cmpi ne, %convert_element_type3A_137, %cond3A_138 : i32
        scf.if %cond3A_139 {
          %add3A_155 = arith.constant 4 : i32
          %add3A_156 = arith.addi %add3A_126, %add3A_155 : i32
          %dma_start3A_157 = arith.constant 0 : i32
          %dma_start3A_158 = tpu.memref_slice %arg12[%add3A_156, %dma_start3A_157] : memref<160x128xi32, #tpu.memory_space<vmem>> -> memref<1x128xi32, #tpu.memory_space<vmem>>
          %dma_start3A_159 = tpu.memref_squeeze %dma_start3A_158 : memref<1x128xi32, #tpu.memory_space<vmem>> -> memref<128xi32, #tpu.memory_space<vmem>>
          %dma_start3A_160 = arith.constant 0 : i32
          %dma_start3A_161 = arith.constant 0 : i32
          %dma_start3A_162 = tpu.memref_slice %arg2[%dma_start3A_160, %dma_start3A_161] : memref<10240x64xf32, #tpu.memory_space<hbm>> -> memref<10240x64xf32, #tpu.memory_space<hbm>>
          tpu.enqueue_indirect_dma source(%dma_start3A_162 : memref<10240x64xf32, #tpu.memory_space<hbm>>) target(%arg16 : memref<128x64xf32, #tpu.memory_space<vmem>>) offsets(%dma_start3A_159 : memref<128xi32, #tpu.memory_space<vmem>>) semaphore(%arg21 : memref<!tpu.dma_semaphore, #tpu.memory_space<semaphore_mem>>)
        } else {
        }
        %add3A_140 = arith.constant 3 : i32
        %add3A_141 = arith.addi %add3A_96, %add3A_140 : i32
        %dma_wait3A_142 = arith.constant 0 : i32
        %dma_wait3A_143 = tpu.memref_slice %arg12[%add3A_141, %dma_wait3A_142] : memref<160x128xi32, #tpu.memory_space<vmem>> -> memref<1x128xi32, #tpu.memory_space<vmem>>
        %dma_wait3A_144 = tpu.memref_squeeze %dma_wait3A_143 : memref<1x128xi32, #tpu.memory_space<vmem>> -> memref<128xi32, #tpu.memory_space<vmem>>
        %dma_wait3A_145 = arith.constant 0 : i32
        %dma_wait3A_146 = arith.constant 0 : i32
        %dma_wait3A_147 = tpu.memref_slice %arg2[%dma_wait3A_145, %dma_wait3A_146] : memref<10240x64xf32, #tpu.memory_space<hbm>> -> memref<10240x64xf32, #tpu.memory_space<hbm>>
        tpu.wait_indirect_dma semaphore(%arg22 : memref<!tpu.dma_semaphore, #tpu.memory_space<semaphore_mem>>) src(%dma_wait3A_147 : memref<10240x64xf32, #tpu.memory_space<hbm>>) dst(%arg17 : memref<128x64xf32, #tpu.memory_space<vmem>>)
        "tpu.region"() ({
          %run_scoped3A = tpu.sem_alloc : memref<!tpu.dma_semaphore, #tpu.memory_space<semaphore_mem>>
          %dma_start3A_155 = arith.constant 0 : i32
          %dma_start3A_156 = tpu.memref_slice %arg13[%add3A_141, %dma_start3A_155] : memref<160x128xi32, #tpu.memory_space<vmem>> -> memref<1x128xi32, #tpu.memory_space<vmem>>
          %dma_start3A_157 = tpu.memref_squeeze %dma_start3A_156 : memref<1x128xi32, #tpu.memory_space<vmem>> -> memref<128xi32, #tpu.memory_space<vmem>>
          %dma_start3A_158 = arith.constant 0 : i32
          %dma_start3A_159 = arith.constant 0 : i32
          %dma_start3A_160 = tpu.memref_slice %arg18[%dma_start3A_158, %dma_start3A_159] : memref<10240x64xf32, #tpu.memory_space<vmem_shared>> -> memref<10240x64xf32, #tpu.memory_space<vmem_shared>>
          tpu.enqueue_indirect_dma source(%arg17 : memref<128x64xf32, #tpu.memory_space<vmem>>) target(%dma_start3A_160 : memref<10240x64xf32, #tpu.memory_space<vmem_shared>>) offsets(%dma_start3A_157 : memref<128xi32, #tpu.memory_space<vmem>>) semaphore(%run_scoped3A : memref<!tpu.dma_semaphore, #tpu.memory_space<semaphore_mem>>) {add = true}
          %dma_wait3A_161 = arith.constant 0 : i32
          %dma_wait3A_162 = tpu.memref_slice %arg13[%add3A_141, %dma_wait3A_161] : memref<160x128xi32, #tpu.memory_space<vmem>> -> memref<1x128xi32, #tpu.memory_space<vmem>>
          %dma_wait3A_163 = tpu.memref_squeeze %dma_wait3A_162 : memref<1x128xi32, #tpu.memory_space<vmem>> -> memref<128xi32, #tpu.memory_space<vmem>>
          %dma_wait3A_164 = arith.constant 0 : i32
          %dma_wait3A_165 = arith.constant 0 : i32
          %dma_wait3A_166 = tpu.memref_slice %arg18[%dma_wait3A_164, %dma_wait3A_165] : memref<10240x64xf32, #tpu.memory_space<vmem_shared>> -> memref<10240x64xf32, #tpu.memory_space<vmem_shared>>
          tpu.wait_indirect_dma semaphore(%run_scoped3A : memref<!tpu.dma_semaphore, #tpu.memory_space<semaphore_mem>>) src(%arg17 : memref<128x64xf32, #tpu.memory_space<vmem>>) dst(%dma_wait3A_166 : memref<10240x64xf32, #tpu.memory_space<vmem_shared>>)
          tpu.yield
        }) : () -> ()
        %add3A_148 = arith.constant 4 : i32
        %add3A_149 = arith.addi %add3A_141, %add3A_148 : i32
        %lt3A_150 = arith.constant 160 : i32
        %lt3A_151 = arith.cmpi slt, %add3A_149, %lt3A_150 : i32
        %convert_element_type3A_152 = arith.extui %lt3A_151 : i1 to i32
        %cond3A_153 = arith.constant 0 : i32
        %cond3A_154 = arith.cmpi ne, %convert_element_type3A_152, %cond3A_153 : i32
        scf.if %cond3A_154 {
          %add3A_155 = arith.constant 4 : i32
          %add3A_156 = arith.addi %add3A_141, %add3A_155 : i32
          %dma_start3A_157 = arith.constant 0 : i32
          %dma_start3A_158 = tpu.memref_slice %arg12[%add3A_156, %dma_start3A_157] : memref<160x128xi32, #tpu.memory_space<vmem>> -> memref<1x128xi32, #tpu.memory_space<vmem>>
          %dma_start3A_159 = tpu.memref_squeeze %dma_start3A_158 : memref<1x128xi32, #tpu.memory_space<vmem>> -> memref<128xi32, #tpu.memory_space<vmem>>
          %dma_start3A_160 = arith.constant 0 : i32
          %dma_start3A_161 = arith.constant 0 : i32
          %dma_start3A_162 = tpu.memref_slice %arg2[%dma_start3A_160, %dma_start3A_161] : memref<10240x64xf32, #tpu.memory_space<hbm>> -> memref<10240x64xf32, #tpu.memory_space<hbm>>
          tpu.enqueue_indirect_dma source(%dma_start3A_162 : memref<10240x64xf32, #tpu.memory_space<hbm>>) target(%arg17 : memref<128x64xf32, #tpu.memory_space<vmem>>) offsets(%dma_start3A_159 : memref<128xi32, #tpu.memory_space<vmem>>) semaphore(%arg22 : memref<!tpu.dma_semaphore, #tpu.memory_space<semaphore_mem>>)
        } else {
        }
      }
      %scan3A_44 = arith.constant 40 : i32
      %barrier3A_45 = arith.constant 0 : index
      tpu.barrier barrier_id(%barrier3A_45)
      %mul3A_46 = arith.constant 640 : i32
      %mul3A_47 = arith.muli %arg1, %mul3A_46 : i32
      %mul3A_48 = arith.constant 640 : i32
      %mul3A_49 = arith.muli %arg1, %mul3A_48 : i32
      "tpu.region"() ({
        %run_scoped3A = tpu.sem_alloc : memref<!tpu.dma_semaphore, #tpu.memory_space<semaphore_mem>>
        %dma_start3A_93 = arith.constant 0 : i32
        %dma_start3A_94 = tpu.memref_slice %arg8[%mul3A_49, %dma_start3A_93] : memref<10240x64xf32, #tpu.memory_space<hbm>> -> memref<640x64xf32, #tpu.memory_space<hbm>>
        %dma_start3A_95 = arith.constant 0 : i32
        %dma_start3A_96 = tpu.memref_slice %arg18[%mul3A_47, %dma_start3A_95] : memref<10240x64xf32, #tpu.memory_space<vmem_shared>> -> memref<640x64xf32, #tpu.memory_space<vmem_shared>>
        tpu.enqueue_dma source(%dma_start3A_96 : memref<640x64xf32, #tpu.memory_space<vmem_shared>>) target(%dma_start3A_94 : memref<640x64xf32, #tpu.memory_space<hbm>>) target_semaphore(%run_scoped3A : memref<!tpu.dma_semaphore, #tpu.memory_space<semaphore_mem>>)
        %dma_wait3A = arith.constant 0 : i32
        %dma_wait3A_97 = tpu.memref_slice %arg8[%mul3A_49, %dma_wait3A] : memref<10240x64xf32, #tpu.memory_space<hbm>> -> memref<640x64xf32, #tpu.memory_space<hbm>>
        %dma_wait3A_98 = arith.constant 0 : i32
        %dma_wait3A_99 = tpu.memref_slice %arg18[%mul3A_47, %dma_wait3A_98] : memref<10240x64xf32, #tpu.memory_space<vmem_shared>> -> memref<640x64xf32, #tpu.memory_space<vmem_shared>>
        tpu.wait_dma2 semaphore(%run_scoped3A : memref<!tpu.dma_semaphore, #tpu.memory_space<semaphore_mem>>) src(%dma_wait3A_99 : memref<640x64xf32, #tpu.memory_space<vmem_shared>>) dst(%dma_wait3A_97 : memref<640x64xf32, #tpu.memory_space<hbm>>)
        tpu.yield
      }) : () -> ()
      %mul3A_50 = arith.constant 640 : i32
      %mul3A_51 = arith.muli %arg1, %mul3A_50 : i32
      %mul3A_52 = arith.constant 640 : i32
      %mul3A_53 = arith.muli %arg1, %mul3A_52 : i32
      "tpu.region"() ({
        %run_scoped3A = tpu.sem_alloc : memref<!tpu.dma_semaphore, #tpu.memory_space<semaphore_mem>>
        %dma_start3A_93 = arith.constant 0 : i32
        %dma_start3A_94 = tpu.memref_slice %arg18[%mul3A_53, %dma_start3A_93] : memref<10240x64xf32, #tpu.memory_space<vmem_shared>> -> memref<640x64xf32, #tpu.memory_space<vmem_shared>>
        %dma_start3A_95 = arith.constant 0 : i32
        %dma_start3A_96 = tpu.memref_slice %arg3[%mul3A_51, %dma_start3A_95] : memref<10240x64xf32, #tpu.memory_space<hbm>> -> memref<640x64xf32, #tpu.memory_space<hbm>>
        tpu.enqueue_dma source(%dma_start3A_96 : memref<640x64xf32, #tpu.memory_space<hbm>>) target(%dma_start3A_94 : memref<640x64xf32, #tpu.memory_space<vmem_shared>>) target_semaphore(%run_scoped3A : memref<!tpu.dma_semaphore, #tpu.memory_space<semaphore_mem>>)
        %dma_wait3A = arith.constant 0 : i32
        %dma_wait3A_97 = tpu.memref_slice %arg18[%mul3A_53, %dma_wait3A] : memref<10240x64xf32, #tpu.memory_space<vmem_shared>> -> memref<640x64xf32, #tpu.memory_space<vmem_shared>>
        %dma_wait3A_98 = arith.constant 0 : i32
        %dma_wait3A_99 = tpu.memref_slice %arg3[%mul3A_51, %dma_wait3A_98] : memref<10240x64xf32, #tpu.memory_space<hbm>> -> memref<640x64xf32, #tpu.memory_space<hbm>>
        tpu.wait_dma2 semaphore(%run_scoped3A : memref<!tpu.dma_semaphore, #tpu.memory_space<semaphore_mem>>) src(%dma_wait3A_99 : memref<640x64xf32, #tpu.memory_space<hbm>>) dst(%dma_wait3A_97 : memref<640x64xf32, #tpu.memory_space<vmem_shared>>)
        tpu.yield
      }) : () -> ()
      %barrier3A_54 = arith.constant 0 : index
      tpu.barrier barrier_id(%barrier3A_54)
      %dma_start3A_55 = arith.constant 0 : i32
      %dma_start3A_56 = arith.constant 0 : i32
      %dma_start3A_57 = tpu.memref_slice %arg12[%dma_start3A_55, %dma_start3A_56] : memref<160x128xi32, #tpu.memory_space<vmem>> -> memref<1x128xi32, #tpu.memory_space<vmem>>
      %dma_start3A_58 = tpu.memref_squeeze %dma_start3A_57 : memref<1x128xi32, #tpu.memory_space<vmem>> -> memref<128xi32, #tpu.memory_space<vmem>>
      %dma_start3A_59 = arith.constant 0 : i32
      %dma_start3A_60 = arith.constant 0 : i32
      %dma_start3A_61 = tpu.memref_slice %arg3[%dma_start3A_59, %dma_start3A_60] : memref<10240x64xf32, #tpu.memory_space<hbm>> -> memref<10240x64xf32, #tpu.memory_space<hbm>>
      tpu.enqueue_indirect_dma source(%dma_start3A_61 : memref<10240x64xf32, #tpu.memory_space<hbm>>) target(%arg14 : memref<128x64xf32, #tpu.memory_space<vmem>>) offsets(%dma_start3A_58 : memref<128xi32, #tpu.memory_space<vmem>>) semaphore(%arg19 : memref<!tpu.dma_semaphore, #tpu.memory_space<semaphore_mem>>)
      %dma_start3A_62 = arith.constant 1 : i32
      %dma_start3A_63 = arith.constant 0 : i32
      %dma_start3A_64 = tpu.memref_slice %arg12[%dma_start3A_62, %dma_start3A_63] : memref<160x128xi32, #tpu.memory_space<vmem>> -> memref<1x128xi32, #tpu.memory_space<vmem>>
      %dma_start3A_65 = tpu.memref_squeeze %dma_start3A_64 : memref<1x128xi32, #tpu.memory_space<vmem>> -> memref<128xi32, #tpu.memory_space<vmem>>
      %dma_start3A_66 = arith.constant 0 : i32
      %dma_start3A_67 = arith.constant 0 : i32
      %dma_start3A_68 = tpu.memref_slice %arg3[%dma_start3A_66, %dma_start3A_67] : memref<10240x64xf32, #tpu.memory_space<hbm>> -> memref<10240x64xf32, #tpu.memory_space<hbm>>
      tpu.enqueue_indirect_dma source(%dma_start3A_68 : memref<10240x64xf32, #tpu.memory_space<hbm>>) target(%arg15 : memref<128x64xf32, #tpu.memory_space<vmem>>) offsets(%dma_start3A_65 : memref<128xi32, #tpu.memory_space<vmem>>) semaphore(%arg20 : memref<!tpu.dma_semaphore, #tpu.memory_space<semaphore_mem>>)
      %dma_start3A_69 = arith.constant 2 : i32
      %dma_start3A_70 = arith.constant 0 : i32
      %dma_start3A_71 = tpu.memref_slice %arg12[%dma_start3A_69, %dma_start3A_70] : memref<160x128xi32, #tpu.memory_space<vmem>> -> memref<1x128xi32, #tpu.memory_space<vmem>>
      %dma_start3A_72 = tpu.memref_squeeze %dma_start3A_71 : memref<1x128xi32, #tpu.memory_space<vmem>> -> memref<128xi32, #tpu.memory_space<vmem>>
      %dma_start3A_73 = arith.constant 0 : i32
      %dma_start3A_74 = arith.constant 0 : i32
      %dma_start3A_75 = tpu.memref_slice %arg3[%dma_start3A_73, %dma_start3A_74] : memref<10240x64xf32, #tpu.memory_space<hbm>> -> memref<10240x64xf32, #tpu.memory_space<hbm>>
      tpu.enqueue_indirect_dma source(%dma_start3A_75 : memref<10240x64xf32, #tpu.memory_space<hbm>>) target(%arg16 : memref<128x64xf32, #tpu.memory_space<vmem>>) offsets(%dma_start3A_72 : memref<128xi32, #tpu.memory_space<vmem>>) semaphore(%arg21 : memref<!tpu.dma_semaphore, #tpu.memory_space<semaphore_mem>>)
      %dma_start3A_76 = arith.constant 3 : i32
      %dma_start3A_77 = arith.constant 0 : i32
      %dma_start3A_78 = tpu.memref_slice %arg12[%dma_start3A_76, %dma_start3A_77] : memref<160x128xi32, #tpu.memory_space<vmem>> -> memref<1x128xi32, #tpu.memory_space<vmem>>
      %dma_start3A_79 = tpu.memref_squeeze %dma_start3A_78 : memref<1x128xi32, #tpu.memory_space<vmem>> -> memref<128xi32, #tpu.memory_space<vmem>>
      %dma_start3A_80 = arith.constant 0 : i32
      %dma_start3A_81 = arith.constant 0 : i32
      %dma_start3A_82 = tpu.memref_slice %arg3[%dma_start3A_80, %dma_start3A_81] : memref<10240x64xf32, #tpu.memory_space<hbm>> -> memref<10240x64xf32, #tpu.memory_space<hbm>>
      tpu.enqueue_indirect_dma source(%dma_start3A_82 : memref<10240x64xf32, #tpu.memory_space<hbm>>) target(%arg17 : memref<128x64xf32, #tpu.memory_space<vmem>>) offsets(%dma_start3A_79 : memref<128xi32, #tpu.memory_space<vmem>>) semaphore(%arg22 : memref<!tpu.dma_semaphore, #tpu.memory_space<semaphore_mem>>)
      %scan3A_83 = arith.constant 0 : i32
      %scan3A_84 = arith.constant 40 : i32
      %scan3A_85 = arith.addi %scan3A_83, %scan3A_84 : i32
      %scan3A_86 = arith.constant 1 : i32
      scf.for %scan3A_93 = %scan3A_83 to %scan3A_85 step %scan3A_86  : i32 {
        %mul3A_94 = arith.constant 4 : i32
        %mul3A_95 = arith.muli %scan3A_93, %mul3A_94 : i32
        %add3A = arith.constant 0 : i32
        %add3A_96 = arith.addi %add3A, %mul3A_95 : i32
        %add3A_97 = arith.constant 0 : i32
        %add3A_98 = arith.addi %add3A_96, %add3A_97 : i32
        %dma_wait3A = arith.constant 0 : i32
        %dma_wait3A_99 = tpu.memref_slice %arg12[%add3A_98, %dma_wait3A] : memref<160x128xi32, #tpu.memory_space<vmem>> -> memref<1x128xi32, #tpu.memory_space<vmem>>
        %dma_wait3A_100 = tpu.memref_squeeze %dma_wait3A_99 : memref<1x128xi32, #tpu.memory_space<vmem>> -> memref<128xi32, #tpu.memory_space<vmem>>
        %dma_wait3A_101 = arith.constant 0 : i32
        %dma_wait3A_102 = arith.constant 0 : i32
        %dma_wait3A_103 = tpu.memref_slice %arg3[%dma_wait3A_101, %dma_wait3A_102] : memref<10240x64xf32, #tpu.memory_space<hbm>> -> memref<10240x64xf32, #tpu.memory_space<hbm>>
        tpu.wait_indirect_dma semaphore(%arg19 : memref<!tpu.dma_semaphore, #tpu.memory_space<semaphore_mem>>) src(%dma_wait3A_103 : memref<10240x64xf32, #tpu.memory_space<hbm>>) dst(%arg14 : memref<128x64xf32, #tpu.memory_space<vmem>>)
        "tpu.region"() ({
          %run_scoped3A = tpu.sem_alloc : memref<!tpu.dma_semaphore, #tpu.memory_space<semaphore_mem>>
          %dma_start3A_155 = arith.constant 0 : i32
          %dma_start3A_156 = tpu.memref_slice %arg13[%add3A_98, %dma_start3A_155] : memref<160x128xi32, #tpu.memory_space<vmem>> -> memref<1x128xi32, #tpu.memory_space<vmem>>
          %dma_start3A_157 = tpu.memref_squeeze %dma_start3A_156 : memref<1x128xi32, #tpu.memory_space<vmem>> -> memref<128xi32, #tpu.memory_space<vmem>>
          %dma_start3A_158 = arith.constant 0 : i32
          %dma_start3A_159 = arith.constant 0 : i32
          %dma_start3A_160 = tpu.memref_slice %arg18[%dma_start3A_158, %dma_start3A_159] : memref<10240x64xf32, #tpu.memory_space<vmem_shared>> -> memref<10240x64xf32, #tpu.memory_space<vmem_shared>>
          tpu.enqueue_indirect_dma source(%arg14 : memref<128x64xf32, #tpu.memory_space<vmem>>) target(%dma_start3A_160 : memref<10240x64xf32, #tpu.memory_space<vmem_shared>>) offsets(%dma_start3A_157 : memref<128xi32, #tpu.memory_space<vmem>>) semaphore(%run_scoped3A : memref<!tpu.dma_semaphore, #tpu.memory_space<semaphore_mem>>) {add = true}
          %dma_wait3A_161 = arith.constant 0 : i32
          %dma_wait3A_162 = tpu.memref_slice %arg13[%add3A_98, %dma_wait3A_161] : memref<160x128xi32, #tpu.memory_space<vmem>> -> memref<1x128xi32, #tpu.memory_space<vmem>>
          %dma_wait3A_163 = tpu.memref_squeeze %dma_wait3A_162 : memref<1x128xi32, #tpu.memory_space<vmem>> -> memref<128xi32, #tpu.memory_space<vmem>>
          %dma_wait3A_164 = arith.constant 0 : i32
          %dma_wait3A_165 = arith.constant 0 : i32
          %dma_wait3A_166 = tpu.memref_slice %arg18[%dma_wait3A_164, %dma_wait3A_165] : memref<10240x64xf32, #tpu.memory_space<vmem_shared>> -> memref<10240x64xf32, #tpu.memory_space<vmem_shared>>
          tpu.wait_indirect_dma semaphore(%run_scoped3A : memref<!tpu.dma_semaphore, #tpu.memory_space<semaphore_mem>>) src(%arg14 : memref<128x64xf32, #tpu.memory_space<vmem>>) dst(%dma_wait3A_166 : memref<10240x64xf32, #tpu.memory_space<vmem_shared>>)
          tpu.yield
        }) : () -> ()
        %add3A_104 = arith.constant 4 : i32
        %add3A_105 = arith.addi %add3A_98, %add3A_104 : i32
        %lt3A = arith.constant 160 : i32
        %lt3A_106 = arith.cmpi slt, %add3A_105, %lt3A : i32
        %convert_element_type3A_107 = arith.extui %lt3A_106 : i1 to i32
        %cond3A_108 = arith.constant 0 : i32
        %cond3A_109 = arith.cmpi ne, %convert_element_type3A_107, %cond3A_108 : i32
        scf.if %cond3A_109 {
          %add3A_155 = arith.constant 4 : i32
          %add3A_156 = arith.addi %add3A_98, %add3A_155 : i32
          %dma_start3A_157 = arith.constant 0 : i32
          %dma_start3A_158 = tpu.memref_slice %arg12[%add3A_156, %dma_start3A_157] : memref<160x128xi32, #tpu.memory_space<vmem>> -> memref<1x128xi32, #tpu.memory_space<vmem>>
          %dma_start3A_159 = tpu.memref_squeeze %dma_start3A_158 : memref<1x128xi32, #tpu.memory_space<vmem>> -> memref<128xi32, #tpu.memory_space<vmem>>
          %dma_start3A_160 = arith.constant 0 : i32
          %dma_start3A_161 = arith.constant 0 : i32
          %dma_start3A_162 = tpu.memref_slice %arg3[%dma_start3A_160, %dma_start3A_161] : memref<10240x64xf32, #tpu.memory_space<hbm>> -> memref<10240x64xf32, #tpu.memory_space<hbm>>
          tpu.enqueue_indirect_dma source(%dma_start3A_162 : memref<10240x64xf32, #tpu.memory_space<hbm>>) target(%arg14 : memref<128x64xf32, #tpu.memory_space<vmem>>) offsets(%dma_start3A_159 : memref<128xi32, #tpu.memory_space<vmem>>) semaphore(%arg19 : memref<!tpu.dma_semaphore, #tpu.memory_space<semaphore_mem>>)
        } else {
        }
        %add3A_110 = arith.constant 1 : i32
        %add3A_111 = arith.addi %add3A_96, %add3A_110 : i32
        %dma_wait3A_112 = arith.constant 0 : i32
        %dma_wait3A_113 = tpu.memref_slice %arg12[%add3A_111, %dma_wait3A_112] : memref<160x128xi32, #tpu.memory_space<vmem>> -> memref<1x128xi32, #tpu.memory_space<vmem>>
        %dma_wait3A_114 = tpu.memref_squeeze %dma_wait3A_113 : memref<1x128xi32, #tpu.memory_space<vmem>> -> memref<128xi32, #tpu.memory_space<vmem>>
        %dma_wait3A_115 = arith.constant 0 : i32
        %dma_wait3A_116 = arith.constant 0 : i32
        %dma_wait3A_117 = tpu.memref_slice %arg3[%dma_wait3A_115, %dma_wait3A_116] : memref<10240x64xf32, #tpu.memory_space<hbm>> -> memref<10240x64xf32, #tpu.memory_space<hbm>>
        tpu.wait_indirect_dma semaphore(%arg20 : memref<!tpu.dma_semaphore, #tpu.memory_space<semaphore_mem>>) src(%dma_wait3A_117 : memref<10240x64xf32, #tpu.memory_space<hbm>>) dst(%arg15 : memref<128x64xf32, #tpu.memory_space<vmem>>)
        "tpu.region"() ({
          %run_scoped3A = tpu.sem_alloc : memref<!tpu.dma_semaphore, #tpu.memory_space<semaphore_mem>>
          %dma_start3A_155 = arith.constant 0 : i32
          %dma_start3A_156 = tpu.memref_slice %arg13[%add3A_111, %dma_start3A_155] : memref<160x128xi32, #tpu.memory_space<vmem>> -> memref<1x128xi32, #tpu.memory_space<vmem>>
          %dma_start3A_157 = tpu.memref_squeeze %dma_start3A_156 : memref<1x128xi32, #tpu.memory_space<vmem>> -> memref<128xi32, #tpu.memory_space<vmem>>
          %dma_start3A_158 = arith.constant 0 : i32
          %dma_start3A_159 = arith.constant 0 : i32
          %dma_start3A_160 = tpu.memref_slice %arg18[%dma_start3A_158, %dma_start3A_159] : memref<10240x64xf32, #tpu.memory_space<vmem_shared>> -> memref<10240x64xf32, #tpu.memory_space<vmem_shared>>
          tpu.enqueue_indirect_dma source(%arg15 : memref<128x64xf32, #tpu.memory_space<vmem>>) target(%dma_start3A_160 : memref<10240x64xf32, #tpu.memory_space<vmem_shared>>) offsets(%dma_start3A_157 : memref<128xi32, #tpu.memory_space<vmem>>) semaphore(%run_scoped3A : memref<!tpu.dma_semaphore, #tpu.memory_space<semaphore_mem>>) {add = true}
          %dma_wait3A_161 = arith.constant 0 : i32
          %dma_wait3A_162 = tpu.memref_slice %arg13[%add3A_111, %dma_wait3A_161] : memref<160x128xi32, #tpu.memory_space<vmem>> -> memref<1x128xi32, #tpu.memory_space<vmem>>
          %dma_wait3A_163 = tpu.memref_squeeze %dma_wait3A_162 : memref<1x128xi32, #tpu.memory_space<vmem>> -> memref<128xi32, #tpu.memory_space<vmem>>
          %dma_wait3A_164 = arith.constant 0 : i32
          %dma_wait3A_165 = arith.constant 0 : i32
          %dma_wait3A_166 = tpu.memref_slice %arg18[%dma_wait3A_164, %dma_wait3A_165] : memref<10240x64xf32, #tpu.memory_space<vmem_shared>> -> memref<10240x64xf32, #tpu.memory_space<vmem_shared>>
          tpu.wait_indirect_dma semaphore(%run_scoped3A : memref<!tpu.dma_semaphore, #tpu.memory_space<semaphore_mem>>) src(%arg15 : memref<128x64xf32, #tpu.memory_space<vmem>>) dst(%dma_wait3A_166 : memref<10240x64xf32, #tpu.memory_space<vmem_shared>>)
          tpu.yield
        }) : () -> ()
        %add3A_118 = arith.constant 4 : i32
        %add3A_119 = arith.addi %add3A_111, %add3A_118 : i32
        %lt3A_120 = arith.constant 160 : i32
        %lt3A_121 = arith.cmpi slt, %add3A_119, %lt3A_120 : i32
        %convert_element_type3A_122 = arith.extui %lt3A_121 : i1 to i32
        %cond3A_123 = arith.constant 0 : i32
        %cond3A_124 = arith.cmpi ne, %convert_element_type3A_122, %cond3A_123 : i32
        scf.if %cond3A_124 {
          %add3A_155 = arith.constant 4 : i32
          %add3A_156 = arith.addi %add3A_111, %add3A_155 : i32
          %dma_start3A_157 = arith.constant 0 : i32
          %dma_start3A_158 = tpu.memref_slice %arg12[%add3A_156, %dma_start3A_157] : memref<160x128xi32, #tpu.memory_space<vmem>> -> memref<1x128xi32, #tpu.memory_space<vmem>>
          %dma_start3A_159 = tpu.memref_squeeze %dma_start3A_158 : memref<1x128xi32, #tpu.memory_space<vmem>> -> memref<128xi32, #tpu.memory_space<vmem>>
          %dma_start3A_160 = arith.constant 0 : i32
          %dma_start3A_161 = arith.constant 0 : i32
          %dma_start3A_162 = tpu.memref_slice %arg3[%dma_start3A_160, %dma_start3A_161] : memref<10240x64xf32, #tpu.memory_space<hbm>> -> memref<10240x64xf32, #tpu.memory_space<hbm>>
          tpu.enqueue_indirect_dma source(%dma_start3A_162 : memref<10240x64xf32, #tpu.memory_space<hbm>>) target(%arg15 : memref<128x64xf32, #tpu.memory_space<vmem>>) offsets(%dma_start3A_159 : memref<128xi32, #tpu.memory_space<vmem>>) semaphore(%arg20 : memref<!tpu.dma_semaphore, #tpu.memory_space<semaphore_mem>>)
        } else {
        }
        %add3A_125 = arith.constant 2 : i32
        %add3A_126 = arith.addi %add3A_96, %add3A_125 : i32
        %dma_wait3A_127 = arith.constant 0 : i32
        %dma_wait3A_128 = tpu.memref_slice %arg12[%add3A_126, %dma_wait3A_127] : memref<160x128xi32, #tpu.memory_space<vmem>> -> memref<1x128xi32, #tpu.memory_space<vmem>>
        %dma_wait3A_129 = tpu.memref_squeeze %dma_wait3A_128 : memref<1x128xi32, #tpu.memory_space<vmem>> -> memref<128xi32, #tpu.memory_space<vmem>>
        %dma_wait3A_130 = arith.constant 0 : i32
        %dma_wait3A_131 = arith.constant 0 : i32
        %dma_wait3A_132 = tpu.memref_slice %arg3[%dma_wait3A_130, %dma_wait3A_131] : memref<10240x64xf32, #tpu.memory_space<hbm>> -> memref<10240x64xf32, #tpu.memory_space<hbm>>
        tpu.wait_indirect_dma semaphore(%arg21 : memref<!tpu.dma_semaphore, #tpu.memory_space<semaphore_mem>>) src(%dma_wait3A_132 : memref<10240x64xf32, #tpu.memory_space<hbm>>) dst(%arg16 : memref<128x64xf32, #tpu.memory_space<vmem>>)
        "tpu.region"() ({
          %run_scoped3A = tpu.sem_alloc : memref<!tpu.dma_semaphore, #tpu.memory_space<semaphore_mem>>
          %dma_start3A_155 = arith.constant 0 : i32
          %dma_start3A_156 = tpu.memref_slice %arg13[%add3A_126, %dma_start3A_155] : memref<160x128xi32, #tpu.memory_space<vmem>> -> memref<1x128xi32, #tpu.memory_space<vmem>>
          %dma_start3A_157 = tpu.memref_squeeze %dma_start3A_156 : memref<1x128xi32, #tpu.memory_space<vmem>> -> memref<128xi32, #tpu.memory_space<vmem>>
          %dma_start3A_158 = arith.constant 0 : i32
          %dma_start3A_159 = arith.constant 0 : i32
          %dma_start3A_160 = tpu.memref_slice %arg18[%dma_start3A_158, %dma_start3A_159] : memref<10240x64xf32, #tpu.memory_space<vmem_shared>> -> memref<10240x64xf32, #tpu.memory_space<vmem_shared>>
          tpu.enqueue_indirect_dma source(%arg16 : memref<128x64xf32, #tpu.memory_space<vmem>>) target(%dma_start3A_160 : memref<10240x64xf32, #tpu.memory_space<vmem_shared>>) offsets(%dma_start3A_157 : memref<128xi32, #tpu.memory_space<vmem>>) semaphore(%run_scoped3A : memref<!tpu.dma_semaphore, #tpu.memory_space<semaphore_mem>>) {add = true}
          %dma_wait3A_161 = arith.constant 0 : i32
          %dma_wait3A_162 = tpu.memref_slice %arg13[%add3A_126, %dma_wait3A_161] : memref<160x128xi32, #tpu.memory_space<vmem>> -> memref<1x128xi32, #tpu.memory_space<vmem>>
          %dma_wait3A_163 = tpu.memref_squeeze %dma_wait3A_162 : memref<1x128xi32, #tpu.memory_space<vmem>> -> memref<128xi32, #tpu.memory_space<vmem>>
          %dma_wait3A_164 = arith.constant 0 : i32
          %dma_wait3A_165 = arith.constant 0 : i32
          %dma_wait3A_166 = tpu.memref_slice %arg18[%dma_wait3A_164, %dma_wait3A_165] : memref<10240x64xf32, #tpu.memory_space<vmem_shared>> -> memref<10240x64xf32, #tpu.memory_space<vmem_shared>>
          tpu.wait_indirect_dma semaphore(%run_scoped3A : memref<!tpu.dma_semaphore, #tpu.memory_space<semaphore_mem>>) src(%arg16 : memref<128x64xf32, #tpu.memory_space<vmem>>) dst(%dma_wait3A_166 : memref<10240x64xf32, #tpu.memory_space<vmem_shared>>)
          tpu.yield
        }) : () -> ()
        %add3A_133 = arith.constant 4 : i32
        %add3A_134 = arith.addi %add3A_126, %add3A_133 : i32
        %lt3A_135 = arith.constant 160 : i32
        %lt3A_136 = arith.cmpi slt, %add3A_134, %lt3A_135 : i32
        %convert_element_type3A_137 = arith.extui %lt3A_136 : i1 to i32
        %cond3A_138 = arith.constant 0 : i32
        %cond3A_139 = arith.cmpi ne, %convert_element_type3A_137, %cond3A_138 : i32
        scf.if %cond3A_139 {
          %add3A_155 = arith.constant 4 : i32
          %add3A_156 = arith.addi %add3A_126, %add3A_155 : i32
          %dma_start3A_157 = arith.constant 0 : i32
          %dma_start3A_158 = tpu.memref_slice %arg12[%add3A_156, %dma_start3A_157] : memref<160x128xi32, #tpu.memory_space<vmem>> -> memref<1x128xi32, #tpu.memory_space<vmem>>
          %dma_start3A_159 = tpu.memref_squeeze %dma_start3A_158 : memref<1x128xi32, #tpu.memory_space<vmem>> -> memref<128xi32, #tpu.memory_space<vmem>>
          %dma_start3A_160 = arith.constant 0 : i32
          %dma_start3A_161 = arith.constant 0 : i32
          %dma_start3A_162 = tpu.memref_slice %arg3[%dma_start3A_160, %dma_start3A_161] : memref<10240x64xf32, #tpu.memory_space<hbm>> -> memref<10240x64xf32, #tpu.memory_space<hbm>>
          tpu.enqueue_indirect_dma source(%dma_start3A_162 : memref<10240x64xf32, #tpu.memory_space<hbm>>) target(%arg16 : memref<128x64xf32, #tpu.memory_space<vmem>>) offsets(%dma_start3A_159 : memref<128xi32, #tpu.memory_space<vmem>>) semaphore(%arg21 : memref<!tpu.dma_semaphore, #tpu.memory_space<semaphore_mem>>)
        } else {
        }
        %add3A_140 = arith.constant 3 : i32
        %add3A_141 = arith.addi %add3A_96, %add3A_140 : i32
        %dma_wait3A_142 = arith.constant 0 : i32
        %dma_wait3A_143 = tpu.memref_slice %arg12[%add3A_141, %dma_wait3A_142] : memref<160x128xi32, #tpu.memory_space<vmem>> -> memref<1x128xi32, #tpu.memory_space<vmem>>
        %dma_wait3A_144 = tpu.memref_squeeze %dma_wait3A_143 : memref<1x128xi32, #tpu.memory_space<vmem>> -> memref<128xi32, #tpu.memory_space<vmem>>
        %dma_wait3A_145 = arith.constant 0 : i32
        %dma_wait3A_146 = arith.constant 0 : i32
        %dma_wait3A_147 = tpu.memref_slice %arg3[%dma_wait3A_145, %dma_wait3A_146] : memref<10240x64xf32, #tpu.memory_space<hbm>> -> memref<10240x64xf32, #tpu.memory_space<hbm>>
        tpu.wait_indirect_dma semaphore(%arg22 : memref<!tpu.dma_semaphore, #tpu.memory_space<semaphore_mem>>) src(%dma_wait3A_147 : memref<10240x64xf32, #tpu.memory_space<hbm>>) dst(%arg17 : memref<128x64xf32, #tpu.memory_space<vmem>>)
        "tpu.region"() ({
          %run_scoped3A = tpu.sem_alloc : memref<!tpu.dma_semaphore, #tpu.memory_space<semaphore_mem>>
          %dma_start3A_155 = arith.constant 0 : i32
          %dma_start3A_156 = tpu.memref_slice %arg13[%add3A_141, %dma_start3A_155] : memref<160x128xi32, #tpu.memory_space<vmem>> -> memref<1x128xi32, #tpu.memory_space<vmem>>
          %dma_start3A_157 = tpu.memref_squeeze %dma_start3A_156 : memref<1x128xi32, #tpu.memory_space<vmem>> -> memref<128xi32, #tpu.memory_space<vmem>>
          %dma_start3A_158 = arith.constant 0 : i32
          %dma_start3A_159 = arith.constant 0 : i32
          %dma_start3A_160 = tpu.memref_slice %arg18[%dma_start3A_158, %dma_start3A_159] : memref<10240x64xf32, #tpu.memory_space<vmem_shared>> -> memref<10240x64xf32, #tpu.memory_space<vmem_shared>>
          tpu.enqueue_indirect_dma source(%arg17 : memref<128x64xf32, #tpu.memory_space<vmem>>) target(%dma_start3A_160 : memref<10240x64xf32, #tpu.memory_space<vmem_shared>>) offsets(%dma_start3A_157 : memref<128xi32, #tpu.memory_space<vmem>>) semaphore(%run_scoped3A : memref<!tpu.dma_semaphore, #tpu.memory_space<semaphore_mem>>) {add = true}
          %dma_wait3A_161 = arith.constant 0 : i32
          %dma_wait3A_162 = tpu.memref_slice %arg13[%add3A_141, %dma_wait3A_161] : memref<160x128xi32, #tpu.memory_space<vmem>> -> memref<1x128xi32, #tpu.memory_space<vmem>>
          %dma_wait3A_163 = tpu.memref_squeeze %dma_wait3A_162 : memref<1x128xi32, #tpu.memory_space<vmem>> -> memref<128xi32, #tpu.memory_space<vmem>>
          %dma_wait3A_164 = arith.constant 0 : i32
          %dma_wait3A_165 = arith.constant 0 : i32
          %dma_wait3A_166 = tpu.memref_slice %arg18[%dma_wait3A_164, %dma_wait3A_165] : memref<10240x64xf32, #tpu.memory_space<vmem_shared>> -> memref<10240x64xf32, #tpu.memory_space<vmem_shared>>
          tpu.wait_indirect_dma semaphore(%run_scoped3A : memref<!tpu.dma_semaphore, #tpu.memory_space<semaphore_mem>>) src(%arg17 : memref<128x64xf32, #tpu.memory_space<vmem>>) dst(%dma_wait3A_166 : memref<10240x64xf32, #tpu.memory_space<vmem_shared>>)
          tpu.yield
        }) : () -> ()
        %add3A_148 = arith.constant 4 : i32
        %add3A_149 = arith.addi %add3A_141, %add3A_148 : i32
        %lt3A_150 = arith.constant 160 : i32
        %lt3A_151 = arith.cmpi slt, %add3A_149, %lt3A_150 : i32
        %convert_element_type3A_152 = arith.extui %lt3A_151 : i1 to i32
        %cond3A_153 = arith.constant 0 : i32
        %cond3A_154 = arith.cmpi ne, %convert_element_type3A_152, %cond3A_153 : i32
        scf.if %cond3A_154 {
          %add3A_155 = arith.constant 4 : i32
          %add3A_156 = arith.addi %add3A_141, %add3A_155 : i32
          %dma_start3A_157 = arith.constant 0 : i32
          %dma_start3A_158 = tpu.memref_slice %arg12[%add3A_156, %dma_start3A_157] : memref<160x128xi32, #tpu.memory_space<vmem>> -> memref<1x128xi32, #tpu.memory_space<vmem>>
          %dma_start3A_159 = tpu.memref_squeeze %dma_start3A_158 : memref<1x128xi32, #tpu.memory_space<vmem>> -> memref<128xi32, #tpu.memory_space<vmem>>
          %dma_start3A_160 = arith.constant 0 : i32
          %dma_start3A_161 = arith.constant 0 : i32
          %dma_start3A_162 = tpu.memref_slice %arg3[%dma_start3A_160, %dma_start3A_161] : memref<10240x64xf32, #tpu.memory_space<hbm>> -> memref<10240x64xf32, #tpu.memory_space<hbm>>
          tpu.enqueue_indirect_dma source(%dma_start3A_162 : memref<10240x64xf32, #tpu.memory_space<hbm>>) target(%arg17 : memref<128x64xf32, #tpu.memory_space<vmem>>) offsets(%dma_start3A_159 : memref<128xi32, #tpu.memory_space<vmem>>) semaphore(%arg22 : memref<!tpu.dma_semaphore, #tpu.memory_space<semaphore_mem>>)
        } else {
        }
      }
      %scan3A_87 = arith.constant 40 : i32
      %barrier3A_88 = arith.constant 0 : index
      tpu.barrier barrier_id(%barrier3A_88)
      %mul3A_89 = arith.constant 640 : i32
      %mul3A_90 = arith.muli %arg1, %mul3A_89 : i32
      %mul3A_91 = arith.constant 640 : i32
      %mul3A_92 = arith.muli %arg1, %mul3A_91 : i32
      "tpu.region"() ({
        %run_scoped3A = tpu.sem_alloc : memref<!tpu.dma_semaphore, #tpu.memory_space<semaphore_mem>>
        %dma_start3A_93 = arith.constant 0 : i32
        %dma_start3A_94 = tpu.memref_slice %arg9[%mul3A_92, %dma_start3A_93] : memref<10240x64xf32, #tpu.memory_space<hbm>> -> memref<640x64xf32, #tpu.memory_space<hbm>>
        %dma_start3A_95 = arith.constant 0 : i32
        %dma_start3A_96 = tpu.memref_slice %arg18[%mul3A_90, %dma_start3A_95] : memref<10240x64xf32, #tpu.memory_space<vmem_shared>> -> memref<640x64xf32, #tpu.memory_space<vmem_shared>>
        tpu.enqueue_dma source(%dma_start3A_96 : memref<640x64xf32, #tpu.memory_space<vmem_shared>>) target(%dma_start3A_94 : memref<640x64xf32, #tpu.memory_space<hbm>>) target_semaphore(%run_scoped3A : memref<!tpu.dma_semaphore, #tpu.memory_space<semaphore_mem>>)
        %dma_wait3A = arith.constant 0 : i32
        %dma_wait3A_97 = tpu.memref_slice %arg9[%mul3A_92, %dma_wait3A] : memref<10240x64xf32, #tpu.memory_space<hbm>> -> memref<640x64xf32, #tpu.memory_space<hbm>>
        %dma_wait3A_98 = arith.constant 0 : i32
        %dma_wait3A_99 = tpu.memref_slice %arg18[%mul3A_90, %dma_wait3A_98] : memref<10240x64xf32, #tpu.memory_space<vmem_shared>> -> memref<640x64xf32, #tpu.memory_space<vmem_shared>>
        tpu.wait_dma2 semaphore(%run_scoped3A : memref<!tpu.dma_semaphore, #tpu.memory_space<semaphore_mem>>) src(%dma_wait3A_99 : memref<640x64xf32, #tpu.memory_space<vmem_shared>>) dst(%dma_wait3A_97 : memref<640x64xf32, #tpu.memory_space<hbm>>)
        tpu.yield
      }) : () -> ()
    } else {
    }
    %eq3A_5 = arith.constant 1 : i32
    %eq3A_6 = arith.cmpi eq, %arg0, %eq3A_5 : i32
    %convert_element_type3A_7 = arith.extui %eq3A_6 : i1 to i32
    %cond3A_8 = arith.constant 0 : i32
    %cond3A_9 = arith.cmpi ne, %convert_element_type3A_7, %cond3A_8 : i32
    scf.if %cond3A_9 {
      %mul3A_10 = arith.constant 640 : i32
      %mul3A_11 = arith.muli %arg1, %mul3A_10 : i32
      %mul3A_12 = arith.constant 640 : i32
      %mul3A_13 = arith.muli %arg1, %mul3A_12 : i32
      "tpu.region"() ({
        %run_scoped3A = tpu.sem_alloc : memref<!tpu.dma_semaphore, #tpu.memory_space<semaphore_mem>>
        %dma_start3A_93 = arith.constant 0 : i32
        %dma_start3A_94 = tpu.memref_slice %arg18[%mul3A_13, %dma_start3A_93] : memref<10240x64xf32, #tpu.memory_space<vmem_shared>> -> memref<640x64xf32, #tpu.memory_space<vmem_shared>>
        %dma_start3A_95 = arith.constant 0 : i32
        %dma_start3A_96 = tpu.memref_slice %arg4[%mul3A_11, %dma_start3A_95] : memref<10240x64xf32, #tpu.memory_space<hbm>> -> memref<640x64xf32, #tpu.memory_space<hbm>>
        tpu.enqueue_dma source(%dma_start3A_96 : memref<640x64xf32, #tpu.memory_space<hbm>>) target(%dma_start3A_94 : memref<640x64xf32, #tpu.memory_space<vmem_shared>>) target_semaphore(%run_scoped3A : memref<!tpu.dma_semaphore, #tpu.memory_space<semaphore_mem>>)
        %dma_wait3A = arith.constant 0 : i32
        %dma_wait3A_97 = tpu.memref_slice %arg18[%mul3A_13, %dma_wait3A] : memref<10240x64xf32, #tpu.memory_space<vmem_shared>> -> memref<640x64xf32, #tpu.memory_space<vmem_shared>>
        %dma_wait3A_98 = arith.constant 0 : i32
        %dma_wait3A_99 = tpu.memref_slice %arg4[%mul3A_11, %dma_wait3A_98] : memref<10240x64xf32, #tpu.memory_space<hbm>> -> memref<640x64xf32, #tpu.memory_space<hbm>>
        tpu.wait_dma2 semaphore(%run_scoped3A : memref<!tpu.dma_semaphore, #tpu.memory_space<semaphore_mem>>) src(%dma_wait3A_99 : memref<640x64xf32, #tpu.memory_space<hbm>>) dst(%dma_wait3A_97 : memref<640x64xf32, #tpu.memory_space<vmem_shared>>)
        tpu.yield
      }) : () -> ()
      %barrier3A = arith.constant 0 : index
      tpu.barrier barrier_id(%barrier3A)
      %dma_start3A = arith.constant 0 : i32
      %dma_start3A_14 = arith.constant 0 : i32
      %dma_start3A_15 = tpu.memref_slice %arg12[%dma_start3A, %dma_start3A_14] : memref<160x128xi32, #tpu.memory_space<vmem>> -> memref<1x128xi32, #tpu.memory_space<vmem>>
      %dma_start3A_16 = tpu.memref_squeeze %dma_start3A_15 : memref<1x128xi32, #tpu.memory_space<vmem>> -> memref<128xi32, #tpu.memory_space<vmem>>
      %dma_start3A_17 = arith.constant 0 : i32
      %dma_start3A_18 = arith.constant 0 : i32
      %dma_start3A_19 = tpu.memref_slice %arg4[%dma_start3A_17, %dma_start3A_18] : memref<10240x64xf32, #tpu.memory_space<hbm>> -> memref<10240x64xf32, #tpu.memory_space<hbm>>
      tpu.enqueue_indirect_dma source(%dma_start3A_19 : memref<10240x64xf32, #tpu.memory_space<hbm>>) target(%arg14 : memref<128x64xf32, #tpu.memory_space<vmem>>) offsets(%dma_start3A_16 : memref<128xi32, #tpu.memory_space<vmem>>) semaphore(%arg19 : memref<!tpu.dma_semaphore, #tpu.memory_space<semaphore_mem>>)
      %dma_start3A_20 = arith.constant 1 : i32
      %dma_start3A_21 = arith.constant 0 : i32
      %dma_start3A_22 = tpu.memref_slice %arg12[%dma_start3A_20, %dma_start3A_21] : memref<160x128xi32, #tpu.memory_space<vmem>> -> memref<1x128xi32, #tpu.memory_space<vmem>>
      %dma_start3A_23 = tpu.memref_squeeze %dma_start3A_22 : memref<1x128xi32, #tpu.memory_space<vmem>> -> memref<128xi32, #tpu.memory_space<vmem>>
      %dma_start3A_24 = arith.constant 0 : i32
      %dma_start3A_25 = arith.constant 0 : i32
      %dma_start3A_26 = tpu.memref_slice %arg4[%dma_start3A_24, %dma_start3A_25] : memref<10240x64xf32, #tpu.memory_space<hbm>> -> memref<10240x64xf32, #tpu.memory_space<hbm>>
      tpu.enqueue_indirect_dma source(%dma_start3A_26 : memref<10240x64xf32, #tpu.memory_space<hbm>>) target(%arg15 : memref<128x64xf32, #tpu.memory_space<vmem>>) offsets(%dma_start3A_23 : memref<128xi32, #tpu.memory_space<vmem>>) semaphore(%arg20 : memref<!tpu.dma_semaphore, #tpu.memory_space<semaphore_mem>>)
      %dma_start3A_27 = arith.constant 2 : i32
      %dma_start3A_28 = arith.constant 0 : i32
      %dma_start3A_29 = tpu.memref_slice %arg12[%dma_start3A_27, %dma_start3A_28] : memref<160x128xi32, #tpu.memory_space<vmem>> -> memref<1x128xi32, #tpu.memory_space<vmem>>
      %dma_start3A_30 = tpu.memref_squeeze %dma_start3A_29 : memref<1x128xi32, #tpu.memory_space<vmem>> -> memref<128xi32, #tpu.memory_space<vmem>>
      %dma_start3A_31 = arith.constant 0 : i32
      %dma_start3A_32 = arith.constant 0 : i32
      %dma_start3A_33 = tpu.memref_slice %arg4[%dma_start3A_31, %dma_start3A_32] : memref<10240x64xf32, #tpu.memory_space<hbm>> -> memref<10240x64xf32, #tpu.memory_space<hbm>>
      tpu.enqueue_indirect_dma source(%dma_start3A_33 : memref<10240x64xf32, #tpu.memory_space<hbm>>) target(%arg16 : memref<128x64xf32, #tpu.memory_space<vmem>>) offsets(%dma_start3A_30 : memref<128xi32, #tpu.memory_space<vmem>>) semaphore(%arg21 : memref<!tpu.dma_semaphore, #tpu.memory_space<semaphore_mem>>)
      %dma_start3A_34 = arith.constant 3 : i32
      %dma_start3A_35 = arith.constant 0 : i32
      %dma_start3A_36 = tpu.memref_slice %arg12[%dma_start3A_34, %dma_start3A_35] : memref<160x128xi32, #tpu.memory_space<vmem>> -> memref<1x128xi32, #tpu.memory_space<vmem>>
      %dma_start3A_37 = tpu.memref_squeeze %dma_start3A_36 : memref<1x128xi32, #tpu.memory_space<vmem>> -> memref<128xi32, #tpu.memory_space<vmem>>
      %dma_start3A_38 = arith.constant 0 : i32
      %dma_start3A_39 = arith.constant 0 : i32
      %dma_start3A_40 = tpu.memref_slice %arg4[%dma_start3A_38, %dma_start3A_39] : memref<10240x64xf32, #tpu.memory_space<hbm>> -> memref<10240x64xf32, #tpu.memory_space<hbm>>
      tpu.enqueue_indirect_dma source(%dma_start3A_40 : memref<10240x64xf32, #tpu.memory_space<hbm>>) target(%arg17 : memref<128x64xf32, #tpu.memory_space<vmem>>) offsets(%dma_start3A_37 : memref<128xi32, #tpu.memory_space<vmem>>) semaphore(%arg22 : memref<!tpu.dma_semaphore, #tpu.memory_space<semaphore_mem>>)
      %scan3A = arith.constant 0 : i32
      %scan3A_41 = arith.constant 40 : i32
      %scan3A_42 = arith.addi %scan3A, %scan3A_41 : i32
      %scan3A_43 = arith.constant 1 : i32
      scf.for %scan3A_93 = %scan3A to %scan3A_42 step %scan3A_43  : i32 {
        %mul3A_94 = arith.constant 4 : i32
        %mul3A_95 = arith.muli %scan3A_93, %mul3A_94 : i32
        %add3A = arith.constant 0 : i32
        %add3A_96 = arith.addi %add3A, %mul3A_95 : i32
        %add3A_97 = arith.constant 0 : i32
        %add3A_98 = arith.addi %add3A_96, %add3A_97 : i32
        %dma_wait3A = arith.constant 0 : i32
        %dma_wait3A_99 = tpu.memref_slice %arg12[%add3A_98, %dma_wait3A] : memref<160x128xi32, #tpu.memory_space<vmem>> -> memref<1x128xi32, #tpu.memory_space<vmem>>
        %dma_wait3A_100 = tpu.memref_squeeze %dma_wait3A_99 : memref<1x128xi32, #tpu.memory_space<vmem>> -> memref<128xi32, #tpu.memory_space<vmem>>
        %dma_wait3A_101 = arith.constant 0 : i32
        %dma_wait3A_102 = arith.constant 0 : i32
        %dma_wait3A_103 = tpu.memref_slice %arg4[%dma_wait3A_101, %dma_wait3A_102] : memref<10240x64xf32, #tpu.memory_space<hbm>> -> memref<10240x64xf32, #tpu.memory_space<hbm>>
        tpu.wait_indirect_dma semaphore(%arg19 : memref<!tpu.dma_semaphore, #tpu.memory_space<semaphore_mem>>) src(%dma_wait3A_103 : memref<10240x64xf32, #tpu.memory_space<hbm>>) dst(%arg14 : memref<128x64xf32, #tpu.memory_space<vmem>>)
        "tpu.region"() ({
          %run_scoped3A = tpu.sem_alloc : memref<!tpu.dma_semaphore, #tpu.memory_space<semaphore_mem>>
          %dma_start3A_155 = arith.constant 0 : i32
          %dma_start3A_156 = tpu.memref_slice %arg13[%add3A_98, %dma_start3A_155] : memref<160x128xi32, #tpu.memory_space<vmem>> -> memref<1x128xi32, #tpu.memory_space<vmem>>
          %dma_start3A_157 = tpu.memref_squeeze %dma_start3A_156 : memref<1x128xi32, #tpu.memory_space<vmem>> -> memref<128xi32, #tpu.memory_space<vmem>>
          %dma_start3A_158 = arith.constant 0 : i32
          %dma_start3A_159 = arith.constant 0 : i32
          %dma_start3A_160 = tpu.memref_slice %arg18[%dma_start3A_158, %dma_start3A_159] : memref<10240x64xf32, #tpu.memory_space<vmem_shared>> -> memref<10240x64xf32, #tpu.memory_space<vmem_shared>>
          tpu.enqueue_indirect_dma source(%arg14 : memref<128x64xf32, #tpu.memory_space<vmem>>) target(%dma_start3A_160 : memref<10240x64xf32, #tpu.memory_space<vmem_shared>>) offsets(%dma_start3A_157 : memref<128xi32, #tpu.memory_space<vmem>>) semaphore(%run_scoped3A : memref<!tpu.dma_semaphore, #tpu.memory_space<semaphore_mem>>) {add = true}
          %dma_wait3A_161 = arith.constant 0 : i32
          %dma_wait3A_162 = tpu.memref_slice %arg13[%add3A_98, %dma_wait3A_161] : memref<160x128xi32, #tpu.memory_space<vmem>> -> memref<1x128xi32, #tpu.memory_space<vmem>>
          %dma_wait3A_163 = tpu.memref_squeeze %dma_wait3A_162 : memref<1x128xi32, #tpu.memory_space<vmem>> -> memref<128xi32, #tpu.memory_space<vmem>>
          %dma_wait3A_164 = arith.constant 0 : i32
          %dma_wait3A_165 = arith.constant 0 : i32
          %dma_wait3A_166 = tpu.memref_slice %arg18[%dma_wait3A_164, %dma_wait3A_165] : memref<10240x64xf32, #tpu.memory_space<vmem_shared>> -> memref<10240x64xf32, #tpu.memory_space<vmem_shared>>
          tpu.wait_indirect_dma semaphore(%run_scoped3A : memref<!tpu.dma_semaphore, #tpu.memory_space<semaphore_mem>>) src(%arg14 : memref<128x64xf32, #tpu.memory_space<vmem>>) dst(%dma_wait3A_166 : memref<10240x64xf32, #tpu.memory_space<vmem_shared>>)
          tpu.yield
        }) : () -> ()
        %add3A_104 = arith.constant 4 : i32
        %add3A_105 = arith.addi %add3A_98, %add3A_104 : i32
        %lt3A = arith.constant 160 : i32
        %lt3A_106 = arith.cmpi slt, %add3A_105, %lt3A : i32
        %convert_element_type3A_107 = arith.extui %lt3A_106 : i1 to i32
        %cond3A_108 = arith.constant 0 : i32
        %cond3A_109 = arith.cmpi ne, %convert_element_type3A_107, %cond3A_108 : i32
        scf.if %cond3A_109 {
          %add3A_155 = arith.constant 4 : i32
          %add3A_156 = arith.addi %add3A_98, %add3A_155 : i32
          %dma_start3A_157 = arith.constant 0 : i32
          %dma_start3A_158 = tpu.memref_slice %arg12[%add3A_156, %dma_start3A_157] : memref<160x128xi32, #tpu.memory_space<vmem>> -> memref<1x128xi32, #tpu.memory_space<vmem>>
          %dma_start3A_159 = tpu.memref_squeeze %dma_start3A_158 : memref<1x128xi32, #tpu.memory_space<vmem>> -> memref<128xi32, #tpu.memory_space<vmem>>
          %dma_start3A_160 = arith.constant 0 : i32
          %dma_start3A_161 = arith.constant 0 : i32
          %dma_start3A_162 = tpu.memref_slice %arg4[%dma_start3A_160, %dma_start3A_161] : memref<10240x64xf32, #tpu.memory_space<hbm>> -> memref<10240x64xf32, #tpu.memory_space<hbm>>
          tpu.enqueue_indirect_dma source(%dma_start3A_162 : memref<10240x64xf32, #tpu.memory_space<hbm>>) target(%arg14 : memref<128x64xf32, #tpu.memory_space<vmem>>) offsets(%dma_start3A_159 : memref<128xi32, #tpu.memory_space<vmem>>) semaphore(%arg19 : memref<!tpu.dma_semaphore, #tpu.memory_space<semaphore_mem>>)
        } else {
        }
        %add3A_110 = arith.constant 1 : i32
        %add3A_111 = arith.addi %add3A_96, %add3A_110 : i32
        %dma_wait3A_112 = arith.constant 0 : i32
        %dma_wait3A_113 = tpu.memref_slice %arg12[%add3A_111, %dma_wait3A_112] : memref<160x128xi32, #tpu.memory_space<vmem>> -> memref<1x128xi32, #tpu.memory_space<vmem>>
        %dma_wait3A_114 = tpu.memref_squeeze %dma_wait3A_113 : memref<1x128xi32, #tpu.memory_space<vmem>> -> memref<128xi32, #tpu.memory_space<vmem>>
        %dma_wait3A_115 = arith.constant 0 : i32
        %dma_wait3A_116 = arith.constant 0 : i32
        %dma_wait3A_117 = tpu.memref_slice %arg4[%dma_wait3A_115, %dma_wait3A_116] : memref<10240x64xf32, #tpu.memory_space<hbm>> -> memref<10240x64xf32, #tpu.memory_space<hbm>>
        tpu.wait_indirect_dma semaphore(%arg20 : memref<!tpu.dma_semaphore, #tpu.memory_space<semaphore_mem>>) src(%dma_wait3A_117 : memref<10240x64xf32, #tpu.memory_space<hbm>>) dst(%arg15 : memref<128x64xf32, #tpu.memory_space<vmem>>)
        "tpu.region"() ({
          %run_scoped3A = tpu.sem_alloc : memref<!tpu.dma_semaphore, #tpu.memory_space<semaphore_mem>>
          %dma_start3A_155 = arith.constant 0 : i32
          %dma_start3A_156 = tpu.memref_slice %arg13[%add3A_111, %dma_start3A_155] : memref<160x128xi32, #tpu.memory_space<vmem>> -> memref<1x128xi32, #tpu.memory_space<vmem>>
          %dma_start3A_157 = tpu.memref_squeeze %dma_start3A_156 : memref<1x128xi32, #tpu.memory_space<vmem>> -> memref<128xi32, #tpu.memory_space<vmem>>
          %dma_start3A_158 = arith.constant 0 : i32
          %dma_start3A_159 = arith.constant 0 : i32
          %dma_start3A_160 = tpu.memref_slice %arg18[%dma_start3A_158, %dma_start3A_159] : memref<10240x64xf32, #tpu.memory_space<vmem_shared>> -> memref<10240x64xf32, #tpu.memory_space<vmem_shared>>
          tpu.enqueue_indirect_dma source(%arg15 : memref<128x64xf32, #tpu.memory_space<vmem>>) target(%dma_start3A_160 : memref<10240x64xf32, #tpu.memory_space<vmem_shared>>) offsets(%dma_start3A_157 : memref<128xi32, #tpu.memory_space<vmem>>) semaphore(%run_scoped3A : memref<!tpu.dma_semaphore, #tpu.memory_space<semaphore_mem>>) {add = true}
          %dma_wait3A_161 = arith.constant 0 : i32
          %dma_wait3A_162 = tpu.memref_slice %arg13[%add3A_111, %dma_wait3A_161] : memref<160x128xi32, #tpu.memory_space<vmem>> -> memref<1x128xi32, #tpu.memory_space<vmem>>
          %dma_wait3A_163 = tpu.memref_squeeze %dma_wait3A_162 : memref<1x128xi32, #tpu.memory_space<vmem>> -> memref<128xi32, #tpu.memory_space<vmem>>
          %dma_wait3A_164 = arith.constant 0 : i32
          %dma_wait3A_165 = arith.constant 0 : i32
          %dma_wait3A_166 = tpu.memref_slice %arg18[%dma_wait3A_164, %dma_wait3A_165] : memref<10240x64xf32, #tpu.memory_space<vmem_shared>> -> memref<10240x64xf32, #tpu.memory_space<vmem_shared>>
          tpu.wait_indirect_dma semaphore(%run_scoped3A : memref<!tpu.dma_semaphore, #tpu.memory_space<semaphore_mem>>) src(%arg15 : memref<128x64xf32, #tpu.memory_space<vmem>>) dst(%dma_wait3A_166 : memref<10240x64xf32, #tpu.memory_space<vmem_shared>>)
          tpu.yield
        }) : () -> ()
        %add3A_118 = arith.constant 4 : i32
        %add3A_119 = arith.addi %add3A_111, %add3A_118 : i32
        %lt3A_120 = arith.constant 160 : i32
        %lt3A_121 = arith.cmpi slt, %add3A_119, %lt3A_120 : i32
        %convert_element_type3A_122 = arith.extui %lt3A_121 : i1 to i32
        %cond3A_123 = arith.constant 0 : i32
        %cond3A_124 = arith.cmpi ne, %convert_element_type3A_122, %cond3A_123 : i32
        scf.if %cond3A_124 {
          %add3A_155 = arith.constant 4 : i32
          %add3A_156 = arith.addi %add3A_111, %add3A_155 : i32
          %dma_start3A_157 = arith.constant 0 : i32
          %dma_start3A_158 = tpu.memref_slice %arg12[%add3A_156, %dma_start3A_157] : memref<160x128xi32, #tpu.memory_space<vmem>> -> memref<1x128xi32, #tpu.memory_space<vmem>>
          %dma_start3A_159 = tpu.memref_squeeze %dma_start3A_158 : memref<1x128xi32, #tpu.memory_space<vmem>> -> memref<128xi32, #tpu.memory_space<vmem>>
          %dma_start3A_160 = arith.constant 0 : i32
          %dma_start3A_161 = arith.constant 0 : i32
          %dma_start3A_162 = tpu.memref_slice %arg4[%dma_start3A_160, %dma_start3A_161] : memref<10240x64xf32, #tpu.memory_space<hbm>> -> memref<10240x64xf32, #tpu.memory_space<hbm>>
          tpu.enqueue_indirect_dma source(%dma_start3A_162 : memref<10240x64xf32, #tpu.memory_space<hbm>>) target(%arg15 : memref<128x64xf32, #tpu.memory_space<vmem>>) offsets(%dma_start3A_159 : memref<128xi32, #tpu.memory_space<vmem>>) semaphore(%arg20 : memref<!tpu.dma_semaphore, #tpu.memory_space<semaphore_mem>>)
        } else {
        }
        %add3A_125 = arith.constant 2 : i32
        %add3A_126 = arith.addi %add3A_96, %add3A_125 : i32
        %dma_wait3A_127 = arith.constant 0 : i32
        %dma_wait3A_128 = tpu.memref_slice %arg12[%add3A_126, %dma_wait3A_127] : memref<160x128xi32, #tpu.memory_space<vmem>> -> memref<1x128xi32, #tpu.memory_space<vmem>>
        %dma_wait3A_129 = tpu.memref_squeeze %dma_wait3A_128 : memref<1x128xi32, #tpu.memory_space<vmem>> -> memref<128xi32, #tpu.memory_space<vmem>>
        %dma_wait3A_130 = arith.constant 0 : i32
        %dma_wait3A_131 = arith.constant 0 : i32
        %dma_wait3A_132 = tpu.memref_slice %arg4[%dma_wait3A_130, %dma_wait3A_131] : memref<10240x64xf32, #tpu.memory_space<hbm>> -> memref<10240x64xf32, #tpu.memory_space<hbm>>
        tpu.wait_indirect_dma semaphore(%arg21 : memref<!tpu.dma_semaphore, #tpu.memory_space<semaphore_mem>>) src(%dma_wait3A_132 : memref<10240x64xf32, #tpu.memory_space<hbm>>) dst(%arg16 : memref<128x64xf32, #tpu.memory_space<vmem>>)
        "tpu.region"() ({
          %run_scoped3A = tpu.sem_alloc : memref<!tpu.dma_semaphore, #tpu.memory_space<semaphore_mem>>
          %dma_start3A_155 = arith.constant 0 : i32
          %dma_start3A_156 = tpu.memref_slice %arg13[%add3A_126, %dma_start3A_155] : memref<160x128xi32, #tpu.memory_space<vmem>> -> memref<1x128xi32, #tpu.memory_space<vmem>>
          %dma_start3A_157 = tpu.memref_squeeze %dma_start3A_156 : memref<1x128xi32, #tpu.memory_space<vmem>> -> memref<128xi32, #tpu.memory_space<vmem>>
          %dma_start3A_158 = arith.constant 0 : i32
          %dma_start3A_159 = arith.constant 0 : i32
          %dma_start3A_160 = tpu.memref_slice %arg18[%dma_start3A_158, %dma_start3A_159] : memref<10240x64xf32, #tpu.memory_space<vmem_shared>> -> memref<10240x64xf32, #tpu.memory_space<vmem_shared>>
          tpu.enqueue_indirect_dma source(%arg16 : memref<128x64xf32, #tpu.memory_space<vmem>>) target(%dma_start3A_160 : memref<10240x64xf32, #tpu.memory_space<vmem_shared>>) offsets(%dma_start3A_157 : memref<128xi32, #tpu.memory_space<vmem>>) semaphore(%run_scoped3A : memref<!tpu.dma_semaphore, #tpu.memory_space<semaphore_mem>>) {add = true}
          %dma_wait3A_161 = arith.constant 0 : i32
          %dma_wait3A_162 = tpu.memref_slice %arg13[%add3A_126, %dma_wait3A_161] : memref<160x128xi32, #tpu.memory_space<vmem>> -> memref<1x128xi32, #tpu.memory_space<vmem>>
          %dma_wait3A_163 = tpu.memref_squeeze %dma_wait3A_162 : memref<1x128xi32, #tpu.memory_space<vmem>> -> memref<128xi32, #tpu.memory_space<vmem>>
          %dma_wait3A_164 = arith.constant 0 : i32
          %dma_wait3A_165 = arith.constant 0 : i32
          %dma_wait3A_166 = tpu.memref_slice %arg18[%dma_wait3A_164, %dma_wait3A_165] : memref<10240x64xf32, #tpu.memory_space<vmem_shared>> -> memref<10240x64xf32, #tpu.memory_space<vmem_shared>>
          tpu.wait_indirect_dma semaphore(%run_scoped3A : memref<!tpu.dma_semaphore, #tpu.memory_space<semaphore_mem>>) src(%arg16 : memref<128x64xf32, #tpu.memory_space<vmem>>) dst(%dma_wait3A_166 : memref<10240x64xf32, #tpu.memory_space<vmem_shared>>)
          tpu.yield
        }) : () -> ()
        %add3A_133 = arith.constant 4 : i32
        %add3A_134 = arith.addi %add3A_126, %add3A_133 : i32
        %lt3A_135 = arith.constant 160 : i32
        %lt3A_136 = arith.cmpi slt, %add3A_134, %lt3A_135 : i32
        %convert_element_type3A_137 = arith.extui %lt3A_136 : i1 to i32
        %cond3A_138 = arith.constant 0 : i32
        %cond3A_139 = arith.cmpi ne, %convert_element_type3A_137, %cond3A_138 : i32
        scf.if %cond3A_139 {
          %add3A_155 = arith.constant 4 : i32
          %add3A_156 = arith.addi %add3A_126, %add3A_155 : i32
          %dma_start3A_157 = arith.constant 0 : i32
          %dma_start3A_158 = tpu.memref_slice %arg12[%add3A_156, %dma_start3A_157] : memref<160x128xi32, #tpu.memory_space<vmem>> -> memref<1x128xi32, #tpu.memory_space<vmem>>
          %dma_start3A_159 = tpu.memref_squeeze %dma_start3A_158 : memref<1x128xi32, #tpu.memory_space<vmem>> -> memref<128xi32, #tpu.memory_space<vmem>>
          %dma_start3A_160 = arith.constant 0 : i32
          %dma_start3A_161 = arith.constant 0 : i32
          %dma_start3A_162 = tpu.memref_slice %arg4[%dma_start3A_160, %dma_start3A_161] : memref<10240x64xf32, #tpu.memory_space<hbm>> -> memref<10240x64xf32, #tpu.memory_space<hbm>>
          tpu.enqueue_indirect_dma source(%dma_start3A_162 : memref<10240x64xf32, #tpu.memory_space<hbm>>) target(%arg16 : memref<128x64xf32, #tpu.memory_space<vmem>>) offsets(%dma_start3A_159 : memref<128xi32, #tpu.memory_space<vmem>>) semaphore(%arg21 : memref<!tpu.dma_semaphore, #tpu.memory_space<semaphore_mem>>)
        } else {
        }
        %add3A_140 = arith.constant 3 : i32
        %add3A_141 = arith.addi %add3A_96, %add3A_140 : i32
        %dma_wait3A_142 = arith.constant 0 : i32
        %dma_wait3A_143 = tpu.memref_slice %arg12[%add3A_141, %dma_wait3A_142] : memref<160x128xi32, #tpu.memory_space<vmem>> -> memref<1x128xi32, #tpu.memory_space<vmem>>
        %dma_wait3A_144 = tpu.memref_squeeze %dma_wait3A_143 : memref<1x128xi32, #tpu.memory_space<vmem>> -> memref<128xi32, #tpu.memory_space<vmem>>
        %dma_wait3A_145 = arith.constant 0 : i32
        %dma_wait3A_146 = arith.constant 0 : i32
        %dma_wait3A_147 = tpu.memref_slice %arg4[%dma_wait3A_145, %dma_wait3A_146] : memref<10240x64xf32, #tpu.memory_space<hbm>> -> memref<10240x64xf32, #tpu.memory_space<hbm>>
        tpu.wait_indirect_dma semaphore(%arg22 : memref<!tpu.dma_semaphore, #tpu.memory_space<semaphore_mem>>) src(%dma_wait3A_147 : memref<10240x64xf32, #tpu.memory_space<hbm>>) dst(%arg17 : memref<128x64xf32, #tpu.memory_space<vmem>>)
        "tpu.region"() ({
          %run_scoped3A = tpu.sem_alloc : memref<!tpu.dma_semaphore, #tpu.memory_space<semaphore_mem>>
          %dma_start3A_155 = arith.constant 0 : i32
          %dma_start3A_156 = tpu.memref_slice %arg13[%add3A_141, %dma_start3A_155] : memref<160x128xi32, #tpu.memory_space<vmem>> -> memref<1x128xi32, #tpu.memory_space<vmem>>
          %dma_start3A_157 = tpu.memref_squeeze %dma_start3A_156 : memref<1x128xi32, #tpu.memory_space<vmem>> -> memref<128xi32, #tpu.memory_space<vmem>>
          %dma_start3A_158 = arith.constant 0 : i32
          %dma_start3A_159 = arith.constant 0 : i32
          %dma_start3A_160 = tpu.memref_slice %arg18[%dma_start3A_158, %dma_start3A_159] : memref<10240x64xf32, #tpu.memory_space<vmem_shared>> -> memref<10240x64xf32, #tpu.memory_space<vmem_shared>>
          tpu.enqueue_indirect_dma source(%arg17 : memref<128x64xf32, #tpu.memory_space<vmem>>) target(%dma_start3A_160 : memref<10240x64xf32, #tpu.memory_space<vmem_shared>>) offsets(%dma_start3A_157 : memref<128xi32, #tpu.memory_space<vmem>>) semaphore(%run_scoped3A : memref<!tpu.dma_semaphore, #tpu.memory_space<semaphore_mem>>) {add = true}
          %dma_wait3A_161 = arith.constant 0 : i32
          %dma_wait3A_162 = tpu.memref_slice %arg13[%add3A_141, %dma_wait3A_161] : memref<160x128xi32, #tpu.memory_space<vmem>> -> memref<1x128xi32, #tpu.memory_space<vmem>>
          %dma_wait3A_163 = tpu.memref_squeeze %dma_wait3A_162 : memref<1x128xi32, #tpu.memory_space<vmem>> -> memref<128xi32, #tpu.memory_space<vmem>>
          %dma_wait3A_164 = arith.constant 0 : i32
          %dma_wait3A_165 = arith.constant 0 : i32
          %dma_wait3A_166 = tpu.memref_slice %arg18[%dma_wait3A_164, %dma_wait3A_165] : memref<10240x64xf32, #tpu.memory_space<vmem_shared>> -> memref<10240x64xf32, #tpu.memory_space<vmem_shared>>
          tpu.wait_indirect_dma semaphore(%run_scoped3A : memref<!tpu.dma_semaphore, #tpu.memory_space<semaphore_mem>>) src(%arg17 : memref<128x64xf32, #tpu.memory_space<vmem>>) dst(%dma_wait3A_166 : memref<10240x64xf32, #tpu.memory_space<vmem_shared>>)
          tpu.yield
        }) : () -> ()
        %add3A_148 = arith.constant 4 : i32
        %add3A_149 = arith.addi %add3A_141, %add3A_148 : i32
        %lt3A_150 = arith.constant 160 : i32
        %lt3A_151 = arith.cmpi slt, %add3A_149, %lt3A_150 : i32
        %convert_element_type3A_152 = arith.extui %lt3A_151 : i1 to i32
        %cond3A_153 = arith.constant 0 : i32
        %cond3A_154 = arith.cmpi ne, %convert_element_type3A_152, %cond3A_153 : i32
        scf.if %cond3A_154 {
          %add3A_155 = arith.constant 4 : i32
          %add3A_156 = arith.addi %add3A_141, %add3A_155 : i32
          %dma_start3A_157 = arith.constant 0 : i32
          %dma_start3A_158 = tpu.memref_slice %arg12[%add3A_156, %dma_start3A_157] : memref<160x128xi32, #tpu.memory_space<vmem>> -> memref<1x128xi32, #tpu.memory_space<vmem>>
          %dma_start3A_159 = tpu.memref_squeeze %dma_start3A_158 : memref<1x128xi32, #tpu.memory_space<vmem>> -> memref<128xi32, #tpu.memory_space<vmem>>
          %dma_start3A_160 = arith.constant 0 : i32
          %dma_start3A_161 = arith.constant 0 : i32
          %dma_start3A_162 = tpu.memref_slice %arg4[%dma_start3A_160, %dma_start3A_161] : memref<10240x64xf32, #tpu.memory_space<hbm>> -> memref<10240x64xf32, #tpu.memory_space<hbm>>
          tpu.enqueue_indirect_dma source(%dma_start3A_162 : memref<10240x64xf32, #tpu.memory_space<hbm>>) target(%arg17 : memref<128x64xf32, #tpu.memory_space<vmem>>) offsets(%dma_start3A_159 : memref<128xi32, #tpu.memory_space<vmem>>) semaphore(%arg22 : memref<!tpu.dma_semaphore, #tpu.memory_space<semaphore_mem>>)
        } else {
        }
      }
      %scan3A_44 = arith.constant 40 : i32
      %barrier3A_45 = arith.constant 0 : index
      tpu.barrier barrier_id(%barrier3A_45)
      %mul3A_46 = arith.constant 640 : i32
      %mul3A_47 = arith.muli %arg1, %mul3A_46 : i32
      %mul3A_48 = arith.constant 640 : i32
      %mul3A_49 = arith.muli %arg1, %mul3A_48 : i32
      "tpu.region"() ({
        %run_scoped3A = tpu.sem_alloc : memref<!tpu.dma_semaphore, #tpu.memory_space<semaphore_mem>>
        %dma_start3A_93 = arith.constant 0 : i32
        %dma_start3A_94 = tpu.memref_slice %arg10[%mul3A_49, %dma_start3A_93] : memref<10240x64xf32, #tpu.memory_space<hbm>> -> memref<640x64xf32, #tpu.memory_space<hbm>>
        %dma_start3A_95 = arith.constant 0 : i32
        %dma_start3A_96 = tpu.memref_slice %arg18[%mul3A_47, %dma_start3A_95] : memref<10240x64xf32, #tpu.memory_space<vmem_shared>> -> memref<640x64xf32, #tpu.memory_space<vmem_shared>>
        tpu.enqueue_dma source(%dma_start3A_96 : memref<640x64xf32, #tpu.memory_space<vmem_shared>>) target(%dma_start3A_94 : memref<640x64xf32, #tpu.memory_space<hbm>>) target_semaphore(%run_scoped3A : memref<!tpu.dma_semaphore, #tpu.memory_space<semaphore_mem>>)
        %dma_wait3A = arith.constant 0 : i32
        %dma_wait3A_97 = tpu.memref_slice %arg10[%mul3A_49, %dma_wait3A] : memref<10240x64xf32, #tpu.memory_space<hbm>> -> memref<640x64xf32, #tpu.memory_space<hbm>>
        %dma_wait3A_98 = arith.constant 0 : i32
        %dma_wait3A_99 = tpu.memref_slice %arg18[%mul3A_47, %dma_wait3A_98] : memref<10240x64xf32, #tpu.memory_space<vmem_shared>> -> memref<640x64xf32, #tpu.memory_space<vmem_shared>>
        tpu.wait_dma2 semaphore(%run_scoped3A : memref<!tpu.dma_semaphore, #tpu.memory_space<semaphore_mem>>) src(%dma_wait3A_99 : memref<640x64xf32, #tpu.memory_space<vmem_shared>>) dst(%dma_wait3A_97 : memref<640x64xf32, #tpu.memory_space<hbm>>)
        tpu.yield
      }) : () -> ()
      %mul3A_50 = arith.constant 640 : i32
      %mul3A_51 = arith.muli %arg1, %mul3A_50 : i32
      %mul3A_52 = arith.constant 640 : i32
      %mul3A_53 = arith.muli %arg1, %mul3A_52 : i32
      "tpu.region"() ({
        %run_scoped3A = tpu.sem_alloc : memref<!tpu.dma_semaphore, #tpu.memory_space<semaphore_mem>>
        %dma_start3A_93 = arith.constant 0 : i32
        %dma_start3A_94 = tpu.memref_slice %arg18[%mul3A_53, %dma_start3A_93] : memref<10240x64xf32, #tpu.memory_space<vmem_shared>> -> memref<640x64xf32, #tpu.memory_space<vmem_shared>>
        %dma_start3A_95 = arith.constant 0 : i32
        %dma_start3A_96 = tpu.memref_slice %arg5[%mul3A_51, %dma_start3A_95] : memref<10240x64xf32, #tpu.memory_space<hbm>> -> memref<640x64xf32, #tpu.memory_space<hbm>>
        tpu.enqueue_dma source(%dma_start3A_96 : memref<640x64xf32, #tpu.memory_space<hbm>>) target(%dma_start3A_94 : memref<640x64xf32, #tpu.memory_space<vmem_shared>>) target_semaphore(%run_scoped3A : memref<!tpu.dma_semaphore, #tpu.memory_space<semaphore_mem>>)
        %dma_wait3A = arith.constant 0 : i32
        %dma_wait3A_97 = tpu.memref_slice %arg18[%mul3A_53, %dma_wait3A] : memref<10240x64xf32, #tpu.memory_space<vmem_shared>> -> memref<640x64xf32, #tpu.memory_space<vmem_shared>>
        %dma_wait3A_98 = arith.constant 0 : i32
        %dma_wait3A_99 = tpu.memref_slice %arg5[%mul3A_51, %dma_wait3A_98] : memref<10240x64xf32, #tpu.memory_space<hbm>> -> memref<640x64xf32, #tpu.memory_space<hbm>>
        tpu.wait_dma2 semaphore(%run_scoped3A : memref<!tpu.dma_semaphore, #tpu.memory_space<semaphore_mem>>) src(%dma_wait3A_99 : memref<640x64xf32, #tpu.memory_space<hbm>>) dst(%dma_wait3A_97 : memref<640x64xf32, #tpu.memory_space<vmem_shared>>)
        tpu.yield
      }) : () -> ()
      %barrier3A_54 = arith.constant 0 : index
      tpu.barrier barrier_id(%barrier3A_54)
      %dma_start3A_55 = arith.constant 0 : i32
      %dma_start3A_56 = arith.constant 0 : i32
      %dma_start3A_57 = tpu.memref_slice %arg12[%dma_start3A_55, %dma_start3A_56] : memref<160x128xi32, #tpu.memory_space<vmem>> -> memref<1x128xi32, #tpu.memory_space<vmem>>
      %dma_start3A_58 = tpu.memref_squeeze %dma_start3A_57 : memref<1x128xi32, #tpu.memory_space<vmem>> -> memref<128xi32, #tpu.memory_space<vmem>>
      %dma_start3A_59 = arith.constant 0 : i32
      %dma_start3A_60 = arith.constant 0 : i32
      %dma_start3A_61 = tpu.memref_slice %arg5[%dma_start3A_59, %dma_start3A_60] : memref<10240x64xf32, #tpu.memory_space<hbm>> -> memref<10240x64xf32, #tpu.memory_space<hbm>>
      tpu.enqueue_indirect_dma source(%dma_start3A_61 : memref<10240x64xf32, #tpu.memory_space<hbm>>) target(%arg14 : memref<128x64xf32, #tpu.memory_space<vmem>>) offsets(%dma_start3A_58 : memref<128xi32, #tpu.memory_space<vmem>>) semaphore(%arg19 : memref<!tpu.dma_semaphore, #tpu.memory_space<semaphore_mem>>)
      %dma_start3A_62 = arith.constant 1 : i32
      %dma_start3A_63 = arith.constant 0 : i32
      %dma_start3A_64 = tpu.memref_slice %arg12[%dma_start3A_62, %dma_start3A_63] : memref<160x128xi32, #tpu.memory_space<vmem>> -> memref<1x128xi32, #tpu.memory_space<vmem>>
      %dma_start3A_65 = tpu.memref_squeeze %dma_start3A_64 : memref<1x128xi32, #tpu.memory_space<vmem>> -> memref<128xi32, #tpu.memory_space<vmem>>
      %dma_start3A_66 = arith.constant 0 : i32
      %dma_start3A_67 = arith.constant 0 : i32
      %dma_start3A_68 = tpu.memref_slice %arg5[%dma_start3A_66, %dma_start3A_67] : memref<10240x64xf32, #tpu.memory_space<hbm>> -> memref<10240x64xf32, #tpu.memory_space<hbm>>
      tpu.enqueue_indirect_dma source(%dma_start3A_68 : memref<10240x64xf32, #tpu.memory_space<hbm>>) target(%arg15 : memref<128x64xf32, #tpu.memory_space<vmem>>) offsets(%dma_start3A_65 : memref<128xi32, #tpu.memory_space<vmem>>) semaphore(%arg20 : memref<!tpu.dma_semaphore, #tpu.memory_space<semaphore_mem>>)
      %dma_start3A_69 = arith.constant 2 : i32
      %dma_start3A_70 = arith.constant 0 : i32
      %dma_start3A_71 = tpu.memref_slice %arg12[%dma_start3A_69, %dma_start3A_70] : memref<160x128xi32, #tpu.memory_space<vmem>> -> memref<1x128xi32, #tpu.memory_space<vmem>>
      %dma_start3A_72 = tpu.memref_squeeze %dma_start3A_71 : memref<1x128xi32, #tpu.memory_space<vmem>> -> memref<128xi32, #tpu.memory_space<vmem>>
      %dma_start3A_73 = arith.constant 0 : i32
      %dma_start3A_74 = arith.constant 0 : i32
      %dma_start3A_75 = tpu.memref_slice %arg5[%dma_start3A_73, %dma_start3A_74] : memref<10240x64xf32, #tpu.memory_space<hbm>> -> memref<10240x64xf32, #tpu.memory_space<hbm>>
      tpu.enqueue_indirect_dma source(%dma_start3A_75 : memref<10240x64xf32, #tpu.memory_space<hbm>>) target(%arg16 : memref<128x64xf32, #tpu.memory_space<vmem>>) offsets(%dma_start3A_72 : memref<128xi32, #tpu.memory_space<vmem>>) semaphore(%arg21 : memref<!tpu.dma_semaphore, #tpu.memory_space<semaphore_mem>>)
      %dma_start3A_76 = arith.constant 3 : i32
      %dma_start3A_77 = arith.constant 0 : i32
      %dma_start3A_78 = tpu.memref_slice %arg12[%dma_start3A_76, %dma_start3A_77] : memref<160x128xi32, #tpu.memory_space<vmem>> -> memref<1x128xi32, #tpu.memory_space<vmem>>
      %dma_start3A_79 = tpu.memref_squeeze %dma_start3A_78 : memref<1x128xi32, #tpu.memory_space<vmem>> -> memref<128xi32, #tpu.memory_space<vmem>>
      %dma_start3A_80 = arith.constant 0 : i32
      %dma_start3A_81 = arith.constant 0 : i32
      %dma_start3A_82 = tpu.memref_slice %arg5[%dma_start3A_80, %dma_start3A_81] : memref<10240x64xf32, #tpu.memory_space<hbm>> -> memref<10240x64xf32, #tpu.memory_space<hbm>>
      tpu.enqueue_indirect_dma source(%dma_start3A_82 : memref<10240x64xf32, #tpu.memory_space<hbm>>) target(%arg17 : memref<128x64xf32, #tpu.memory_space<vmem>>) offsets(%dma_start3A_79 : memref<128xi32, #tpu.memory_space<vmem>>) semaphore(%arg22 : memref<!tpu.dma_semaphore, #tpu.memory_space<semaphore_mem>>)
      %scan3A_83 = arith.constant 0 : i32
      %scan3A_84 = arith.constant 40 : i32
      %scan3A_85 = arith.addi %scan3A_83, %scan3A_84 : i32
      %scan3A_86 = arith.constant 1 : i32
      scf.for %scan3A_93 = %scan3A_83 to %scan3A_85 step %scan3A_86  : i32 {
        %mul3A_94 = arith.constant 4 : i32
        %mul3A_95 = arith.muli %scan3A_93, %mul3A_94 : i32
        %add3A = arith.constant 0 : i32
        %add3A_96 = arith.addi %add3A, %mul3A_95 : i32
        %add3A_97 = arith.constant 0 : i32
        %add3A_98 = arith.addi %add3A_96, %add3A_97 : i32
        %dma_wait3A = arith.constant 0 : i32
        %dma_wait3A_99 = tpu.memref_slice %arg12[%add3A_98, %dma_wait3A] : memref<160x128xi32, #tpu.memory_space<vmem>> -> memref<1x128xi32, #tpu.memory_space<vmem>>
        %dma_wait3A_100 = tpu.memref_squeeze %dma_wait3A_99 : memref<1x128xi32, #tpu.memory_space<vmem>> -> memref<128xi32, #tpu.memory_space<vmem>>
        %dma_wait3A_101 = arith.constant 0 : i32
        %dma_wait3A_102 = arith.constant 0 : i32
        %dma_wait3A_103 = tpu.memref_slice %arg5[%dma_wait3A_101, %dma_wait3A_102] : memref<10240x64xf32, #tpu.memory_space<hbm>> -> memref<10240x64xf32, #tpu.memory_space<hbm>>
        tpu.wait_indirect_dma semaphore(%arg19 : memref<!tpu.dma_semaphore, #tpu.memory_space<semaphore_mem>>) src(%dma_wait3A_103 : memref<10240x64xf32, #tpu.memory_space<hbm>>) dst(%arg14 : memref<128x64xf32, #tpu.memory_space<vmem>>)
        "tpu.region"() ({
          %run_scoped3A = tpu.sem_alloc : memref<!tpu.dma_semaphore, #tpu.memory_space<semaphore_mem>>
          %dma_start3A_155 = arith.constant 0 : i32
          %dma_start3A_156 = tpu.memref_slice %arg13[%add3A_98, %dma_start3A_155] : memref<160x128xi32, #tpu.memory_space<vmem>> -> memref<1x128xi32, #tpu.memory_space<vmem>>
          %dma_start3A_157 = tpu.memref_squeeze %dma_start3A_156 : memref<1x128xi32, #tpu.memory_space<vmem>> -> memref<128xi32, #tpu.memory_space<vmem>>
          %dma_start3A_158 = arith.constant 0 : i32
          %dma_start3A_159 = arith.constant 0 : i32
          %dma_start3A_160 = tpu.memref_slice %arg18[%dma_start3A_158, %dma_start3A_159] : memref<10240x64xf32, #tpu.memory_space<vmem_shared>> -> memref<10240x64xf32, #tpu.memory_space<vmem_shared>>
          tpu.enqueue_indirect_dma source(%arg14 : memref<128x64xf32, #tpu.memory_space<vmem>>) target(%dma_start3A_160 : memref<10240x64xf32, #tpu.memory_space<vmem_shared>>) offsets(%dma_start3A_157 : memref<128xi32, #tpu.memory_space<vmem>>) semaphore(%run_scoped3A : memref<!tpu.dma_semaphore, #tpu.memory_space<semaphore_mem>>) {add = true}
          %dma_wait3A_161 = arith.constant 0 : i32
          %dma_wait3A_162 = tpu.memref_slice %arg13[%add3A_98, %dma_wait3A_161] : memref<160x128xi32, #tpu.memory_space<vmem>> -> memref<1x128xi32, #tpu.memory_space<vmem>>
          %dma_wait3A_163 = tpu.memref_squeeze %dma_wait3A_162 : memref<1x128xi32, #tpu.memory_space<vmem>> -> memref<128xi32, #tpu.memory_space<vmem>>
          %dma_wait3A_164 = arith.constant 0 : i32
          %dma_wait3A_165 = arith.constant 0 : i32
          %dma_wait3A_166 = tpu.memref_slice %arg18[%dma_wait3A_164, %dma_wait3A_165] : memref<10240x64xf32, #tpu.memory_space<vmem_shared>> -> memref<10240x64xf32, #tpu.memory_space<vmem_shared>>
          tpu.wait_indirect_dma semaphore(%run_scoped3A : memref<!tpu.dma_semaphore, #tpu.memory_space<semaphore_mem>>) src(%arg14 : memref<128x64xf32, #tpu.memory_space<vmem>>) dst(%dma_wait3A_166 : memref<10240x64xf32, #tpu.memory_space<vmem_shared>>)
          tpu.yield
        }) : () -> ()
        %add3A_104 = arith.constant 4 : i32
        %add3A_105 = arith.addi %add3A_98, %add3A_104 : i32
        %lt3A = arith.constant 160 : i32
        %lt3A_106 = arith.cmpi slt, %add3A_105, %lt3A : i32
        %convert_element_type3A_107 = arith.extui %lt3A_106 : i1 to i32
        %cond3A_108 = arith.constant 0 : i32
        %cond3A_109 = arith.cmpi ne, %convert_element_type3A_107, %cond3A_108 : i32
        scf.if %cond3A_109 {
          %add3A_155 = arith.constant 4 : i32
          %add3A_156 = arith.addi %add3A_98, %add3A_155 : i32
          %dma_start3A_157 = arith.constant 0 : i32
          %dma_start3A_158 = tpu.memref_slice %arg12[%add3A_156, %dma_start3A_157] : memref<160x128xi32, #tpu.memory_space<vmem>> -> memref<1x128xi32, #tpu.memory_space<vmem>>
          %dma_start3A_159 = tpu.memref_squeeze %dma_start3A_158 : memref<1x128xi32, #tpu.memory_space<vmem>> -> memref<128xi32, #tpu.memory_space<vmem>>
          %dma_start3A_160 = arith.constant 0 : i32
          %dma_start3A_161 = arith.constant 0 : i32
          %dma_start3A_162 = tpu.memref_slice %arg5[%dma_start3A_160, %dma_start3A_161] : memref<10240x64xf32, #tpu.memory_space<hbm>> -> memref<10240x64xf32, #tpu.memory_space<hbm>>
          tpu.enqueue_indirect_dma source(%dma_start3A_162 : memref<10240x64xf32, #tpu.memory_space<hbm>>) target(%arg14 : memref<128x64xf32, #tpu.memory_space<vmem>>) offsets(%dma_start3A_159 : memref<128xi32, #tpu.memory_space<vmem>>) semaphore(%arg19 : memref<!tpu.dma_semaphore, #tpu.memory_space<semaphore_mem>>)
        } else {
        }
        %add3A_110 = arith.constant 1 : i32
        %add3A_111 = arith.addi %add3A_96, %add3A_110 : i32
        %dma_wait3A_112 = arith.constant 0 : i32
        %dma_wait3A_113 = tpu.memref_slice %arg12[%add3A_111, %dma_wait3A_112] : memref<160x128xi32, #tpu.memory_space<vmem>> -> memref<1x128xi32, #tpu.memory_space<vmem>>
        %dma_wait3A_114 = tpu.memref_squeeze %dma_wait3A_113 : memref<1x128xi32, #tpu.memory_space<vmem>> -> memref<128xi32, #tpu.memory_space<vmem>>
        %dma_wait3A_115 = arith.constant 0 : i32
        %dma_wait3A_116 = arith.constant 0 : i32
        %dma_wait3A_117 = tpu.memref_slice %arg5[%dma_wait3A_115, %dma_wait3A_116] : memref<10240x64xf32, #tpu.memory_space<hbm>> -> memref<10240x64xf32, #tpu.memory_space<hbm>>
        tpu.wait_indirect_dma semaphore(%arg20 : memref<!tpu.dma_semaphore, #tpu.memory_space<semaphore_mem>>) src(%dma_wait3A_117 : memref<10240x64xf32, #tpu.memory_space<hbm>>) dst(%arg15 : memref<128x64xf32, #tpu.memory_space<vmem>>)
        "tpu.region"() ({
          %run_scoped3A = tpu.sem_alloc : memref<!tpu.dma_semaphore, #tpu.memory_space<semaphore_mem>>
          %dma_start3A_155 = arith.constant 0 : i32
          %dma_start3A_156 = tpu.memref_slice %arg13[%add3A_111, %dma_start3A_155] : memref<160x128xi32, #tpu.memory_space<vmem>> -> memref<1x128xi32, #tpu.memory_space<vmem>>
          %dma_start3A_157 = tpu.memref_squeeze %dma_start3A_156 : memref<1x128xi32, #tpu.memory_space<vmem>> -> memref<128xi32, #tpu.memory_space<vmem>>
          %dma_start3A_158 = arith.constant 0 : i32
          %dma_start3A_159 = arith.constant 0 : i32
          %dma_start3A_160 = tpu.memref_slice %arg18[%dma_start3A_158, %dma_start3A_159] : memref<10240x64xf32, #tpu.memory_space<vmem_shared>> -> memref<10240x64xf32, #tpu.memory_space<vmem_shared>>
          tpu.enqueue_indirect_dma source(%arg15 : memref<128x64xf32, #tpu.memory_space<vmem>>) target(%dma_start3A_160 : memref<10240x64xf32, #tpu.memory_space<vmem_shared>>) offsets(%dma_start3A_157 : memref<128xi32, #tpu.memory_space<vmem>>) semaphore(%run_scoped3A : memref<!tpu.dma_semaphore, #tpu.memory_space<semaphore_mem>>) {add = true}
          %dma_wait3A_161 = arith.constant 0 : i32
          %dma_wait3A_162 = tpu.memref_slice %arg13[%add3A_111, %dma_wait3A_161] : memref<160x128xi32, #tpu.memory_space<vmem>> -> memref<1x128xi32, #tpu.memory_space<vmem>>
          %dma_wait3A_163 = tpu.memref_squeeze %dma_wait3A_162 : memref<1x128xi32, #tpu.memory_space<vmem>> -> memref<128xi32, #tpu.memory_space<vmem>>
          %dma_wait3A_164 = arith.constant 0 : i32
          %dma_wait3A_165 = arith.constant 0 : i32
          %dma_wait3A_166 = tpu.memref_slice %arg18[%dma_wait3A_164, %dma_wait3A_165] : memref<10240x64xf32, #tpu.memory_space<vmem_shared>> -> memref<10240x64xf32, #tpu.memory_space<vmem_shared>>
          tpu.wait_indirect_dma semaphore(%run_scoped3A : memref<!tpu.dma_semaphore, #tpu.memory_space<semaphore_mem>>) src(%arg15 : memref<128x64xf32, #tpu.memory_space<vmem>>) dst(%dma_wait3A_166 : memref<10240x64xf32, #tpu.memory_space<vmem_shared>>)
          tpu.yield
        }) : () -> ()
        %add3A_118 = arith.constant 4 : i32
        %add3A_119 = arith.addi %add3A_111, %add3A_118 : i32
        %lt3A_120 = arith.constant 160 : i32
        %lt3A_121 = arith.cmpi slt, %add3A_119, %lt3A_120 : i32
        %convert_element_type3A_122 = arith.extui %lt3A_121 : i1 to i32
        %cond3A_123 = arith.constant 0 : i32
        %cond3A_124 = arith.cmpi ne, %convert_element_type3A_122, %cond3A_123 : i32
        scf.if %cond3A_124 {
          %add3A_155 = arith.constant 4 : i32
          %add3A_156 = arith.addi %add3A_111, %add3A_155 : i32
          %dma_start3A_157 = arith.constant 0 : i32
          %dma_start3A_158 = tpu.memref_slice %arg12[%add3A_156, %dma_start3A_157] : memref<160x128xi32, #tpu.memory_space<vmem>> -> memref<1x128xi32, #tpu.memory_space<vmem>>
          %dma_start3A_159 = tpu.memref_squeeze %dma_start3A_158 : memref<1x128xi32, #tpu.memory_space<vmem>> -> memref<128xi32, #tpu.memory_space<vmem>>
          %dma_start3A_160 = arith.constant 0 : i32
          %dma_start3A_161 = arith.constant 0 : i32
          %dma_start3A_162 = tpu.memref_slice %arg5[%dma_start3A_160, %dma_start3A_161] : memref<10240x64xf32, #tpu.memory_space<hbm>> -> memref<10240x64xf32, #tpu.memory_space<hbm>>
          tpu.enqueue_indirect_dma source(%dma_start3A_162 : memref<10240x64xf32, #tpu.memory_space<hbm>>) target(%arg15 : memref<128x64xf32, #tpu.memory_space<vmem>>) offsets(%dma_start3A_159 : memref<128xi32, #tpu.memory_space<vmem>>) semaphore(%arg20 : memref<!tpu.dma_semaphore, #tpu.memory_space<semaphore_mem>>)
        } else {
        }
        %add3A_125 = arith.constant 2 : i32
        %add3A_126 = arith.addi %add3A_96, %add3A_125 : i32
        %dma_wait3A_127 = arith.constant 0 : i32
        %dma_wait3A_128 = tpu.memref_slice %arg12[%add3A_126, %dma_wait3A_127] : memref<160x128xi32, #tpu.memory_space<vmem>> -> memref<1x128xi32, #tpu.memory_space<vmem>>
        %dma_wait3A_129 = tpu.memref_squeeze %dma_wait3A_128 : memref<1x128xi32, #tpu.memory_space<vmem>> -> memref<128xi32, #tpu.memory_space<vmem>>
        %dma_wait3A_130 = arith.constant 0 : i32
        %dma_wait3A_131 = arith.constant 0 : i32
        %dma_wait3A_132 = tpu.memref_slice %arg5[%dma_wait3A_130, %dma_wait3A_131] : memref<10240x64xf32, #tpu.memory_space<hbm>> -> memref<10240x64xf32, #tpu.memory_space<hbm>>
        tpu.wait_indirect_dma semaphore(%arg21 : memref<!tpu.dma_semaphore, #tpu.memory_space<semaphore_mem>>) src(%dma_wait3A_132 : memref<10240x64xf32, #tpu.memory_space<hbm>>) dst(%arg16 : memref<128x64xf32, #tpu.memory_space<vmem>>)
        "tpu.region"() ({
          %run_scoped3A = tpu.sem_alloc : memref<!tpu.dma_semaphore, #tpu.memory_space<semaphore_mem>>
          %dma_start3A_155 = arith.constant 0 : i32
          %dma_start3A_156 = tpu.memref_slice %arg13[%add3A_126, %dma_start3A_155] : memref<160x128xi32, #tpu.memory_space<vmem>> -> memref<1x128xi32, #tpu.memory_space<vmem>>
          %dma_start3A_157 = tpu.memref_squeeze %dma_start3A_156 : memref<1x128xi32, #tpu.memory_space<vmem>> -> memref<128xi32, #tpu.memory_space<vmem>>
          %dma_start3A_158 = arith.constant 0 : i32
          %dma_start3A_159 = arith.constant 0 : i32
          %dma_start3A_160 = tpu.memref_slice %arg18[%dma_start3A_158, %dma_start3A_159] : memref<10240x64xf32, #tpu.memory_space<vmem_shared>> -> memref<10240x64xf32, #tpu.memory_space<vmem_shared>>
          tpu.enqueue_indirect_dma source(%arg16 : memref<128x64xf32, #tpu.memory_space<vmem>>) target(%dma_start3A_160 : memref<10240x64xf32, #tpu.memory_space<vmem_shared>>) offsets(%dma_start3A_157 : memref<128xi32, #tpu.memory_space<vmem>>) semaphore(%run_scoped3A : memref<!tpu.dma_semaphore, #tpu.memory_space<semaphore_mem>>) {add = true}
          %dma_wait3A_161 = arith.constant 0 : i32
          %dma_wait3A_162 = tpu.memref_slice %arg13[%add3A_126, %dma_wait3A_161] : memref<160x128xi32, #tpu.memory_space<vmem>> -> memref<1x128xi32, #tpu.memory_space<vmem>>
          %dma_wait3A_163 = tpu.memref_squeeze %dma_wait3A_162 : memref<1x128xi32, #tpu.memory_space<vmem>> -> memref<128xi32, #tpu.memory_space<vmem>>
          %dma_wait3A_164 = arith.constant 0 : i32
          %dma_wait3A_165 = arith.constant 0 : i32
          %dma_wait3A_166 = tpu.memref_slice %arg18[%dma_wait3A_164, %dma_wait3A_165] : memref<10240x64xf32, #tpu.memory_space<vmem_shared>> -> memref<10240x64xf32, #tpu.memory_space<vmem_shared>>
          tpu.wait_indirect_dma semaphore(%run_scoped3A : memref<!tpu.dma_semaphore, #tpu.memory_space<semaphore_mem>>) src(%arg16 : memref<128x64xf32, #tpu.memory_space<vmem>>) dst(%dma_wait3A_166 : memref<10240x64xf32, #tpu.memory_space<vmem_shared>>)
          tpu.yield
        }) : () -> ()
        %add3A_133 = arith.constant 4 : i32
        %add3A_134 = arith.addi %add3A_126, %add3A_133 : i32
        %lt3A_135 = arith.constant 160 : i32
        %lt3A_136 = arith.cmpi slt, %add3A_134, %lt3A_135 : i32
        %convert_element_type3A_137 = arith.extui %lt3A_136 : i1 to i32
        %cond3A_138 = arith.constant 0 : i32
        %cond3A_139 = arith.cmpi ne, %convert_element_type3A_137, %cond3A_138 : i32
        scf.if %cond3A_139 {
          %add3A_155 = arith.constant 4 : i32
          %add3A_156 = arith.addi %add3A_126, %add3A_155 : i32
          %dma_start3A_157 = arith.constant 0 : i32
          %dma_start3A_158 = tpu.memref_slice %arg12[%add3A_156, %dma_start3A_157] : memref<160x128xi32, #tpu.memory_space<vmem>> -> memref<1x128xi32, #tpu.memory_space<vmem>>
          %dma_start3A_159 = tpu.memref_squeeze %dma_start3A_158 : memref<1x128xi32, #tpu.memory_space<vmem>> -> memref<128xi32, #tpu.memory_space<vmem>>
          %dma_start3A_160 = arith.constant 0 : i32
          %dma_start3A_161 = arith.constant 0 : i32
          %dma_start3A_162 = tpu.memref_slice %arg5[%dma_start3A_160, %dma_start3A_161] : memref<10240x64xf32, #tpu.memory_space<hbm>> -> memref<10240x64xf32, #tpu.memory_space<hbm>>
          tpu.enqueue_indirect_dma source(%dma_start3A_162 : memref<10240x64xf32, #tpu.memory_space<hbm>>) target(%arg16 : memref<128x64xf32, #tpu.memory_space<vmem>>) offsets(%dma_start3A_159 : memref<128xi32, #tpu.memory_space<vmem>>) semaphore(%arg21 : memref<!tpu.dma_semaphore, #tpu.memory_space<semaphore_mem>>)
        } else {
        }
        %add3A_140 = arith.constant 3 : i32
        %add3A_141 = arith.addi %add3A_96, %add3A_140 : i32
        %dma_wait3A_142 = arith.constant 0 : i32
        %dma_wait3A_143 = tpu.memref_slice %arg12[%add3A_141, %dma_wait3A_142] : memref<160x128xi32, #tpu.memory_space<vmem>> -> memref<1x128xi32, #tpu.memory_space<vmem>>
        %dma_wait3A_144 = tpu.memref_squeeze %dma_wait3A_143 : memref<1x128xi32, #tpu.memory_space<vmem>> -> memref<128xi32, #tpu.memory_space<vmem>>
        %dma_wait3A_145 = arith.constant 0 : i32
        %dma_wait3A_146 = arith.constant 0 : i32
        %dma_wait3A_147 = tpu.memref_slice %arg5[%dma_wait3A_145, %dma_wait3A_146] : memref<10240x64xf32, #tpu.memory_space<hbm>> -> memref<10240x64xf32, #tpu.memory_space<hbm>>
        tpu.wait_indirect_dma semaphore(%arg22 : memref<!tpu.dma_semaphore, #tpu.memory_space<semaphore_mem>>) src(%dma_wait3A_147 : memref<10240x64xf32, #tpu.memory_space<hbm>>) dst(%arg17 : memref<128x64xf32, #tpu.memory_space<vmem>>)
        "tpu.region"() ({
          %run_scoped3A = tpu.sem_alloc : memref<!tpu.dma_semaphore, #tpu.memory_space<semaphore_mem>>
          %dma_start3A_155 = arith.constant 0 : i32
          %dma_start3A_156 = tpu.memref_slice %arg13[%add3A_141, %dma_start3A_155] : memref<160x128xi32, #tpu.memory_space<vmem>> -> memref<1x128xi32, #tpu.memory_space<vmem>>
          %dma_start3A_157 = tpu.memref_squeeze %dma_start3A_156 : memref<1x128xi32, #tpu.memory_space<vmem>> -> memref<128xi32, #tpu.memory_space<vmem>>
          %dma_start3A_158 = arith.constant 0 : i32
          %dma_start3A_159 = arith.constant 0 : i32
          %dma_start3A_160 = tpu.memref_slice %arg18[%dma_start3A_158, %dma_start3A_159] : memref<10240x64xf32, #tpu.memory_space<vmem_shared>> -> memref<10240x64xf32, #tpu.memory_space<vmem_shared>>
          tpu.enqueue_indirect_dma source(%arg17 : memref<128x64xf32, #tpu.memory_space<vmem>>) target(%dma_start3A_160 : memref<10240x64xf32, #tpu.memory_space<vmem_shared>>) offsets(%dma_start3A_157 : memref<128xi32, #tpu.memory_space<vmem>>) semaphore(%run_scoped3A : memref<!tpu.dma_semaphore, #tpu.memory_space<semaphore_mem>>) {add = true}
          %dma_wait3A_161 = arith.constant 0 : i32
          %dma_wait3A_162 = tpu.memref_slice %arg13[%add3A_141, %dma_wait3A_161] : memref<160x128xi32, #tpu.memory_space<vmem>> -> memref<1x128xi32, #tpu.memory_space<vmem>>
          %dma_wait3A_163 = tpu.memref_squeeze %dma_wait3A_162 : memref<1x128xi32, #tpu.memory_space<vmem>> -> memref<128xi32, #tpu.memory_space<vmem>>
          %dma_wait3A_164 = arith.constant 0 : i32
          %dma_wait3A_165 = arith.constant 0 : i32
          %dma_wait3A_166 = tpu.memref_slice %arg18[%dma_wait3A_164, %dma_wait3A_165] : memref<10240x64xf32, #tpu.memory_space<vmem_shared>> -> memref<10240x64xf32, #tpu.memory_space<vmem_shared>>
          tpu.wait_indirect_dma semaphore(%run_scoped3A : memref<!tpu.dma_semaphore, #tpu.memory_space<semaphore_mem>>) src(%arg17 : memref<128x64xf32, #tpu.memory_space<vmem>>) dst(%dma_wait3A_166 : memref<10240x64xf32, #tpu.memory_space<vmem_shared>>)
          tpu.yield
        }) : () -> ()
        %add3A_148 = arith.constant 4 : i32
        %add3A_149 = arith.addi %add3A_141, %add3A_148 : i32
        %lt3A_150 = arith.constant 160 : i32
        %lt3A_151 = arith.cmpi slt, %add3A_149, %lt3A_150 : i32
        %convert_element_type3A_152 = arith.extui %lt3A_151 : i1 to i32
        %cond3A_153 = arith.constant 0 : i32
        %cond3A_154 = arith.cmpi ne, %convert_element_type3A_152, %cond3A_153 : i32
        scf.if %cond3A_154 {
          %add3A_155 = arith.constant 4 : i32
          %add3A_156 = arith.addi %add3A_141, %add3A_155 : i32
          %dma_start3A_157 = arith.constant 0 : i32
          %dma_start3A_158 = tpu.memref_slice %arg12[%add3A_156, %dma_start3A_157] : memref<160x128xi32, #tpu.memory_space<vmem>> -> memref<1x128xi32, #tpu.memory_space<vmem>>
          %dma_start3A_159 = tpu.memref_squeeze %dma_start3A_158 : memref<1x128xi32, #tpu.memory_space<vmem>> -> memref<128xi32, #tpu.memory_space<vmem>>
          %dma_start3A_160 = arith.constant 0 : i32
          %dma_start3A_161 = arith.constant 0 : i32
          %dma_start3A_162 = tpu.memref_slice %arg5[%dma_start3A_160, %dma_start3A_161] : memref<10240x64xf32, #tpu.memory_space<hbm>> -> memref<10240x64xf32, #tpu.memory_space<hbm>>
          tpu.enqueue_indirect_dma source(%dma_start3A_162 : memref<10240x64xf32, #tpu.memory_space<hbm>>) target(%arg17 : memref<128x64xf32, #tpu.memory_space<vmem>>) offsets(%dma_start3A_159 : memref<128xi32, #tpu.memory_space<vmem>>) semaphore(%arg22 : memref<!tpu.dma_semaphore, #tpu.memory_space<semaphore_mem>>)
        } else {
        }
      }
      %scan3A_87 = arith.constant 40 : i32
      %barrier3A_88 = arith.constant 0 : index
      tpu.barrier barrier_id(%barrier3A_88)
      %mul3A_89 = arith.constant 640 : i32
      %mul3A_90 = arith.muli %arg1, %mul3A_89 : i32
      %mul3A_91 = arith.constant 640 : i32
      %mul3A_92 = arith.muli %arg1, %mul3A_91 : i32
      "tpu.region"() ({
        %run_scoped3A = tpu.sem_alloc : memref<!tpu.dma_semaphore, #tpu.memory_space<semaphore_mem>>
        %dma_start3A_93 = arith.constant 0 : i32
        %dma_start3A_94 = tpu.memref_slice %arg11[%mul3A_92, %dma_start3A_93] : memref<10240x64xf32, #tpu.memory_space<hbm>> -> memref<640x64xf32, #tpu.memory_space<hbm>>
        %dma_start3A_95 = arith.constant 0 : i32
        %dma_start3A_96 = tpu.memref_slice %arg18[%mul3A_90, %dma_start3A_95] : memref<10240x64xf32, #tpu.memory_space<vmem_shared>> -> memref<640x64xf32, #tpu.memory_space<vmem_shared>>
        tpu.enqueue_dma source(%dma_start3A_96 : memref<640x64xf32, #tpu.memory_space<vmem_shared>>) target(%dma_start3A_94 : memref<640x64xf32, #tpu.memory_space<hbm>>) target_semaphore(%run_scoped3A : memref<!tpu.dma_semaphore, #tpu.memory_space<semaphore_mem>>)
        %dma_wait3A = arith.constant 0 : i32
        %dma_wait3A_97 = tpu.memref_slice %arg11[%mul3A_92, %dma_wait3A] : memref<10240x64xf32, #tpu.memory_space<hbm>> -> memref<640x64xf32, #tpu.memory_space<hbm>>
        %dma_wait3A_98 = arith.constant 0 : i32
        %dma_wait3A_99 = tpu.memref_slice %arg18[%mul3A_90, %dma_wait3A_98] : memref<10240x64xf32, #tpu.memory_space<vmem_shared>> -> memref<640x64xf32, #tpu.memory_space<vmem_shared>>
        tpu.wait_dma2 semaphore(%run_scoped3A : memref<!tpu.dma_semaphore, #tpu.memory_space<semaphore_mem>>) src(%dma_wait3A_99 : memref<640x64xf32, #tpu.memory_space<vmem_shared>>) dst(%dma_wait3A_97 : memref<640x64xf32, #tpu.memory_space<hbm>>)
        tpu.yield
      }) : () -> ()
    } else {
    }
    return
  }
}

module attributes {stable_mosaic.version = 14 : i64} {
  func.func @_mm1_body(%arg0: i32, %arg1: memref<2048x128xf32, #tpu.memory_space<vmem>>, %arg2: memref<128x256xf32, #tpu.memory_space<vmem>>, %arg3: memref<2048x16xf32, #tpu.memory_space<vmem>>, %arg4: memref<2048x16xf32, #tpu.memory_space<vmem>>, %arg5: memref<2048x64xf32, #tpu.memory_space<vmem>>, %arg6: memref<2048x64xf32, #tpu.memory_space<vmem>>, %arg7: memref<2048x64xf32, #tpu.memory_space<vmem>>, %arg8: memref<2048x64xf32, #tpu.memory_space<vmem>>, %arg9: memref<2048x1xf32, #tpu.memory_space<vmem>>) attributes {dimension_semantics = [#tpu.dimension_semantics<arbitrary>], iteration_bounds = array<i64: 5>, scalar_prefetch = 0 : i64, scratch_operands = 0 : i64, tpu.core_type = #tpu.core_type<tc>, window_params = [{transform_indices = @transform_0, window_bounds = array<i64: 2048, 128>}, {pipeline_mode = #tpu.pipeline_mode<synchronous>, transform_indices = @transform_1, window_bounds = array<i64: 128, 256>}, {transform_indices = @transform_2, window_bounds = array<i64: 2048, 16>}, {transform_indices = @transform_3, window_bounds = array<i64: 2048, 16>}, {transform_indices = @transform_4, window_bounds = array<i64: 2048, 64>}, {transform_indices = @transform_5, window_bounds = array<i64: 2048, 64>}, {transform_indices = @transform_6, window_bounds = array<i64: 2048, 64>}, {transform_indices = @transform_7, window_bounds = array<i64: 2048, 64>}, {transform_indices = @transform_8, window_bounds = array<i64: 2048, 1>}]} {
    %get3A = arith.constant 0 : index
    %get3A_0 = arith.constant 0 : index
    %get3A_1 = vector.load %arg3[%get3A, %get3A_0] : memref<2048x16xf32, #tpu.memory_space<vmem>>, vector<2048x1xf32>
    %get3A_2 = arith.constant 0 : index
    %get3A_3 = arith.constant 0 : index
    %get3A_4 = vector.load %arg4[%get3A_2, %get3A_3] : memref<2048x16xf32, #tpu.memory_space<vmem>>, vector<2048x1xf32>
    %add3A = arith.addf %get3A_1, %get3A_4 : vector<2048x1xf32>
    %add3A_5 = arith.constant 1.000000e+00 : f32
    %add3A_6 = vector.broadcast %add3A_5 : f32 to vector<2048x1xf32>
    %add3A_7 = arith.addf %add3A, %add3A_6 : vector<2048x1xf32>
    %rsqrt3A = math.rsqrt %add3A_7 : vector<2048x1xf32>
    %get3A_8 = arith.constant 0 : index
    %get3A_9 = arith.constant 0 : index
    %get3A_10 = vector.load %arg1[%get3A_8, %get3A_9] : memref<2048x128xf32, #tpu.memory_space<vmem>>, vector<2048x128xf32>
    %get3A_11 = arith.constant 0 : index
    %get3A_12 = arith.constant 0 : index
    %get3A_13 = vector.load %arg2[%get3A_11, %get3A_12] : memref<128x256xf32, #tpu.memory_space<vmem>>, vector<128x256xf32>
    %dot_general3A = arith.constant dense<0.000000e+00> : vector<2048x256xf32>
    %dot_general3A_14 = tpu.matmul %get3A_10, %get3A_13, %dot_general3A {dimension_numbers = #tpu.dot_dimension_numbers<[1], [0], [0], [1], [0, 0, 1, 1], [], []>, transpose_lhs_hint = false} : vector<2048x128xf32>, vector<128x256xf32>, vector<2048x256xf32> -> vector<2048x256xf32>
    %mul3A = vector.broadcast %rsqrt3A : vector<2048x1xf32> to vector<2048x256xf32>
    %mul3A_15 = arith.mulf %dot_general3A_14, %mul3A : vector<2048x256xf32>
    %slice3A = vector.extract_strided_slice %mul3A_15 {offsets = [0, 0], sizes = [2048, 64], strides = [1, 1]} : vector<2048x256xf32> to vector<2048x64xf32>
    %swap3A = arith.constant 0 : index
    %swap3A_16 = arith.constant 0 : index
    %swap3A_17 = vector.load %arg5[%swap3A, %swap3A_16] : memref<2048x64xf32, #tpu.memory_space<vmem>>, vector<2048x64xf32>
    tpu.vector_store %arg5[%swap3A, %swap3A_16], %slice3A {strides = array<i32>} : memref<2048x64xf32, #tpu.memory_space<vmem>>, vector<2048x64xf32>,
    %slice3A_18 = vector.extract_strided_slice %mul3A_15 {offsets = [0, 64], sizes = [2048, 64], strides = [1, 1]} : vector<2048x256xf32> to vector<2048x64xf32>
    %swap3A_19 = arith.constant 0 : index
    %swap3A_20 = arith.constant 0 : index
    %swap3A_21 = vector.load %arg6[%swap3A_19, %swap3A_20] : memref<2048x64xf32, #tpu.memory_space<vmem>>, vector<2048x64xf32>
    tpu.vector_store %arg6[%swap3A_19, %swap3A_20], %slice3A_18 {strides = array<i32>} : memref<2048x64xf32, #tpu.memory_space<vmem>>, vector<2048x64xf32>,
    %slice3A_22 = vector.extract_strided_slice %mul3A_15 {offsets = [0, 128], sizes = [2048, 64], strides = [1, 1]} : vector<2048x256xf32> to vector<2048x64xf32>
    %swap3A_23 = arith.constant 0 : index
    %swap3A_24 = arith.constant 0 : index
    %swap3A_25 = vector.load %arg7[%swap3A_23, %swap3A_24] : memref<2048x64xf32, #tpu.memory_space<vmem>>, vector<2048x64xf32>
    tpu.vector_store %arg7[%swap3A_23, %swap3A_24], %slice3A_22 {strides = array<i32>} : memref<2048x64xf32, #tpu.memory_space<vmem>>, vector<2048x64xf32>,
    %slice3A_26 = vector.extract_strided_slice %mul3A_15 {offsets = [0, 192], sizes = [2048, 64], strides = [1, 1]} : vector<2048x256xf32> to vector<2048x64xf32>
    %swap3A_27 = arith.constant 0 : index
    %swap3A_28 = arith.constant 0 : index
    %swap3A_29 = vector.load %arg8[%swap3A_27, %swap3A_28] : memref<2048x64xf32, #tpu.memory_space<vmem>>, vector<2048x64xf32>
    tpu.vector_store %arg8[%swap3A_27, %swap3A_28], %slice3A_26 {strides = array<i32>} : memref<2048x64xf32, #tpu.memory_space<vmem>>, vector<2048x64xf32>,
    %swap3A_30 = arith.constant 0 : index
    %swap3A_31 = arith.constant 0 : index
    %swap3A_32 = vector.load %arg9[%swap3A_30, %swap3A_31] : memref<2048x1xf32, #tpu.memory_space<vmem>>, vector<2048x1xf32>
    tpu.vector_store %arg9[%swap3A_30, %swap3A_31], %rsqrt3A {strides = array<i32>} : memref<2048x1xf32, #tpu.memory_space<vmem>>, vector<2048x1xf32>,
    return
  }
  func.func @transform_0(%arg0: i32) -> (i32, i32) {
    %c0_i32 = arith.constant 0 : i32
    %c0_i32_0 = arith.constant 0 : i32
    return %arg0, %c0_i32 : i32, i32
  }
  func.func @transform_1(%arg0: i32) -> (i32, i32) {
    %c0_i32 = arith.constant 0 : i32
    %c0_i32_0 = arith.constant 0 : i32
    %c0_i32_1 = arith.constant 0 : i32
    return %c0_i32, %c0_i32_0 : i32, i32
  }
  func.func @transform_2(%arg0: i32) -> (i32, i32) {
    %c0_i32 = arith.constant 0 : i32
    %c0_i32_0 = arith.constant 0 : i32
    return %arg0, %c0_i32 : i32, i32
  }
  func.func @transform_3(%arg0: i32) -> (i32, i32) {
    %c0_i32 = arith.constant 0 : i32
    %c0_i32_0 = arith.constant 0 : i32
    return %arg0, %c0_i32 : i32, i32
  }
  func.func @transform_4(%arg0: i32) -> (i32, i32) {
    %c0_i32 = arith.constant 0 : i32
    %c0_i32_0 = arith.constant 0 : i32
    return %arg0, %c0_i32 : i32, i32
  }
  func.func @transform_5(%arg0: i32) -> (i32, i32) {
    %c0_i32 = arith.constant 0 : i32
    %c0_i32_0 = arith.constant 0 : i32
    return %arg0, %c0_i32 : i32, i32
  }
  func.func @transform_6(%arg0: i32) -> (i32, i32) {
    %c0_i32 = arith.constant 0 : i32
    %c0_i32_0 = arith.constant 0 : i32
    return %arg0, %c0_i32 : i32, i32
  }
  func.func @transform_7(%arg0: i32) -> (i32, i32) {
    %c0_i32 = arith.constant 0 : i32
    %c0_i32_0 = arith.constant 0 : i32
    return %arg0, %c0_i32 : i32, i32
  }
  func.func @transform_8(%arg0: i32) -> (i32, i32) {
    %c0_i32 = arith.constant 0 : i32
    %c0_i32_0 = arith.constant 0 : i32
    return %arg0, %c0_i32 : i32, i32
  }
}

module attributes {stable_mosaic.version = 14 : i64} {
  func.func @_mm2_body(%arg0: i32, %arg1: memref<2048x64xf32, #tpu.memory_space<vmem>>, %arg2: memref<2048x64xf32, #tpu.memory_space<vmem>>, %arg3: memref<2048x64xf32, #tpu.memory_space<vmem>>, %arg4: memref<2048x64xf32, #tpu.memory_space<vmem>>, %arg5: memref<2048x1xf32, #tpu.memory_space<vmem>>, %arg6: memref<1x256xf32, #tpu.memory_space<vmem>>, %arg7: memref<256x256xf32, #tpu.memory_space<vmem>>, %arg8: memref<2048x64xf32, #tpu.memory_space<vmem>>, %arg9: memref<2048x64xf32, #tpu.memory_space<vmem>>, %arg10: memref<2048x64xf32, #tpu.memory_space<vmem>>, %arg11: memref<2048x64xf32, #tpu.memory_space<vmem>>) attributes {dimension_semantics = [#tpu.dimension_semantics<arbitrary>], iteration_bounds = array<i64: 5>, scalar_prefetch = 0 : i64, scratch_operands = 0 : i64, tpu.core_type = #tpu.core_type<tc>, window_params = [{transform_indices = @transform_0, window_bounds = array<i64: 2048, 64>}, {transform_indices = @transform_1, window_bounds = array<i64: 2048, 64>}, {transform_indices = @transform_2, window_bounds = array<i64: 2048, 64>}, {transform_indices = @transform_3, window_bounds = array<i64: 2048, 64>}, {transform_indices = @transform_4, window_bounds = array<i64: 2048, 1>}, {pipeline_mode = #tpu.pipeline_mode<synchronous>, transform_indices = @transform_5, window_bounds = array<i64: 1, 256>}, {pipeline_mode = #tpu.pipeline_mode<synchronous>, transform_indices = @transform_6, window_bounds = array<i64: 256, 256>}, {transform_indices = @transform_7, window_bounds = array<i64: 2048, 64>}, {transform_indices = @transform_8, window_bounds = array<i64: 2048, 64>}, {transform_indices = @transform_9, window_bounds = array<i64: 2048, 64>}, {transform_indices = @transform_10, window_bounds = array<i64: 2048, 64>}]} {
    %get3A = arith.constant 0 : index
    %get3A_0 = arith.constant 0 : index
    %get3A_1 = vector.load %arg5[%get3A, %get3A_0] : memref<2048x1xf32, #tpu.memory_space<vmem>>, vector<2048x1xf32>
    %get3A_2 = arith.constant 0 : index
    %get3A_3 = arith.constant 0 : index
    %get3A_4 = vector.load %arg1[%get3A_2, %get3A_3] : memref<2048x64xf32, #tpu.memory_space<vmem>>, vector<2048x64xf32>
    %get3A_5 = arith.constant 0 : index
    %get3A_6 = arith.constant 0 : index
    %get3A_7 = vector.load %arg2[%get3A_5, %get3A_6] : memref<2048x64xf32, #tpu.memory_space<vmem>>, vector<2048x64xf32>
    %get3A_8 = arith.constant 0 : index
    %get3A_9 = arith.constant 0 : index
    %get3A_10 = vector.load %arg3[%get3A_8, %get3A_9] : memref<2048x64xf32, #tpu.memory_space<vmem>>, vector<2048x64xf32>
    %get3A_11 = arith.constant 0 : index
    %get3A_12 = arith.constant 0 : index
    %get3A_13 = vector.load %arg4[%get3A_11, %get3A_12] : memref<2048x64xf32, #tpu.memory_space<vmem>>, vector<2048x64xf32>
    %concatenate3A = tpu.concatenate %get3A_4, %get3A_7, %get3A_10, %get3A_13 in 1 : vector<2048x64xf32>, vector<2048x64xf32>, vector<2048x64xf32>, vector<2048x64xf32> -> vector<2048x256xf32>
    %mul3A = vector.broadcast %get3A_1 : vector<2048x1xf32> to vector<2048x256xf32>
    %mul3A_14 = arith.mulf %concatenate3A, %mul3A : vector<2048x256xf32>
    %get3A_15 = arith.constant 0 : index
    %get3A_16 = arith.constant 0 : index
    %get3A_17 = vector.load %arg6[%get3A_15, %get3A_16] : memref<1x256xf32, #tpu.memory_space<vmem>>, vector<1x256xf32>
    %add3A = vector.broadcast %get3A_17 : vector<1x256xf32> to vector<2048x256xf32>
    %add3A_18 = arith.addf %mul3A_14, %add3A : vector<2048x256xf32>
    %max3A = arith.constant 0.000000e+00 : f32
    %max3A_19 = vector.broadcast %max3A : f32 to vector<2048x256xf32>
    %max3A_20 = arith.maximumf %add3A_18, %max3A_19 : vector<2048x256xf32>
    %get3A_21 = arith.constant 0 : index
    %get3A_22 = arith.constant 0 : index
    %get3A_23 = vector.load %arg7[%get3A_21, %get3A_22] : memref<256x256xf32, #tpu.memory_space<vmem>>, vector<256x256xf32>
    %dot_general3A = arith.constant dense<0.000000e+00> : vector<2048x256xf32>
    %dot_general3A_24 = tpu.matmul %max3A_20, %get3A_23, %dot_general3A {dimension_numbers = #tpu.dot_dimension_numbers<[1], [0], [0], [1], [0, 0, 1, 1], [], []>, transpose_lhs_hint = false} : vector<2048x256xf32>, vector<256x256xf32>, vector<2048x256xf32> -> vector<2048x256xf32>
    %mul3A_25 = vector.broadcast %get3A_1 : vector<2048x1xf32> to vector<2048x256xf32>
    %mul3A_26 = arith.mulf %dot_general3A_24, %mul3A_25 : vector<2048x256xf32>
    %slice3A = vector.extract_strided_slice %mul3A_26 {offsets = [0, 0], sizes = [2048, 64], strides = [1, 1]} : vector<2048x256xf32> to vector<2048x64xf32>
    %swap3A = arith.constant 0 : index
    %swap3A_27 = arith.constant 0 : index
    %swap3A_28 = vector.load %arg8[%swap3A, %swap3A_27] : memref<2048x64xf32, #tpu.memory_space<vmem>>, vector<2048x64xf32>
    tpu.vector_store %arg8[%swap3A, %swap3A_27], %slice3A {strides = array<i32>} : memref<2048x64xf32, #tpu.memory_space<vmem>>, vector<2048x64xf32>,
    %slice3A_29 = vector.extract_strided_slice %mul3A_26 {offsets = [0, 64], sizes = [2048, 64], strides = [1, 1]} : vector<2048x256xf32> to vector<2048x64xf32>
    %swap3A_30 = arith.constant 0 : index
    %swap3A_31 = arith.constant 0 : index
    %swap3A_32 = vector.load %arg9[%swap3A_30, %swap3A_31] : memref<2048x64xf32, #tpu.memory_space<vmem>>, vector<2048x64xf32>
    tpu.vector_store %arg9[%swap3A_30, %swap3A_31], %slice3A_29 {strides = array<i32>} : memref<2048x64xf32, #tpu.memory_space<vmem>>, vector<2048x64xf32>,
    %slice3A_33 = vector.extract_strided_slice %mul3A_26 {offsets = [0, 128], sizes = [2048, 64], strides = [1, 1]} : vector<2048x256xf32> to vector<2048x64xf32>
    %swap3A_34 = arith.constant 0 : index
    %swap3A_35 = arith.constant 0 : index
    %swap3A_36 = vector.load %arg10[%swap3A_34, %swap3A_35] : memref<2048x64xf32, #tpu.memory_space<vmem>>, vector<2048x64xf32>
    tpu.vector_store %arg10[%swap3A_34, %swap3A_35], %slice3A_33 {strides = array<i32>} : memref<2048x64xf32, #tpu.memory_space<vmem>>, vector<2048x64xf32>,
    %slice3A_37 = vector.extract_strided_slice %mul3A_26 {offsets = [0, 192], sizes = [2048, 64], strides = [1, 1]} : vector<2048x256xf32> to vector<2048x64xf32>
    %swap3A_38 = arith.constant 0 : index
    %swap3A_39 = arith.constant 0 : index
    %swap3A_40 = vector.load %arg11[%swap3A_38, %swap3A_39] : memref<2048x64xf32, #tpu.memory_space<vmem>>, vector<2048x64xf32>
    tpu.vector_store %arg11[%swap3A_38, %swap3A_39], %slice3A_37 {strides = array<i32>} : memref<2048x64xf32, #tpu.memory_space<vmem>>, vector<2048x64xf32>,
    return
  }
  func.func @transform_0(%arg0: i32) -> (i32, i32) {
    %c0_i32 = arith.constant 0 : i32
    %c0_i32_0 = arith.constant 0 : i32
    return %arg0, %c0_i32 : i32, i32
  }
  func.func @transform_1(%arg0: i32) -> (i32, i32) {
    %c0_i32 = arith.constant 0 : i32
    %c0_i32_0 = arith.constant 0 : i32
    return %arg0, %c0_i32 : i32, i32
  }
  func.func @transform_2(%arg0: i32) -> (i32, i32) {
    %c0_i32 = arith.constant 0 : i32
    %c0_i32_0 = arith.constant 0 : i32
    return %arg0, %c0_i32 : i32, i32
  }
  func.func @transform_3(%arg0: i32) -> (i32, i32) {
    %c0_i32 = arith.constant 0 : i32
    %c0_i32_0 = arith.constant 0 : i32
    return %arg0, %c0_i32 : i32, i32
  }
  func.func @transform_4(%arg0: i32) -> (i32, i32) {
    %c0_i32 = arith.constant 0 : i32
    %c0_i32_0 = arith.constant 0 : i32
    return %arg0, %c0_i32 : i32, i32
  }
  func.func @transform_5(%arg0: i32) -> (i32, i32) {
    %c0_i32 = arith.constant 0 : i32
    %c0_i32_0 = arith.constant 0 : i32
    %c0_i32_1 = arith.constant 0 : i32
    return %c0_i32, %c0_i32_0 : i32, i32
  }
  func.func @transform_6(%arg0: i32) -> (i32, i32) {
    %c0_i32 = arith.constant 0 : i32
    %c0_i32_0 = arith.constant 0 : i32
    %c0_i32_1 = arith.constant 0 : i32
    return %c0_i32, %c0_i32_0 : i32, i32
  }
  func.func @transform_7(%arg0: i32) -> (i32, i32) {
    %c0_i32 = arith.constant 0 : i32
    %c0_i32_0 = arith.constant 0 : i32
    return %arg0, %c0_i32 : i32, i32
  }
  func.func @transform_8(%arg0: i32) -> (i32, i32) {
    %c0_i32 = arith.constant 0 : i32
    %c0_i32_0 = arith.constant 0 : i32
    return %arg0, %c0_i32 : i32, i32
  }
  func.func @transform_9(%arg0: i32) -> (i32, i32) {
    %c0_i32 = arith.constant 0 : i32
    %c0_i32_0 = arith.constant 0 : i32
    return %arg0, %c0_i32 : i32, i32
  }
  func.func @transform_10(%arg0: i32) -> (i32, i32) {
    %c0_i32 = arith.constant 0 : i32
    %c0_i32_0 = arith.constant 0 : i32
    return %arg0, %c0_i32 : i32, i32
  }
}

module attributes {stable_mosaic.version = 14 : i64} {
  func.func @_fin_body(%arg0: memref<10240x64xf32, #tpu.memory_space<vmem>>, %arg1: memref<10240x64xf32, #tpu.memory_space<vmem>>, %arg2: memref<10240x64xf32, #tpu.memory_space<vmem>>, %arg3: memref<10240x64xf32, #tpu.memory_space<vmem>>, %arg4: memref<10240x1xf32, #tpu.memory_space<vmem>>, %arg5: memref<1x256xf32, #tpu.memory_space<vmem>>, %arg6: memref<1x10240xi32, #tpu.memory_space<vmem>>, %arg7: memref<256x128xf32, #tpu.memory_space<vmem>>, %arg8: memref<1x128xf32, #tpu.memory_space<vmem>>, %arg9: memref<64x128xf32, #tpu.memory_space<vmem>>) attributes {dimension_semantics = [], scalar_prefetch = 0 : i64, scratch_operands = 0 : i64, tpu.core_type = #tpu.core_type<tc>} {
    %get3A = arith.constant 0 : index
    %get3A_0 = arith.constant 0 : index
    %get3A_1 = vector.load %arg0[%get3A, %get3A_0] : memref<10240x64xf32, #tpu.memory_space<vmem>>, vector<10240x64xf32>
    %get3A_2 = arith.constant 0 : index
    %get3A_3 = arith.constant 0 : index
    %get3A_4 = vector.load %arg1[%get3A_2, %get3A_3] : memref<10240x64xf32, #tpu.memory_space<vmem>>, vector<10240x64xf32>
    %get3A_5 = arith.constant 0 : index
    %get3A_6 = arith.constant 0 : index
    %get3A_7 = vector.load %arg2[%get3A_5, %get3A_6] : memref<10240x64xf32, #tpu.memory_space<vmem>>, vector<10240x64xf32>
    %get3A_8 = arith.constant 0 : index
    %get3A_9 = arith.constant 0 : index
    %get3A_10 = vector.load %arg3[%get3A_8, %get3A_9] : memref<10240x64xf32, #tpu.memory_space<vmem>>, vector<10240x64xf32>
    %concatenate3A = tpu.concatenate %get3A_1, %get3A_4, %get3A_7, %get3A_10 in 1 : vector<10240x64xf32>, vector<10240x64xf32>, vector<10240x64xf32>, vector<10240x64xf32> -> vector<10240x256xf32>
    %get3A_11 = arith.constant 0 : index
    %get3A_12 = arith.constant 0 : index
    %get3A_13 = vector.load %arg4[%get3A_11, %get3A_12] : memref<10240x1xf32, #tpu.memory_space<vmem>>, vector<10240x1xf32>
    %mul3A = vector.broadcast %get3A_13 : vector<10240x1xf32> to vector<10240x256xf32>
    %mul3A_14 = arith.mulf %concatenate3A, %mul3A : vector<10240x256xf32>
    %get3A_15 = arith.constant 0 : index
    %get3A_16 = arith.constant 0 : index
    %get3A_17 = vector.load %arg5[%get3A_15, %get3A_16] : memref<1x256xf32, #tpu.memory_space<vmem>>, vector<1x256xf32>
    %add3A = vector.broadcast %get3A_17 : vector<1x256xf32> to vector<10240x256xf32>
    %add3A_18 = arith.addf %mul3A_14, %add3A : vector<10240x256xf32>
    %iota3A = tpu.iota {dimensions = array<i32: 0>} : vector<64x10240xi32>
    %get3A_19 = arith.constant 0 : index
    %get3A_20 = arith.constant 0 : index
    %get3A_21 = vector.load %arg6[%get3A_19, %get3A_20] : memref<1x10240xi32, #tpu.memory_space<vmem>>, vector<1x10240xi32>
    %eq3A = vector.broadcast %get3A_21 : vector<1x10240xi32> to vector<64x10240xi32>
    %eq3A_22 = arith.cmpi eq, %iota3A, %eq3A : vector<64x10240xi32>
    %convert_element_type3A = arith.extui %eq3A_22 : vector<64x10240xi1> to vector<64x10240xi32>
    %convert_element_type3A_23 = arith.sitofp %convert_element_type3A : vector<64x10240xi32> to vector<64x10240xf32>
    %dot_general3A = arith.constant dense<0.000000e+00> : vector<64x256xf32>
    %dot_general3A_24 = tpu.matmul %convert_element_type3A_23, %add3A_18, %dot_general3A {dimension_numbers = #tpu.dot_dimension_numbers<[1], [0], [0], [1], [0, 0, 1, 1], [], []>, transpose_lhs_hint = false} : vector<64x10240xf32>, vector<10240x256xf32>, vector<64x256xf32> -> vector<64x256xf32>
    %reduce_sum3A = arith.constant dense<0.000000e+00> : vector<64xf32>
    %reduce_sum3A_25 = vector.multi_reduction <add>, %convert_element_type3A_23, %reduce_sum3A [1] : vector<64x10240xf32> to vector<64xf32>
    %broadcast_in_dim3A = vector.shape_cast %reduce_sum3A_25 : vector<64xf32> to vector<64x1xf32>
    %max3A = arith.constant 1.000000e+00 : f32
    %max3A_26 = vector.broadcast %max3A : f32 to vector<64x1xf32>
    %max3A_27 = arith.maximumf %broadcast_in_dim3A, %max3A_26 : vector<64x1xf32>
    %div3A = vector.broadcast %max3A_27 : vector<64x1xf32> to vector<64x256xf32>
    %div3A_28 = arith.divf %dot_general3A_24, %div3A : vector<64x256xf32>
    %get3A_29 = arith.constant 0 : index
    %get3A_30 = arith.constant 0 : index
    %get3A_31 = vector.load %arg7[%get3A_29, %get3A_30] : memref<256x128xf32, #tpu.memory_space<vmem>>, vector<256x128xf32>
    %dot_general3A_32 = arith.constant dense<0.000000e+00> : vector<64x128xf32>
    %dot_general3A_33 = tpu.matmul %div3A_28, %get3A_31, %dot_general3A_32 {dimension_numbers = #tpu.dot_dimension_numbers<[1], [0], [0], [1], [0, 0, 1, 1], [], []>, transpose_lhs_hint = false} : vector<64x256xf32>, vector<256x128xf32>, vector<64x128xf32> -> vector<64x128xf32>
    %get3A_34 = arith.constant 0 : index
    %get3A_35 = arith.constant 0 : index
    %get3A_36 = vector.load %arg8[%get3A_34, %get3A_35] : memref<1x128xf32, #tpu.memory_space<vmem>>, vector<1x128xf32>
    %add3A_37 = vector.broadcast %get3A_36 : vector<1x128xf32> to vector<64x128xf32>
    %add3A_38 = arith.addf %dot_general3A_33, %add3A_37 : vector<64x128xf32>
    %swap3A = arith.constant 0 : index
    %swap3A_39 = arith.constant 0 : index
    %swap3A_40 = vector.load %arg9[%swap3A, %swap3A_39] : memref<64x128xf32, #tpu.memory_space<vmem>>, vector<64x128xf32>
    tpu.vector_store %arg9[%swap3A, %swap3A_39], %add3A_38 {strides = array<i32>} : memref<64x128xf32, #tpu.memory_space<vmem>>, vector<64x128xf32>,
    return
  }
}

</mosaic_0001>

<sc_bundles>
// kernel: kernel.11.cloned.1.call-start
scs
__scs_entry_jumppad:
0x0: {  	(pc) =	sbr.rel $0x88, $3  }
0x1: {  	(tag) =	ssettag $0x0;
	lr =	simm.s32 $0x1  }
0x2: {  	[smem:$0x3F98] =	sst lr;
	_ =	strace $0xD0000000  }
0x3: {  	_ = 	snop  }
0x4: {  	_ = 	snop  }
0x5: {  	_ = 	snop  }
0x6: {  	_ = 	snop  }
0x7: {  	_ = 	snop  }
__scs_overlays_trampoline_lowered:
0x8: {  	[smem:$0x3FA7] =	sst s0  }
0x9: {  	[smem:$0x3FA8] =	sst s1  }
0xa: {  	[smem:$0x3FA9] =	sst s2  }
0xb: {  	[smem:$0x3FAA] =	sst s3  }
0xc: {  	[smem:$0x3FAB] =	sst s4  }
0xd: {  	[smem:$0x3FAC] =	sst s5  }
0xe: {  	[smem:$0x3FAD] =	sst s6  }
0xf: {  	[smem:$0x3FAE] =	sst s7  }
0x10: {  	[smem:$0x3FAF] =	sst s8  }
0x11: {  	[smem:$0x3FB0] =	sst s9;
	s0 =	simm.s32 @!p0 $0x0  }
0x12: {  	s1 =	sld [smem:$0x3F96];
	s0 =	simm.s32 @p0 $0x1  }
0x13: {  	[smem:$0x3FB1] =	sst s0;
	s0 =	simm.s32 @!p1 $0x0  }
0x14: {  	s2 =	sld [smem:$0x3F95];
	s0 =	simm.s32 @p1 $0x1  }
0x15: {  	[smem:$0x3FB2] =	sst s0;
	s0 =	simm.s32 @!p2 $0x0  }
0x16: {  	s3 =	sld [smem:$0x3FDB];
	s0 =	simm.s32 @p2 $0x1  }
0x17: {  	s4 =	simm.s32 $0x1BF5;
	[smem:$0x3FB4] =	sst s0  }
0x18: {  	s0 =	sld [smem:$0x3F97];
	_ =	swait.ge [sflag:s4], $0x0  }
0x19: {  	s7 =	sld [smem:$0x3F98]  }
0x1a: {  	s8 =	sadd.s32 $0xFFFFE003, lr  }
0x1b: {  	s9 =	sadd.s32 $0xFFFFFEF7, lr;
	s5 =	simm.s32 $0xFFFFFFFF;
	p2 =	slt.u32 s8, $0xFFFFF086  }
0x1c: {  	p1 =	slt.u32 s9, $0xF7A;
	s5 =	simm.s32 @!p2 $0x0  }
0x1d: {  	s5 =	simm.s32 @p1 $0x1;
	p0 =	seq.s32 s7, s2  }
0x1e: {  	s7 =	smul.u32 @!p0 $0xF7A, s2;
	p2 =	seq.s32 @!p0 s5, $0x0  }
0x1f: {  	s9 =	smul.u32 $0xF7A, s1;
	s8 =	simm.s32 @!p0 $0x1BF5;
	p2 =	por !p2, p0  }
0x20: {  	[sflag:s8] =	ssyncset.s32 @!p0 $0xFFFFF086;
	s6 =	sadd.s32 @!p0 s3, s7;
	s7 =	simm.s32 @!p0 $0x108  }
0x21: {  	s3 =	sadd.s32 s3, s9;
	s6 =	sadd.s32 @!p0 $0x88, s6;
	s7 =	simm.s32 @p2 $0x1082  }
0x22: {  	[simem:s7], [sflag:s8] =	dma.local @!p0 [hbm:s6], $0xF7A  }
0x23: {  	s9 =	sor.u32 $0xD0000000, s2;
	s6 =	simm.s32 $0x108;
	_ =	swait.ge @!p0 [sflag:s8], $0x0  }
0x24: {  	s3 =	sadd.s32 $0x88, s3;
	s6 =	simm.s32 @!p1 $0x1082;
	[sflag:s4] =	ssyncset.s32 $0xFFFFF086  }
0x25: {  	[simem:s6], [sflag:s4] =	dma.local [hbm:s3], $0xF7A  }
0x26: {  	[smem:$0x3F98] =	sst s1;
	(tag) =	ssettag s2;
	_ =	strace s9  }
0x27: {  	s1 =	sld [smem:$0x3FA8]  }
0x28: {  	s2 =	sld [smem:$0x3FA9]  }
0x29: {  	s4 =	sld [smem:$0x3FAB]  }
0x2a: {  	p0 =	seq.s32 s5, $0x0;
	s5 =	sld [smem:$0x3FAC]  }
0x2b: {  	s6 =	sld [smem:$0x3FAD]  }
0x2c: {  	s7 =	sld [smem:$0x3FAE]  }
0x2d: {  	s3 =	simm.s32 $0x108;
	s8 =	sld [smem:$0x3FAF]  }
0x2e: {  	s3 =	simm.s32 @!p0 $0x1082;
	s9 =	sld [smem:$0x3FB0]  }
0x2f: {  	lr =	sadd.s32 s0, s3;
	s0 =	sld [smem:$0x3FA7]  }
0x30: {  	s3 =	sld [smem:$0x3FAA]  }
0x31: {  	[smem:$0x3FB3] =	sst s10  }
0x32: {  	s10 =	sld [smem:$0x3FB1];
	_ =	sdelay $0x3  }
0x33: {  	p0 =	seq.s32 s10, $0x1;
	s10 =	sld [smem:$0x3FB3];
	_ =	sdelay $0x3  }
0x34: {  	[smem:$0x3FB3] =	sst s10  }
0x35: {  	s10 =	sld [smem:$0x3FB2];
	_ =	sdelay $0x3  }
0x36: {  	p1 =	seq.s32 s10, $0x1;
	s10 =	sld [smem:$0x3FB3];
	_ =	sdelay $0x3  }
0x37: {  	[smem:$0x3FB3] =	sst s10  }
0x38: {  	s10 =	sld [smem:$0x3FB4]  }
0x39: {  	_ = 	snop;
	(pc) =	sbr.ind lr, $3  }
0x3a: {  	_ = 	snop  }
0x3b: {  	_ = 	snop  }
0x3c: {  	p2 =	seq.s32 s10, $0x1;
	s10 =	sld [smem:$0x3FB3]  }
0x3d: {  	_ =	shalt  }
0x3e: {  	_ =	shalt  }
0x3f: {  	_ =	shalt  }
0x40: {  	_ =	shalt  }
0x41: {  	_ =	shalt  }
0x42: {  	_ =	shalt  }
0x43: {  	_ =	shalt  }
0x44: {  	_ =	shalt  }
0x45: {  	_ =	shalt  }
0x46: {  	_ =	shalt  }
0x47: {  	_ =	shalt  }
0x48: {  	_ =	shalt  }
0x49: {  	_ =	shalt  }
0x4a: {  	_ =	shalt  }
0x4b: {  	_ =	shalt  }
0x4c: {  	_ =	shalt  }
0x4d: {  	_ =	shalt  }
0x4e: {  	_ =	shalt  }
0x4f: {  	_ =	shalt  }
0x50: {  	_ =	shalt  }
0x51: {  	_ =	shalt  }
0x52: {  	_ =	shalt  }
0x53: {  	_ =	shalt  }
0x54: {  	_ =	shalt  }
0x55: {  	_ =	shalt  }
0x56: {  	_ =	shalt  }
0x57: {  	_ =	shalt  }
0x58: {  	_ =	shalt  }
0x59: {  	_ =	shalt  }
0x5a: {  	_ =	shalt  }
0x5b: {  	_ =	shalt  }
0x5c: {  	_ =	shalt  }
0x5d: {  	_ =	shalt  }
0x5e: {  	_ =	shalt  }
0x5f: {  	_ =	shalt  }
0x60: {  	_ =	shalt  }
0x61: {  	_ =	shalt  }
0x62: {  	_ =	shalt  }
0x63: {  	_ =	shalt  }
0x64: {  	_ =	shalt  }
0x65: {  	_ =	shalt  }
0x66: {  	_ =	shalt  }
0x67: {  	_ =	shalt  }
0x68: {  	_ =	shalt  }
0x69: {  	_ =	shalt  }
0x6a: {  	_ =	shalt  }
0x6b: {  	_ =	shalt  }
0x6c: {  	_ =	shalt  }
0x6d: {  	_ =	shalt  }
0x6e: {  	_ =	shalt  }
0x6f: {  	_ =	shalt  }
0x70: {  	_ =	shalt  }
0x71: {  	_ =	shalt  }
0x72: {  	_ =	shalt  }
0x73: {  	_ =	shalt  }
0x74: {  	_ =	shalt  }
0x75: {  	_ =	shalt  }
0x76: {  	_ =	shalt  }
0x77: {  	_ =	shalt  }
0x78: {  	_ =	shalt  }
0x79: {  	_ =	shalt  }
0x7a: {  	_ =	shalt  }
0x7b: {  	_ =	shalt  }
0x7c: {  	_ =	shalt  }
0x7d: {  	_ =	shalt  }
0x7e: {  	_ =	shalt  }
0x7f: {  	_ =	shalt  }
0x80: {  	_ =	shalt  }
0x81: {  	_ =	shalt  }
0x82: {  	_ =	shalt  }
0x83: {  	_ =	shalt  }
0x84: {  	_ =	shalt  }
0x85: {  	_ =	shalt  }
0x86: {  	_ =	shalt  }
0x87: {  	_ =	shalt  }
.Lfunc_end0:
.L_simem_size_0:
called_computation.1_lowered:
.L_overlay_start_0:
0x88: {  	s2 =	sld [smem:$0x3FD9]  }
0x89: {  	s3 =	sld [smem:$0x3FFE];
	_ =	sdelay $0x1  }
0x8a: {  	s1 =	srdreg.scid  }
0x8b: {  	s0 =	sand.u32 $0x1, s1  }
0x8c: {  	s16 =	sshll.u32 s0, $0xA;
	s2 =	sadd.s32 s3, s2  }
0x8d: {  	s2 =	sadd.s32 s2, s16  }
0x8e: {  	[smem:$0x3FBF] =	sst s2  }
0x8f: {  	_ = 	snop  }
0x90: {  	(tm) =	ssettm $0x1  }
0x91: {  	s17 =	sld [smem:$0x3FFB];
	_ =	sdelay $0x3  }
0x92: {  	_ =	strace s17  }
0x93: {  	s2 =	sld [smem:$0x3FFC];
	_ =	sdelay $0x3  }
0x94: {  	_ =	strace s2  }
0x95: {  	s2 =	sld [smem:$0x3FFD];
	_ =	sdelay $0x3  }
0x96: {  	_ =	strace s2  }
0x97: {  	_ =	strace $0x8FFFFFFF  }
0x98: {  	s18 =	sld [smem:$0x3FDB];
	_ =	sdelay $0x1  }
0x99: {  	s19 =	simm.s32 $_scs_section_size  }
0x9a: {  	s4 =	simm.s32 $_size__tile_overlayer_lowered;
	s5 =	simm.s32 $_tile_overlayer_lowered  }
0x9b: {  	s22 =	simm.s32 $0x1BFF;
	s21 =	sshll.u32 s5, $0x1;
	s2 =	sadd.s32 s19, s18  }
0x9c: {  	s6 =	simm.s32 $0x0;
	s20 =	sshll.u32 s4, $0x1;
	s4 =	sadd.s32 s21, s2  }
0x9d: {  	[timem:s6], [sflag:s22] =	dma.local [hbm:s4], s20  }
0x9e: {  	_ =	swait.ge [sflag:s22], s20  }
0x9f: {  	s3 =	ssub.s32 $0x0, s20;
	[sflag:s22] =	ssyncset.done $0x0  }
0xa0: {  	[sflag:s22] =	ssyncadd.s32 s3;
	_ =	sdelay $0x1  }
0xa1: {  	s23 =	simm.s32 $0x1B8B  }
0xa2: {  	_ =	swait.ge [sflag:s23], $0x1  }
0xa3: {  	[sflag:s23] =	ssyncset.done $0x0  }
0xa4: {  	s25 =	simm.s32 $0x1B8E;
	s24 =	sld [smem:$0x3FFE];
	[sflag:s23] =	ssyncadd.s32 $0xFFFFFFFF  }
0xa5: {  	s26 =	simm.s32 $execute0_lowered;
	[smem:$0x3FD2] =	sst s25  }
0xa6: {  	s4 =	sshll.u32 s26, $0x1;
	_ =	strace $0x80000049;
	[dreg:$0x1] =	wrdreg $0xFFFFFFFF  }
0xa7: {  	s28 =	simm.s32 $_size_execute0_lowered;
	s2 =	sadd.s32 s2, s4;
	[dreg:$0x0] =	wrdreg $0x0  }
0xa8: {  	s4 =	sshll.u32 s28, $0x1;
	[dreg:$0x2] =	wrdreg s2  }
0xa9: {  	[dreg:$0x3] =	wrdreg s4  }
0xaa: {  	[dreg:$0x4] =	wrdreg $0xC0  }
0xab: {  	_ =	task [dreg:s6], $0x5FFFF  }
0xac: {  	[dreg:$0x1] =	wrdreg $0xFFFFFFFF  }
0xad: {  	[dreg:$0x0] =	wrdreg $0x60  }
0xae: {  	[dreg:$0x2] =	wrdreg s24  }
0xaf: {  	[dreg:$0x3] =	wrdreg $0x120000  }
0xb0: {  	[dreg:$0x4] =	wrdreg $0x9  }
0xb1: {  	_ =	task.clear_ibuf [dreg:s6], $0x5FFFF;
	_ =	strace $0x90000049  }
0xb2: {  	s29 =	simm.s32 $0x9;
	_ =	strace $0x8000004B  }
0xb3: {  	_ =	swait.ge [sflag:s29], $0x1  }
0xb4: {  	[sflag:s29] =	ssyncadd.s32 $0xFFFFFFFF  }
0xb5: {  	_ =	strace $0x9000004B  }
0xb6: {  	_ =	sfence  }
0xb7: {  	s30 =	sld [smem:$0x0];
	_ =	sdelay $0x2  }
0xb8: {  	s31 =	sshll.u32 s1, $0xD;
	s1 =	sshrl.u32 s1, $0x2  }
0xb9: {  	s3 =	sand.u32 $0x4000, s31;
	s1 =	sadd.s32 s1, s30  }
0xba: {  	s0 =	sor.u32 s3, s0;
	s1 =	sshll.u32 s1, $0x11  }
0xbb: {  	s0 =	sor.u32 s1, s0  }
0xbc: {  	s0 =	sadd.s32 $0x8F2B, s0  }
0xbd: {  	[sflag:s0] =	ssyncadd.remote.s32 $0x1  }
0xbe: {  	_ =	sfence.sel $0xFFFF  }
0xbf: {  	[dreg:$0x0] =	wrdreg $0xFFFFFFFF;
	(pc) =	sbr.abs _section_cstart, $3  }
0xc0: {  	[dreg:$0x1] =	wrdreg $0xFFFFFFFF  }
0xc1: {  	_ =	task.clear_ibuf [dreg:s6], $0x2FFFF;
	_ =	strace $0x9FFFFFFF  }
0xc2: {  	(tm) =	ssettm $0x7FFFFFFF  }
0xc3: {  	_ =	shalt  }
tec
execute0_lowered:
.L_overlay_start_1:
0x0: {  	(tag) =	ssettag $0x1  }
0x1: {  	s0 =	rddreg [dreg:$0x0]  }
0x2: {  	s1 =	rddreg [dreg:$0x1];
	s2 =	simm.s32 $0x0;
	s11 =	stileid.u32  }
0x3: {  	s8 =	srdreg.scid;
	s28 =	simm.s32 $0xC000;
	s29 =	simm.s32 $0x100  }
0x4: {  	s30 =	simm.s32 $0xE000;
	s31 =	simm.s32 $0x180;
	[smem:$0x7FF] =	sst s2  }
0x5: {  	s4 =	sadd.s32 $0x53A00, s0;
	s5 =	sadd.s32 $0x3FA00, s0;
	s14 =	smul.u32 $0xA00, s11  }
0x6: {  	s6 =	sadd.s32 $0x2BA00, s0;
	s3 =	smul.u32 $0xA000, s11;
	s7 =	sadd.s32 $0x17A00, s0  }
0x7: {  	s8 =	sand.u32 $0x1, s8;
	s9 =	sadd.s32 $0xC7000, s0;
	s26 =	sshll.u32 s11, $0x6  }
0x8: {  	_ =	strace $0x8000004A;
	[dreg:$0x3] =	wrdreg s9;
	s10 =	ssub.s32 $0x2, s8  }
0x9: {  	p0 =	seq.s32 s8, $0x1;
	[dreg:$0xc] =	wrdreg s26;
	s18 =	sor.u32 $0x1C05, s26  }
0xa: {  	s26 =	simm.s32 $0xA000;
	s8 =	simm.s32 $0x3;
	s2 =	sadd.s32 s14, s0  }
0xb: {  	s9 =	sshrl.u32 s3, $0x3;
	s15 =	sshrl.u32 s10, $0x1;
	s17 =	sadd.s32 s3, s1  }
0xc: {  	s14 =	simm.s32 $0x9E80;
	s13 =	sadd.s32 s9, s0;
	s0 =	sadd.s32 $0x67A00, s0  }
0xd: {  	s16 =	sadd.s32 $0xDA00, s2;
	s12 =	sadd.s32 $0x3A00, s2;
	[dreg:$0x4] =	wrdreg s0  }
0xe: {  	s20 =	sadd.s32 s4, s9;
	s22 =	sadd.s32 s5, s9;
	[dreg:$0x5] =	wrdreg s16  }
0xf: {  	s23 =	sadd.s32 s6, s9;
	s25 =	sadd.s32 s7, s9;
	[dreg:$0x6] =	wrdreg s20  }
0x10: {  	s2 =	simm.s32 $0x1;
	s0 =	ssub.s32 s10, s15;
	[dreg:$0x8] =	wrdreg s22  }
0x11: {  	s21 =	sadd.s32 $0xDB000, s13;
	[dreg:$0x9] =	wrdreg s23;
	s24 =	sadd.s32 $0x7BA00, s13  }
.Ltmp0:
0x12: {  	[dreg:$0xb] =	wrdreg s25;
	s20 =	simm.s32 $0x5;
	(pc) =	sbr.rel .LBB2_1-.Ltmp0, $4  }
0x13: {  	s25 =	simm.s32 $0x80;
	s13 =	simm.s32 $0x4;
	s10 =	simm.s32 $0x9E00  }
0x14: {  	s15 =	simm.s32 $0x9F00;
	s16 =	simm.s32 $0x9F80;
	[dreg:$0x7] =	wrdreg s21  }
0x15: {  	[dreg:$0xa] =	wrdreg s24;
	s19 =	smax.u32 s0, $0x1;
	s24 =	sshrl.u32 s17, $0x3  }
0x16: {  	s0 =	simm.s32 $0x10000;
	s21 =	simm.s32 $0x2;
	s17 =	simm.s32 $0x0  }
.LBB2_11:
0x17: {  	[tilespmem:s0], [sflag:$0x4] =	stream.indirect.gather [hbm4b:s7+s25], $0x40, s3, s25, $0xb8;
	[tilespmem:$0x1C000] =	vst v63  }
0x18: {  	s3 =	rddreg [dreg:$0x4];
	s23 =	smov.u32 s18  }
.LBB2_12:
0x19: {  	_ =	swait.ge [sflag:s2], $0x2000  }
0x1a: {  	[sflag:s2] =	ssyncset.done $0x0  }
0x1b: {  	[sflag:s2] =	ssyncadd.s32 $0xFFFFE000  }
0x1c: {  	[spmem:s1] =	stream.indirect.scatter.add.f32 [tilespmem:s26], [sflag:$0x5], $0x40, s10, s25, $0xb8;
	[tilespmem:$0x1C000] =	vst v63  }
0x1d: {  	_ =	swait.ge [sflag:s20], $0x2000  }
0x1e: {  	[sflag:s20] =	ssyncset.done $0x0  }
0x1f: {  	[sflag:s20] =	ssyncadd.s32 $0xFFFFE000  }
0x20: {  	_ =	swait.ge [sflag:s21], $0x2000  }
0x21: {  	[sflag:s21] =	ssyncset.done $0x0  }
0x22: {  	[sflag:s21] =	ssyncadd.s32 $0xFFFFE000  }
0x23: {  	[spmem:s1] =	stream.indirect.scatter.add.f32 [tilespmem:s28], [sflag:$0x5], $0x40, s14, s25, $0xb8;
	[tilespmem:$0x1C000] =	vst v63  }
0x24: {  	_ =	swait.ge [sflag:s20], $0x2000  }
0x25: {  	[sflag:s20] =	ssyncset.done $0x0  }
0x26: {  	[sflag:s20] =	ssyncadd.s32 $0xFFFFE000  }
0x27: {  	_ =	swait.ge [sflag:s8], $0x2000  }
0x28: {  	[sflag:s8] =	ssyncset.done $0x0  }
0x29: {  	[sflag:s8] =	ssyncadd.s32 $0xFFFFE000  }
0x2a: {  	[spmem:s1] =	stream.indirect.scatter.add.f32 [tilespmem:s30], [sflag:$0x5], $0x40, s15, s25, $0xb8;
	[tilespmem:$0x1C000] =	vst v63  }
0x2b: {  	_ =	swait.ge [sflag:s20], $0x2000  }
0x2c: {  	[sflag:s20] =	ssyncset.done $0x0  }
0x2d: {  	[sflag:s20] =	ssyncadd.s32 $0xFFFFE000  }
0x2e: {  	_ =	swait.ge [sflag:s13], $0x2000  }
0x2f: {  	[sflag:s13] =	ssyncset.done $0x0  }
0x30: {  	[sflag:s13] =	ssyncadd.s32 $0xFFFFE000  }
0x31: {  	[spmem:s1] =	stream.indirect.scatter.add.f32 [tilespmem:s0], [sflag:$0x5], $0x40, s16, s25, $0xb8;
	[tilespmem:$0x1C000] =	vst v63  }
0x32: {  	_ =	swait.ge [sflag:s20], $0x2000  }
0x33: {  	s17 =	sadd.s32 $0x1, s17;
	[sflag:s20] =	ssyncset.done $0x0  }
0x34: {  	p1 =	sne.s32 s17, s19;
	[sflag:s20] =	ssyncadd.s32 $0xFFFFE000  }
.Ltmp1:
0x35: {  	s3 =	sadd.s32 s3, s9;
	[bflag:$0x0] =	sbarrier.arrive $0xFFFF;
	(pc) =	sbr.rel @!p1 .LBB2_13-.Ltmp1, $4  }
0x36: {  	[hbm:s3], [sflag:s23] =	dma.local [spmem:s24], $0x1400  }
0x37: {  	_ =	swait.ge [sflag:s20], $0x1400  }
0x38: {  	[sflag:s20] =	ssyncset.done $0x0  }
0x39: {  	[sflag:s20] =	ssyncadd.s32 $0xFFFFEC00  }
.LBB2_1:
0x3a: {  	s3 =	simm.s32 $0x0;
	s11 =	rddreg [dreg:$0x5]  }
0x3b: {  	[tilespmem:s3], [sflag:$0x5] =	stream.linear.gather [hbm4b:s11+s3], $0x5000, $0x38;
	[tilespmem:$0x1C000] =	vst v63  }
0x3c: {  	_ =	swait.ge [sflag:s20], $0x5000  }
0x3d: {  	[sflag:s20] =	ssyncset.done $0x0  }
.Ltmp2:
0x3e: {  	s23 =	simm.s32 $0x5000;
	[sflag:s20] =	ssyncadd.s32 $0xFFFFB000;
	(pc) =	sbr.rel @!p0 .LBB2_2-.Ltmp2, $4  }
0x3f: {  	[tilespmem:s23], [sflag:$0x5] =	stream.linear.gather [hbm4b:s12+s3], $0x5000, $0x38;
	[tilespmem:$0x1C000] =	vst v63  }
0x40: {  	_ =	swait.ge [sflag:s20], $0x5000  }
0x41: {  	[sflag:s20] =	ssyncset.done $0x0  }
0x42: {  	[sflag:s20] =	ssyncadd.s32 $0xFFFFB000  }
0x43: {  	s3 =	rddreg [dreg:$0x9]  }
0x44: {  	[spmem:s24], [sflag:s18] =	dma.local [hbm:s3], $0x1400  }
0x45: {  	_ =	swait.ge [sflag:s20], $0x1400  }
0x46: {  	[sflag:s20] =	ssyncset.done $0x0  }
0x47: {  	[sflag:s20] =	ssyncadd.s32 $0xFFFFEC00  }
0x48: {  	s22 =	simm.s32 $0x0;
	[bflag:$0x0] =	sbarrier.arrive $0xFFFF  }
0x49: {  	[tilespmem:s26], [sflag:$0x1] =	stream.indirect.gather [hbm4b:s6+s25], $0x40, s22, s25, $0xb8;
	[tilespmem:$0x1C000] =	vst v63  }
0x4a: {  	_ = 	snop  }
0x4b: {  	[tilespmem:s28], [sflag:$0x2] =	stream.indirect.gather [hbm4b:s6+s25], $0x40, s25, s25, $0xb8;
	[tilespmem:$0x1C000] =	vst v63  }
0x4c: {  	_ = 	snop  }
0x4d: {  	[tilespmem:s30], [sflag:$0x3] =	stream.indirect.gather [hbm4b:s6+s25], $0x40, s29, s25, $0xb8;
	[tilespmem:$0x1C000] =	vst v63  }
0x4e: {  	_ = 	snop  }
0x4f: {  	[tilespmem:s0], [sflag:$0x4] =	stream.indirect.gather [hbm4b:s6+s25], $0x40, s31, s25, $0xb8;
	[tilespmem:$0x1C000] =	vst v63  }
0x50: {  	_ =	swait.ge [sflag:s2], $0x2000  }
0x51: {  	[sflag:s2] =	ssyncset.done $0x0  }
0x52: {  	s23 =	simm.s32 $0x5000;
	[sflag:s2] =	ssyncadd.s32 $0xFFFFE000  }
0x53: {  	[spmem:s1] =	stream.indirect.scatter.add.f32 [tilespmem:s26], [sflag:$0x5], $0x40, s23, s25, $0xb8;
	[tilespmem:$0x1C000] =	vst v63  }
0x54: {  	_ =	swait.ge [sflag:s20], $0x2000  }
0x55: {  	[sflag:s20] =	ssyncset.done $0x0  }
0x56: {  	s11 =	simm.s32 $0x200;
	[sflag:s20] =	ssyncadd.s32 $0xFFFFE000  }
0x57: {  	[tilespmem:s26], [sflag:$0x1] =	stream.indirect.gather [hbm4b:s6+s25], $0x40, s11, s25, $0xb8;
	[tilespmem:$0x1C000] =	vst v63  }
0x58: {  	_ =	swait.ge [sflag:s21], $0x2000  }
0x59: {  	[sflag:s21] =	ssyncset.done $0x0  }
0x5a: {  	s22 =	simm.s32 $0x5080;
	[sflag:s21] =	ssyncadd.s32 $0xFFFFE000  }
0x5b: {  	[spmem:s1] =	stream.indirect.scatter.add.f32 [tilespmem:s28], [sflag:$0x5], $0x40, s22, s25, $0xb8;
	[tilespmem:$0x1C000] =	vst v63  }
0x5c: {  	_ =	swait.ge [sflag:s20], $0x2000  }
0x5d: {  	[sflag:s20] =	ssyncset.done $0x0  }
0x5e: {  	s23 =	simm.s32 $0x280;
	[sflag:s20] =	ssyncadd.s32 $0xFFFFE000  }
0x5f: {  	[tilespmem:s28], [sflag:$0x2] =	stream.indirect.gather [hbm4b:s6+s25], $0x40, s23, s25, $0xb8;
	[tilespmem:$0x1C000] =	vst v63  }
0x60: {  	_ =	swait.ge [sflag:s8], $0x2000  }
0x61: {  	[sflag:s8] =	ssyncset.done $0x0  }
0x62: {  	s11 =	simm.s32 $0x5100;
	[sflag:s8] =	ssyncadd.s32 $0xFFFFE000  }
0x63: {  	[spmem:s1] =	stream.indirect.scatter.add.f32 [tilespmem:s30], [sflag:$0x5], $0x40, s11, s25, $0xb8;
	[tilespmem:$0x1C000] =	vst v63  }
0x64: {  	_ =	swait.ge [sflag:s20], $0x2000  }
0x65: {  	[sflag:s20] =	ssyncset.done $0x0  }
0x66: {  	s22 =	simm.s32 $0x300;
	[sflag:s20] =	ssyncadd.s32 $0xFFFFE000  }
0x67: {  	[tilespmem:s30], [sflag:$0x3] =	stream.indirect.gather [hbm4b:s6+s25], $0x40, s22, s25, $0xb8;
	[tilespmem:$0x1C000] =	vst v63  }
0x68: {  	_ =	swait.ge [sflag:s13], $0x2000  }
0x69: {  	[sflag:s13] =	ssyncset.done $0x0  }
0x6a: {  	s23 =	simm.s32 $0x5180;
	[sflag:s13] =	ssyncadd.s32 $0xFFFFE000  }
0x6b: {  	[spmem:s1] =	stream.indirect.scatter.add.f32 [tilespmem:s0], [sflag:$0x5], $0x40, s23, s25, $0xb8;
	[tilespmem:$0x1C000] =	vst v63  }
0x6c: {  	_ =	swait.ge [sflag:s20], $0x2000  }
0x6d: {  	[sflag:s20] =	ssyncset.done $0x0  }
0x6e: {  	s3 =	simm.s32 $0x380;
	s22 =	simm.s32 $0x800;
	[sflag:s20] =	ssyncadd.s32 $0xFFFFE000  }
.LBB2_8:
0x6f: {  	[tilespmem:s0], [sflag:$0x4] =	stream.indirect.gather [hbm4b:s6+s25], $0x40, s3, s25, $0xb8;
	[tilespmem:$0x1C000] =	vst v63  }
0x70: {  	s3 =	smov.u32 s22  }
0x71: {  	p1 =	sne.s32 s22, $0x13000;
	s22 =	sadd.s32 $0x800, s22;
	_ =	swait.ge [sflag:s2], $0x2000  }
0x72: {  	s3 =	sshra.s32 s3, $0x2;
	[sflag:s2] =	ssyncset.done $0x0  }
0x73: {  	s11 =	sadd.s32 $0x5000, s3;
	[sflag:s2] =	ssyncadd.s32 $0xFFFFE000  }
0x74: {  	[spmem:s1] =	stream.indirect.scatter.add.f32 [tilespmem:s26], [sflag:$0x5], $0x40, s11, s25, $0xb8;
	[tilespmem:$0x1C000] =	vst v63  }
0x75: {  	_ =	swait.ge [sflag:s20], $0x2000  }
0x76: {  	[sflag:s20] =	ssyncset.done $0x0  }
0x77: {  	s11 =	sadd.s32 $0x200, s3;
	[sflag:s20] =	ssyncadd.s32 $0xFFFFE000  }
0x78: {  	[tilespmem:s26], [sflag:$0x1] =	stream.indirect.gather [hbm4b:s6+s25], $0x40, s11, s25, $0xb8;
	[tilespmem:$0x1C000] =	vst v63  }
0x79: {  	_ =	swait.ge [sflag:s21], $0x2000  }
0x7a: {  	[sflag:s21] =	ssyncset.done $0x0  }
0x7b: {  	s11 =	sadd.s32 $0x5080, s3;
	[sflag:s21] =	ssyncadd.s32 $0xFFFFE000  }
0x7c: {  	[spmem:s1] =	stream.indirect.scatter.add.f32 [tilespmem:s28], [sflag:$0x5], $0x40, s11, s25, $0xb8;
	[tilespmem:$0x1C000] =	vst v63  }
0x7d: {  	_ =	swait.ge [sflag:s20], $0x2000  }
0x7e: {  	[sflag:s20] =	ssyncset.done $0x0  }
0x7f: {  	s11 =	sadd.s32 $0x280, s3;
	[sflag:s20] =	ssyncadd.s32 $0xFFFFE000  }
0x80: {  	[tilespmem:s28], [sflag:$0x2] =	stream.indirect.gather [hbm4b:s6+s25], $0x40, s11, s25, $0xb8;
	[tilespmem:$0x1C000] =	vst v63  }
0x81: {  	_ =	swait.ge [sflag:s8], $0x2000  }
0x82: {  	[sflag:s8] =	ssyncset.done $0x0  }
0x83: {  	s11 =	sadd.s32 $0x5100, s3;
	[sflag:s8] =	ssyncadd.s32 $0xFFFFE000  }
0x84: {  	[spmem:s1] =	stream.indirect.scatter.add.f32 [tilespmem:s30], [sflag:$0x5], $0x40, s11, s25, $0xb8;
	[tilespmem:$0x1C000] =	vst v63  }
0x85: {  	_ =	swait.ge [sflag:s20], $0x2000  }
0x86: {  	[sflag:s20] =	ssyncset.done $0x0  }
0x87: {  	s11 =	sadd.s32 $0x300, s3;
	[sflag:s20] =	ssyncadd.s32 $0xFFFFE000  }
0x88: {  	[tilespmem:s30], [sflag:$0x3] =	stream.indirect.gather [hbm4b:s6+s25], $0x40, s11, s25, $0xb8;
	[tilespmem:$0x1C000] =	vst v63  }
0x89: {  	_ =	swait.ge [sflag:s13], $0x2000  }
0x8a: {  	[sflag:s13] =	ssyncset.done $0x0  }
.Ltmp3:
0x8b: {  	s11 =	sadd.s32 $0x5180, s3;
	[sflag:s13] =	ssyncadd.s32 $0xFFFFE000;
	(pc) =	sbr.rel @p1 .LBB2_8-.Ltmp3, $4  }
0x8c: {  	[spmem:s1] =	stream.indirect.scatter.add.f32 [tilespmem:s0], [sflag:$0x5], $0x40, s11, s25, $0xb8;
	[tilespmem:$0x1C000] =	vst v63  }
0x8d: {  	_ =	swait.ge [sflag:s20], $0x2000  }
0x8e: {  	[sflag:s20] =	ssyncset.done $0x0  }
0x8f: {  	s3 =	sadd.s32 $0x380, s3;
	[sflag:s20] =	ssyncadd.s32 $0xFFFFE000  }
0x90: {  	[tilespmem:s0], [sflag:$0x4] =	stream.indirect.gather [hbm4b:s6+s25], $0x40, s3, s25, $0xb8;
	[tilespmem:$0x1C000] =	vst v63  }
0x91: {  	_ =	swait.ge [sflag:s2], $0x2000  }
0x92: {  	[sflag:s2] =	ssyncset.done $0x0  }
0x93: {  	[sflag:s2] =	ssyncadd.s32 $0xFFFFE000  }
0x94: {  	[spmem:s1] =	stream.indirect.scatter.add.f32 [tilespmem:s26], [sflag:$0x5], $0x40, s10, s25, $0xb8;
	[tilespmem:$0x1C000] =	vst v63  }
0x95: {  	_ =	swait.ge [sflag:s20], $0x2000  }
0x96: {  	[sflag:s20] =	ssyncset.done $0x0  }
0x97: {  	[sflag:s20] =	ssyncadd.s32 $0xFFFFE000  }
0x98: {  	_ =	swait.ge [sflag:s21], $0x2000  }
0x99: {  	[sflag:s21] =	ssyncset.done $0x0  }
0x9a: {  	[sflag:s21] =	ssyncadd.s32 $0xFFFFE000  }
0x9b: {  	[spmem:s1] =	stream.indirect.scatter.add.f32 [tilespmem:s28], [sflag:$0x5], $0x40, s14, s25, $0xb8;
	[tilespmem:$0x1C000] =	vst v63  }
0x9c: {  	_ =	swait.ge [sflag:s20], $0x2000  }
0x9d: {  	[sflag:s20] =	ssyncset.done $0x0  }
0x9e: {  	[sflag:s20] =	ssyncadd.s32 $0xFFFFE000  }
0x9f: {  	_ =	swait.ge [sflag:s8], $0x2000  }
0xa0: {  	[sflag:s8] =	ssyncset.done $0x0  }
0xa1: {  	[sflag:s8] =	ssyncadd.s32 $0xFFFFE000  }
0xa2: {  	[spmem:s1] =	stream.indirect.scatter.add.f32 [tilespmem:s30], [sflag:$0x5], $0x40, s15, s25, $0xb8;
	[tilespmem:$0x1C000] =	vst v63  }
0xa3: {  	_ =	swait.ge [sflag:s20], $0x2000  }
0xa4: {  	[sflag:s20] =	ssyncset.done $0x0  }
0xa5: {  	[sflag:s20] =	ssyncadd.s32 $0xFFFFE000  }
0xa6: {  	_ =	swait.ge [sflag:s13], $0x2000  }
0xa7: {  	[sflag:s13] =	ssyncset.done $0x0  }
0xa8: {  	[sflag:s13] =	ssyncadd.s32 $0xFFFFE000  }
0xa9: {  	[spmem:s1] =	stream.indirect.scatter.add.f32 [tilespmem:s0], [sflag:$0x5], $0x40, s16, s25, $0xb8;
	[tilespmem:$0x1C000] =	vst v63  }
0xaa: {  	_ =	swait.ge [sflag:s20], $0x2000  }
0xab: {  	[sflag:s20] =	ssyncset.done $0x0  }
0xac: {  	[sflag:s20] =	ssyncadd.s32 $0xFFFFE000  }
0xad: {  	[bflag:$0x0] =	sbarrier.arrive $0xFFFF  }
0xae: {  	s23 =	rddreg [dreg:$0xa]  }
0xaf: {  	[hbm:s23], [sflag:s18] =	dma.local [spmem:s24], $0x1400  }
0xb0: {  	_ =	swait.ge [sflag:s20], $0x1400  }
0xb1: {  	[sflag:s20] =	ssyncset.done $0x0  }
0xb2: {  	s11 =	rddreg [dreg:$0xb];
	[sflag:s20] =	ssyncadd.s32 $0xFFFFEC00  }
0xb3: {  	[spmem:s24], [sflag:s18] =	dma.local [hbm:s11], $0x1400  }
0xb4: {  	_ =	swait.ge [sflag:s20], $0x1400  }
0xb5: {  	[sflag:s20] =	ssyncset.done $0x0  }
0xb6: {  	[sflag:s20] =	ssyncadd.s32 $0xFFFFEC00  }
0xb7: {  	s22 =	simm.s32 $0x0;
	[bflag:$0x0] =	sbarrier.arrive $0xFFFF  }
0xb8: {  	[tilespmem:s26], [sflag:$0x1] =	stream.indirect.gather [hbm4b:s7+s25], $0x40, s22, s25, $0xb8;
	[tilespmem:$0x1C000] =	vst v63  }
0xb9: {  	_ = 	snop  }
0xba: {  	[tilespmem:s28], [sflag:$0x2] =	stream.indirect.gather [hbm4b:s7+s25], $0x40, s25, s25, $0xb8;
	[tilespmem:$0x1C000] =	vst v63  }
0xbb: {  	_ = 	snop  }
0xbc: {  	[tilespmem:s30], [sflag:$0x3] =	stream.indirect.gather [hbm4b:s7+s25], $0x40, s29, s25, $0xb8;
	[tilespmem:$0x1C000] =	vst v63  }
0xbd: {  	_ = 	snop  }
0xbe: {  	[tilespmem:s0], [sflag:$0x4] =	stream.indirect.gather [hbm4b:s7+s25], $0x40, s31, s25, $0xb8;
	[tilespmem:$0x1C000] =	vst v63  }
0xbf: {  	_ =	swait.ge [sflag:s2], $0x2000  }
0xc0: {  	[sflag:s2] =	ssyncset.done $0x0  }
0xc1: {  	s23 =	simm.s32 $0x5000;
	[sflag:s2] =	ssyncadd.s32 $0xFFFFE000  }
0xc2: {  	[spmem:s1] =	stream.indirect.scatter.add.f32 [tilespmem:s26], [sflag:$0x5], $0x40, s23, s25, $0xb8;
	[tilespmem:$0x1C000] =	vst v63  }
0xc3: {  	_ =	swait.ge [sflag:s20], $0x2000  }
0xc4: {  	[sflag:s20] =	ssyncset.done $0x0  }
0xc5: {  	s11 =	simm.s32 $0x200;
	[sflag:s20] =	ssyncadd.s32 $0xFFFFE000  }
0xc6: {  	[tilespmem:s26], [sflag:$0x1] =	stream.indirect.gather [hbm4b:s7+s25], $0x40, s11, s25, $0xb8;
	[tilespmem:$0x1C000] =	vst v63  }
0xc7: {  	_ =	swait.ge [sflag:s21], $0x2000  }
0xc8: {  	[sflag:s21] =	ssyncset.done $0x0  }
0xc9: {  	s22 =	simm.s32 $0x5080;
	[sflag:s21] =	ssyncadd.s32 $0xFFFFE000  }
0xca: {  	[spmem:s1] =	stream.indirect.scatter.add.f32 [tilespmem:s28], [sflag:$0x5], $0x40, s22, s25, $0xb8;
	[tilespmem:$0x1C000] =	vst v63  }
0xcb: {  	_ =	swait.ge [sflag:s20], $0x2000  }
0xcc: {  	[sflag:s20] =	ssyncset.done $0x0  }
0xcd: {  	s23 =	simm.s32 $0x280;
	[sflag:s20] =	ssyncadd.s32 $0xFFFFE000  }
0xce: {  	[tilespmem:s28], [sflag:$0x2] =	stream.indirect.gather [hbm4b:s7+s25], $0x40, s23, s25, $0xb8;
	[tilespmem:$0x1C000] =	vst v63  }
0xcf: {  	_ =	swait.ge [sflag:s8], $0x2000  }
0xd0: {  	[sflag:s8] =	ssyncset.done $0x0  }
0xd1: {  	s11 =	simm.s32 $0x5100;
	[sflag:s8] =	ssyncadd.s32 $0xFFFFE000  }
0xd2: {  	[spmem:s1] =	stream.indirect.scatter.add.f32 [tilespmem:s30], [sflag:$0x5], $0x40, s11, s25, $0xb8;
	[tilespmem:$0x1C000] =	vst v63  }
0xd3: {  	_ =	swait.ge [sflag:s20], $0x2000  }
0xd4: {  	[sflag:s20] =	ssyncset.done $0x0  }
0xd5: {  	s22 =	simm.s32 $0x300;
	[sflag:s20] =	ssyncadd.s32 $0xFFFFE000  }
0xd6: {  	[tilespmem:s30], [sflag:$0x3] =	stream.indirect.gather [hbm4b:s7+s25], $0x40, s22, s25, $0xb8;
	[tilespmem:$0x1C000] =	vst v63  }
0xd7: {  	_ =	swait.ge [sflag:s13], $0x2000  }
0xd8: {  	[sflag:s13] =	ssyncset.done $0x0  }
0xd9: {  	s23 =	simm.s32 $0x5180;
	[sflag:s13] =	ssyncadd.s32 $0xFFFFE000  }
0xda: {  	[spmem:s1] =	stream.indirect.scatter.add.f32 [tilespmem:s0], [sflag:$0x5], $0x40, s23, s25, $0xb8;
	[tilespmem:$0x1C000] =	vst v63  }
0xdb: {  	_ =	swait.ge [sflag:s20], $0x2000  }
0xdc: {  	[sflag:s20] =	ssyncset.done $0x0  }
0xdd: {  	s3 =	simm.s32 $0x380;
	s22 =	simm.s32 $0x800;
	[sflag:s20] =	ssyncadd.s32 $0xFFFFE000  }
.LBB2_10:
0xde: {  	[tilespmem:s0], [sflag:$0x4] =	stream.indirect.gather [hbm4b:s7+s25], $0x40, s3, s25, $0xb8;
	[tilespmem:$0x1C000] =	vst v63  }
0xdf: {  	s3 =	smov.u32 s22  }
0xe0: {  	p1 =	sne.s32 s22, $0x13000;
	s22 =	sadd.s32 $0x800, s22;
	_ =	swait.ge [sflag:s2], $0x2000  }
0xe1: {  	s3 =	sshra.s32 s3, $0x2;
	[sflag:s2] =	ssyncset.done $0x0  }
0xe2: {  	s11 =	sadd.s32 $0x5000, s3;
	[sflag:s2] =	ssyncadd.s32 $0xFFFFE000  }
0xe3: {  	[spmem:s1] =	stream.indirect.scatter.add.f32 [tilespmem:s26], [sflag:$0x5], $0x40, s11, s25, $0xb8;
	[tilespmem:$0x1C000] =	vst v63  }
0xe4: {  	_ =	swait.ge [sflag:s20], $0x2000  }
0xe5: {  	[sflag:s20] =	ssyncset.done $0x0  }
0xe6: {  	s11 =	sadd.s32 $0x200, s3;
	[sflag:s20] =	ssyncadd.s32 $0xFFFFE000  }
0xe7: {  	[tilespmem:s26], [sflag:$0x1] =	stream.indirect.gather [hbm4b:s7+s25], $0x40, s11, s25, $0xb8;
	[tilespmem:$0x1C000] =	vst v63  }
0xe8: {  	_ =	swait.ge [sflag:s21], $0x2000  }
0xe9: {  	[sflag:s21] =	ssyncset.done $0x0  }
0xea: {  	s11 =	sadd.s32 $0x5080, s3;
	[sflag:s21] =	ssyncadd.s32 $0xFFFFE000  }
0xeb: {  	[spmem:s1] =	stream.indirect.scatter.add.f32 [tilespmem:s28], [sflag:$0x5], $0x40, s11, s25, $0xb8;
	[tilespmem:$0x1C000] =	vst v63  }
0xec: {  	_ =	swait.ge [sflag:s20], $0x2000  }
0xed: {  	[sflag:s20] =	ssyncset.done $0x0  }
0xee: {  	s11 =	sadd.s32 $0x280, s3;
	[sflag:s20] =	ssyncadd.s32 $0xFFFFE000  }
0xef: {  	[tilespmem:s28], [sflag:$0x2] =	stream.indirect.gather [hbm4b:s7+s25], $0x40, s11, s25, $0xb8;
	[tilespmem:$0x1C000] =	vst v63  }
0xf0: {  	_ =	swait.ge [sflag:s8], $0x2000  }
0xf1: {  	[sflag:s8] =	ssyncset.done $0x0  }
0xf2: {  	s11 =	sadd.s32 $0x5100, s3;
	[sflag:s8] =	ssyncadd.s32 $0xFFFFE000  }
0xf3: {  	[spmem:s1] =	stream.indirect.scatter.add.f32 [tilespmem:s30], [sflag:$0x5], $0x40, s11, s25, $0xb8;
	[tilespmem:$0x1C000] =	vst v63  }
0xf4: {  	_ =	swait.ge [sflag:s20], $0x2000  }
0xf5: {  	[sflag:s20] =	ssyncset.done $0x0  }
0xf6: {  	s11 =	sadd.s32 $0x300, s3;
	[sflag:s20] =	ssyncadd.s32 $0xFFFFE000  }
0xf7: {  	[tilespmem:s30], [sflag:$0x3] =	stream.indirect.gather [hbm4b:s7+s25], $0x40, s11, s25, $0xb8;
	[tilespmem:$0x1C000] =	vst v63  }
0xf8: {  	_ =	swait.ge [sflag:s13], $0x2000  }
0xf9: {  	[sflag:s13] =	ssyncset.done $0x0  }
.Ltmp4:
0xfa: {  	s11 =	sadd.s32 $0x5180, s3;
	[sflag:s13] =	ssyncadd.s32 $0xFFFFE000;
	(pc) =	sbr.rel @p1 .LBB2_10-.Ltmp4, $4  }
0xfb: {  	[spmem:s1] =	stream.indirect.scatter.add.f32 [tilespmem:s0], [sflag:$0x5], $0x40, s11, s25, $0xb8;
	[tilespmem:$0x1C000] =	vst v63  }
0xfc: {  	_ =	swait.ge [sflag:s20], $0x2000  }
0xfd: {  	[sflag:s20] =	ssyncset.done $0x0  }
0xfe: {  	s3 =	sadd.s32 $0x380, s3;
	[sflag:s20] =	ssyncadd.s32 $0xFFFFE000  }
.Ltmp5:
0xff: {  	_ = 	snop;
	(pc) =	sbr.rel .LBB2_11-.Ltmp5, $1  }
0x100: {  	_ =	sdelay $0x3  }
.LBB2_2:
0x101: {  	s3 =	rddreg [dreg:$0xc]  }
0x102: {  	s22 =	rddreg [dreg:$0x6];
	s23 =	sor.u32 $0x1C05, s3  }
0x103: {  	[spmem:s24], [sflag:s23] =	dma.local [hbm:s22], $0x1400  }
0x104: {  	_ =	swait.ge [sflag:s20], $0x1400  }
0x105: {  	[sflag:s20] =	ssyncset.done $0x0  }
0x106: {  	[sflag:s20] =	ssyncadd.s32 $0xFFFFEC00  }
0x107: {  	s11 =	simm.s32 $0x0;
	[bflag:$0x0] =	sbarrier.arrive $0xFFFF  }
0x108: {  	[tilespmem:s26], [sflag:$0x1] =	stream.indirect.gather [hbm4b:s4+s25], $0x40, s11, s25, $0xb8;
	[tilespmem:$0x1C000] =	vst v63  }
0x109: {  	_ = 	snop  }
0x10a: {  	[tilespmem:s28], [sflag:$0x2] =	stream.indirect.gather [hbm4b:s4+s25], $0x40, s25, s25, $0xb8;
	[tilespmem:$0x1C000] =	vst v63  }
0x10b: {  	_ = 	snop  }
0x10c: {  	[tilespmem:s30], [sflag:$0x3] =	stream.indirect.gather [hbm4b:s4+s25], $0x40, s29, s25, $0xb8;
	[tilespmem:$0x1C000] =	vst v63  }
0x10d: {  	_ = 	snop  }
0x10e: {  	[tilespmem:s0], [sflag:$0x4] =	stream.indirect.gather [hbm4b:s4+s25], $0x40, s31, s25, $0xb8;
	[tilespmem:$0x1C000] =	vst v63  }
0x10f: {  	_ =	swait.ge [sflag:s2], $0x2000  }
0x110: {  	[sflag:s2] =	ssyncset.done $0x0  }
0x111: {  	s22 =	simm.s32 $0x5000;
	[sflag:s2] =	ssyncadd.s32 $0xFFFFE000  }
0x112: {  	[spmem:s1] =	stream.indirect.scatter.add.f32 [tilespmem:s26], [sflag:$0x5], $0x40, s22, s25, $0xb8;
	[tilespmem:$0x1C000] =	vst v63  }
0x113: {  	_ =	swait.ge [sflag:s20], $0x2000  }
0x114: {  	[sflag:s20] =	ssyncset.done $0x0  }
0x115: {  	s11 =	simm.s32 $0x200;
	[sflag:s20] =	ssyncadd.s32 $0xFFFFE000  }
0x116: {  	[tilespmem:s26], [sflag:$0x1] =	stream.indirect.gather [hbm4b:s4+s25], $0x40, s11, s25, $0xb8;
	[tilespmem:$0x1C000] =	vst v63  }
0x117: {  	_ =	swait.ge [sflag:s21], $0x2000  }
0x118: {  	[sflag:s21] =	ssyncset.done $0x0  }
0x119: {  	s22 =	simm.s32 $0x5080;
	[sflag:s21] =	ssyncadd.s32 $0xFFFFE000  }
0x11a: {  	[spmem:s1] =	stream.indirect.scatter.add.f32 [tilespmem:s28], [sflag:$0x5], $0x40, s22, s25, $0xb8;
	[tilespmem:$0x1C000] =	vst v63  }
0x11b: {  	_ =	swait.ge [sflag:s20], $0x2000  }
0x11c: {  	[sflag:s20] =	ssyncset.done $0x0  }
0x11d: {  	s11 =	simm.s32 $0x280;
	[sflag:s20] =	ssyncadd.s32 $0xFFFFE000  }
0x11e: {  	[tilespmem:s28], [sflag:$0x2] =	stream.indirect.gather [hbm4b:s4+s25], $0x40, s11, s25, $0xb8;
	[tilespmem:$0x1C000] =	vst v63  }
0x11f: {  	_ =	swait.ge [sflag:s8], $0x2000  }
0x120: {  	[sflag:s8] =	ssyncset.done $0x0  }
0x121: {  	s22 =	simm.s32 $0x5100;
	[sflag:s8] =	ssyncadd.s32 $0xFFFFE000  }
0x122: {  	[spmem:s1] =	stream.indirect.scatter.add.f32 [tilespmem:s30], [sflag:$0x5], $0x40, s22, s25, $0xb8;
	[tilespmem:$0x1C000] =	vst v63  }
0x123: {  	_ =	swait.ge [sflag:s20], $0x2000  }
0x124: {  	[sflag:s20] =	ssyncset.done $0x0  }
0x125: {  	s11 =	simm.s32 $0x300;
	[sflag:s20] =	ssyncadd.s32 $0xFFFFE000  }
0x126: {  	[tilespmem:s30], [sflag:$0x3] =	stream.indirect.gather [hbm4b:s4+s25], $0x40, s11, s25, $0xb8;
	[tilespmem:$0x1C000] =	vst v63  }
0x127: {  	_ =	swait.ge [sflag:s13], $0x2000  }
0x128: {  	[sflag:s13] =	ssyncset.done $0x0  }
0x129: {  	s22 =	simm.s32 $0x5180;
	[sflag:s13] =	ssyncadd.s32 $0xFFFFE000  }
0x12a: {  	[spmem:s1] =	stream.indirect.scatter.add.f32 [tilespmem:s0], [sflag:$0x5], $0x40, s22, s25, $0xb8;
	[tilespmem:$0x1C000] =	vst v63  }
0x12b: {  	_ =	swait.ge [sflag:s20], $0x2000  }
0x12c: {  	[sflag:s20] =	ssyncset.done $0x0  }
0x12d: {  	s3 =	simm.s32 $0x380;
	s22 =	simm.s32 $0x800;
	[sflag:s20] =	ssyncadd.s32 $0xFFFFE000  }
.LBB2_3:
0x12e: {  	[tilespmem:s0], [sflag:$0x4] =	stream.indirect.gather [hbm4b:s4+s25], $0x40, s3, s25, $0xb8;
	[tilespmem:$0x1C000] =	vst v63  }
0x12f: {  	s3 =	smov.u32 s22  }
0x130: {  	p1 =	sne.s32 s22, $0x13000;
	s22 =	sadd.s32 $0x800, s22;
	_ =	swait.ge [sflag:s2], $0x2000  }
0x131: {  	s3 =	sshra.s32 s3, $0x2;
	[sflag:s2] =	ssyncset.done $0x0  }
0x132: {  	s11 =	sadd.s32 $0x5000, s3;
	[sflag:s2] =	ssyncadd.s32 $0xFFFFE000  }
0x133: {  	[spmem:s1] =	stream.indirect.scatter.add.f32 [tilespmem:s26], [sflag:$0x5], $0x40, s11, s25, $0xb8;
	[tilespmem:$0x1C000] =	vst v63  }
0x134: {  	_ =	swait.ge [sflag:s20], $0x2000  }
0x135: {  	[sflag:s20] =	ssyncset.done $0x0  }
0x136: {  	s11 =	sadd.s32 $0x200, s3;
	[sflag:s20] =	ssyncadd.s32 $0xFFFFE000  }
0x137: {  	[tilespmem:s26], [sflag:$0x1] =	stream.indirect.gather [hbm4b:s4+s25], $0x40, s11, s25, $0xb8;
	[tilespmem:$0x1C000] =	vst v63  }
0x138: {  	_ =	swait.ge [sflag:s21], $0x2000  }
0x139: {  	[sflag:s21] =	ssyncset.done $0x0  }
0x13a: {  	s11 =	sadd.s32 $0x5080, s3;
	[sflag:s21] =	ssyncadd.s32 $0xFFFFE000  }
0x13b: {  	[spmem:s1] =	stream.indirect.scatter.add.f32 [tilespmem:s28], [sflag:$0x5], $0x40, s11, s25, $0xb8;
	[tilespmem:$0x1C000] =	vst v63  }
0x13c: {  	_ =	swait.ge [sflag:s20], $0x2000  }
0x13d: {  	[sflag:s20] =	ssyncset.done $0x0  }
0x13e: {  	s11 =	sadd.s32 $0x280, s3;
	[sflag:s20] =	ssyncadd.s32 $0xFFFFE000  }
0x13f: {  	[tilespmem:s28], [sflag:$0x2] =	stream.indirect.gather [hbm4b:s4+s25], $0x40, s11, s25, $0xb8;
	[tilespmem:$0x1C000] =	vst v63  }
0x140: {  	_ =	swait.ge [sflag:s8], $0x2000  }
0x141: {  	[sflag:s8] =	ssyncset.done $0x0  }
0x142: {  	s11 =	sadd.s32 $0x5100, s3;
	[sflag:s8] =	ssyncadd.s32 $0xFFFFE000  }
0x143: {  	[spmem:s1] =	stream.indirect.scatter.add.f32 [tilespmem:s30], [sflag:$0x5], $0x40, s11, s25, $0xb8;
	[tilespmem:$0x1C000] =	vst v63  }
0x144: {  	_ =	swait.ge [sflag:s20], $0x2000  }
0x145: {  	[sflag:s20] =	ssyncset.done $0x0  }
0x146: {  	s11 =	sadd.s32 $0x300, s3;
	[sflag:s20] =	ssyncadd.s32 $0xFFFFE000  }
0x147: {  	[tilespmem:s30], [sflag:$0x3] =	stream.indirect.gather [hbm4b:s4+s25], $0x40, s11, s25, $0xb8;
	[tilespmem:$0x1C000] =	vst v63  }
0x148: {  	_ =	swait.ge [sflag:s13], $0x2000  }
0x149: {  	[sflag:s13] =	ssyncset.done $0x0  }
.Ltmp6:
0x14a: {  	s11 =	sadd.s32 $0x5180, s3;
	[sflag:s13] =	ssyncadd.s32 $0xFFFFE000;
	(pc) =	sbr.rel @p1 .LBB2_3-.Ltmp6, $4  }
0x14b: {  	[spmem:s1] =	stream.indirect.scatter.add.f32 [tilespmem:s0], [sflag:$0x5], $0x40, s11, s25, $0xb8;
	[tilespmem:$0x1C000] =	vst v63  }
0x14c: {  	_ =	swait.ge [sflag:s20], $0x2000  }
0x14d: {  	[sflag:s20] =	ssyncset.done $0x0  }
0x14e: {  	s3 =	sadd.s32 $0x380, s3;
	[sflag:s20] =	ssyncadd.s32 $0xFFFFE000  }
0x14f: {  	[tilespmem:s0], [sflag:$0x4] =	stream.indirect.gather [hbm4b:s4+s25], $0x40, s3, s25, $0xb8;
	[tilespmem:$0x1C000] =	vst v63  }
0x150: {  	_ =	swait.ge [sflag:s2], $0x2000  }
0x151: {  	[sflag:s2] =	ssyncset.done $0x0  }
0x152: {  	[sflag:s2] =	ssyncadd.s32 $0xFFFFE000  }
0x153: {  	[spmem:s1] =	stream.indirect.scatter.add.f32 [tilespmem:s26], [sflag:$0x5], $0x40, s10, s25, $0xb8;
	[tilespmem:$0x1C000] =	vst v63  }
0x154: {  	_ =	swait.ge [sflag:s20], $0x2000  }
0x155: {  	[sflag:s20] =	ssyncset.done $0x0  }
0x156: {  	[sflag:s20] =	ssyncadd.s32 $0xFFFFE000  }
0x157: {  	_ =	swait.ge [sflag:s21], $0x2000  }
0x158: {  	[sflag:s21] =	ssyncset.done $0x0  }
0x159: {  	[sflag:s21] =	ssyncadd.s32 $0xFFFFE000  }
0x15a: {  	[spmem:s1] =	stream.indirect.scatter.add.f32 [tilespmem:s28], [sflag:$0x5], $0x40, s14, s25, $0xb8;
	[tilespmem:$0x1C000] =	vst v63  }
0x15b: {  	_ =	swait.ge [sflag:s20], $0x2000  }
0x15c: {  	[sflag:s20] =	ssyncset.done $0x0  }
0x15d: {  	[sflag:s20] =	ssyncadd.s32 $0xFFFFE000  }
0x15e: {  	_ =	swait.ge [sflag:s8], $0x2000  }
0x15f: {  	[sflag:s8] =	ssyncset.done $0x0  }
0x160: {  	[sflag:s8] =	ssyncadd.s32 $0xFFFFE000  }
0x161: {  	[spmem:s1] =	stream.indirect.scatter.add.f32 [tilespmem:s30], [sflag:$0x5], $0x40, s15, s25, $0xb8;
	[tilespmem:$0x1C000] =	vst v63  }
0x162: {  	_ =	swait.ge [sflag:s20], $0x2000  }
0x163: {  	[sflag:s20] =	ssyncset.done $0x0  }
0x164: {  	[sflag:s20] =	ssyncadd.s32 $0xFFFFE000  }
0x165: {  	_ =	swait.ge [sflag:s13], $0x2000  }
0x166: {  	[sflag:s13] =	ssyncset.done $0x0  }
0x167: {  	[sflag:s13] =	ssyncadd.s32 $0xFFFFE000  }
0x168: {  	[spmem:s1] =	stream.indirect.scatter.add.f32 [tilespmem:s0], [sflag:$0x5], $0x40, s16, s25, $0xb8;
	[tilespmem:$0x1C000] =	vst v63  }
0x169: {  	_ =	swait.ge [sflag:s20], $0x2000  }
0x16a: {  	[sflag:s20] =	ssyncset.done $0x0  }
0x16b: {  	[sflag:s20] =	ssyncadd.s32 $0xFFFFE000  }
0x16c: {  	[bflag:$0x0] =	sbarrier.arrive $0xFFFF  }
0x16d: {  	s11 =	rddreg [dreg:$0x7]  }
0x16e: {  	[hbm:s11], [sflag:s23] =	dma.local [spmem:s24], $0x1400  }
0x16f: {  	_ =	swait.ge [sflag:s20], $0x1400  }
0x170: {  	[sflag:s20] =	ssyncset.done $0x0  }
0x171: {  	s22 =	rddreg [dreg:$0x8];
	[sflag:s20] =	ssyncadd.s32 $0xFFFFEC00  }
0x172: {  	[spmem:s24], [sflag:s23] =	dma.local [hbm:s22], $0x1400  }
0x173: {  	_ =	swait.ge [sflag:s20], $0x1400  }
0x174: {  	[sflag:s20] =	ssyncset.done $0x0  }
0x175: {  	[sflag:s20] =	ssyncadd.s32 $0xFFFFEC00  }
0x176: {  	s11 =	simm.s32 $0x0;
	[bflag:$0x0] =	sbarrier.arrive $0xFFFF  }
0x177: {  	[tilespmem:s26], [sflag:$0x1] =	stream.indirect.gather [hbm4b:s5+s25], $0x40, s11, s25, $0xb8;
	[tilespmem:$0x1C000] =	vst v63  }
0x178: {  	_ = 	snop  }
0x179: {  	[tilespmem:s28], [sflag:$0x2] =	stream.indirect.gather [hbm4b:s5+s25], $0x40, s25, s25, $0xb8;
	[tilespmem:$0x1C000] =	vst v63  }
0x17a: {  	_ = 	snop  }
0x17b: {  	[tilespmem:s30], [sflag:$0x3] =	stream.indirect.gather [hbm4b:s5+s25], $0x40, s29, s25, $0xb8;
	[tilespmem:$0x1C000] =	vst v63  }
0x17c: {  	_ = 	snop  }
0x17d: {  	[tilespmem:s0], [sflag:$0x4] =	stream.indirect.gather [hbm4b:s5+s25], $0x40, s31, s25, $0xb8;
	[tilespmem:$0x1C000] =	vst v63  }
0x17e: {  	_ =	swait.ge [sflag:s2], $0x2000  }
0x17f: {  	[sflag:s2] =	ssyncset.done $0x0  }
0x180: {  	s22 =	simm.s32 $0x5000;
	[sflag:s2] =	ssyncadd.s32 $0xFFFFE000  }
0x181: {  	[spmem:s1] =	stream.indirect.scatter.add.f32 [tilespmem:s26], [sflag:$0x5], $0x40, s22, s25, $0xb8;
	[tilespmem:$0x1C000] =	vst v63  }
0x182: {  	_ =	swait.ge [sflag:s20], $0x2000  }
0x183: {  	[sflag:s20] =	ssyncset.done $0x0  }
0x184: {  	s11 =	simm.s32 $0x200;
	[sflag:s20] =	ssyncadd.s32 $0xFFFFE000  }
0x185: {  	[tilespmem:s26], [sflag:$0x1] =	stream.indirect.gather [hbm4b:s5+s25], $0x40, s11, s25, $0xb8;
	[tilespmem:$0x1C000] =	vst v63  }
0x186: {  	_ =	swait.ge [sflag:s21], $0x2000  }
0x187: {  	[sflag:s21] =	ssyncset.done $0x0  }
0x188: {  	s22 =	simm.s32 $0x5080;
	[sflag:s21] =	ssyncadd.s32 $0xFFFFE000  }
0x189: {  	[spmem:s1] =	stream.indirect.scatter.add.f32 [tilespmem:s28], [sflag:$0x5], $0x40, s22, s25, $0xb8;
	[tilespmem:$0x1C000] =	vst v63  }
0x18a: {  	_ =	swait.ge [sflag:s20], $0x2000  }
0x18b: {  	[sflag:s20] =	ssyncset.done $0x0  }
0x18c: {  	s11 =	simm.s32 $0x280;
	[sflag:s20] =	ssyncadd.s32 $0xFFFFE000  }
0x18d: {  	[tilespmem:s28], [sflag:$0x2] =	stream.indirect.gather [hbm4b:s5+s25], $0x40, s11, s25, $0xb8;
	[tilespmem:$0x1C000] =	vst v63  }
0x18e: {  	_ =	swait.ge [sflag:s8], $0x2000  }
0x18f: {  	[sflag:s8] =	ssyncset.done $0x0  }
0x190: {  	s22 =	simm.s32 $0x5100;
	[sflag:s8] =	ssyncadd.s32 $0xFFFFE000  }
0x191: {  	[spmem:s1] =	stream.indirect.scatter.add.f32 [tilespmem:s30], [sflag:$0x5], $0x40, s22, s25, $0xb8;
	[tilespmem:$0x1C000] =	vst v63  }
0x192: {  	_ =	swait.ge [sflag:s20], $0x2000  }
0x193: {  	[sflag:s20] =	ssyncset.done $0x0  }
0x194: {  	s11 =	simm.s32 $0x300;
	[sflag:s20] =	ssyncadd.s32 $0xFFFFE000  }
0x195: {  	[tilespmem:s30], [sflag:$0x3] =	stream.indirect.gather [hbm4b:s5+s25], $0x40, s11, s25, $0xb8;
	[tilespmem:$0x1C000] =	vst v63  }
0x196: {  	_ =	swait.ge [sflag:s13], $0x2000  }
0x197: {  	[sflag:s13] =	ssyncset.done $0x0  }
0x198: {  	s22 =	simm.s32 $0x5180;
	[sflag:s13] =	ssyncadd.s32 $0xFFFFE000  }
0x199: {  	[spmem:s1] =	stream.indirect.scatter.add.f32 [tilespmem:s0], [sflag:$0x5], $0x40, s22, s25, $0xb8;
	[tilespmem:$0x1C000] =	vst v63  }
0x19a: {  	_ =	swait.ge [sflag:s20], $0x2000  }
0x19b: {  	[sflag:s20] =	ssyncset.done $0x0  }
0x19c: {  	s3 =	simm.s32 $0x380;
	s22 =	simm.s32 $0x800;
	[sflag:s20] =	ssyncadd.s32 $0xFFFFE000  }
.LBB2_5:
0x19d: {  	[tilespmem:s0], [sflag:$0x4] =	stream.indirect.gather [hbm4b:s5+s25], $0x40, s3, s25, $0xb8;
	[tilespmem:$0x1C000] =	vst v63  }
0x19e: {  	s3 =	smov.u32 s22  }
0x19f: {  	p1 =	seq.s32 s22, $0x13000;
	s22 =	sadd.s32 $0x800, s22;
	_ =	swait.ge [sflag:s2], $0x2000  }
0x1a0: {  	s3 =	sshra.s32 s3, $0x2;
	[sflag:s2] =	ssyncset.done $0x0  }
0x1a1: {  	s11 =	sadd.s32 $0x5000, s3;
	[sflag:s2] =	ssyncadd.s32 $0xFFFFE000  }
0x1a2: {  	[spmem:s1] =	stream.indirect.scatter.add.f32 [tilespmem:s26], [sflag:$0x5], $0x40, s11, s25, $0xb8;
	[tilespmem:$0x1C000] =	vst v63  }
0x1a3: {  	_ =	swait.ge [sflag:s20], $0x2000  }
0x1a4: {  	[sflag:s20] =	ssyncset.done $0x0  }
0x1a5: {  	s11 =	sadd.s32 $0x200, s3;
	[sflag:s20] =	ssyncadd.s32 $0xFFFFE000  }
0x1a6: {  	[tilespmem:s26], [sflag:$0x1] =	stream.indirect.gather [hbm4b:s5+s25], $0x40, s11, s25, $0xb8;
	[tilespmem:$0x1C000] =	vst v63  }
0x1a7: {  	_ =	swait.ge [sflag:s21], $0x2000  }
0x1a8: {  	[sflag:s21] =	ssyncset.done $0x0  }
0x1a9: {  	s11 =	sadd.s32 $0x5080, s3;
	[sflag:s21] =	ssyncadd.s32 $0xFFFFE000  }
0x1aa: {  	[spmem:s1] =	stream.indirect.scatter.add.f32 [tilespmem:s28], [sflag:$0x5], $0x40, s11, s25, $0xb8;
	[tilespmem:$0x1C000] =	vst v63  }
0x1ab: {  	_ =	swait.ge [sflag:s20], $0x2000  }
0x1ac: {  	[sflag:s20] =	ssyncset.done $0x0  }
0x1ad: {  	s11 =	sadd.s32 $0x280, s3;
	[sflag:s20] =	ssyncadd.s32 $0xFFFFE000  }
0x1ae: {  	[tilespmem:s28], [sflag:$0x2] =	stream.indirect.gather [hbm4b:s5+s25], $0x40, s11, s25, $0xb8;
	[tilespmem:$0x1C000] =	vst v63  }
0x1af: {  	_ =	swait.ge [sflag:s8], $0x2000  }
0x1b0: {  	[sflag:s8] =	ssyncset.done $0x0  }
0x1b1: {  	s11 =	sadd.s32 $0x5100, s3;
	[sflag:s8] =	ssyncadd.s32 $0xFFFFE000  }
0x1b2: {  	[spmem:s1] =	stream.indirect.scatter.add.f32 [tilespmem:s30], [sflag:$0x5], $0x40, s11, s25, $0xb8;
	[tilespmem:$0x1C000] =	vst v63  }
0x1b3: {  	_ =	swait.ge [sflag:s20], $0x2000  }
0x1b4: {  	[sflag:s20] =	ssyncset.done $0x0  }
0x1b5: {  	s11 =	sadd.s32 $0x300, s3;
	[sflag:s20] =	ssyncadd.s32 $0xFFFFE000  }
0x1b6: {  	[tilespmem:s30], [sflag:$0x3] =	stream.indirect.gather [hbm4b:s5+s25], $0x40, s11, s25, $0xb8;
	[tilespmem:$0x1C000] =	vst v63  }
0x1b7: {  	_ =	swait.ge [sflag:s13], $0x2000  }
0x1b8: {  	[sflag:s13] =	ssyncset.done $0x0  }
.Ltmp7:
0x1b9: {  	s11 =	sadd.s32 $0x5180, s3;
	[sflag:s13] =	ssyncadd.s32 $0xFFFFE000;
	(pc) =	sbr.rel @!p1 .LBB2_5-.Ltmp7, $4  }
0x1ba: {  	[spmem:s1] =	stream.indirect.scatter.add.f32 [tilespmem:s0], [sflag:$0x5], $0x40, s11, s25, $0xb8;
	[tilespmem:$0x1C000] =	vst v63  }
0x1bb: {  	_ =	swait.ge [sflag:s20], $0x2000  }
0x1bc: {  	[sflag:s20] =	ssyncset.done $0x0  }
0x1bd: {  	s3 =	sadd.s32 $0x380, s3;
	[sflag:s20] =	ssyncadd.s32 $0xFFFFE000  }
.Ltmp8:
0x1be: {  	(pc) =	sbr.rel .LBB2_12-.Ltmp8, $3  }
0x1bf: {  	_ =	sdelay $0x1  }
0x1c0: {  	[tilespmem:s0], [sflag:$0x4] =	stream.indirect.gather [hbm4b:s5+s25], $0x40, s3, s25, $0xb8;
	[tilespmem:$0x1C000] =	vst v63  }
0x1c1: {  	s3 =	rddreg [dreg:$0x3]  }
.LBB2_13:
0x1c2: {  	_ =	sfence.sel $0x180000  }
0x1c3: {  	[bflag:$0x0] =	sbarrier.arrive $0xFFFF  }
0x1c4: {  	_ =	strace $0x9000004A  }
0x1c5: {  	s0 =	stileid.u32;
	[bflag:$0x2] =	sbarrier.arrive $0xFFFF  }
0x1c6: {  	p0 =	sne.s32 s0, $0x0;
	s0 =	rddreg [dreg:$0x2]  }
0x1c7: {  	s0 =	sadd.s32 @!p0 $0x100000, s0  }
0x1c8: {  	[sflag:s0] =	ssyncadd.tile.s32 @!p0 $0x1;
	_ =	shalt  }
.Lfunc_end2:
_tile_overlayer_lowered:
.L_overlay_start_2:
0x1c9: {  	(tag) =	ssettag $0x2  }
0x1ca: {  	s0 =	rddreg [dreg:$0x0];
	s2 =	stileid.u32  }
0x1cb: {  	s1 =	rddreg [dreg:$0x1];
	p0 =	sne.s32 s2, $0x0  }
0x1cc: {  	s3 =	rddreg [dreg:$0x2];
	[bflag:$0x3] =	sbarrier.arrive $0xFFFF;
	s2 =	simm.s32 @!p0 $0x1C05  }
0x1cd: {  	[timem:s3], [sflag:s2] =	dma.local @!p0 [hbm:s0], s1  }
0x1ce: {  	s0 =	simm.s32 @!p0 $0x5  }
0x1cf: {  	_ =	swait.ge @!p0 [sflag:s0], s1  }
0x1d0: {  	s1 =	ssub.s32 @!p0 $0x0, s1;
	[sflag:s0] =	ssyncset.done @!p0 $0x0  }
0x1d1: {  	[sflag:s0] =	ssyncadd.s32 @!p0 s1  }
0x1d2: {  	[bflag:$0x3] =	sbarrier.arrive $0xFFFF  }
0x1d3: {  	_ =	shalt  }

// kernel: kernel.14.cloned.1.call-start
scs
__scs_entry_jumppad:
0x0: {  	(pc) =	sbr.rel $0x88, $3  }
0x1: {  	(tag) =	ssettag $0x0;
	lr =	simm.s32 $0x1  }
0x2: {  	[smem:$0x3F98] =	sst lr;
	_ =	strace $0xD0000000  }
0x3: {  	_ = 	snop  }
0x4: {  	_ = 	snop  }
0x5: {  	_ = 	snop  }
0x6: {  	_ = 	snop  }
0x7: {  	_ = 	snop  }
__scs_overlays_trampoline_lowered:
0x8: {  	[smem:$0x3FA7] =	sst s0  }
0x9: {  	[smem:$0x3FA8] =	sst s1  }
0xa: {  	[smem:$0x3FA9] =	sst s2  }
0xb: {  	[smem:$0x3FAA] =	sst s3  }
0xc: {  	[smem:$0x3FAB] =	sst s4  }
0xd: {  	[smem:$0x3FAC] =	sst s5  }
0xe: {  	[smem:$0x3FAD] =	sst s6  }
0xf: {  	[smem:$0x3FAE] =	sst s7  }
0x10: {  	[smem:$0x3FAF] =	sst s8  }
0x11: {  	[smem:$0x3FB0] =	sst s9;
	s0 =	simm.s32 @!p0 $0x0  }
0x12: {  	s1 =	sld [smem:$0x3F96];
	s0 =	simm.s32 @p0 $0x1  }
0x13: {  	[smem:$0x3FB1] =	sst s0;
	s0 =	simm.s32 @!p1 $0x0  }
0x14: {  	s2 =	sld [smem:$0x3F95];
	s0 =	simm.s32 @p1 $0x1  }
0x15: {  	[smem:$0x3FB2] =	sst s0;
	s0 =	simm.s32 @!p2 $0x0  }
0x16: {  	s3 =	sld [smem:$0x3FDB];
	s0 =	simm.s32 @p2 $0x1  }
0x17: {  	s4 =	simm.s32 $0x1BF5;
	[smem:$0x3FB4] =	sst s0  }
0x18: {  	s0 =	sld [smem:$0x3F97];
	_ =	swait.ge [sflag:s4], $0x0  }
0x19: {  	s7 =	sld [smem:$0x3F98]  }
0x1a: {  	s8 =	sadd.s32 $0xFFFFE003, lr  }
0x1b: {  	s9 =	sadd.s32 $0xFFFFFEF7, lr;
	s5 =	simm.s32 $0xFFFFFFFF;
	p2 =	slt.u32 s8, $0xFFFFF086  }
0x1c: {  	p1 =	slt.u32 s9, $0xF7A;
	s5 =	simm.s32 @!p2 $0x0  }
0x1d: {  	s5 =	simm.s32 @p1 $0x1;
	p0 =	seq.s32 s7, s2  }
0x1e: {  	s7 =	smul.u32 @!p0 $0xF7A, s2;
	p2 =	seq.s32 @!p0 s5, $0x0  }
0x1f: {  	s9 =	smul.u32 $0xF7A, s1;
	s8 =	simm.s32 @!p0 $0x1BF5;
	p2 =	por !p2, p0  }
0x20: {  	[sflag:s8] =	ssyncset.s32 @!p0 $0xFFFFF086;
	s6 =	sadd.s32 @!p0 s3, s7;
	s7 =	simm.s32 @!p0 $0x108  }
0x21: {  	s3 =	sadd.s32 s3, s9;
	s6 =	sadd.s32 @!p0 $0x88, s6;
	s7 =	simm.s32 @p2 $0x1082  }
0x22: {  	[simem:s7], [sflag:s8] =	dma.local @!p0 [hbm:s6], $0xF7A  }
0x23: {  	s9 =	sor.u32 $0xD0000000, s2;
	s6 =	simm.s32 $0x108;
	_ =	swait.ge @!p0 [sflag:s8], $0x0  }
0x24: {  	s3 =	sadd.s32 $0x88, s3;
	s6 =	simm.s32 @!p1 $0x1082;
	[sflag:s4] =	ssyncset.s32 $0xFFFFF086  }
0x25: {  	[simem:s6], [sflag:s4] =	dma.local [hbm:s3], $0xF7A  }
0x26: {  	[smem:$0x3F98] =	sst s1;
	(tag) =	ssettag s2;
	_ =	strace s9  }
0x27: {  	s1 =	sld [smem:$0x3FA8]  }
0x28: {  	s2 =	sld [smem:$0x3FA9]  }
0x29: {  	s4 =	sld [smem:$0x3FAB]  }
0x2a: {  	p0 =	seq.s32 s5, $0x0;
	s5 =	sld [smem:$0x3FAC]  }
0x2b: {  	s6 =	sld [smem:$0x3FAD]  }
0x2c: {  	s7 =	sld [smem:$0x3FAE]  }
0x2d: {  	s3 =	simm.s32 $0x108;
	s8 =	sld [smem:$0x3FAF]  }
0x2e: {  	s3 =	simm.s32 @!p0 $0x1082;
	s9 =	sld [smem:$0x3FB0]  }
0x2f: {  	lr =	sadd.s32 s0, s3;
	s0 =	sld [smem:$0x3FA7]  }
0x30: {  	s3 =	sld [smem:$0x3FAA]  }
0x31: {  	[smem:$0x3FB3] =	sst s10  }
0x32: {  	s10 =	sld [smem:$0x3FB1];
	_ =	sdelay $0x3  }
0x33: {  	p0 =	seq.s32 s10, $0x1;
	s10 =	sld [smem:$0x3FB3];
	_ =	sdelay $0x3  }
0x34: {  	[smem:$0x3FB3] =	sst s10  }
0x35: {  	s10 =	sld [smem:$0x3FB2];
	_ =	sdelay $0x3  }
0x36: {  	p1 =	seq.s32 s10, $0x1;
	s10 =	sld [smem:$0x3FB3];
	_ =	sdelay $0x3  }
0x37: {  	[smem:$0x3FB3] =	sst s10  }
0x38: {  	s10 =	sld [smem:$0x3FB4]  }
0x39: {  	_ = 	snop;
	(pc) =	sbr.ind lr, $3  }
0x3a: {  	_ = 	snop  }
0x3b: {  	_ = 	snop  }
0x3c: {  	p2 =	seq.s32 s10, $0x1;
	s10 =	sld [smem:$0x3FB3]  }
0x3d: {  	_ =	shalt  }
0x3e: {  	_ =	shalt  }
0x3f: {  	_ =	shalt  }
0x40: {  	_ =	shalt  }
0x41: {  	_ =	shalt  }
0x42: {  	_ =	shalt  }
0x43: {  	_ =	shalt  }
0x44: {  	_ =	shalt  }
0x45: {  	_ =	shalt  }
0x46: {  	_ =	shalt  }
0x47: {  	_ =	shalt  }
0x48: {  	_ =	shalt  }
0x49: {  	_ =	shalt  }
0x4a: {  	_ =	shalt  }
0x4b: {  	_ =	shalt  }
0x4c: {  	_ =	shalt  }
0x4d: {  	_ =	shalt  }
0x4e: {  	_ =	shalt  }
0x4f: {  	_ =	shalt  }
0x50: {  	_ =	shalt  }
0x51: {  	_ =	shalt  }
0x52: {  	_ =	shalt  }
0x53: {  	_ =	shalt  }
0x54: {  	_ =	shalt  }
0x55: {  	_ =	shalt  }
0x56: {  	_ =	shalt  }
0x57: {  	_ =	shalt  }
0x58: {  	_ =	shalt  }
0x59: {  	_ =	shalt  }
0x5a: {  	_ =	shalt  }
0x5b: {  	_ =	shalt  }
0x5c: {  	_ =	shalt  }
0x5d: {  	_ =	shalt  }
0x5e: {  	_ =	shalt  }
0x5f: {  	_ =	shalt  }
0x60: {  	_ =	shalt  }
0x61: {  	_ =	shalt  }
0x62: {  	_ =	shalt  }
0x63: {  	_ =	shalt  }
0x64: {  	_ =	shalt  }
0x65: {  	_ =	shalt  }
0x66: {  	_ =	shalt  }
0x67: {  	_ =	shalt  }
0x68: {  	_ =	shalt  }
0x69: {  	_ =	shalt  }
0x6a: {  	_ =	shalt  }
0x6b: {  	_ =	shalt  }
0x6c: {  	_ =	shalt  }
0x6d: {  	_ =	shalt  }
0x6e: {  	_ =	shalt  }
0x6f: {  	_ =	shalt  }
0x70: {  	_ =	shalt  }
0x71: {  	_ =	shalt  }
0x72: {  	_ =	shalt  }
0x73: {  	_ =	shalt  }
0x74: {  	_ =	shalt  }
0x75: {  	_ =	shalt  }
0x76: {  	_ =	shalt  }
0x77: {  	_ =	shalt  }
0x78: {  	_ =	shalt  }
0x79: {  	_ =	shalt  }
0x7a: {  	_ =	shalt  }
0x7b: {  	_ =	shalt  }
0x7c: {  	_ =	shalt  }
0x7d: {  	_ =	shalt  }
0x7e: {  	_ =	shalt  }
0x7f: {  	_ =	shalt  }
0x80: {  	_ =	shalt  }
0x81: {  	_ =	shalt  }
0x82: {  	_ =	shalt  }
0x83: {  	_ =	shalt  }
0x84: {  	_ =	shalt  }
0x85: {  	_ =	shalt  }
0x86: {  	_ =	shalt  }
0x87: {  	_ =	shalt  }
.Lfunc_end0:
.L_simem_size_0:
called_computation.2_lowered:
.L_overlay_start_0:
0x88: {  	s2 =	sld [smem:$0x3FD9]  }
0x89: {  	s3 =	sld [smem:$0x3FFE];
	_ =	sdelay $0x1  }
0x8a: {  	s1 =	srdreg.scid  }
0x8b: {  	s0 =	sand.u32 $0x1, s1  }
0x8c: {  	s16 =	sshll.u32 s0, $0xA;
	s2 =	sadd.s32 s3, s2  }
0x8d: {  	s2 =	sadd.s32 s2, s16  }
0x8e: {  	[smem:$0x3FBF] =	sst s2  }
0x8f: {  	_ = 	snop  }
0x90: {  	(tm) =	ssettm $0x1  }
0x91: {  	s17 =	sld [smem:$0x3FFB];
	_ =	sdelay $0x3  }
0x92: {  	_ =	strace s17  }
0x93: {  	s2 =	sld [smem:$0x3FFC];
	_ =	sdelay $0x3  }
0x94: {  	_ =	strace s2  }
0x95: {  	s2 =	sld [smem:$0x3FFD];
	_ =	sdelay $0x3  }
0x96: {  	_ =	strace s2  }
0x97: {  	_ =	strace $0x8FFFFFFF  }
0x98: {  	s18 =	sld [smem:$0x3FDB];
	_ =	sdelay $0x1  }
0x99: {  	s19 =	simm.s32 $_scs_section_size  }
0x9a: {  	s4 =	simm.s32 $_size__tile_overlayer_lowered;
	s5 =	simm.s32 $_tile_overlayer_lowered  }
0x9b: {  	s22 =	simm.s32 $0x1BFF;
	s21 =	sshll.u32 s5, $0x1;
	s2 =	sadd.s32 s19, s18  }
0x9c: {  	s6 =	simm.s32 $0x0;
	s20 =	sshll.u32 s4, $0x1;
	s4 =	sadd.s32 s21, s2  }
0x9d: {  	[timem:s6], [sflag:s22] =	dma.local [hbm:s4], s20  }
0x9e: {  	_ =	swait.ge [sflag:s22], s20  }
0x9f: {  	s3 =	ssub.s32 $0x0, s20;
	[sflag:s22] =	ssyncset.done $0x0  }
0xa0: {  	[sflag:s22] =	ssyncadd.s32 s3;
	_ =	sdelay $0x1  }
0xa1: {  	s23 =	simm.s32 $0x1B8B  }
0xa2: {  	_ =	swait.ge [sflag:s23], $0x1  }
0xa3: {  	[sflag:s23] =	ssyncset.done $0x0  }
0xa4: {  	s25 =	simm.s32 $0x1B8E;
	s24 =	sld [smem:$0x3FFE];
	[sflag:s23] =	ssyncadd.s32 $0xFFFFFFFF  }
0xa5: {  	s26 =	simm.s32 $execute0_lowered;
	[smem:$0x3FD2] =	sst s25  }
0xa6: {  	s4 =	sshll.u32 s26, $0x1;
	_ =	strace $0x8000004C;
	[dreg:$0x1] =	wrdreg $0xFFFFFFFF  }
0xa7: {  	s28 =	simm.s32 $_size_execute0_lowered;
	s2 =	sadd.s32 s2, s4;
	[dreg:$0x0] =	wrdreg $0x0  }
0xa8: {  	s4 =	sshll.u32 s28, $0x1;
	[dreg:$0x2] =	wrdreg s2  }
0xa9: {  	[dreg:$0x3] =	wrdreg s4  }
0xaa: {  	[dreg:$0x4] =	wrdreg $0xC0  }
0xab: {  	_ =	task [dreg:s6], $0x5FFFF  }
0xac: {  	[dreg:$0x1] =	wrdreg $0xFFFFFFFF  }
0xad: {  	[dreg:$0x0] =	wrdreg $0x60  }
0xae: {  	[dreg:$0x2] =	wrdreg s24  }
0xaf: {  	[dreg:$0x3] =	wrdreg $0x120000  }
0xb0: {  	[dreg:$0x4] =	wrdreg $0x9  }
0xb1: {  	_ =	task.clear_ibuf [dreg:s6], $0x5FFFF;
	_ =	strace $0x9000004C  }
0xb2: {  	s29 =	simm.s32 $0x9;
	_ =	strace $0x8000004E  }
0xb3: {  	_ =	swait.ge [sflag:s29], $0x1  }
0xb4: {  	[sflag:s29] =	ssyncadd.s32 $0xFFFFFFFF  }
0xb5: {  	_ =	strace $0x9000004E  }
0xb6: {  	_ =	sfence  }
0xb7: {  	s30 =	sld [smem:$0x0];
	_ =	sdelay $0x2  }
0xb8: {  	s31 =	sshll.u32 s1, $0xD;
	s1 =	sshrl.u32 s1, $0x2  }
0xb9: {  	s3 =	sand.u32 $0x4000, s31;
	s1 =	sadd.s32 s1, s30  }
0xba: {  	s0 =	sor.u32 s3, s0;
	s1 =	sshll.u32 s1, $0x11  }
0xbb: {  	s0 =	sor.u32 s1, s0  }
0xbc: {  	s0 =	sadd.s32 $0x8F2B, s0  }
0xbd: {  	[sflag:s0] =	ssyncadd.remote.s32 $0x1  }
0xbe: {  	_ =	sfence.sel $0xFFFF  }
0xbf: {  	[dreg:$0x0] =	wrdreg $0xFFFFFFFF;
	(pc) =	sbr.abs _section_cstart, $3  }
0xc0: {  	[dreg:$0x1] =	wrdreg $0xFFFFFFFF  }
0xc1: {  	_ =	task.clear_ibuf [dreg:s6], $0x2FFFF;
	_ =	strace $0x9FFFFFFF  }
0xc2: {  	(tm) =	ssettm $0x7FFFFFFF  }
0xc3: {  	_ =	shalt  }
tec
execute0_lowered:
.L_overlay_start_1:
0x0: {  	(tag) =	ssettag $0x1  }
0x1: {  	s0 =	rddreg [dreg:$0x0]  }
0x2: {  	s1 =	rddreg [dreg:$0x1];
	s2 =	simm.s32 $0x0;
	s11 =	stileid.u32  }
0x3: {  	s8 =	srdreg.scid;
	s28 =	simm.s32 $0xC000;
	s29 =	simm.s32 $0x100  }
0x4: {  	s30 =	simm.s32 $0xE000;
	s31 =	simm.s32 $0x180;
	[smem:$0x7FF] =	sst s2  }
0x5: {  	s4 =	sadd.s32 $0x53A00, s0;
	s5 =	sadd.s32 $0x3FA00, s0;
	s14 =	smul.u32 $0xA00, s11  }
0x6: {  	s6 =	sadd.s32 $0x2BA00, s0;
	s3 =	smul.u32 $0xA000, s11;
	s7 =	sadd.s32 $0x17A00, s0  }
0x7: {  	s8 =	sand.u32 $0x1, s8;
	s9 =	sadd.s32 $0xC7000, s0;
	s26 =	sshll.u32 s11, $0x6  }
0x8: {  	_ =	strace $0x8000004D;
	[dreg:$0x3] =	wrdreg s9;
	s10 =	ssub.s32 $0x2, s8  }
0x9: {  	p0 =	seq.s32 s8, $0x1;
	[dreg:$0xc] =	wrdreg s26;
	s18 =	sor.u32 $0x1C05, s26  }
0xa: {  	s26 =	simm.s32 $0xA000;
	s8 =	simm.s32 $0x3;
	s2 =	sadd.s32 s14, s0  }
0xb: {  	s9 =	sshrl.u32 s3, $0x3;
	s15 =	sshrl.u32 s10, $0x1;
	s17 =	sadd.s32 s3, s1  }
0xc: {  	s14 =	simm.s32 $0x9E80;
	s13 =	sadd.s32 s9, s0;
	s0 =	sadd.s32 $0x67A00, s0  }
0xd: {  	s16 =	sadd.s32 $0xDA00, s2;
	s12 =	sadd.s32 $0x3A00, s2;
	[dreg:$0x4] =	wrdreg s0  }
0xe: {  	s20 =	sadd.s32 s4, s9;
	s22 =	sadd.s32 s5, s9;
	[dreg:$0x5] =	wrdreg s16  }
0xf: {  	s23 =	sadd.s32 s6, s9;
	s25 =	sadd.s32 s7, s9;
	[dreg:$0x6] =	wrdreg s20  }
0x10: {  	s2 =	simm.s32 $0x1;
	s0 =	ssub.s32 s10, s15;
	[dreg:$0x8] =	wrdreg s22  }
0x11: {  	s21 =	sadd.s32 $0xDB000, s13;
	[dreg:$0x9] =	wrdreg s23;
	s24 =	sadd.s32 $0x7BA00, s13  }
.Ltmp0:
0x12: {  	[dreg:$0xb] =	wrdreg s25;
	s20 =	simm.s32 $0x5;
	(pc) =	sbr.rel .LBB2_1-.Ltmp0, $4  }
0x13: {  	s25 =	simm.s32 $0x80;
	s13 =	simm.s32 $0x4;
	s10 =	simm.s32 $0x9E00  }
0x14: {  	s15 =	simm.s32 $0x9F00;
	s16 =	simm.s32 $0x9F80;
	[dreg:$0x7] =	wrdreg s21  }
0x15: {  	[dreg:$0xa] =	wrdreg s24;
	s19 =	smax.u32 s0, $0x1;
	s24 =	sshrl.u32 s17, $0x3  }
0x16: {  	s0 =	simm.s32 $0x10000;
	s21 =	simm.s32 $0x2;
	s17 =	simm.s32 $0x0  }
.LBB2_11:
0x17: {  	[tilespmem:s0], [sflag:$0x4] =	stream.indirect.gather [hbm4b:s7+s25], $0x40, s3, s25, $0xb8;
	[tilespmem:$0x1C000] =	vst v63  }
0x18: {  	s3 =	rddreg [dreg:$0x4];
	s23 =	smov.u32 s18  }
.LBB2_12:
0x19: {  	_ =	swait.ge [sflag:s2], $0x2000  }
0x1a: {  	[sflag:s2] =	ssyncset.done $0x0  }
0x1b: {  	[sflag:s2] =	ssyncadd.s32 $0xFFFFE000  }
0x1c: {  	[spmem:s1] =	stream.indirect.scatter.add.f32 [tilespmem:s26], [sflag:$0x5], $0x40, s10, s25, $0xb8;
	[tilespmem:$0x1C000] =	vst v63  }
0x1d: {  	_ =	swait.ge [sflag:s20], $0x2000  }
0x1e: {  	[sflag:s20] =	ssyncset.done $0x0  }
0x1f: {  	[sflag:s20] =	ssyncadd.s32 $0xFFFFE000  }
0x20: {  	_ =	swait.ge [sflag:s21], $0x2000  }
0x21: {  	[sflag:s21] =	ssyncset.done $0x0  }
0x22: {  	[sflag:s21] =	ssyncadd.s32 $0xFFFFE000  }
0x23: {  	[spmem:s1] =	stream.indirect.scatter.add.f32 [tilespmem:s28], [sflag:$0x5], $0x40, s14, s25, $0xb8;
	[tilespmem:$0x1C000] =	vst v63  }
0x24: {  	_ =	swait.ge [sflag:s20], $0x2000  }
0x25: {  	[sflag:s20] =	ssyncset.done $0x0  }
0x26: {  	[sflag:s20] =	ssyncadd.s32 $0xFFFFE000  }
0x27: {  	_ =	swait.ge [sflag:s8], $0x2000  }
0x28: {  	[sflag:s8] =	ssyncset.done $0x0  }
0x29: {  	[sflag:s8] =	ssyncadd.s32 $0xFFFFE000  }
0x2a: {  	[spmem:s1] =	stream.indirect.scatter.add.f32 [tilespmem:s30], [sflag:$0x5], $0x40, s15, s25, $0xb8;
	[tilespmem:$0x1C000] =	vst v63  }
0x2b: {  	_ =	swait.ge [sflag:s20], $0x2000  }
0x2c: {  	[sflag:s20] =	ssyncset.done $0x0  }
0x2d: {  	[sflag:s20] =	ssyncadd.s32 $0xFFFFE000  }
0x2e: {  	_ =	swait.ge [sflag:s13], $0x2000  }
0x2f: {  	[sflag:s13] =	ssyncset.done $0x0  }
0x30: {  	[sflag:s13] =	ssyncadd.s32 $0xFFFFE000  }
0x31: {  	[spmem:s1] =	stream.indirect.scatter.add.f32 [tilespmem:s0], [sflag:$0x5], $0x40, s16, s25, $0xb8;
	[tilespmem:$0x1C000] =	vst v63  }
0x32: {  	_ =	swait.ge [sflag:s20], $0x2000  }
0x33: {  	s17 =	sadd.s32 $0x1, s17;
	[sflag:s20] =	ssyncset.done $0x0  }
0x34: {  	p1 =	sne.s32 s17, s19;
	[sflag:s20] =	ssyncadd.s32 $0xFFFFE000  }
.Ltmp1:
0x35: {  	s3 =	sadd.s32 s3, s9;
	[bflag:$0x0] =	sbarrier.arrive $0xFFFF;
	(pc) =	sbr.rel @!p1 .LBB2_13-.Ltmp1, $4  }
0x36: {  	[hbm:s3], [sflag:s23] =	dma.local [spmem:s24], $0x1400  }
0x37: {  	_ =	swait.ge [sflag:s20], $0x1400  }
0x38: {  	[sflag:s20] =	ssyncset.done $0x0  }
0x39: {  	[sflag:s20] =	ssyncadd.s32 $0xFFFFEC00  }
.LBB2_1:
0x3a: {  	s3 =	simm.s32 $0x0;
	s11 =	rddreg [dreg:$0x5]  }
0x3b: {  	[tilespmem:s3], [sflag:$0x5] =	stream.linear.gather [hbm4b:s11+s3], $0x5000, $0x38;
	[tilespmem:$0x1C000] =	vst v63  }
0x3c: {  	_ =	swait.ge [sflag:s20], $0x5000  }
0x3d: {  	[sflag:s20] =	ssyncset.done $0x0  }
.Ltmp2:
0x3e: {  	s23 =	simm.s32 $0x5000;
	[sflag:s20] =	ssyncadd.s32 $0xFFFFB000;
	(pc) =	sbr.rel @!p0 .LBB2_2-.Ltmp2, $4  }
0x3f: {  	[tilespmem:s23], [sflag:$0x5] =	stream.linear.gather [hbm4b:s12+s3], $0x5000, $0x38;
	[tilespmem:$0x1C000] =	vst v63  }
0x40: {  	_ =	swait.ge [sflag:s20], $0x5000  }
0x41: {  	[sflag:s20] =	ssyncset.done $0x0  }
0x42: {  	[sflag:s20] =	ssyncadd.s32 $0xFFFFB000  }
0x43: {  	s3 =	rddreg [dreg:$0x9]  }
0x44: {  	[spmem:s24], [sflag:s18] =	dma.local [hbm:s3], $0x1400  }
0x45: {  	_ =	swait.ge [sflag:s20], $0x1400  }
0x46: {  	[sflag:s20] =	ssyncset.done $0x0  }
0x47: {  	[sflag:s20] =	ssyncadd.s32 $0xFFFFEC00  }
0x48: {  	s22 =	simm.s32 $0x0;
	[bflag:$0x0] =	sbarrier.arrive $0xFFFF  }
0x49: {  	[tilespmem:s26], [sflag:$0x1] =	stream.indirect.gather [hbm4b:s6+s25], $0x40, s22, s25, $0xb8;
	[tilespmem:$0x1C000] =	vst v63  }
0x4a: {  	_ = 	snop  }
0x4b: {  	[tilespmem:s28], [sflag:$0x2] =	stream.indirect.gather [hbm4b:s6+s25], $0x40, s25, s25, $0xb8;
	[tilespmem:$0x1C000] =	vst v63  }
0x4c: {  	_ = 	snop  }
0x4d: {  	[tilespmem:s30], [sflag:$0x3] =	stream.indirect.gather [hbm4b:s6+s25], $0x40, s29, s25, $0xb8;
	[tilespmem:$0x1C000] =	vst v63  }
0x4e: {  	_ = 	snop  }
0x4f: {  	[tilespmem:s0], [sflag:$0x4] =	stream.indirect.gather [hbm4b:s6+s25], $0x40, s31, s25, $0xb8;
	[tilespmem:$0x1C000] =	vst v63  }
0x50: {  	_ =	swait.ge [sflag:s2], $0x2000  }
0x51: {  	[sflag:s2] =	ssyncset.done $0x0  }
0x52: {  	s23 =	simm.s32 $0x5000;
	[sflag:s2] =	ssyncadd.s32 $0xFFFFE000  }
0x53: {  	[spmem:s1] =	stream.indirect.scatter.add.f32 [tilespmem:s26], [sflag:$0x5], $0x40, s23, s25, $0xb8;
	[tilespmem:$0x1C000] =	vst v63  }
0x54: {  	_ =	swait.ge [sflag:s20], $0x2000  }
0x55: {  	[sflag:s20] =	ssyncset.done $0x0  }
0x56: {  	s11 =	simm.s32 $0x200;
	[sflag:s20] =	ssyncadd.s32 $0xFFFFE000  }
0x57: {  	[tilespmem:s26], [sflag:$0x1] =	stream.indirect.gather [hbm4b:s6+s25], $0x40, s11, s25, $0xb8;
	[tilespmem:$0x1C000] =	vst v63  }
0x58: {  	_ =	swait.ge [sflag:s21], $0x2000  }
0x59: {  	[sflag:s21] =	ssyncset.done $0x0  }
0x5a: {  	s22 =	simm.s32 $0x5080;
	[sflag:s21] =	ssyncadd.s32 $0xFFFFE000  }
0x5b: {  	[spmem:s1] =	stream.indirect.scatter.add.f32 [tilespmem:s28], [sflag:$0x5], $0x40, s22, s25, $0xb8;
	[tilespmem:$0x1C000] =	vst v63  }
0x5c: {  	_ =	swait.ge [sflag:s20], $0x2000  }
0x5d: {  	[sflag:s20] =	ssyncset.done $0x0  }
0x5e: {  	s23 =	simm.s32 $0x280;
	[sflag:s20] =	ssyncadd.s32 $0xFFFFE000  }
0x5f: {  	[tilespmem:s28], [sflag:$0x2] =	stream.indirect.gather [hbm4b:s6+s25], $0x40, s23, s25, $0xb8;
	[tilespmem:$0x1C000] =	vst v63  }
0x60: {  	_ =	swait.ge [sflag:s8], $0x2000  }
0x61: {  	[sflag:s8] =	ssyncset.done $0x0  }
0x62: {  	s11 =	simm.s32 $0x5100;
	[sflag:s8] =	ssyncadd.s32 $0xFFFFE000  }
0x63: {  	[spmem:s1] =	stream.indirect.scatter.add.f32 [tilespmem:s30], [sflag:$0x5], $0x40, s11, s25, $0xb8;
	[tilespmem:$0x1C000] =	vst v63  }
0x64: {  	_ =	swait.ge [sflag:s20], $0x2000  }
0x65: {  	[sflag:s20] =	ssyncset.done $0x0  }
0x66: {  	s22 =	simm.s32 $0x300;
	[sflag:s20] =	ssyncadd.s32 $0xFFFFE000  }
0x67: {  	[tilespmem:s30], [sflag:$0x3] =	stream.indirect.gather [hbm4b:s6+s25], $0x40, s22, s25, $0xb8;
	[tilespmem:$0x1C000] =	vst v63  }
0x68: {  	_ =	swait.ge [sflag:s13], $0x2000  }
0x69: {  	[sflag:s13] =	ssyncset.done $0x0  }
0x6a: {  	s23 =	simm.s32 $0x5180;
	[sflag:s13] =	ssyncadd.s32 $0xFFFFE000  }
0x6b: {  	[spmem:s1] =	stream.indirect.scatter.add.f32 [tilespmem:s0], [sflag:$0x5], $0x40, s23, s25, $0xb8;
	[tilespmem:$0x1C000] =	vst v63  }
0x6c: {  	_ =	swait.ge [sflag:s20], $0x2000  }
0x6d: {  	[sflag:s20] =	ssyncset.done $0x0  }
0x6e: {  	s3 =	simm.s32 $0x380;
	s22 =	simm.s32 $0x800;
	[sflag:s20] =	ssyncadd.s32 $0xFFFFE000  }
.LBB2_8:
0x6f: {  	[tilespmem:s0], [sflag:$0x4] =	stream.indirect.gather [hbm4b:s6+s25], $0x40, s3, s25, $0xb8;
	[tilespmem:$0x1C000] =	vst v63  }
0x70: {  	s3 =	smov.u32 s22  }
0x71: {  	p1 =	sne.s32 s22, $0x13000;
	s22 =	sadd.s32 $0x800, s22;
	_ =	swait.ge [sflag:s2], $0x2000  }
0x72: {  	s3 =	sshra.s32 s3, $0x2;
	[sflag:s2] =	ssyncset.done $0x0  }
0x73: {  	s11 =	sadd.s32 $0x5000, s3;
	[sflag:s2] =	ssyncadd.s32 $0xFFFFE000  }
0x74: {  	[spmem:s1] =	stream.indirect.scatter.add.f32 [tilespmem:s26], [sflag:$0x5], $0x40, s11, s25, $0xb8;
	[tilespmem:$0x1C000] =	vst v63  }
0x75: {  	_ =	swait.ge [sflag:s20], $0x2000  }
0x76: {  	[sflag:s20] =	ssyncset.done $0x0  }
0x77: {  	s11 =	sadd.s32 $0x200, s3;
	[sflag:s20] =	ssyncadd.s32 $0xFFFFE000  }
0x78: {  	[tilespmem:s26], [sflag:$0x1] =	stream.indirect.gather [hbm4b:s6+s25], $0x40, s11, s25, $0xb8;
	[tilespmem:$0x1C000] =	vst v63  }
0x79: {  	_ =	swait.ge [sflag:s21], $0x2000  }
0x7a: {  	[sflag:s21] =	ssyncset.done $0x0  }
0x7b: {  	s11 =	sadd.s32 $0x5080, s3;
	[sflag:s21] =	ssyncadd.s32 $0xFFFFE000  }
0x7c: {  	[spmem:s1] =	stream.indirect.scatter.add.f32 [tilespmem:s28], [sflag:$0x5], $0x40, s11, s25, $0xb8;
	[tilespmem:$0x1C000] =	vst v63  }
0x7d: {  	_ =	swait.ge [sflag:s20], $0x2000  }
0x7e: {  	[sflag:s20] =	ssyncset.done $0x0  }
0x7f: {  	s11 =	sadd.s32 $0x280, s3;
	[sflag:s20] =	ssyncadd.s32 $0xFFFFE000  }
0x80: {  	[tilespmem:s28], [sflag:$0x2] =	stream.indirect.gather [hbm4b:s6+s25], $0x40, s11, s25, $0xb8;
	[tilespmem:$0x1C000] =	vst v63  }
0x81: {  	_ =	swait.ge [sflag:s8], $0x2000  }
0x82: {  	[sflag:s8] =	ssyncset.done $0x0  }
0x83: {  	s11 =	sadd.s32 $0x5100, s3;
	[sflag:s8] =	ssyncadd.s32 $0xFFFFE000  }
0x84: {  	[spmem:s1] =	stream.indirect.scatter.add.f32 [tilespmem:s30], [sflag:$0x5], $0x40, s11, s25, $0xb8;
	[tilespmem:$0x1C000] =	vst v63  }
0x85: {  	_ =	swait.ge [sflag:s20], $0x2000  }
0x86: {  	[sflag:s20] =	ssyncset.done $0x0  }
0x87: {  	s11 =	sadd.s32 $0x300, s3;
	[sflag:s20] =	ssyncadd.s32 $0xFFFFE000  }
0x88: {  	[tilespmem:s30], [sflag:$0x3] =	stream.indirect.gather [hbm4b:s6+s25], $0x40, s11, s25, $0xb8;
	[tilespmem:$0x1C000] =	vst v63  }
0x89: {  	_ =	swait.ge [sflag:s13], $0x2000  }
0x8a: {  	[sflag:s13] =	ssyncset.done $0x0  }
.Ltmp3:
0x8b: {  	s11 =	sadd.s32 $0x5180, s3;
	[sflag:s13] =	ssyncadd.s32 $0xFFFFE000;
	(pc) =	sbr.rel @p1 .LBB2_8-.Ltmp3, $4  }
0x8c: {  	[spmem:s1] =	stream.indirect.scatter.add.f32 [tilespmem:s0], [sflag:$0x5], $0x40, s11, s25, $0xb8;
	[tilespmem:$0x1C000] =	vst v63  }
0x8d: {  	_ =	swait.ge [sflag:s20], $0x2000  }
0x8e: {  	[sflag:s20] =	ssyncset.done $0x0  }
0x8f: {  	s3 =	sadd.s32 $0x380, s3;
	[sflag:s20] =	ssyncadd.s32 $0xFFFFE000  }
0x90: {  	[tilespmem:s0], [sflag:$0x4] =	stream.indirect.gather [hbm4b:s6+s25], $0x40, s3, s25, $0xb8;
	[tilespmem:$0x1C000] =	vst v63  }
0x91: {  	_ =	swait.ge [sflag:s2], $0x2000  }
0x92: {  	[sflag:s2] =	ssyncset.done $0x0  }
0x93: {  	[sflag:s2] =	ssyncadd.s32 $0xFFFFE000  }
0x94: {  	[spmem:s1] =	stream.indirect.scatter.add.f32 [tilespmem:s26], [sflag:$0x5], $0x40, s10, s25, $0xb8;
	[tilespmem:$0x1C000] =	vst v63  }
0x95: {  	_ =	swait.ge [sflag:s20], $0x2000  }
0x96: {  	[sflag:s20] =	ssyncset.done $0x0  }
0x97: {  	[sflag:s20] =	ssyncadd.s32 $0xFFFFE000  }
0x98: {  	_ =	swait.ge [sflag:s21], $0x2000  }
0x99: {  	[sflag:s21] =	ssyncset.done $0x0  }
0x9a: {  	[sflag:s21] =	ssyncadd.s32 $0xFFFFE000  }
0x9b: {  	[spmem:s1] =	stream.indirect.scatter.add.f32 [tilespmem:s28], [sflag:$0x5], $0x40, s14, s25, $0xb8;
	[tilespmem:$0x1C000] =	vst v63  }
0x9c: {  	_ =	swait.ge [sflag:s20], $0x2000  }
0x9d: {  	[sflag:s20] =	ssyncset.done $0x0  }
0x9e: {  	[sflag:s20] =	ssyncadd.s32 $0xFFFFE000  }
0x9f: {  	_ =	swait.ge [sflag:s8], $0x2000  }
0xa0: {  	[sflag:s8] =	ssyncset.done $0x0  }
0xa1: {  	[sflag:s8] =	ssyncadd.s32 $0xFFFFE000  }
0xa2: {  	[spmem:s1] =	stream.indirect.scatter.add.f32 [tilespmem:s30], [sflag:$0x5], $0x40, s15, s25, $0xb8;
	[tilespmem:$0x1C000] =	vst v63  }
0xa3: {  	_ =	swait.ge [sflag:s20], $0x2000  }
0xa4: {  	[sflag:s20] =	ssyncset.done $0x0  }
0xa5: {  	[sflag:s20] =	ssyncadd.s32 $0xFFFFE000  }
0xa6: {  	_ =	swait.ge [sflag:s13], $0x2000  }
0xa7: {  	[sflag:s13] =	ssyncset.done $0x0  }
0xa8: {  	[sflag:s13] =	ssyncadd.s32 $0xFFFFE000  }
0xa9: {  	[spmem:s1] =	stream.indirect.scatter.add.f32 [tilespmem:s0], [sflag:$0x5], $0x40, s16, s25, $0xb8;
	[tilespmem:$0x1C000] =	vst v63  }
0xaa: {  	_ =	swait.ge [sflag:s20], $0x2000  }
0xab: {  	[sflag:s20] =	ssyncset.done $0x0  }
0xac: {  	[sflag:s20] =	ssyncadd.s32 $0xFFFFE000  }
0xad: {  	[bflag:$0x0] =	sbarrier.arrive $0xFFFF  }
0xae: {  	s23 =	rddreg [dreg:$0xa]  }
0xaf: {  	[hbm:s23], [sflag:s18] =	dma.local [spmem:s24], $0x1400  }
0xb0: {  	_ =	swait.ge [sflag:s20], $0x1400  }
0xb1: {  	[sflag:s20] =	ssyncset.done $0x0  }
0xb2: {  	s11 =	rddreg [dreg:$0xb];
	[sflag:s20] =	ssyncadd.s32 $0xFFFFEC00  }
0xb3: {  	[spmem:s24], [sflag:s18] =	dma.local [hbm:s11], $0x1400  }
0xb4: {  	_ =	swait.ge [sflag:s20], $0x1400  }
0xb5: {  	[sflag:s20] =	ssyncset.done $0x0  }
0xb6: {  	[sflag:s20] =	ssyncadd.s32 $0xFFFFEC00  }
0xb7: {  	s22 =	simm.s32 $0x0;
	[bflag:$0x0] =	sbarrier.arrive $0xFFFF  }
0xb8: {  	[tilespmem:s26], [sflag:$0x1] =	stream.indirect.gather [hbm4b:s7+s25], $0x40, s22, s25, $0xb8;
	[tilespmem:$0x1C000] =	vst v63  }
0xb9: {  	_ = 	snop  }
0xba: {  	[tilespmem:s28], [sflag:$0x2] =	stream.indirect.gather [hbm4b:s7+s25], $0x40, s25, s25, $0xb8;
	[tilespmem:$0x1C000] =	vst v63  }
0xbb: {  	_ = 	snop  }
0xbc: {  	[tilespmem:s30], [sflag:$0x3] =	stream.indirect.gather [hbm4b:s7+s25], $0x40, s29, s25, $0xb8;
	[tilespmem:$0x1C000] =	vst v63  }
0xbd: {  	_ = 	snop  }
0xbe: {  	[tilespmem:s0], [sflag:$0x4] =	stream.indirect.gather [hbm4b:s7+s25], $0x40, s31, s25, $0xb8;
	[tilespmem:$0x1C000] =	vst v63  }
0xbf: {  	_ =	swait.ge [sflag:s2], $0x2000  }
0xc0: {  	[sflag:s2] =	ssyncset.done $0x0  }
0xc1: {  	s23 =	simm.s32 $0x5000;
	[sflag:s2] =	ssyncadd.s32 $0xFFFFE000  }
0xc2: {  	[spmem:s1] =	stream.indirect.scatter.add.f32 [tilespmem:s26], [sflag:$0x5], $0x40, s23, s25, $0xb8;
	[tilespmem:$0x1C000] =	vst v63  }
0xc3: {  	_ =	swait.ge [sflag:s20], $0x2000  }
0xc4: {  	[sflag:s20] =	ssyncset.done $0x0  }
0xc5: {  	s11 =	simm.s32 $0x200;
	[sflag:s20] =	ssyncadd.s32 $0xFFFFE000  }
0xc6: {  	[tilespmem:s26], [sflag:$0x1] =	stream.indirect.gather [hbm4b:s7+s25], $0x40, s11, s25, $0xb8;
	[tilespmem:$0x1C000] =	vst v63  }
0xc7: {  	_ =	swait.ge [sflag:s21], $0x2000  }
0xc8: {  	[sflag:s21] =	ssyncset.done $0x0  }
0xc9: {  	s22 =	simm.s32 $0x5080;
	[sflag:s21] =	ssyncadd.s32 $0xFFFFE000  }
0xca: {  	[spmem:s1] =	stream.indirect.scatter.add.f32 [tilespmem:s28], [sflag:$0x5], $0x40, s22, s25, $0xb8;
	[tilespmem:$0x1C000] =	vst v63  }
0xcb: {  	_ =	swait.ge [sflag:s20], $0x2000  }
0xcc: {  	[sflag:s20] =	ssyncset.done $0x0  }
0xcd: {  	s23 =	simm.s32 $0x280;
	[sflag:s20] =	ssyncadd.s32 $0xFFFFE000  }
0xce: {  	[tilespmem:s28], [sflag:$0x2] =	stream.indirect.gather [hbm4b:s7+s25], $0x40, s23, s25, $0xb8;
	[tilespmem:$0x1C000] =	vst v63  }
0xcf: {  	_ =	swait.ge [sflag:s8], $0x2000  }
0xd0: {  	[sflag:s8] =	ssyncset.done $0x0  }
0xd1: {  	s11 =	simm.s32 $0x5100;
	[sflag:s8] =	ssyncadd.s32 $0xFFFFE000  }
0xd2: {  	[spmem:s1] =	stream.indirect.scatter.add.f32 [tilespmem:s30], [sflag:$0x5], $0x40, s11, s25, $0xb8;
	[tilespmem:$0x1C000] =	vst v63  }
0xd3: {  	_ =	swait.ge [sflag:s20], $0x2000  }
0xd4: {  	[sflag:s20] =	ssyncset.done $0x0  }
0xd5: {  	s22 =	simm.s32 $0x300;
	[sflag:s20] =	ssyncadd.s32 $0xFFFFE000  }
0xd6: {  	[tilespmem:s30], [sflag:$0x3] =	stream.indirect.gather [hbm4b:s7+s25], $0x40, s22, s25, $0xb8;
	[tilespmem:$0x1C000] =	vst v63  }
0xd7: {  	_ =	swait.ge [sflag:s13], $0x2000  }
0xd8: {  	[sflag:s13] =	ssyncset.done $0x0  }
0xd9: {  	s23 =	simm.s32 $0x5180;
	[sflag:s13] =	ssyncadd.s32 $0xFFFFE000  }
0xda: {  	[spmem:s1] =	stream.indirect.scatter.add.f32 [tilespmem:s0], [sflag:$0x5], $0x40, s23, s25, $0xb8;
	[tilespmem:$0x1C000] =	vst v63  }
0xdb: {  	_ =	swait.ge [sflag:s20], $0x2000  }
0xdc: {  	[sflag:s20] =	ssyncset.done $0x0  }
0xdd: {  	s3 =	simm.s32 $0x380;
	s22 =	simm.s32 $0x800;
	[sflag:s20] =	ssyncadd.s32 $0xFFFFE000  }
.LBB2_10:
0xde: {  	[tilespmem:s0], [sflag:$0x4] =	stream.indirect.gather [hbm4b:s7+s25], $0x40, s3, s25, $0xb8;
	[tilespmem:$0x1C000] =	vst v63  }
0xdf: {  	s3 =	smov.u32 s22  }
0xe0: {  	p1 =	sne.s32 s22, $0x13000;
	s22 =	sadd.s32 $0x800, s22;
	_ =	swait.ge [sflag:s2], $0x2000  }
0xe1: {  	s3 =	sshra.s32 s3, $0x2;
	[sflag:s2] =	ssyncset.done $0x0  }
0xe2: {  	s11 =	sadd.s32 $0x5000, s3;
	[sflag:s2] =	ssyncadd.s32 $0xFFFFE000  }
0xe3: {  	[spmem:s1] =	stream.indirect.scatter.add.f32 [tilespmem:s26], [sflag:$0x5], $0x40, s11, s25, $0xb8;
	[tilespmem:$0x1C000] =	vst v63  }
0xe4: {  	_ =	swait.ge [sflag:s20], $0x2000  }
0xe5: {  	[sflag:s20] =	ssyncset.done $0x0  }
0xe6: {  	s11 =	sadd.s32 $0x200, s3;
	[sflag:s20] =	ssyncadd.s32 $0xFFFFE000  }
0xe7: {  	[tilespmem:s26], [sflag:$0x1] =	stream.indirect.gather [hbm4b:s7+s25], $0x40, s11, s25, $0xb8;
	[tilespmem:$0x1C000] =	vst v63  }
0xe8: {  	_ =	swait.ge [sflag:s21], $0x2000  }
0xe9: {  	[sflag:s21] =	ssyncset.done $0x0  }
0xea: {  	s11 =	sadd.s32 $0x5080, s3;
	[sflag:s21] =	ssyncadd.s32 $0xFFFFE000  }
0xeb: {  	[spmem:s1] =	stream.indirect.scatter.add.f32 [tilespmem:s28], [sflag:$0x5], $0x40, s11, s25, $0xb8;
	[tilespmem:$0x1C000] =	vst v63  }
0xec: {  	_ =	swait.ge [sflag:s20], $0x2000  }
0xed: {  	[sflag:s20] =	ssyncset.done $0x0  }
0xee: {  	s11 =	sadd.s32 $0x280, s3;
	[sflag:s20] =	ssyncadd.s32 $0xFFFFE000  }
0xef: {  	[tilespmem:s28], [sflag:$0x2] =	stream.indirect.gather [hbm4b:s7+s25], $0x40, s11, s25, $0xb8;
	[tilespmem:$0x1C000] =	vst v63  }
0xf0: {  	_ =	swait.ge [sflag:s8], $0x2000  }
0xf1: {  	[sflag:s8] =	ssyncset.done $0x0  }
0xf2: {  	s11 =	sadd.s32 $0x5100, s3;
	[sflag:s8] =	ssyncadd.s32 $0xFFFFE000  }
0xf3: {  	[spmem:s1] =	stream.indirect.scatter.add.f32 [tilespmem:s30], [sflag:$0x5], $0x40, s11, s25, $0xb8;
	[tilespmem:$0x1C000] =	vst v63  }
0xf4: {  	_ =	swait.ge [sflag:s20], $0x2000  }
0xf5: {  	[sflag:s20] =	ssyncset.done $0x0  }
0xf6: {  	s11 =	sadd.s32 $0x300, s3;
	[sflag:s20] =	ssyncadd.s32 $0xFFFFE000  }
0xf7: {  	[tilespmem:s30], [sflag:$0x3] =	stream.indirect.gather [hbm4b:s7+s25], $0x40, s11, s25, $0xb8;
	[tilespmem:$0x1C000] =	vst v63  }
0xf8: {  	_ =	swait.ge [sflag:s13], $0x2000  }
0xf9: {  	[sflag:s13] =	ssyncset.done $0x0  }
.Ltmp4:
0xfa: {  	s11 =	sadd.s32 $0x5180, s3;
	[sflag:s13] =	ssyncadd.s32 $0xFFFFE000;
	(pc) =	sbr.rel @p1 .LBB2_10-.Ltmp4, $4  }
0xfb: {  	[spmem:s1] =	stream.indirect.scatter.add.f32 [tilespmem:s0], [sflag:$0x5], $0x40, s11, s25, $0xb8;
	[tilespmem:$0x1C000] =	vst v63  }
0xfc: {  	_ =	swait.ge [sflag:s20], $0x2000  }
0xfd: {  	[sflag:s20] =	ssyncset.done $0x0  }
0xfe: {  	s3 =	sadd.s32 $0x380, s3;
	[sflag:s20] =	ssyncadd.s32 $0xFFFFE000  }
.Ltmp5:
0xff: {  	_ = 	snop;
	(pc) =	sbr.rel .LBB2_11-.Ltmp5, $1  }
0x100: {  	_ =	sdelay $0x3  }
.LBB2_2:
0x101: {  	s3 =	rddreg [dreg:$0xc]  }
0x102: {  	s22 =	rddreg [dreg:$0x6];
	s23 =	sor.u32 $0x1C05, s3  }
0x103: {  	[spmem:s24], [sflag:s23] =	dma.local [hbm:s22], $0x1400  }
0x104: {  	_ =	swait.ge [sflag:s20], $0x1400  }
0x105: {  	[sflag:s20] =	ssyncset.done $0x0  }
0x106: {  	[sflag:s20] =	ssyncadd.s32 $0xFFFFEC00  }
0x107: {  	s11 =	simm.s32 $0x0;
	[bflag:$0x0] =	sbarrier.arrive $0xFFFF  }
0x108: {  	[tilespmem:s26], [sflag:$0x1] =	stream.indirect.gather [hbm4b:s4+s25], $0x40, s11, s25, $0xb8;
	[tilespmem:$0x1C000] =	vst v63  }
0x109: {  	_ = 	snop  }
0x10a: {  	[tilespmem:s28], [sflag:$0x2] =	stream.indirect.gather [hbm4b:s4+s25], $0x40, s25, s25, $0xb8;
	[tilespmem:$0x1C000] =	vst v63  }
0x10b: {  	_ = 	snop  }
0x10c: {  	[tilespmem:s30], [sflag:$0x3] =	stream.indirect.gather [hbm4b:s4+s25], $0x40, s29, s25, $0xb8;
	[tilespmem:$0x1C000] =	vst v63  }
0x10d: {  	_ = 	snop  }
0x10e: {  	[tilespmem:s0], [sflag:$0x4] =	stream.indirect.gather [hbm4b:s4+s25], $0x40, s31, s25, $0xb8;
	[tilespmem:$0x1C000] =	vst v63  }
0x10f: {  	_ =	swait.ge [sflag:s2], $0x2000  }
0x110: {  	[sflag:s2] =	ssyncset.done $0x0  }
0x111: {  	s22 =	simm.s32 $0x5000;
	[sflag:s2] =	ssyncadd.s32 $0xFFFFE000  }
0x112: {  	[spmem:s1] =	stream.indirect.scatter.add.f32 [tilespmem:s26], [sflag:$0x5], $0x40, s22, s25, $0xb8;
	[tilespmem:$0x1C000] =	vst v63  }
0x113: {  	_ =	swait.ge [sflag:s20], $0x2000  }
0x114: {  	[sflag:s20] =	ssyncset.done $0x0  }
0x115: {  	s11 =	simm.s32 $0x200;
	[sflag:s20] =	ssyncadd.s32 $0xFFFFE000  }
0x116: {  	[tilespmem:s26], [sflag:$0x1] =	stream.indirect.gather [hbm4b:s4+s25], $0x40, s11, s25, $0xb8;
	[tilespmem:$0x1C000] =	vst v63  }
0x117: {  	_ =	swait.ge [sflag:s21], $0x2000  }
0x118: {  	[sflag:s21] =	ssyncset.done $0x0  }
0x119: {  	s22 =	simm.s32 $0x5080;
	[sflag:s21] =	ssyncadd.s32 $0xFFFFE000  }
0x11a: {  	[spmem:s1] =	stream.indirect.scatter.add.f32 [tilespmem:s28], [sflag:$0x5], $0x40, s22, s25, $0xb8;
	[tilespmem:$0x1C000] =	vst v63  }
0x11b: {  	_ =	swait.ge [sflag:s20], $0x2000  }
0x11c: {  	[sflag:s20] =	ssyncset.done $0x0  }
0x11d: {  	s11 =	simm.s32 $0x280;
	[sflag:s20] =	ssyncadd.s32 $0xFFFFE000  }
0x11e: {  	[tilespmem:s28], [sflag:$0x2] =	stream.indirect.gather [hbm4b:s4+s25], $0x40, s11, s25, $0xb8;
	[tilespmem:$0x1C000] =	vst v63  }
0x11f: {  	_ =	swait.ge [sflag:s8], $0x2000  }
0x120: {  	[sflag:s8] =	ssyncset.done $0x0  }
0x121: {  	s22 =	simm.s32 $0x5100;
	[sflag:s8] =	ssyncadd.s32 $0xFFFFE000  }
0x122: {  	[spmem:s1] =	stream.indirect.scatter.add.f32 [tilespmem:s30], [sflag:$0x5], $0x40, s22, s25, $0xb8;
	[tilespmem:$0x1C000] =	vst v63  }
0x123: {  	_ =	swait.ge [sflag:s20], $0x2000  }
0x124: {  	[sflag:s20] =	ssyncset.done $0x0  }
0x125: {  	s11 =	simm.s32 $0x300;
	[sflag:s20] =	ssyncadd.s32 $0xFFFFE000  }
0x126: {  	[tilespmem:s30], [sflag:$0x3] =	stream.indirect.gather [hbm4b:s4+s25], $0x40, s11, s25, $0xb8;
	[tilespmem:$0x1C000] =	vst v63  }
0x127: {  	_ =	swait.ge [sflag:s13], $0x2000  }
0x128: {  	[sflag:s13] =	ssyncset.done $0x0  }
0x129: {  	s22 =	simm.s32 $0x5180;
	[sflag:s13] =	ssyncadd.s32 $0xFFFFE000  }
0x12a: {  	[spmem:s1] =	stream.indirect.scatter.add.f32 [tilespmem:s0], [sflag:$0x5], $0x40, s22, s25, $0xb8;
	[tilespmem:$0x1C000] =	vst v63  }
0x12b: {  	_ =	swait.ge [sflag:s20], $0x2000  }
0x12c: {  	[sflag:s20] =	ssyncset.done $0x0  }
0x12d: {  	s3 =	simm.s32 $0x380;
	s22 =	simm.s32 $0x800;
	[sflag:s20] =	ssyncadd.s32 $0xFFFFE000  }
.LBB2_3:
0x12e: {  	[tilespmem:s0], [sflag:$0x4] =	stream.indirect.gather [hbm4b:s4+s25], $0x40, s3, s25, $0xb8;
	[tilespmem:$0x1C000] =	vst v63  }
0x12f: {  	s3 =	smov.u32 s22  }
0x130: {  	p1 =	sne.s32 s22, $0x13000;
	s22 =	sadd.s32 $0x800, s22;
	_ =	swait.ge [sflag:s2], $0x2000  }
0x131: {  	s3 =	sshra.s32 s3, $0x2;
	[sflag:s2] =	ssyncset.done $0x0  }
0x132: {  	s11 =	sadd.s32 $0x5000, s3;
	[sflag:s2] =	ssyncadd.s32 $0xFFFFE000  }
0x133: {  	[spmem:s1] =	stream.indirect.scatter.add.f32 [tilespmem:s26], [sflag:$0x5], $0x40, s11, s25, $0xb8;
	[tilespmem:$0x1C000] =	vst v63  }
0x134: {  	_ =	swait.ge [sflag:s20], $0x2000  }
0x135: {  	[sflag:s20] =	ssyncset.done $0x0  }
0x136: {  	s11 =	sadd.s32 $0x200, s3;
	[sflag:s20] =	ssyncadd.s32 $0xFFFFE000  }
0x137: {  	[tilespmem:s26], [sflag:$0x1] =	stream.indirect.gather [hbm4b:s4+s25], $0x40, s11, s25, $0xb8;
	[tilespmem:$0x1C000] =	vst v63  }
0x138: {  	_ =	swait.ge [sflag:s21], $0x2000  }
0x139: {  	[sflag:s21] =	ssyncset.done $0x0  }
0x13a: {  	s11 =	sadd.s32 $0x5080, s3;
	[sflag:s21] =	ssyncadd.s32 $0xFFFFE000  }
0x13b: {  	[spmem:s1] =	stream.indirect.scatter.add.f32 [tilespmem:s28], [sflag:$0x5], $0x40, s11, s25, $0xb8;
	[tilespmem:$0x1C000] =	vst v63  }
0x13c: {  	_ =	swait.ge [sflag:s20], $0x2000  }
0x13d: {  	[sflag:s20] =	ssyncset.done $0x0  }
0x13e: {  	s11 =	sadd.s32 $0x280, s3;
	[sflag:s20] =	ssyncadd.s32 $0xFFFFE000  }
0x13f: {  	[tilespmem:s28], [sflag:$0x2] =	stream.indirect.gather [hbm4b:s4+s25], $0x40, s11, s25, $0xb8;
	[tilespmem:$0x1C000] =	vst v63  }
0x140: {  	_ =	swait.ge [sflag:s8], $0x2000  }
0x141: {  	[sflag:s8] =	ssyncset.done $0x0  }
0x142: {  	s11 =	sadd.s32 $0x5100, s3;
	[sflag:s8] =	ssyncadd.s32 $0xFFFFE000  }
0x143: {  	[spmem:s1] =	stream.indirect.scatter.add.f32 [tilespmem:s30], [sflag:$0x5], $0x40, s11, s25, $0xb8;
	[tilespmem:$0x1C000] =	vst v63  }
0x144: {  	_ =	swait.ge [sflag:s20], $0x2000  }
0x145: {  	[sflag:s20] =	ssyncset.done $0x0  }
0x146: {  	s11 =	sadd.s32 $0x300, s3;
	[sflag:s20] =	ssyncadd.s32 $0xFFFFE000  }
0x147: {  	[tilespmem:s30], [sflag:$0x3] =	stream.indirect.gather [hbm4b:s4+s25], $0x40, s11, s25, $0xb8;
	[tilespmem:$0x1C000] =	vst v63  }
0x148: {  	_ =	swait.ge [sflag:s13], $0x2000  }
0x149: {  	[sflag:s13] =	ssyncset.done $0x0  }
.Ltmp6:
0x14a: {  	s11 =	sadd.s32 $0x5180, s3;
	[sflag:s13] =	ssyncadd.s32 $0xFFFFE000;
	(pc) =	sbr.rel @p1 .LBB2_3-.Ltmp6, $4  }
0x14b: {  	[spmem:s1] =	stream.indirect.scatter.add.f32 [tilespmem:s0], [sflag:$0x5], $0x40, s11, s25, $0xb8;
	[tilespmem:$0x1C000] =	vst v63  }
0x14c: {  	_ =	swait.ge [sflag:s20], $0x2000  }
0x14d: {  	[sflag:s20] =	ssyncset.done $0x0  }
0x14e: {  	s3 =	sadd.s32 $0x380, s3;
	[sflag:s20] =	ssyncadd.s32 $0xFFFFE000  }
0x14f: {  	[tilespmem:s0], [sflag:$0x4] =	stream.indirect.gather [hbm4b:s4+s25], $0x40, s3, s25, $0xb8;
	[tilespmem:$0x1C000] =	vst v63  }
0x150: {  	_ =	swait.ge [sflag:s2], $0x2000  }
0x151: {  	[sflag:s2] =	ssyncset.done $0x0  }
0x152: {  	[sflag:s2] =	ssyncadd.s32 $0xFFFFE000  }
0x153: {  	[spmem:s1] =	stream.indirect.scatter.add.f32 [tilespmem:s26], [sflag:$0x5], $0x40, s10, s25, $0xb8;
	[tilespmem:$0x1C000] =	vst v63  }
0x154: {  	_ =	swait.ge [sflag:s20], $0x2000  }
0x155: {  	[sflag:s20] =	ssyncset.done $0x0  }
0x156: {  	[sflag:s20] =	ssyncadd.s32 $0xFFFFE000  }
0x157: {  	_ =	swait.ge [sflag:s21], $0x2000  }
0x158: {  	[sflag:s21] =	ssyncset.done $0x0  }
0x159: {  	[sflag:s21] =	ssyncadd.s32 $0xFFFFE000  }
0x15a: {  	[spmem:s1] =	stream.indirect.scatter.add.f32 [tilespmem:s28], [sflag:$0x5], $0x40, s14, s25, $0xb8;
	[tilespmem:$0x1C000] =	vst v63  }
0x15b: {  	_ =	swait.ge [sflag:s20], $0x2000  }
0x15c: {  	[sflag:s20] =	ssyncset.done $0x0  }
0x15d: {  	[sflag:s20] =	ssyncadd.s32 $0xFFFFE000  }
0x15e: {  	_ =	swait.ge [sflag:s8], $0x2000  }
0x15f: {  	[sflag:s8] =	ssyncset.done $0x0  }
0x160: {  	[sflag:s8] =	ssyncadd.s32 $0xFFFFE000  }
0x161: {  	[spmem:s1] =	stream.indirect.scatter.add.f32 [tilespmem:s30], [sflag:$0x5], $0x40, s15, s25, $0xb8;
	[tilespmem:$0x1C000] =	vst v63  }
0x162: {  	_ =	swait.ge [sflag:s20], $0x2000  }
0x163: {  	[sflag:s20] =	ssyncset.done $0x0  }
0x164: {  	[sflag:s20] =	ssyncadd.s32 $0xFFFFE000  }
0x165: {  	_ =	swait.ge [sflag:s13], $0x2000  }
0x166: {  	[sflag:s13] =	ssyncset.done $0x0  }
0x167: {  	[sflag:s13] =	ssyncadd.s32 $0xFFFFE000  }
0x168: {  	[spmem:s1] =	stream.indirect.scatter.add.f32 [tilespmem:s0], [sflag:$0x5], $0x40, s16, s25, $0xb8;
	[tilespmem:$0x1C000] =	vst v63  }
0x169: {  	_ =	swait.ge [sflag:s20], $0x2000  }
0x16a: {  	[sflag:s20] =	ssyncset.done $0x0  }
0x16b: {  	[sflag:s20] =	ssyncadd.s32 $0xFFFFE000  }
0x16c: {  	[bflag:$0x0] =	sbarrier.arrive $0xFFFF  }
0x16d: {  	s11 =	rddreg [dreg:$0x7]  }
0x16e: {  	[hbm:s11], [sflag:s23] =	dma.local [spmem:s24], $0x1400  }
0x16f: {  	_ =	swait.ge [sflag:s20], $0x1400  }
0x170: {  	[sflag:s20] =	ssyncset.done $0x0  }
0x171: {  	s22 =	rddreg [dreg:$0x8];
	[sflag:s20] =	ssyncadd.s32 $0xFFFFEC00  }
0x172: {  	[spmem:s24], [sflag:s23] =	dma.local [hbm:s22], $0x1400  }
0x173: {  	_ =	swait.ge [sflag:s20], $0x1400  }
0x174: {  	[sflag:s20] =	ssyncset.done $0x0  }
0x175: {  	[sflag:s20] =	ssyncadd.s32 $0xFFFFEC00  }
0x176: {  	s11 =	simm.s32 $0x0;
	[bflag:$0x0] =	sbarrier.arrive $0xFFFF  }
0x177: {  	[tilespmem:s26], [sflag:$0x1] =	stream.indirect.gather [hbm4b:s5+s25], $0x40, s11, s25, $0xb8;
	[tilespmem:$0x1C000] =	vst v63  }
0x178: {  	_ = 	snop  }
0x179: {  	[tilespmem:s28], [sflag:$0x2] =	stream.indirect.gather [hbm4b:s5+s25], $0x40, s25, s25, $0xb8;
	[tilespmem:$0x1C000] =	vst v63  }
0x17a: {  	_ = 	snop  }
0x17b: {  	[tilespmem:s30], [sflag:$0x3] =	stream.indirect.gather [hbm4b:s5+s25], $0x40, s29, s25, $0xb8;
	[tilespmem:$0x1C000] =	vst v63  }
0x17c: {  	_ = 	snop  }
0x17d: {  	[tilespmem:s0], [sflag:$0x4] =	stream.indirect.gather [hbm4b:s5+s25], $0x40, s31, s25, $0xb8;
	[tilespmem:$0x1C000] =	vst v63  }
0x17e: {  	_ =	swait.ge [sflag:s2], $0x2000  }
0x17f: {  	[sflag:s2] =	ssyncset.done $0x0  }
0x180: {  	s22 =	simm.s32 $0x5000;
	[sflag:s2] =	ssyncadd.s32 $0xFFFFE000  }
0x181: {  	[spmem:s1] =	stream.indirect.scatter.add.f32 [tilespmem:s26], [sflag:$0x5], $0x40, s22, s25, $0xb8;
	[tilespmem:$0x1C000] =	vst v63  }
0x182: {  	_ =	swait.ge [sflag:s20], $0x2000  }
0x183: {  	[sflag:s20] =	ssyncset.done $0x0  }
0x184: {  	s11 =	simm.s32 $0x200;
	[sflag:s20] =	ssyncadd.s32 $0xFFFFE000  }
0x185: {  	[tilespmem:s26], [sflag:$0x1] =	stream.indirect.gather [hbm4b:s5+s25], $0x40, s11, s25, $0xb8;
	[tilespmem:$0x1C000] =	vst v63  }
0x186: {  	_ =	swait.ge [sflag:s21], $0x2000  }
0x187: {  	[sflag:s21] =	ssyncset.done $0x0  }
0x188: {  	s22 =	simm.s32 $0x5080;
	[sflag:s21] =	ssyncadd.s32 $0xFFFFE000  }
0x189: {  	[spmem:s1] =	stream.indirect.scatter.add.f32 [tilespmem:s28], [sflag:$0x5], $0x40, s22, s25, $0xb8;
	[tilespmem:$0x1C000] =	vst v63  }
0x18a: {  	_ =	swait.ge [sflag:s20], $0x2000  }
0x18b: {  	[sflag:s20] =	ssyncset.done $0x0  }
0x18c: {  	s11 =	simm.s32 $0x280;
	[sflag:s20] =	ssyncadd.s32 $0xFFFFE000  }
0x18d: {  	[tilespmem:s28], [sflag:$0x2] =	stream.indirect.gather [hbm4b:s5+s25], $0x40, s11, s25, $0xb8;
	[tilespmem:$0x1C000] =	vst v63  }
0x18e: {  	_ =	swait.ge [sflag:s8], $0x2000  }
0x18f: {  	[sflag:s8] =	ssyncset.done $0x0  }
0x190: {  	s22 =	simm.s32 $0x5100;
	[sflag:s8] =	ssyncadd.s32 $0xFFFFE000  }
0x191: {  	[spmem:s1] =	stream.indirect.scatter.add.f32 [tilespmem:s30], [sflag:$0x5], $0x40, s22, s25, $0xb8;
	[tilespmem:$0x1C000] =	vst v63  }
0x192: {  	_ =	swait.ge [sflag:s20], $0x2000  }
0x193: {  	[sflag:s20] =	ssyncset.done $0x0  }
0x194: {  	s11 =	simm.s32 $0x300;
	[sflag:s20] =	ssyncadd.s32 $0xFFFFE000  }
0x195: {  	[tilespmem:s30], [sflag:$0x3] =	stream.indirect.gather [hbm4b:s5+s25], $0x40, s11, s25, $0xb8;
	[tilespmem:$0x1C000] =	vst v63  }
0x196: {  	_ =	swait.ge [sflag:s13], $0x2000  }
0x197: {  	[sflag:s13] =	ssyncset.done $0x0  }
0x198: {  	s22 =	simm.s32 $0x5180;
	[sflag:s13] =	ssyncadd.s32 $0xFFFFE000  }
0x199: {  	[spmem:s1] =	stream.indirect.scatter.add.f32 [tilespmem:s0], [sflag:$0x5], $0x40, s22, s25, $0xb8;
	[tilespmem:$0x1C000] =	vst v63  }
0x19a: {  	_ =	swait.ge [sflag:s20], $0x2000  }
0x19b: {  	[sflag:s20] =	ssyncset.done $0x0  }
0x19c: {  	s3 =	simm.s32 $0x380;
	s22 =	simm.s32 $0x800;
	[sflag:s20] =	ssyncadd.s32 $0xFFFFE000  }
.LBB2_5:
0x19d: {  	[tilespmem:s0], [sflag:$0x4] =	stream.indirect.gather [hbm4b:s5+s25], $0x40, s3, s25, $0xb8;
	[tilespmem:$0x1C000] =	vst v63  }
0x19e: {  	s3 =	smov.u32 s22  }
0x19f: {  	p1 =	seq.s32 s22, $0x13000;
	s22 =	sadd.s32 $0x800, s22;
	_ =	swait.ge [sflag:s2], $0x2000  }
0x1a0: {  	s3 =	sshra.s32 s3, $0x2;
	[sflag:s2] =	ssyncset.done $0x0  }
0x1a1: {  	s11 =	sadd.s32 $0x5000, s3;
	[sflag:s2] =	ssyncadd.s32 $0xFFFFE000  }
0x1a2: {  	[spmem:s1] =	stream.indirect.scatter.add.f32 [tilespmem:s26], [sflag:$0x5], $0x40, s11, s25, $0xb8;
	[tilespmem:$0x1C000] =	vst v63  }
0x1a3: {  	_ =	swait.ge [sflag:s20], $0x2000  }
0x1a4: {  	[sflag:s20] =	ssyncset.done $0x0  }
0x1a5: {  	s11 =	sadd.s32 $0x200, s3;
	[sflag:s20] =	ssyncadd.s32 $0xFFFFE000  }
0x1a6: {  	[tilespmem:s26], [sflag:$0x1] =	stream.indirect.gather [hbm4b:s5+s25], $0x40, s11, s25, $0xb8;
	[tilespmem:$0x1C000] =	vst v63  }
0x1a7: {  	_ =	swait.ge [sflag:s21], $0x2000  }
0x1a8: {  	[sflag:s21] =	ssyncset.done $0x0  }
0x1a9: {  	s11 =	sadd.s32 $0x5080, s3;
	[sflag:s21] =	ssyncadd.s32 $0xFFFFE000  }
0x1aa: {  	[spmem:s1] =	stream.indirect.scatter.add.f32 [tilespmem:s28], [sflag:$0x5], $0x40, s11, s25, $0xb8;
	[tilespmem:$0x1C000] =	vst v63  }
0x1ab: {  	_ =	swait.ge [sflag:s20], $0x2000  }
0x1ac: {  	[sflag:s20] =	ssyncset.done $0x0  }
0x1ad: {  	s11 =	sadd.s32 $0x280, s3;
	[sflag:s20] =	ssyncadd.s32 $0xFFFFE000  }
0x1ae: {  	[tilespmem:s28], [sflag:$0x2] =	stream.indirect.gather [hbm4b:s5+s25], $0x40, s11, s25, $0xb8;
	[tilespmem:$0x1C000] =	vst v63  }
0x1af: {  	_ =	swait.ge [sflag:s8], $0x2000  }
0x1b0: {  	[sflag:s8] =	ssyncset.done $0x0  }
0x1b1: {  	s11 =	sadd.s32 $0x5100, s3;
	[sflag:s8] =	ssyncadd.s32 $0xFFFFE000  }
0x1b2: {  	[spmem:s1] =	stream.indirect.scatter.add.f32 [tilespmem:s30], [sflag:$0x5], $0x40, s11, s25, $0xb8;
	[tilespmem:$0x1C000] =	vst v63  }
0x1b3: {  	_ =	swait.ge [sflag:s20], $0x2000  }
0x1b4: {  	[sflag:s20] =	ssyncset.done $0x0  }
0x1b5: {  	s11 =	sadd.s32 $0x300, s3;
	[sflag:s20] =	ssyncadd.s32 $0xFFFFE000  }
0x1b6: {  	[tilespmem:s30], [sflag:$0x3] =	stream.indirect.gather [hbm4b:s5+s25], $0x40, s11, s25, $0xb8;
	[tilespmem:$0x1C000] =	vst v63  }
0x1b7: {  	_ =	swait.ge [sflag:s13], $0x2000  }
0x1b8: {  	[sflag:s13] =	ssyncset.done $0x0  }
.Ltmp7:
0x1b9: {  	s11 =	sadd.s32 $0x5180, s3;
	[sflag:s13] =	ssyncadd.s32 $0xFFFFE000;
	(pc) =	sbr.rel @!p1 .LBB2_5-.Ltmp7, $4  }
0x1ba: {  	[spmem:s1] =	stream.indirect.scatter.add.f32 [tilespmem:s0], [sflag:$0x5], $0x40, s11, s25, $0xb8;
	[tilespmem:$0x1C000] =	vst v63  }
0x1bb: {  	_ =	swait.ge [sflag:s20], $0x2000  }
0x1bc: {  	[sflag:s20] =	ssyncset.done $0x0  }
0x1bd: {  	s3 =	sadd.s32 $0x380, s3;
	[sflag:s20] =	ssyncadd.s32 $0xFFFFE000  }
.Ltmp8:
0x1be: {  	(pc) =	sbr.rel .LBB2_12-.Ltmp8, $3  }
0x1bf: {  	_ =	sdelay $0x1  }
0x1c0: {  	[tilespmem:s0], [sflag:$0x4] =	stream.indirect.gather [hbm4b:s5+s25], $0x40, s3, s25, $0xb8;
	[tilespmem:$0x1C000] =	vst v63  }
0x1c1: {  	s3 =	rddreg [dreg:$0x3]  }
.LBB2_13:
0x1c2: {  	_ =	sfence.sel $0x180000  }
0x1c3: {  	[bflag:$0x0] =	sbarrier.arrive $0xFFFF  }
0x1c4: {  	_ =	strace $0x9000004D  }
0x1c5: {  	s0 =	stileid.u32;
	[bflag:$0x2] =	sbarrier.arrive $0xFFFF  }
0x1c6: {  	p0 =	sne.s32 s0, $0x0;
	s0 =	rddreg [dreg:$0x2]  }
0x1c7: {  	s0 =	sadd.s32 @!p0 $0x100000, s0  }
0x1c8: {  	[sflag:s0] =	ssyncadd.tile.s32 @!p0 $0x1;
	_ =	shalt  }
.Lfunc_end2:
_tile_overlayer_lowered:
.L_overlay_start_2:
0x1c9: {  	(tag) =	ssettag $0x2  }
0x1ca: {  	s0 =	rddreg [dreg:$0x0];
	s2 =	stileid.u32  }
0x1cb: {  	s1 =	rddreg [dreg:$0x1];
	p0 =	sne.s32 s2, $0x0  }
0x1cc: {  	s3 =	rddreg [dreg:$0x2];
	[bflag:$0x3] =	sbarrier.arrive $0xFFFF;
	s2 =	simm.s32 @!p0 $0x1C05  }
0x1cd: {  	[timem:s3], [sflag:s2] =	dma.local @!p0 [hbm:s0], s1  }
0x1ce: {  	s0 =	simm.s32 @!p0 $0x5  }
0x1cf: {  	_ =	swait.ge @!p0 [sflag:s0], s1  }
0x1d0: {  	s1 =	ssub.s32 @!p0 $0x0, s1;
	[sflag:s0] =	ssyncset.done @!p0 $0x0  }
0x1d1: {  	[sflag:s0] =	ssyncadd.s32 @!p0 s1  }
0x1d2: {  	[bflag:$0x3] =	sbarrier.arrive $0xFFFF  }
0x1d3: {  	_ =	shalt  }

// kernel: kernel.8.cloned.1.call-start
scs
__scs_entry_jumppad:
0x0: {  	(pc) =	sbr.rel $0x88, $3  }
0x1: {  	(tag) =	ssettag $0x0;
	lr =	simm.s32 $0x1  }
0x2: {  	[smem:$0x3F98] =	sst lr;
	_ =	strace $0xD0000000  }
0x3: {  	_ = 	snop  }
0x4: {  	_ = 	snop  }
0x5: {  	_ = 	snop  }
0x6: {  	_ = 	snop  }
0x7: {  	_ = 	snop  }
__scs_overlays_trampoline_lowered:
0x8: {  	[smem:$0x3FA7] =	sst s0  }
0x9: {  	[smem:$0x3FA8] =	sst s1  }
0xa: {  	[smem:$0x3FA9] =	sst s2  }
0xb: {  	[smem:$0x3FAA] =	sst s3  }
0xc: {  	[smem:$0x3FAB] =	sst s4  }
0xd: {  	[smem:$0x3FAC] =	sst s5  }
0xe: {  	[smem:$0x3FAD] =	sst s6  }
0xf: {  	[smem:$0x3FAE] =	sst s7  }
0x10: {  	[smem:$0x3FAF] =	sst s8  }
0x11: {  	[smem:$0x3FB0] =	sst s9;
	s0 =	simm.s32 @!p0 $0x0  }
0x12: {  	s1 =	sld [smem:$0x3F96];
	s0 =	simm.s32 @p0 $0x1  }
0x13: {  	[smem:$0x3FB1] =	sst s0;
	s0 =	simm.s32 @!p1 $0x0  }
0x14: {  	s2 =	sld [smem:$0x3F95];
	s0 =	simm.s32 @p1 $0x1  }
0x15: {  	[smem:$0x3FB2] =	sst s0;
	s0 =	simm.s32 @!p2 $0x0  }
0x16: {  	s3 =	sld [smem:$0x3FDB];
	s0 =	simm.s32 @p2 $0x1  }
0x17: {  	s4 =	simm.s32 $0x1BF5;
	[smem:$0x3FB4] =	sst s0  }
0x18: {  	s0 =	sld [smem:$0x3F97];
	_ =	swait.ge [sflag:s4], $0x0  }
0x19: {  	s7 =	sld [smem:$0x3F98]  }
0x1a: {  	s8 =	sadd.s32 $0xFFFFE003, lr  }
0x1b: {  	s9 =	sadd.s32 $0xFFFFFEF7, lr;
	s5 =	simm.s32 $0xFFFFFFFF;
	p2 =	slt.u32 s8, $0xFFFFF086  }
0x1c: {  	p1 =	slt.u32 s9, $0xF7A;
	s5 =	simm.s32 @!p2 $0x0  }
0x1d: {  	s5 =	simm.s32 @p1 $0x1;
	p0 =	seq.s32 s7, s2  }
0x1e: {  	s7 =	smul.u32 @!p0 $0xF7A, s2;
	p2 =	seq.s32 @!p0 s5, $0x0  }
0x1f: {  	s9 =	smul.u32 $0xF7A, s1;
	s8 =	simm.s32 @!p0 $0x1BF5;
	p2 =	por !p2, p0  }
0x20: {  	[sflag:s8] =	ssyncset.s32 @!p0 $0xFFFFF086;
	s6 =	sadd.s32 @!p0 s3, s7;
	s7 =	simm.s32 @!p0 $0x108  }
0x21: {  	s3 =	sadd.s32 s3, s9;
	s6 =	sadd.s32 @!p0 $0x88, s6;
	s7 =	simm.s32 @p2 $0x1082  }
0x22: {  	[simem:s7], [sflag:s8] =	dma.local @!p0 [hbm:s6], $0xF7A  }
0x23: {  	s9 =	sor.u32 $0xD0000000, s2;
	s6 =	simm.s32 $0x108;
	_ =	swait.ge @!p0 [sflag:s8], $0x0  }
0x24: {  	s3 =	sadd.s32 $0x88, s3;
	s6 =	simm.s32 @!p1 $0x1082;
	[sflag:s4] =	ssyncset.s32 $0xFFFFF086  }
0x25: {  	[simem:s6], [sflag:s4] =	dma.local [hbm:s3], $0xF7A  }
0x26: {  	[smem:$0x3F98] =	sst s1;
	(tag) =	ssettag s2;
	_ =	strace s9  }
0x27: {  	s1 =	sld [smem:$0x3FA8]  }
0x28: {  	s2 =	sld [smem:$0x3FA9]  }
0x29: {  	s4 =	sld [smem:$0x3FAB]  }
0x2a: {  	p0 =	seq.s32 s5, $0x0;
	s5 =	sld [smem:$0x3FAC]  }
0x2b: {  	s6 =	sld [smem:$0x3FAD]  }
0x2c: {  	s7 =	sld [smem:$0x3FAE]  }
0x2d: {  	s3 =	simm.s32 $0x108;
	s8 =	sld [smem:$0x3FAF]  }
0x2e: {  	s3 =	simm.s32 @!p0 $0x1082;
	s9 =	sld [smem:$0x3FB0]  }
0x2f: {  	lr =	sadd.s32 s0, s3;
	s0 =	sld [smem:$0x3FA7]  }
0x30: {  	s3 =	sld [smem:$0x3FAA]  }
0x31: {  	[smem:$0x3FB3] =	sst s10  }
0x32: {  	s10 =	sld [smem:$0x3FB1];
	_ =	sdelay $0x3  }
0x33: {  	p0 =	seq.s32 s10, $0x1;
	s10 =	sld [smem:$0x3FB3];
	_ =	sdelay $0x3  }
0x34: {  	[smem:$0x3FB3] =	sst s10  }
0x35: {  	s10 =	sld [smem:$0x3FB2];
	_ =	sdelay $0x3  }
0x36: {  	p1 =	seq.s32 s10, $0x1;
	s10 =	sld [smem:$0x3FB3];
	_ =	sdelay $0x3  }
0x37: {  	[smem:$0x3FB3] =	sst s10  }
0x38: {  	s10 =	sld [smem:$0x3FB4]  }
0x39: {  	_ = 	snop;
	(pc) =	sbr.ind lr, $3  }
0x3a: {  	_ = 	snop  }
0x3b: {  	_ = 	snop  }
0x3c: {  	p2 =	seq.s32 s10, $0x1;
	s10 =	sld [smem:$0x3FB3]  }
0x3d: {  	_ =	shalt  }
0x3e: {  	_ =	shalt  }
0x3f: {  	_ =	shalt  }
0x40: {  	_ =	shalt  }
0x41: {  	_ =	shalt  }
0x42: {  	_ =	shalt  }
0x43: {  	_ =	shalt  }
0x44: {  	_ =	shalt  }
0x45: {  	_ =	shalt  }
0x46: {  	_ =	shalt  }
0x47: {  	_ =	shalt  }
0x48: {  	_ =	shalt  }
0x49: {  	_ =	shalt  }
0x4a: {  	_ =	shalt  }
0x4b: {  	_ =	shalt  }
0x4c: {  	_ =	shalt  }
0x4d: {  	_ =	shalt  }
0x4e: {  	_ =	shalt  }
0x4f: {  	_ =	shalt  }
0x50: {  	_ =	shalt  }
0x51: {  	_ =	shalt  }
0x52: {  	_ =	shalt  }
0x53: {  	_ =	shalt  }
0x54: {  	_ =	shalt  }
0x55: {  	_ =	shalt  }
0x56: {  	_ =	shalt  }
0x57: {  	_ =	shalt  }
0x58: {  	_ =	shalt  }
0x59: {  	_ =	shalt  }
0x5a: {  	_ =	shalt  }
0x5b: {  	_ =	shalt  }
0x5c: {  	_ =	shalt  }
0x5d: {  	_ =	shalt  }
0x5e: {  	_ =	shalt  }
0x5f: {  	_ =	shalt  }
0x60: {  	_ =	shalt  }
0x61: {  	_ =	shalt  }
0x62: {  	_ =	shalt  }
0x63: {  	_ =	shalt  }
0x64: {  	_ =	shalt  }
0x65: {  	_ =	shalt  }
0x66: {  	_ =	shalt  }
0x67: {  	_ =	shalt  }
0x68: {  	_ =	shalt  }
0x69: {  	_ =	shalt  }
0x6a: {  	_ =	shalt  }
0x6b: {  	_ =	shalt  }
0x6c: {  	_ =	shalt  }
0x6d: {  	_ =	shalt  }
0x6e: {  	_ =	shalt  }
0x6f: {  	_ =	shalt  }
0x70: {  	_ =	shalt  }
0x71: {  	_ =	shalt  }
0x72: {  	_ =	shalt  }
0x73: {  	_ =	shalt  }
0x74: {  	_ =	shalt  }
0x75: {  	_ =	shalt  }
0x76: {  	_ =	shalt  }
0x77: {  	_ =	shalt  }
0x78: {  	_ =	shalt  }
0x79: {  	_ =	shalt  }
0x7a: {  	_ =	shalt  }
0x7b: {  	_ =	shalt  }
0x7c: {  	_ =	shalt  }
0x7d: {  	_ =	shalt  }
0x7e: {  	_ =	shalt  }
0x7f: {  	_ =	shalt  }
0x80: {  	_ =	shalt  }
0x81: {  	_ =	shalt  }
0x82: {  	_ =	shalt  }
0x83: {  	_ =	shalt  }
0x84: {  	_ =	shalt  }
0x85: {  	_ =	shalt  }
0x86: {  	_ =	shalt  }
0x87: {  	_ =	shalt  }
.Lfunc_end0:
.L_simem_size_0:
called_computation_lowered:
.L_overlay_start_0:
0x88: {  	s2 =	sld [smem:$0x3FD9]  }
0x89: {  	s3 =	sld [smem:$0x3FFE];
	_ =	sdelay $0x1  }
0x8a: {  	s1 =	srdreg.scid  }
0x8b: {  	s0 =	sand.u32 $0x1, s1  }
0x8c: {  	s16 =	sshll.u32 s0, $0xA;
	s2 =	sadd.s32 s3, s2  }
0x8d: {  	s2 =	sadd.s32 s2, s16  }
0x8e: {  	[smem:$0x3FBF] =	sst s2  }
0x8f: {  	_ = 	snop  }
0x90: {  	(tm) =	ssettm $0x1  }
0x91: {  	s17 =	sld [smem:$0x3FFB];
	_ =	sdelay $0x3  }
0x92: {  	_ =	strace s17  }
0x93: {  	s2 =	sld [smem:$0x3FFC];
	_ =	sdelay $0x3  }
0x94: {  	_ =	strace s2  }
0x95: {  	s2 =	sld [smem:$0x3FFD];
	_ =	sdelay $0x3  }
0x96: {  	_ =	strace s2  }
0x97: {  	_ =	strace $0x8FFFFFFF  }
0x98: {  	s18 =	sld [smem:$0x3FDB];
	_ =	sdelay $0x1  }
0x99: {  	s19 =	simm.s32 $_scs_section_size  }
0x9a: {  	s4 =	simm.s32 $_size__tile_overlayer_lowered;
	s5 =	simm.s32 $_tile_overlayer_lowered  }
0x9b: {  	s22 =	simm.s32 $0x1BFF;
	s21 =	sshll.u32 s5, $0x1;
	s2 =	sadd.s32 s19, s18  }
0x9c: {  	s6 =	simm.s32 $0x0;
	s20 =	sshll.u32 s4, $0x1;
	s4 =	sadd.s32 s21, s2  }
0x9d: {  	[timem:s6], [sflag:s22] =	dma.local [hbm:s4], s20  }
0x9e: {  	_ =	swait.ge [sflag:s22], s20  }
0x9f: {  	s3 =	ssub.s32 $0x0, s20;
	[sflag:s22] =	ssyncset.done $0x0  }
0xa0: {  	[sflag:s22] =	ssyncadd.s32 s3;
	_ =	sdelay $0x1  }
0xa1: {  	s23 =	simm.s32 $0x1B8B  }
0xa2: {  	_ =	swait.ge [sflag:s23], $0x1  }
0xa3: {  	[sflag:s23] =	ssyncset.done $0x0  }
0xa4: {  	s25 =	simm.s32 $0x1B8E;
	s24 =	sld [smem:$0x3FFE];
	[sflag:s23] =	ssyncadd.s32 $0xFFFFFFFF  }
0xa5: {  	s26 =	simm.s32 $execute0_lowered;
	[smem:$0x3FD2] =	sst s25  }
0xa6: {  	s4 =	sshll.u32 s26, $0x1;
	_ =	strace $0x80000046;
	[dreg:$0x1] =	wrdreg $0xFFFFFFFF  }
0xa7: {  	s28 =	simm.s32 $_size_execute0_lowered;
	s2 =	sadd.s32 s2, s4;
	[dreg:$0x0] =	wrdreg $0x0  }
0xa8: {  	s4 =	sshll.u32 s28, $0x1;
	[dreg:$0x2] =	wrdreg s2  }
0xa9: {  	[dreg:$0x3] =	wrdreg s4  }
0xaa: {  	[dreg:$0x4] =	wrdreg $0xC0  }
0xab: {  	_ =	task [dreg:s6], $0x5FFFF  }
0xac: {  	[dreg:$0x1] =	wrdreg $0xFFFFFFFF  }
0xad: {  	[dreg:$0x0] =	wrdreg $0x60  }
0xae: {  	[dreg:$0x2] =	wrdreg s24  }
0xaf: {  	[dreg:$0x3] =	wrdreg $0x48000  }
0xb0: {  	[dreg:$0x4] =	wrdreg $0x9  }
0xb1: {  	_ =	task.clear_ibuf [dreg:s6], $0x5FFFF;
	_ =	strace $0x90000046  }
0xb2: {  	s29 =	simm.s32 $0x9;
	_ =	strace $0x80000048  }
0xb3: {  	_ =	swait.ge [sflag:s29], $0x1  }
0xb4: {  	[sflag:s29] =	ssyncadd.s32 $0xFFFFFFFF  }
0xb5: {  	_ =	strace $0x90000048  }
0xb6: {  	_ =	sfence  }
0xb7: {  	s30 =	sld [smem:$0x0];
	_ =	sdelay $0x2  }
0xb8: {  	s31 =	sshll.u32 s1, $0xD;
	s1 =	sshrl.u32 s1, $0x2  }
0xb9: {  	s3 =	sand.u32 $0x4000, s31;
	s1 =	sadd.s32 s1, s30  }
0xba: {  	s0 =	sor.u32 s3, s0;
	s1 =	sshll.u32 s1, $0x11  }
0xbb: {  	s0 =	sor.u32 s1, s0  }
0xbc: {  	s0 =	sadd.s32 $0x8F2B, s0  }
0xbd: {  	[sflag:s0] =	ssyncadd.remote.s32 $0x1  }
0xbe: {  	_ =	sfence.sel $0xFFFF  }
0xbf: {  	[dreg:$0x0] =	wrdreg $0xFFFFFFFF;
	(pc) =	sbr.abs _section_cstart, $3  }
0xc0: {  	[dreg:$0x1] =	wrdreg $0xFFFFFFFF  }
0xc1: {  	_ =	task.clear_ibuf [dreg:s6], $0x2FFFF;
	_ =	strace $0x9FFFFFFF  }
0xc2: {  	(tm) =	ssettm $0x7FFFFFFF  }
0xc3: {  	_ =	shalt  }
tec
execute0_lowered:
.L_overlay_start_1:
0x0: {  	(tag) =	ssettag $0x1  }
0x1: {  	s8 =	rddreg [dreg:$0x0]  }
0x2: {  	s1 =	srdreg.scid;
	s0 =	stileid.u32  }
0x3: {  	s2 =	rddreg [dreg:$0x1];
	s3 =	simm.s32 $0x0;
	s13 =	simm.s32 $0x2800  }
0x4: {  	s14 =	simm.s32 $0x3000;
	s15 =	simm.s32 $0x100;
	s16 =	simm.s32 $0x3800  }
0x5: {  	s17 =	simm.s32 $0x180;
	s18 =	simm.s32 $0x4000;
	s19 =	simm.s32 $0x1  }
0x6: {  	s20 =	simm.s32 $0x2;
	s21 =	simm.s32 $0x3;
	s22 =	simm.s32 $0x4  }
0x7: {  	s23 =	simm.s32 $0x2600;
	s24 =	simm.s32 $0x2680;
	s25 =	simm.s32 $0x2700  }
0x8: {  	s26 =	simm.s32 $0x2780;
	s6 =	sand.u32 $0x1, s1;
	s1 =	rddreg [dreg:$0x2]  }
0x9: {  	s28 =	simm.s32 $0x0;
	s4 =	sshll.u32 s0, $0x1;
	[smem:$0x7FF] =	sst s3  }
0xa: {  	s5 =	sadd.s32 $0x1CA00, s8;
	s11 =	smul.u32 $0x2800, s0;
	s31 =	sshll.u32 s0, $0x6  }
0xb: {  	s4 =	sor.u32 s6, s4;
	_ =	strace $0x80000047;
	s9 =	ssub.s32 $0x2, s6  }
0xc: {  	p0 =	seq.s32 s6, $0x1;
	s4 =	smul.u32 $0x500, s4;
	s10 =	sshrl.u32 s9, $0x1  }
0xd: {  	s12 =	sadd.s32 s11, s2;
	s11 =	sshrl.u32 s11, $0x3;
	s9 =	ssub.s32 s9, s10  }
0xe: {  	s10 =	simm.s32 $0x1D000;
	s7 =	sadd.s32 s4, s8;
	s4 =	sadd.s32 $0x17A00, s8  }
0xf: {  	s10 =	simm.s32 @!p0 $0x22000;
	s6 =	sadd.s32 $0x3A00, s7;
	s7 =	smax.u32 s9, $0x1  }
0x10: {  	s8 =	sadd.s32 s10, s8;
	s9 =	simm.s32 $0x5;
	s10 =	sor.u32 $0x1C05, s31  }
0x11: {  	s8 =	sadd.s32 s8, s11;
	s11 =	sshrl.u32 s12, $0x3;
	s12 =	simm.s32 $0x80  }
.LBB2_1:
0x12: {  	[tilespmem:s3], [sflag:$0x5] =	stream.linear.gather [hbm4b:s6+s3], $0x2800, $0x38;
	[tilespmem:$0x7000] =	vst v63  }
0x13: {  	_ =	swait.ge [sflag:s9], $0x2800  }
0x14: {  	[sflag:s9] =	ssyncset.done $0x0  }
0x15: {  	[sflag:s9] =	ssyncadd.s32 $0xFFFFD800  }
0x16: {  	[spmem:s11], [sflag:s10] =	dma.local [hbm:s5], $0x500  }
0x17: {  	_ =	swait.ge [sflag:s9], $0x500  }
0x18: {  	[sflag:s9] =	ssyncset.done $0x0  }
0x19: {  	[sflag:s9] =	ssyncadd.s32 $0xFFFFFB00  }
0x1a: {  	[bflag:$0x0] =	sbarrier.arrive $0xFFFF  }
0x1b: {  	[tilespmem:s13], [sflag:$0x1] =	stream.indirect.gather [hbm4b:s4+s12], $0x10, s3, s12, $0xb8;
	[tilespmem:$0x7000] =	vst v63  }
0x1c: {  	_ = 	snop  }
0x1d: {  	[tilespmem:s14], [sflag:$0x2] =	stream.indirect.gather [hbm4b:s4+s12], $0x10, s12, s12, $0xb8;
	[tilespmem:$0x7000] =	vst v63  }
0x1e: {  	_ = 	snop  }
0x1f: {  	[tilespmem:s16], [sflag:$0x3] =	stream.indirect.gather [hbm4b:s4+s12], $0x10, s15, s12, $0xb8;
	[tilespmem:$0x7000] =	vst v63  }
0x20: {  	_ = 	snop  }
0x21: {  	[tilespmem:s18], [sflag:$0x4] =	stream.indirect.gather [hbm4b:s4+s12], $0x10, s17, s12, $0xb8;
	[tilespmem:$0x7000] =	vst v63  }
0x22: {  	_ =	swait.ge [sflag:s19], $0x800  }
0x23: {  	[sflag:s19] =	ssyncset.done $0x0  }
0x24: {  	s29 =	simm.s32 $0x0;
	[sflag:s19] =	ssyncadd.s32 $0xFFFFF800  }
0x25: {  	[spmem:s2] =	stream.indirect.scatter.add.f32 [tilespmem:s13], [sflag:$0x5], $0x10, s29, s12, $0xb8;
	[tilespmem:$0x7000] =	vst v63  }
0x26: {  	_ =	swait.ge [sflag:s9], $0x800  }
0x27: {  	[sflag:s9] =	ssyncset.done $0x0  }
0x28: {  	s29 =	simm.s32 $0x200;
	[sflag:s9] =	ssyncadd.s32 $0xFFFFF800  }
0x29: {  	[tilespmem:s13], [sflag:$0x1] =	stream.indirect.gather [hbm4b:s4+s12], $0x10, s29, s12, $0xb8;
	[tilespmem:$0x7000] =	vst v63  }
0x2a: {  	_ =	swait.ge [sflag:s20], $0x800  }
0x2b: {  	[sflag:s20] =	ssyncset.done $0x0  }
0x2c: {  	s29 =	simm.s32 $0x80;
	[sflag:s20] =	ssyncadd.s32 $0xFFFFF800  }
0x2d: {  	[spmem:s2] =	stream.indirect.scatter.add.f32 [tilespmem:s14], [sflag:$0x5], $0x10, s29, s12, $0xb8;
	[tilespmem:$0x7000] =	vst v63  }
0x2e: {  	_ =	swait.ge [sflag:s9], $0x800  }
0x2f: {  	[sflag:s9] =	ssyncset.done $0x0  }
0x30: {  	s29 =	simm.s32 $0x280;
	[sflag:s9] =	ssyncadd.s32 $0xFFFFF800  }
0x31: {  	[tilespmem:s14], [sflag:$0x2] =	stream.indirect.gather [hbm4b:s4+s12], $0x10, s29, s12, $0xb8;
	[tilespmem:$0x7000] =	vst v63  }
0x32: {  	_ =	swait.ge [sflag:s21], $0x800  }
0x33: {  	[sflag:s21] =	ssyncset.done $0x0  }
0x34: {  	s29 =	simm.s32 $0x100;
	[sflag:s21] =	ssyncadd.s32 $0xFFFFF800  }
0x35: {  	[spmem:s2] =	stream.indirect.scatter.add.f32 [tilespmem:s16], [sflag:$0x5], $0x10, s29, s12, $0xb8;
	[tilespmem:$0x7000] =	vst v63  }
0x36: {  	_ =	swait.ge [sflag:s9], $0x800  }
0x37: {  	[sflag:s9] =	ssyncset.done $0x0  }
0x38: {  	s29 =	simm.s32 $0x300;
	[sflag:s9] =	ssyncadd.s32 $0xFFFFF800  }
0x39: {  	[tilespmem:s16], [sflag:$0x3] =	stream.indirect.gather [hbm4b:s4+s12], $0x10, s29, s12, $0xb8;
	[tilespmem:$0x7000] =	vst v63  }
0x3a: {  	_ =	swait.ge [sflag:s22], $0x800  }
0x3b: {  	[sflag:s22] =	ssyncset.done $0x0  }
0x3c: {  	s29 =	simm.s32 $0x180;
	[sflag:s22] =	ssyncadd.s32 $0xFFFFF800  }
0x3d: {  	[spmem:s2] =	stream.indirect.scatter.add.f32 [tilespmem:s18], [sflag:$0x5], $0x10, s29, s12, $0xb8;
	[tilespmem:$0x7000] =	vst v63  }
0x3e: {  	_ =	swait.ge [sflag:s9], $0x800  }
0x3f: {  	[sflag:s9] =	ssyncset.done $0x0  }
0x40: {  	s30 =	simm.s32 $0x380;
	s29 =	simm.s32 $0x800;
	[sflag:s9] =	ssyncadd.s32 $0xFFFFF800  }
.LBB2_2:
0x41: {  	[tilespmem:s18], [sflag:$0x4] =	stream.indirect.gather [hbm4b:s4+s12], $0x10, s30, s12, $0xb8;
	[tilespmem:$0x7000] =	vst v63  }
0x42: {  	s30 =	smov.u32 s29  }
0x43: {  	p0 =	sne.s32 s29, $0x9000;
	s29 =	sadd.s32 $0x800, s29;
	_ =	swait.ge [sflag:s19], $0x800  }
0x44: {  	[sflag:s19] =	ssyncset.done $0x0  }
0x45: {  	s30 =	sshra.s32 s30, $0x2;
	[sflag:s19] =	ssyncadd.s32 $0xFFFFF800  }
0x46: {  	[spmem:s2] =	stream.indirect.scatter.add.f32 [tilespmem:s13], [sflag:$0x5], $0x10, s30, s12, $0xb8;
	[tilespmem:$0x7000] =	vst v63  }
0x47: {  	_ =	swait.ge [sflag:s9], $0x800  }
0x48: {  	[sflag:s9] =	ssyncset.done $0x0  }
0x49: {  	s31 =	sadd.s32 $0x200, s30;
	[sflag:s9] =	ssyncadd.s32 $0xFFFFF800  }
0x4a: {  	[tilespmem:s13], [sflag:$0x1] =	stream.indirect.gather [hbm4b:s4+s12], $0x10, s31, s12, $0xb8;
	[tilespmem:$0x7000] =	vst v63  }
0x4b: {  	_ =	swait.ge [sflag:s20], $0x800  }
0x4c: {  	[sflag:s20] =	ssyncset.done $0x0  }
0x4d: {  	s31 =	sadd.s32 $0x80, s30;
	[sflag:s20] =	ssyncadd.s32 $0xFFFFF800  }
0x4e: {  	[spmem:s2] =	stream.indirect.scatter.add.f32 [tilespmem:s14], [sflag:$0x5], $0x10, s31, s12, $0xb8;
	[tilespmem:$0x7000] =	vst v63  }
0x4f: {  	_ =	swait.ge [sflag:s9], $0x800  }
0x50: {  	[sflag:s9] =	ssyncset.done $0x0  }
0x51: {  	s31 =	sadd.s32 $0x280, s30;
	[sflag:s9] =	ssyncadd.s32 $0xFFFFF800  }
0x52: {  	[tilespmem:s14], [sflag:$0x2] =	stream.indirect.gather [hbm4b:s4+s12], $0x10, s31, s12, $0xb8;
	[tilespmem:$0x7000] =	vst v63  }
0x53: {  	_ =	swait.ge [sflag:s21], $0x800  }
0x54: {  	[sflag:s21] =	ssyncset.done $0x0  }
0x55: {  	s31 =	sadd.s32 $0x100, s30;
	[sflag:s21] =	ssyncadd.s32 $0xFFFFF800  }
0x56: {  	[spmem:s2] =	stream.indirect.scatter.add.f32 [tilespmem:s16], [sflag:$0x5], $0x10, s31, s12, $0xb8;
	[tilespmem:$0x7000] =	vst v63  }
0x57: {  	_ =	swait.ge [sflag:s9], $0x800  }
0x58: {  	[sflag:s9] =	ssyncset.done $0x0  }
0x59: {  	s31 =	sadd.s32 $0x300, s30;
	[sflag:s9] =	ssyncadd.s32 $0xFFFFF800  }
0x5a: {  	[tilespmem:s16], [sflag:$0x3] =	stream.indirect.gather [hbm4b:s4+s12], $0x10, s31, s12, $0xb8;
	[tilespmem:$0x7000] =	vst v63  }
0x5b: {  	_ =	swait.ge [sflag:s22], $0x800  }
0x5c: {  	[sflag:s22] =	ssyncset.done $0x0  }
.Ltmp0:
0x5d: {  	s31 =	sadd.s32 $0x180, s30;
	[sflag:s22] =	ssyncadd.s32 $0xFFFFF800;
	(pc) =	sbr.rel @p0 .LBB2_2-.Ltmp0, $4  }
0x5e: {  	[spmem:s2] =	stream.indirect.scatter.add.f32 [tilespmem:s18], [sflag:$0x5], $0x10, s31, s12, $0xb8;
	[tilespmem:$0x7000] =	vst v63  }
0x5f: {  	_ =	swait.ge [sflag:s9], $0x800  }
0x60: {  	[sflag:s9] =	ssyncset.done $0x0  }
0x61: {  	s30 =	sadd.s32 $0x380, s30;
	[sflag:s9] =	ssyncadd.s32 $0xFFFFF800  }
0x62: {  	[tilespmem:s18], [sflag:$0x4] =	stream.indirect.gather [hbm4b:s4+s12], $0x10, s30, s12, $0xb8;
	[tilespmem:$0x7000] =	vst v63  }
0x63: {  	_ =	swait.ge [sflag:s19], $0x800  }
0x64: {  	[sflag:s19] =	ssyncset.done $0x0  }
0x65: {  	[sflag:s19] =	ssyncadd.s32 $0xFFFFF800  }
0x66: {  	[spmem:s2] =	stream.indirect.scatter.add.f32 [tilespmem:s13], [sflag:$0x5], $0x10, s23, s12, $0xb8;
	[tilespmem:$0x7000] =	vst v63  }
0x67: {  	_ =	swait.ge [sflag:s9], $0x800  }
0x68: {  	[sflag:s9] =	ssyncset.done $0x0  }
0x69: {  	[sflag:s9] =	ssyncadd.s32 $0xFFFFF800  }
0x6a: {  	_ =	swait.ge [sflag:s20], $0x800  }
0x6b: {  	[sflag:s20] =	ssyncset.done $0x0  }
0x6c: {  	[sflag:s20] =	ssyncadd.s32 $0xFFFFF800  }
0x6d: {  	[spmem:s2] =	stream.indirect.scatter.add.f32 [tilespmem:s14], [sflag:$0x5], $0x10, s24, s12, $0xb8;
	[tilespmem:$0x7000] =	vst v63  }
0x6e: {  	_ =	swait.ge [sflag:s9], $0x800  }
0x6f: {  	[sflag:s9] =	ssyncset.done $0x0  }
0x70: {  	[sflag:s9] =	ssyncadd.s32 $0xFFFFF800  }
0x71: {  	_ =	swait.ge [sflag:s21], $0x800  }
0x72: {  	[sflag:s21] =	ssyncset.done $0x0  }
0x73: {  	[sflag:s21] =	ssyncadd.s32 $0xFFFFF800  }
0x74: {  	[spmem:s2] =	stream.indirect.scatter.add.f32 [tilespmem:s16], [sflag:$0x5], $0x10, s25, s12, $0xb8;
	[tilespmem:$0x7000] =	vst v63  }
0x75: {  	_ =	swait.ge [sflag:s9], $0x800  }
0x76: {  	[sflag:s9] =	ssyncset.done $0x0  }
0x77: {  	[sflag:s9] =	ssyncadd.s32 $0xFFFFF800  }
0x78: {  	_ =	swait.ge [sflag:s22], $0x800  }
0x79: {  	[sflag:s22] =	ssyncset.done $0x0  }
0x7a: {  	[sflag:s22] =	ssyncadd.s32 $0xFFFFF800  }
0x7b: {  	[spmem:s2] =	stream.indirect.scatter.add.f32 [tilespmem:s18], [sflag:$0x5], $0x10, s26, s12, $0xb8;
	[tilespmem:$0x7000] =	vst v63  }
0x7c: {  	_ =	swait.ge [sflag:s9], $0x800  }
0x7d: {  	s28 =	sadd.s32 $0x1, s28;
	[sflag:s9] =	ssyncset.done $0x0  }
0x7e: {  	p0 =	sne.s32 s28, s7;
	[sflag:s9] =	ssyncadd.s32 $0xFFFFF800  }
.Ltmp1:
0x7f: {  	[bflag:$0x0] =	sbarrier.arrive $0xFFFF;
	(pc) =	sbr.rel @p0 .LBB2_1-.Ltmp1, $4  }
0x80: {  	[hbm:s8], [sflag:s10] =	dma.local [spmem:s11], $0x500  }
0x81: {  	_ =	swait.ge [sflag:s9], $0x500  }
0x82: {  	[sflag:s9] =	ssyncset.done $0x0  }
0x83: {  	[sflag:s9] =	ssyncadd.s32 $0xFFFFFB00  }
0x84: {  	_ =	sfence.sel $0x180000  }
0x85: {  	[bflag:$0x0] =	sbarrier.arrive $0xFFFF  }
0x86: {  	p0 =	sne.s32 s0, $0x0;
	_ =	strace $0x90000047  }
0x87: {  	s0 =	sadd.s32 @!p0 $0x100000, s1;
	[bflag:$0x2] =	sbarrier.arrive $0xFFFF  }
0x88: {  	[sflag:s0] =	ssyncadd.tile.s32 @!p0 $0x1;
	_ =	shalt  }
.Lfunc_end2:
_tile_overlayer_lowered:
.L_overlay_start_2:
0x89: {  	(tag) =	ssettag $0x2  }
0x8a: {  	s0 =	rddreg [dreg:$0x0];
	s2 =	stileid.u32  }
0x8b: {  	s1 =	rddreg [dreg:$0x1];
	p0 =	sne.s32 s2, $0x0  }
0x8c: {  	s3 =	rddreg [dreg:$0x2];
	[bflag:$0x3] =	sbarrier.arrive $0xFFFF;
	s2 =	simm.s32 @!p0 $0x1C05  }
0x8d: {  	[timem:s3], [sflag:s2] =	dma.local @!p0 [hbm:s0], s1  }
0x8e: {  	s0 =	simm.s32 @!p0 $0x5  }
0x8f: {  	_ =	swait.ge @!p0 [sflag:s0], s1  }
0x90: {  	s1 =	ssub.s32 @!p0 $0x0, s1;
	[sflag:s0] =	ssyncset.done @!p0 $0x0  }
0x91: {  	[sflag:s0] =	ssyncadd.s32 @!p0 s1  }
0x92: {  	[bflag:$0x3] =	sbarrier.arrive $0xFFFF  }
0x93: {  	_ =	shalt  }

</sc_bundles>
